<compile_context>
chip_gen: v7x
topology: tpu7x:2x2x1
jax: 0.10.2.dev20260603
libtpu: 0.0.44.dev20260713+nightly
codegen_flags: <defaults>
</compile_context>

<pallas_src>
import functools

import jax
import jax.numpy as jnp
from jax import lax
from jax.experimental import pallas as pl
from jax.experimental.pallas import tpu as pltpu
from jax.experimental.pallas import tpu_sc as plsc

_CHANNELS = (3, 17, 42, 77, 101, 200, 333, 450)
_N = 100000
_D = 512
_NW = 32
_CHUNK = 120
_NCHUNKS = _N // _CHUNK
_TAIL = _N - _NCHUNKS * _CHUNK
_PAIRS = _CHUNK // 2
_NMAX = -(-_NCHUNKS // _NW)

_mesh = plsc.VectorSubcoreMesh(core_axis_name="c", subcore_axis_name="s")


@functools.partial(
    pl.kernel,
    mesh=_mesh,
    compiler_params=pltpu.CompilerParams(needs_layout_passes=False),
    out_type=jax.ShapeDtypeStruct((_N, _D), jnp.float32),
    scratch_types=[
        pltpu.VMEM((2, _CHUNK, _D), jnp.float32),
        pltpu.SemaphoreType.DMA,
        pltpu.SemaphoreType.DMA,
        pltpu.SemaphoreType.DMA,
        pltpu.SemaphoreType.DMA,
    ],
)
def _zero_channels_sc(h_hbm, out_hbm, buf, in_s0, in_s1, out_s0, out_s1):
    wid = lax.axis_index("s") * 2 + lax.axis_index("c")
    in_sems = (in_s0, in_s1)
    out_sems = (out_s0, out_s1)

    lane = lax.iota(jnp.int32, 16)
    half = lane // 8
    lane8 = lane % 8
    cols = jnp.int32(0)
    for i, ch in enumerate(_CHANNELS):
        cols = jnp.where(lane8 == i, jnp.int32(ch), cols)
    zeros = (lane * 0).astype(jnp.float32)

    def _in_desc(i):
        b = i % 2
        r0 = (wid + i * _NW) * _CHUNK
        return pltpu.make_async_copy(
            h_hbm.at[pl.ds(r0, _CHUNK)], buf.at[b], in_sems[b]
        )

    def _out_desc(i):
        b = i % 2
        r0 = (wid + i * _NW) * _CHUNK
        return pltpu.make_async_copy(
            buf.at[b], out_hbm.at[pl.ds(r0, _CHUNK)], out_sems[b]
        )

    def scatter_rows(b, npairs):
        def pair(j, carry):
            plsc.store_scatter(buf.at[b], [half + 2 * j, cols], zeros)
            return carry

        lax.fori_loop(0, npairs, pair, 0)

    def process(i):
        _in_desc(i).wait()
        scatter_rows(i % 2, _PAIRS)
        _out_desc(i).start()

    last_valid = wid + (_NMAX - 1) * _NW < _NCHUNKS

    _in_desc(0).start()
    for i in range(_NMAX):
        if i + 1 < _NMAX:
            if i >= 1:
                _out_desc(i - 1).wait()
            if i + 1 == _NMAX - 1:
                def start_last(i=i):
                    _in_desc(i + 1).start()
                pl.when(last_valid)(start_last)
            else:
                _in_desc(i + 1).start()
        if i == _NMAX - 1:
            pl.when(last_valid)(lambda i=i: process(i))
        else:
            process(i)

    _out_desc(_NMAX - 2).wait()

    def drain_last():
        _out_desc(_NMAX - 1).wait()

    pl.when(last_valid)(drain_last)

    def do_tail():
        r0 = _NCHUNKS * _CHUNK
        tin = pltpu.make_async_copy(
            h_hbm.at[pl.ds(r0, _TAIL)], buf.at[0].at[pl.ds(0, _TAIL)], in_sems[0]
        )
        tin.start()
        tin.wait()
        scatter_rows(0, _TAIL // 2)
        tout = pltpu.make_async_copy(
            buf.at[0].at[pl.ds(0, _TAIL)], out_hbm.at[pl.ds(r0, _TAIL)], out_sems[0]
        )
        tout.start()
        tout.wait()

    pl.when(wid == _NW - 1)(do_tail)


def kernel(h):
    return _zero_channels_sc(h)

# --- scband reference (transcript-rebuilt; emitter-appended) ---
"""Pipeline reference for scband-intervention-50757923504433 (READ-ONLY COPY).

The authoritative reference and input builder live on the scoring server;
editing this copy changes nothing except your own understanding.
"""

import jax, jax.numpy as jnp
import numpy as np

CHANNELS = jnp.array([3, 17, 42, 77, 101, 200, 333, 450], dtype=jnp.int32)
NUM_NODES = 100000
HIDDEN_DIM = 512


def setup_inputs(seed: int = 0) -> dict:
    key = jax.random.key(seed)
    h = jax.random.normal(key, (NUM_NODES, HIDDEN_DIM), dtype=jnp.float32)
    return {"h": h}


def reference(h):
    # Faithful translation of Intervention.forward:
    # clone h, and if shape matches (num_nodes, hidden_dim), zero out the
    # listed channels via a scatter-overwrite on the channel axis.
    if h.ndim == 2 and h.shape[0] == NUM_NODES and h.shape[1] == HIDDEN_DIM:
        h_c = h.at[:, CHANNELS].set(0.0)
    else:
        h_c = h
    return h_c

if __name__ == "__main__":
    import jax
    _d = setup_inputs()
    print(jax.jit(kernel)(*tuple(_d.values())))

</pallas_src>

<mosaic_0001>
#map = affine_map<(d0, d1) -> (0, 0)>
module attributes {stable_mosaic.version = 14 : i64} {
  func.func @_zero_channels_sc(%arg0: i32, %arg1: i32, %arg2: memref<100000x512xf32, #tpu.memory_space<hbm>>, %arg3: memref<100000x512xf32, #tpu.memory_space<hbm>>, %arg4: memref<2x120x512xf32, #tpu.memory_space<vmem>>, %arg5: memref<!tpu.dma_semaphore, #tpu.memory_space<semaphore_mem>>, %arg6: memref<!tpu.dma_semaphore, #tpu.memory_space<semaphore_mem>>, %arg7: memref<!tpu.dma_semaphore, #tpu.memory_space<semaphore_mem>>, %arg8: memref<!tpu.dma_semaphore, #tpu.memory_space<semaphore_mem>>) attributes {dimension_semantics = [#tpu.dimension_semantics<core_parallel>, #tpu.dimension_semantics<subcore_parallel>], iteration_bounds = array<i64: 2, 16>, scalar_prefetch = 0 : i64, scratch_operands = 5 : i64, tpu.core_type = #tpu.core_type<sc_vector_subcore>, window_params = [{transform_indices = #map}, {transform_indices = #map}]} {
    %mul3A = arith.constant 2 : i32
    %mul3A_0 = arith.muli %arg1, %mul3A : i32
    %add3A = arith.addi %mul3A_0, %arg0 : i32
    %iota3A = tpu.iota {dimensions = array<i32: 0>} : vector<16xi32>
    %jit3A = arith.constant 8 : i32
    %div3A = vector.broadcast %jit3A : i32 to vector<16xi32>
    %div3A_1 = arith.divsi %iota3A, %div3A : vector<16xi32>
    %sign3A = arith.constant 0 : i32
    %sign3A_2 = vector.broadcast %sign3A : i32 to vector<16xi32>
    %sign3A_3 = arith.cmpi sgt, %iota3A, %sign3A_2 : vector<16xi32>
    %sign3A_4 = arith.extui %sign3A_3 : vector<16xi1> to vector<16xi32>
    %sign3A_5 = arith.constant 0 : i32
    %sign3A_6 = vector.broadcast %sign3A_5 : i32 to vector<16xi32>
    %sign3A_7 = arith.cmpi slt, %iota3A, %sign3A_6 : vector<16xi32>
    %sign3A_8 = arith.extui %sign3A_7 : vector<16xi1> to vector<16xi32>
    %sign3A_9 = arith.subi %sign3A_4, %sign3A_8 : vector<16xi32>
    %sign3A_10 = arith.constant 0 : i32
    %sign3A_11 = arith.cmpi sgt, %jit3A, %sign3A_10 : i32
    %sign3A_12 = arith.extui %sign3A_11 : i1 to i32
    %sign3A_13 = arith.constant 0 : i32
    %sign3A_14 = arith.cmpi slt, %jit3A, %sign3A_13 : i32
    %sign3A_15 = arith.extui %sign3A_14 : i1 to i32
    %sign3A_16 = arith.subi %sign3A_12, %sign3A_15 : i32
    %ne3A = vector.broadcast %sign3A_16 : i32 to vector<16xi32>
    %ne3A_17 = arith.cmpi ne, %sign3A_9, %ne3A : vector<16xi32>
    %rem3A = vector.broadcast %jit3A : i32 to vector<16xi32>
    %rem3A_18 = arith.remsi %iota3A, %rem3A : vector<16xi32>
    %ne3A_19 = arith.constant 0 : i32
    %ne3A_20 = vector.broadcast %ne3A_19 : i32 to vector<16xi32>
    %ne3A_21 = arith.cmpi ne, %rem3A_18, %ne3A_20 : vector<16xi32>
    %and3A = arith.andi %ne3A_17, %ne3A_21 : vector<16xi1>
    %sub3A = arith.constant 1 : i32
    %sub3A_22 = vector.broadcast %sub3A : i32 to vector<16xi32>
    %sub3A_23 = arith.subi %div3A_1, %sub3A_22 : vector<16xi32>
    %select_n3A = arith.select %and3A, %sub3A_23, %div3A_1 : vector<16xi1>, vector<16xi32>
    %jit3A_24 = arith.constant 8 : i32
    %eq3A = arith.constant 0 : i32
    %eq3A_25 = arith.cmpi eq, %jit3A_24, %eq3A : i32
    %jit3A_26 = arith.constant 1 : i32
    %select_n3A_27 = arith.select %eq3A_25, %jit3A_26, %jit3A_24 : i32
    %rem3A_28 = vector.broadcast %select_n3A_27 : i32 to vector<16xi32>
    %rem3A_29 = arith.remsi %iota3A, %rem3A_28 : vector<16xi32>
    %ne3A_30 = arith.constant 0 : i32
    %ne3A_31 = vector.broadcast %ne3A_30 : i32 to vector<16xi32>
    %ne3A_32 = arith.cmpi ne, %rem3A_29, %ne3A_31 : vector<16xi32>
    %lt3A = arith.constant 0 : i32
    %lt3A_33 = vector.broadcast %lt3A : i32 to vector<16xi32>
    %lt3A_34 = arith.cmpi slt, %rem3A_29, %lt3A_33 : vector<16xi32>
    %lt3A_35 = arith.constant 0 : i32
    %lt3A_36 = arith.cmpi slt, %select_n3A_27, %lt3A_35 : i32
    %ne3A_37 = vector.broadcast %lt3A_36 : i1 to vector<16xi1>
    %ne3A_38 = vector.broadcast %ne3A_37 : vector<16xi1> to vector<16xi1>
    %ne3A_39 = arith.xori %lt3A_34, %ne3A_38 : vector<16xi1>
    %and3A_40 = arith.andi %ne3A_39, %ne3A_32 : vector<16xi1>
    %add3A_41 = vector.broadcast %select_n3A_27 : i32 to vector<16xi32>
    %add3A_42 = arith.addi %rem3A_29, %add3A_41 : vector<16xi32>
    %select_n3A_43 = arith.select %and3A_40, %add3A_42, %rem3A_29 : vector<16xi1>, vector<16xi32>
    %eq3A_44 = arith.constant 0 : i32
    %eq3A_45 = vector.broadcast %eq3A_44 : i32 to vector<16xi32>
    %eq3A_46 = arith.cmpi eq, %select_n3A_43, %eq3A_45 : vector<16xi32>
    %jit3A_47 = arith.constant 3 : i32
    %jit3A_48 = arith.constant 0 : i32
    %broadcast_in_dim3A = vector.broadcast %jit3A_47 : i32 to vector<16xi32>
    %broadcast_in_dim3A_49 = vector.broadcast %jit3A_48 : i32 to vector<16xi32>
    %select_n3A_50 = arith.select %eq3A_46, %broadcast_in_dim3A, %broadcast_in_dim3A_49 : vector<16xi1>, vector<16xi32>
    %eq3A_51 = arith.constant 1 : i32
    %eq3A_52 = vector.broadcast %eq3A_51 : i32 to vector<16xi32>
    %eq3A_53 = arith.cmpi eq, %select_n3A_43, %eq3A_52 : vector<16xi32>
    %jit3A_54 = arith.constant 17 : i32
    %broadcast_in_dim3A_55 = vector.broadcast %jit3A_54 : i32 to vector<16xi32>
    %select_n3A_56 = arith.select %eq3A_53, %broadcast_in_dim3A_55, %select_n3A_50 : vector<16xi1>, vector<16xi32>
    %eq3A_57 = arith.constant 2 : i32
    %eq3A_58 = vector.broadcast %eq3A_57 : i32 to vector<16xi32>
    %eq3A_59 = arith.cmpi eq, %select_n3A_43, %eq3A_58 : vector<16xi32>
    %jit3A_60 = arith.constant 42 : i32
    %broadcast_in_dim3A_61 = vector.broadcast %jit3A_60 : i32 to vector<16xi32>
    %select_n3A_62 = arith.select %eq3A_59, %broadcast_in_dim3A_61, %select_n3A_56 : vector<16xi1>, vector<16xi32>
    %eq3A_63 = arith.constant 3 : i32
    %eq3A_64 = vector.broadcast %eq3A_63 : i32 to vector<16xi32>
    %eq3A_65 = arith.cmpi eq, %select_n3A_43, %eq3A_64 : vector<16xi32>
    %jit3A_66 = arith.constant 77 : i32
    %broadcast_in_dim3A_67 = vector.broadcast %jit3A_66 : i32 to vector<16xi32>
    %select_n3A_68 = arith.select %eq3A_65, %broadcast_in_dim3A_67, %select_n3A_62 : vector<16xi1>, vector<16xi32>
    %eq3A_69 = arith.constant 4 : i32
    %eq3A_70 = vector.broadcast %eq3A_69 : i32 to vector<16xi32>
    %eq3A_71 = arith.cmpi eq, %select_n3A_43, %eq3A_70 : vector<16xi32>
    %jit3A_72 = arith.constant 101 : i32
    %broadcast_in_dim3A_73 = vector.broadcast %jit3A_72 : i32 to vector<16xi32>
    %select_n3A_74 = arith.select %eq3A_71, %broadcast_in_dim3A_73, %select_n3A_68 : vector<16xi1>, vector<16xi32>
    %eq3A_75 = arith.constant 5 : i32
    %eq3A_76 = vector.broadcast %eq3A_75 : i32 to vector<16xi32>
    %eq3A_77 = arith.cmpi eq, %select_n3A_43, %eq3A_76 : vector<16xi32>
    %jit3A_78 = arith.constant 200 : i32
    %broadcast_in_dim3A_79 = vector.broadcast %jit3A_78 : i32 to vector<16xi32>
    %select_n3A_80 = arith.select %eq3A_77, %broadcast_in_dim3A_79, %select_n3A_74 : vector<16xi1>, vector<16xi32>
    %eq3A_81 = arith.constant 6 : i32
    %eq3A_82 = vector.broadcast %eq3A_81 : i32 to vector<16xi32>
    %eq3A_83 = arith.cmpi eq, %select_n3A_43, %eq3A_82 : vector<16xi32>
    %jit3A_84 = arith.constant 333 : i32
    %broadcast_in_dim3A_85 = vector.broadcast %jit3A_84 : i32 to vector<16xi32>
    %select_n3A_86 = arith.select %eq3A_83, %broadcast_in_dim3A_85, %select_n3A_80 : vector<16xi1>, vector<16xi32>
    %eq3A_87 = arith.constant 7 : i32
    %eq3A_88 = vector.broadcast %eq3A_87 : i32 to vector<16xi32>
    %eq3A_89 = arith.cmpi eq, %select_n3A_43, %eq3A_88 : vector<16xi32>
    %jit3A_90 = arith.constant 450 : i32
    %broadcast_in_dim3A_91 = vector.broadcast %jit3A_90 : i32 to vector<16xi32>
    %select_n3A_92 = arith.select %eq3A_89, %broadcast_in_dim3A_91, %select_n3A_86 : vector<16xi1>, vector<16xi32>
    %mul3A_93 = arith.constant 0 : i32
    %mul3A_94 = vector.broadcast %mul3A_93 : i32 to vector<16xi32>
    %mul3A_95 = arith.muli %iota3A, %mul3A_94 : vector<16xi32>
    %convert_element_type3A = arith.sitofp %mul3A_95 : vector<16xi32> to vector<16xf32>
    %add3A_96 = arith.constant 832 : i32
    %add3A_97 = arith.addi %add3A, %add3A_96 : i32
    %lt3A_98 = arith.constant 833 : i32
    %lt3A_99 = arith.cmpi slt, %add3A_97, %lt3A_98 : i32
    %add3A_100 = arith.constant 0 : i32
    %add3A_101 = arith.addi %add3A, %add3A_100 : i32
    %mul3A_102 = arith.constant 120 : i32
    %mul3A_103 = arith.muli %add3A_101, %mul3A_102 : i32
    %dma_start3A = arith.constant 0 : i32
    %dma_start3A_104 = arith.constant 0 : i32
    %dma_start3A_105 = arith.constant 0 : i32
    %dma_start3A_106 = tpu.memref_slice %arg4[%dma_start3A, %dma_start3A_104, %dma_start3A_105] : memref<2x120x512xf32, #tpu.memory_space<vmem>> -> memref<1x120x512xf32, #tpu.memory_space<vmem>>
    %dma_start3A_107 = tpu.memref_squeeze %dma_start3A_106 : memref<1x120x512xf32, #tpu.memory_space<vmem>> -> memref<120x512xf32, #tpu.memory_space<vmem>>
    %dma_start3A_108 = arith.constant 0 : i32
    %dma_start3A_109 = tpu.memref_slice %arg2[%mul3A_103, %dma_start3A_108] : memref<100000x512xf32, #tpu.memory_space<hbm>> -> memref<120x512xf32, #tpu.memory_space<hbm>>
    %dma_start3A_110 = arith.constant 0 : i32
    %dma_start3A_111 = arith.constant 0 : i32
    %dma_start3A_112 = tpu.memref_slice %arg4[%dma_start3A, %dma_start3A_110, %dma_start3A_111] : memref<2x120x512xf32, #tpu.memory_space<vmem>> -> memref<1x120x512xf32, #tpu.memory_space<vmem>>
    %dma_start3A_113 = tpu.memref_squeeze %dma_start3A_112 : memref<1x120x512xf32, #tpu.memory_space<vmem>> -> memref<120x512xf32, #tpu.memory_space<vmem>>
    %dma_start3A_114 = arith.constant 0 : i32
    %dma_start3A_115 = tpu.memref_slice %arg2[%mul3A_103, %dma_start3A_114] : memref<100000x512xf32, #tpu.memory_space<hbm>> -> memref<120x512xf32, #tpu.memory_space<hbm>>
    tpu.enqueue_dma source(%dma_start3A_115 : memref<120x512xf32, #tpu.memory_space<hbm>>) target(%dma_start3A_113 : memref<120x512xf32, #tpu.memory_space<vmem>>) target_semaphore(%arg5 : memref<!tpu.dma_semaphore, #tpu.memory_space<semaphore_mem>>)
    %add3A_116 = arith.constant 32 : i32
    %add3A_117 = arith.addi %add3A, %add3A_116 : i32
    %mul3A_118 = arith.constant 120 : i32
    %mul3A_119 = arith.muli %add3A_117, %mul3A_118 : i32
    %dma_start3A_120 = arith.constant 1 : i32
    %dma_start3A_121 = arith.constant 0 : i32
    %dma_start3A_122 = arith.constant 0 : i32
    %dma_start3A_123 = tpu.memref_slice %arg4[%dma_start3A_120, %dma_start3A_121, %dma_start3A_122] : memref<2x120x512xf32, #tpu.memory_space<vmem>> -> memref<1x120x512xf32, #tpu.memory_space<vmem>>
    %dma_start3A_124 = tpu.memref_squeeze %dma_start3A_123 : memref<1x120x512xf32, #tpu.memory_space<vmem>> -> memref<120x512xf32, #tpu.memory_space<vmem>>
    %dma_start3A_125 = arith.constant 0 : i32
    %dma_start3A_126 = tpu.memref_slice %arg2[%mul3A_119, %dma_start3A_125] : memref<100000x512xf32, #tpu.memory_space<hbm>> -> memref<120x512xf32, #tpu.memory_space<hbm>>
    %dma_start3A_127 = arith.constant 0 : i32
    %dma_start3A_128 = arith.constant 0 : i32
    %dma_start3A_129 = tpu.memref_slice %arg4[%dma_start3A_120, %dma_start3A_127, %dma_start3A_128] : memref<2x120x512xf32, #tpu.memory_space<vmem>> -> memref<1x120x512xf32, #tpu.memory_space<vmem>>
    %dma_start3A_130 = tpu.memref_squeeze %dma_start3A_129 : memref<1x120x512xf32, #tpu.memory_space<vmem>> -> memref<120x512xf32, #tpu.memory_space<vmem>>
    %dma_start3A_131 = arith.constant 0 : i32
    %dma_start3A_132 = tpu.memref_slice %arg2[%mul3A_119, %dma_start3A_131] : memref<100000x512xf32, #tpu.memory_space<hbm>> -> memref<120x512xf32, #tpu.memory_space<hbm>>
    tpu.enqueue_dma source(%dma_start3A_132 : memref<120x512xf32, #tpu.memory_space<hbm>>) target(%dma_start3A_130 : memref<120x512xf32, #tpu.memory_space<vmem>>) target_semaphore(%arg6 : memref<!tpu.dma_semaphore, #tpu.memory_space<semaphore_mem>>)
    %add3A_133 = arith.constant 0 : i32
    %add3A_134 = arith.addi %add3A, %add3A_133 : i32
    %mul3A_135 = arith.constant 120 : i32
    %mul3A_136 = arith.muli %add3A_134, %mul3A_135 : i32
    %dma_wait3A = arith.constant 0 : i32
    %dma_wait3A_137 = arith.constant 0 : i32
    %dma_wait3A_138 = arith.constant 0 : i32
    %dma_wait3A_139 = tpu.memref_slice %arg4[%dma_wait3A, %dma_wait3A_137, %dma_wait3A_138] : memref<2x120x512xf32, #tpu.memory_space<vmem>> -> memref<1x120x512xf32, #tpu.memory_space<vmem>>
    %dma_wait3A_140 = tpu.memref_squeeze %dma_wait3A_139 : memref<1x120x512xf32, #tpu.memory_space<vmem>> -> memref<120x512xf32, #tpu.memory_space<vmem>>
    %dma_wait3A_141 = arith.constant 0 : i32
    %dma_wait3A_142 = tpu.memref_slice %arg2[%mul3A_136, %dma_wait3A_141] : memref<100000x512xf32, #tpu.memory_space<hbm>> -> memref<120x512xf32, #tpu.memory_space<hbm>>
    %dma_wait3A_143 = arith.constant 0 : i32
    %dma_wait3A_144 = arith.constant 0 : i32
    %dma_wait3A_145 = tpu.memref_slice %arg4[%dma_wait3A, %dma_wait3A_143, %dma_wait3A_144] : memref<2x120x512xf32, #tpu.memory_space<vmem>> -> memref<1x120x512xf32, #tpu.memory_space<vmem>>
    %dma_wait3A_146 = tpu.memref_squeeze %dma_wait3A_145 : memref<1x120x512xf32, #tpu.memory_space<vmem>> -> memref<120x512xf32, #tpu.memory_space<vmem>>
    %dma_wait3A_147 = arith.constant 0 : i32
    %dma_wait3A_148 = tpu.memref_slice %arg2[%mul3A_136, %dma_wait3A_147] : memref<100000x512xf32, #tpu.memory_space<hbm>> -> memref<120x512xf32, #tpu.memory_space<hbm>>
    tpu.wait_dma2 semaphore(%arg5 : memref<!tpu.dma_semaphore, #tpu.memory_space<semaphore_mem>>) src(%dma_wait3A_148 : memref<120x512xf32, #tpu.memory_space<hbm>>) dst(%dma_wait3A_146 : memref<120x512xf32, #tpu.memory_space<vmem>>)
    %scan3A = arith.constant 0 : i32
    %scan3A_149 = arith.constant 0 : i32
    %scan3A_150 = arith.constant 60 : i32
    %scan3A_151 = arith.addi %scan3A_149, %scan3A_150 : i32
    %scan3A_152 = arith.constant 1 : i32
    scf.for %scan3A_2034 = %scan3A_149 to %scan3A_151 step %scan3A_152  : i32 {
      %mul3A_2035 = arith.constant 2 : i32
      %mul3A_2036 = arith.muli %mul3A_2035, %scan3A_2034 : i32
      %add3A_2037 = vector.broadcast %mul3A_2036 : i32 to vector<16xi32>
      %add3A_2038 = arith.addi %select_n3A, %add3A_2037 : vector<16xi32>
      %scatter3A = arith.constant 0 : i32
      %scatter3A_2039 = arith.constant 0 : i32
      %scatter3A_2040 = arith.constant 0 : i32
      %scatter3A_2041 = tpu.memref_slice %arg4[%scatter3A, %scatter3A_2039, %scatter3A_2040] : memref<2x120x512xf32, #tpu.memory_space<vmem>> -> memref<1x120x512xf32, #tpu.memory_space<vmem>>
      %scatter3A_2042 = tpu.memref_squeeze %scatter3A_2041 : memref<1x120x512xf32, #tpu.memory_space<vmem>> -> memref<120x512xf32, #tpu.memory_space<vmem>>
      tpu.vector_store_idx %scatter3A_2042[%add3A_2038, %select_n3A_92], %convert_element_type3A : memref<120x512xf32, #tpu.memory_space<vmem>>[vector<16xi32>, vector<16xi32>], vector<16xf32>,
    }
    %scan3A_153 = arith.constant 60 : i32
    %add3A_154 = arith.constant 0 : i32
    %add3A_155 = arith.addi %add3A, %add3A_154 : i32
    %mul3A_156 = arith.constant 120 : i32
    %mul3A_157 = arith.muli %add3A_155, %mul3A_156 : i32
    %dma_start3A_158 = arith.constant 0 : i32
    %dma_start3A_159 = arith.constant 0 : i32
    %dma_start3A_160 = arith.constant 0 : i32
    %dma_start3A_161 = tpu.memref_slice %arg4[%dma_start3A_158, %dma_start3A_159, %dma_start3A_160] : memref<2x120x512xf32, #tpu.memory_space<vmem>> -> memref<1x120x512xf32, #tpu.memory_space<vmem>>
    %dma_start3A_162 = tpu.memref_squeeze %dma_start3A_161 : memref<1x120x512xf32, #tpu.memory_space<vmem>> -> memref<120x512xf32, #tpu.memory_space<vmem>>
    %dma_start3A_163 = arith.constant 0 : i32
    %dma_start3A_164 = tpu.memref_slice %arg3[%mul3A_157, %dma_start3A_163] : memref<100000x512xf32, #tpu.memory_space<hbm>> -> memref<120x512xf32, #tpu.memory_space<hbm>>
    %dma_start3A_165 = arith.constant 0 : i32
    %dma_start3A_166 = tpu.memref_slice %arg3[%mul3A_157, %dma_start3A_165] : memref<100000x512xf32, #tpu.memory_space<hbm>> -> memref<120x512xf32, #tpu.memory_space<hbm>>
    %dma_start3A_167 = arith.constant 0 : i32
    %dma_start3A_168 = arith.constant 0 : i32
    %dma_start3A_169 = tpu.memref_slice %arg4[%dma_start3A_158, %dma_start3A_167, %dma_start3A_168] : memref<2x120x512xf32, #tpu.memory_space<vmem>> -> memref<1x120x512xf32, #tpu.memory_space<vmem>>
    %dma_start3A_170 = tpu.memref_squeeze %dma_start3A_169 : memref<1x120x512xf32, #tpu.memory_space<vmem>> -> memref<120x512xf32, #tpu.memory_space<vmem>>
    tpu.enqueue_dma source(%dma_start3A_170 : memref<120x512xf32, #tpu.memory_space<vmem>>) target(%dma_start3A_166 : memref<120x512xf32, #tpu.memory_space<hbm>>) target_semaphore(%arg7 : memref<!tpu.dma_semaphore, #tpu.memory_space<semaphore_mem>>)
    %add3A_171 = arith.constant 0 : i32
    %add3A_172 = arith.addi %add3A, %add3A_171 : i32
    %mul3A_173 = arith.constant 120 : i32
    %mul3A_174 = arith.muli %add3A_172, %mul3A_173 : i32
    %dma_wait3A_175 = arith.constant 0 : i32
    %dma_wait3A_176 = arith.constant 0 : i32
    %dma_wait3A_177 = arith.constant 0 : i32
    %dma_wait3A_178 = tpu.memref_slice %arg4[%dma_wait3A_175, %dma_wait3A_176, %dma_wait3A_177] : memref<2x120x512xf32, #tpu.memory_space<vmem>> -> memref<1x120x512xf32, #tpu.memory_space<vmem>>
    %dma_wait3A_179 = tpu.memref_squeeze %dma_wait3A_178 : memref<1x120x512xf32, #tpu.memory_space<vmem>> -> memref<120x512xf32, #tpu.memory_space<vmem>>
    %dma_wait3A_180 = arith.constant 0 : i32
    %dma_wait3A_181 = tpu.memref_slice %arg3[%mul3A_174, %dma_wait3A_180] : memref<100000x512xf32, #tpu.memory_space<hbm>> -> memref<120x512xf32, #tpu.memory_space<hbm>>
    %dma_wait3A_182 = arith.constant 0 : i32
    %dma_wait3A_183 = tpu.memref_slice %arg3[%mul3A_174, %dma_wait3A_182] : memref<100000x512xf32, #tpu.memory_space<hbm>> -> memref<120x512xf32, #tpu.memory_space<hbm>>
    %dma_wait3A_184 = arith.constant 0 : i32
    %dma_wait3A_185 = arith.constant 0 : i32
    %dma_wait3A_186 = tpu.memref_slice %arg4[%dma_wait3A_175, %dma_wait3A_184, %dma_wait3A_185] : memref<2x120x512xf32, #tpu.memory_space<vmem>> -> memref<1x120x512xf32, #tpu.memory_space<vmem>>
    %dma_wait3A_187 = tpu.memref_squeeze %dma_wait3A_186 : memref<1x120x512xf32, #tpu.memory_space<vmem>> -> memref<120x512xf32, #tpu.memory_space<vmem>>
    tpu.wait_dma2 semaphore(%arg7 : memref<!tpu.dma_semaphore, #tpu.memory_space<semaphore_mem>>) src(%dma_wait3A_187 : memref<120x512xf32, #tpu.memory_space<vmem>>) dst(%dma_wait3A_183 : memref<120x512xf32, #tpu.memory_space<hbm>>)
    %add3A_188 = arith.constant 64 : i32
    %add3A_189 = arith.addi %add3A, %add3A_188 : i32
    %mul3A_190 = arith.constant 120 : i32
    %mul3A_191 = arith.muli %add3A_189, %mul3A_190 : i32
    %dma_start3A_192 = arith.constant 0 : i32
    %dma_start3A_193 = arith.constant 0 : i32
    %dma_start3A_194 = arith.constant 0 : i32
    %dma_start3A_195 = tpu.memref_slice %arg4[%dma_start3A_192, %dma_start3A_193, %dma_start3A_194] : memref<2x120x512xf32, #tpu.memory_space<vmem>> -> memref<1x120x512xf32, #tpu.memory_space<vmem>>
    %dma_start3A_196 = tpu.memref_squeeze %dma_start3A_195 : memref<1x120x512xf32, #tpu.memory_space<vmem>> -> memref<120x512xf32, #tpu.memory_space<vmem>>
    %dma_start3A_197 = arith.constant 0 : i32
    %dma_start3A_198 = tpu.memref_slice %arg2[%mul3A_191, %dma_start3A_197] : memref<100000x512xf32, #tpu.memory_space<hbm>> -> memref<120x512xf32, #tpu.memory_space<hbm>>
    %dma_start3A_199 = arith.constant 0 : i32
    %dma_start3A_200 = arith.constant 0 : i32
    %dma_start3A_201 = tpu.memref_slice %arg4[%dma_start3A_192, %dma_start3A_199, %dma_start3A_200] : memref<2x120x512xf32, #tpu.memory_space<vmem>> -> memref<1x120x512xf32, #tpu.memory_space<vmem>>
    %dma_start3A_202 = tpu.memref_squeeze %dma_start3A_201 : memref<1x120x512xf32, #tpu.memory_space<vmem>> -> memref<120x512xf32, #tpu.memory_space<vmem>>
    %dma_start3A_203 = arith.constant 0 : i32
    %dma_start3A_204 = tpu.memref_slice %arg2[%mul3A_191, %dma_start3A_203] : memref<100000x512xf32, #tpu.memory_space<hbm>> -> memref<120x512xf32, #tpu.memory_space<hbm>>
    tpu.enqueue_dma source(%dma_start3A_204 : memref<120x512xf32, #tpu.memory_space<hbm>>) target(%dma_start3A_202 : memref<120x512xf32, #tpu.memory_space<vmem>>) target_semaphore(%arg5 : memref<!tpu.dma_semaphore, #tpu.memory_space<semaphore_mem>>)
    %add3A_205 = arith.constant 32 : i32
    %add3A_206 = arith.addi %add3A, %add3A_205 : i32
    %mul3A_207 = arith.constant 120 : i32
    %mul3A_208 = arith.muli %add3A_206, %mul3A_207 : i32
    %dma_wait3A_209 = arith.constant 1 : i32
    %dma_wait3A_210 = arith.constant 0 : i32
    %dma_wait3A_211 = arith.constant 0 : i32
    %dma_wait3A_212 = tpu.memref_slice %arg4[%dma_wait3A_209, %dma_wait3A_210, %dma_wait3A_211] : memref<2x120x512xf32, #tpu.memory_space<vmem>> -> memref<1x120x512xf32, #tpu.memory_space<vmem>>
    %dma_wait3A_213 = tpu.memref_squeeze %dma_wait3A_212 : memref<1x120x512xf32, #tpu.memory_space<vmem>> -> memref<120x512xf32, #tpu.memory_space<vmem>>
    %dma_wait3A_214 = arith.constant 0 : i32
    %dma_wait3A_215 = tpu.memref_slice %arg2[%mul3A_208, %dma_wait3A_214] : memref<100000x512xf32, #tpu.memory_space<hbm>> -> memref<120x512xf32, #tpu.memory_space<hbm>>
    %dma_wait3A_216 = arith.constant 0 : i32
    %dma_wait3A_217 = arith.constant 0 : i32
    %dma_wait3A_218 = tpu.memref_slice %arg4[%dma_wait3A_209, %dma_wait3A_216, %dma_wait3A_217] : memref<2x120x512xf32, #tpu.memory_space<vmem>> -> memref<1x120x512xf32, #tpu.memory_space<vmem>>
    %dma_wait3A_219 = tpu.memref_squeeze %dma_wait3A_218 : memref<1x120x512xf32, #tpu.memory_space<vmem>> -> memref<120x512xf32, #tpu.memory_space<vmem>>
    %dma_wait3A_220 = arith.constant 0 : i32
    %dma_wait3A_221 = tpu.memref_slice %arg2[%mul3A_208, %dma_wait3A_220] : memref<100000x512xf32, #tpu.memory_space<hbm>> -> memref<120x512xf32, #tpu.memory_space<hbm>>
    tpu.wait_dma2 semaphore(%arg6 : memref<!tpu.dma_semaphore, #tpu.memory_space<semaphore_mem>>) src(%dma_wait3A_221 : memref<120x512xf32, #tpu.memory_space<hbm>>) dst(%dma_wait3A_219 : memref<120x512xf32, #tpu.memory_space<vmem>>)
    %scan3A_222 = arith.constant 0 : i32
    %scan3A_223 = arith.constant 0 : i32
    %scan3A_224 = arith.constant 60 : i32
    %scan3A_225 = arith.addi %scan3A_223, %scan3A_224 : i32
    %scan3A_226 = arith.constant 1 : i32
    scf.for %scan3A_2034 = %scan3A_223 to %scan3A_225 step %scan3A_226  : i32 {
      %mul3A_2035 = arith.constant 2 : i32
      %mul3A_2036 = arith.muli %mul3A_2035, %scan3A_2034 : i32
      %add3A_2037 = vector.broadcast %mul3A_2036 : i32 to vector<16xi32>
      %add3A_2038 = arith.addi %select_n3A, %add3A_2037 : vector<16xi32>
      %scatter3A = arith.constant 1 : i32
      %scatter3A_2039 = arith.constant 0 : i32
      %scatter3A_2040 = arith.constant 0 : i32
      %scatter3A_2041 = tpu.memref_slice %arg4[%scatter3A, %scatter3A_2039, %scatter3A_2040] : memref<2x120x512xf32, #tpu.memory_space<vmem>> -> memref<1x120x512xf32, #tpu.memory_space<vmem>>
      %scatter3A_2042 = tpu.memref_squeeze %scatter3A_2041 : memref<1x120x512xf32, #tpu.memory_space<vmem>> -> memref<120x512xf32, #tpu.memory_space<vmem>>
      tpu.vector_store_idx %scatter3A_2042[%add3A_2038, %select_n3A_92], %convert_element_type3A : memref<120x512xf32, #tpu.memory_space<vmem>>[vector<16xi32>, vector<16xi32>], vector<16xf32>,
    }
    %scan3A_227 = arith.constant 60 : i32
    %add3A_228 = arith.constant 32 : i32
    %add3A_229 = arith.addi %add3A, %add3A_228 : i32
    %mul3A_230 = arith.constant 120 : i32
    %mul3A_231 = arith.muli %add3A_229, %mul3A_230 : i32
    %dma_start3A_232 = arith.constant 1 : i32
    %dma_start3A_233 = arith.constant 0 : i32
    %dma_start3A_234 = arith.constant 0 : i32
    %dma_start3A_235 = tpu.memref_slice %arg4[%dma_start3A_232, %dma_start3A_233, %dma_start3A_234] : memref<2x120x512xf32, #tpu.memory_space<vmem>> -> memref<1x120x512xf32, #tpu.memory_space<vmem>>
    %dma_start3A_236 = tpu.memref_squeeze %dma_start3A_235 : memref<1x120x512xf32, #tpu.memory_space<vmem>> -> memref<120x512xf32, #tpu.memory_space<vmem>>
    %dma_start3A_237 = arith.constant 0 : i32
    %dma_start3A_238 = tpu.memref_slice %arg3[%mul3A_231, %dma_start3A_237] : memref<100000x512xf32, #tpu.memory_space<hbm>> -> memref<120x512xf32, #tpu.memory_space<hbm>>
    %dma_start3A_239 = arith.constant 0 : i32
    %dma_start3A_240 = tpu.memref_slice %arg3[%mul3A_231, %dma_start3A_239] : memref<100000x512xf32, #tpu.memory_space<hbm>> -> memref<120x512xf32, #tpu.memory_space<hbm>>
    %dma_start3A_241 = arith.constant 0 : i32
    %dma_start3A_242 = arith.constant 0 : i32
    %dma_start3A_243 = tpu.memref_slice %arg4[%dma_start3A_232, %dma_start3A_241, %dma_start3A_242] : memref<2x120x512xf32, #tpu.memory_space<vmem>> -> memref<1x120x512xf32, #tpu.memory_space<vmem>>
    %dma_start3A_244 = tpu.memref_squeeze %dma_start3A_243 : memref<1x120x512xf32, #tpu.memory_space<vmem>> -> memref<120x512xf32, #tpu.memory_space<vmem>>
    tpu.enqueue_dma source(%dma_start3A_244 : memref<120x512xf32, #tpu.memory_space<vmem>>) target(%dma_start3A_240 : memref<120x512xf32, #tpu.memory_space<hbm>>) target_semaphore(%arg8 : memref<!tpu.dma_semaphore, #tpu.memory_space<semaphore_mem>>)
    %add3A_245 = arith.constant 32 : i32
    %add3A_246 = arith.addi %add3A, %add3A_245 : i32
    %mul3A_247 = arith.constant 120 : i32
    %mul3A_248 = arith.muli %add3A_246, %mul3A_247 : i32
    %dma_wait3A_249 = arith.constant 1 : i32
    %dma_wait3A_250 = arith.constant 0 : i32
    %dma_wait3A_251 = arith.constant 0 : i32
    %dma_wait3A_252 = tpu.memref_slice %arg4[%dma_wait3A_249, %dma_wait3A_250, %dma_wait3A_251] : memref<2x120x512xf32, #tpu.memory_space<vmem>> -> memref<1x120x512xf32, #tpu.memory_space<vmem>>
    %dma_wait3A_253 = tpu.memref_squeeze %dma_wait3A_252 : memref<1x120x512xf32, #tpu.memory_space<vmem>> -> memref<120x512xf32, #tpu.memory_space<vmem>>
    %dma_wait3A_254 = arith.constant 0 : i32
    %dma_wait3A_255 = tpu.memref_slice %arg3[%mul3A_248, %dma_wait3A_254] : memref<100000x512xf32, #tpu.memory_space<hbm>> -> memref<120x512xf32, #tpu.memory_space<hbm>>
    %dma_wait3A_256 = arith.constant 0 : i32
    %dma_wait3A_257 = tpu.memref_slice %arg3[%mul3A_248, %dma_wait3A_256] : memref<100000x512xf32, #tpu.memory_space<hbm>> -> memref<120x512xf32, #tpu.memory_space<hbm>>
    %dma_wait3A_258 = arith.constant 0 : i32
    %dma_wait3A_259 = arith.constant 0 : i32
    %dma_wait3A_260 = tpu.memref_slice %arg4[%dma_wait3A_249, %dma_wait3A_258, %dma_wait3A_259] : memref<2x120x512xf32, #tpu.memory_space<vmem>> -> memref<1x120x512xf32, #tpu.memory_space<vmem>>
    %dma_wait3A_261 = tpu.memref_squeeze %dma_wait3A_260 : memref<1x120x512xf32, #tpu.memory_space<vmem>> -> memref<120x512xf32, #tpu.memory_space<vmem>>
    tpu.wait_dma2 semaphore(%arg8 : memref<!tpu.dma_semaphore, #tpu.memory_space<semaphore_mem>>) src(%dma_wait3A_261 : memref<120x512xf32, #tpu.memory_space<vmem>>) dst(%dma_wait3A_257 : memref<120x512xf32, #tpu.memory_space<hbm>>)
    %add3A_262 = arith.constant 96 : i32
    %add3A_263 = arith.addi %add3A, %add3A_262 : i32
    %mul3A_264 = arith.constant 120 : i32
    %mul3A_265 = arith.muli %add3A_263, %mul3A_264 : i32
    %dma_start3A_266 = arith.constant 1 : i32
    %dma_start3A_267 = arith.constant 0 : i32
    %dma_start3A_268 = arith.constant 0 : i32
    %dma_start3A_269 = tpu.memref_slice %arg4[%dma_start3A_266, %dma_start3A_267, %dma_start3A_268] : memref<2x120x512xf32, #tpu.memory_space<vmem>> -> memref<1x120x512xf32, #tpu.memory_space<vmem>>
    %dma_start3A_270 = tpu.memref_squeeze %dma_start3A_269 : memref<1x120x512xf32, #tpu.memory_space<vmem>> -> memref<120x512xf32, #tpu.memory_space<vmem>>
    %dma_start3A_271 = arith.constant 0 : i32
    %dma_start3A_272 = tpu.memref_slice %arg2[%mul3A_265, %dma_start3A_271] : memref<100000x512xf32, #tpu.memory_space<hbm>> -> memref<120x512xf32, #tpu.memory_space<hbm>>
    %dma_start3A_273 = arith.constant 0 : i32
    %dma_start3A_274 = arith.constant 0 : i32
    %dma_start3A_275 = tpu.memref_slice %arg4[%dma_start3A_266, %dma_start3A_273, %dma_start3A_274] : memref<2x120x512xf32, #tpu.memory_space<vmem>> -> memref<1x120x512xf32, #tpu.memory_space<vmem>>
    %dma_start3A_276 = tpu.memref_squeeze %dma_start3A_275 : memref<1x120x512xf32, #tpu.memory_space<vmem>> -> memref<120x512xf32, #tpu.memory_space<vmem>>
    %dma_start3A_277 = arith.constant 0 : i32
    %dma_start3A_278 = tpu.memref_slice %arg2[%mul3A_265, %dma_start3A_277] : memref<100000x512xf32, #tpu.memory_space<hbm>> -> memref<120x512xf32, #tpu.memory_space<hbm>>
    tpu.enqueue_dma source(%dma_start3A_278 : memref<120x512xf32, #tpu.memory_space<hbm>>) target(%dma_start3A_276 : memref<120x512xf32, #tpu.memory_space<vmem>>) target_semaphore(%arg6 : memref<!tpu.dma_semaphore, #tpu.memory_space<semaphore_mem>>)
    %add3A_279 = arith.constant 64 : i32
    %add3A_280 = arith.addi %add3A, %add3A_279 : i32
    %mul3A_281 = arith.constant 120 : i32
    %mul3A_282 = arith.muli %add3A_280, %mul3A_281 : i32
    %dma_wait3A_283 = arith.constant 0 : i32
    %dma_wait3A_284 = arith.constant 0 : i32
    %dma_wait3A_285 = arith.constant 0 : i32
    %dma_wait3A_286 = tpu.memref_slice %arg4[%dma_wait3A_283, %dma_wait3A_284, %dma_wait3A_285] : memref<2x120x512xf32, #tpu.memory_space<vmem>> -> memref<1x120x512xf32, #tpu.memory_space<vmem>>
    %dma_wait3A_287 = tpu.memref_squeeze %dma_wait3A_286 : memref<1x120x512xf32, #tpu.memory_space<vmem>> -> memref<120x512xf32, #tpu.memory_space<vmem>>
    %dma_wait3A_288 = arith.constant 0 : i32
    %dma_wait3A_289 = tpu.memref_slice %arg2[%mul3A_282, %dma_wait3A_288] : memref<100000x512xf32, #tpu.memory_space<hbm>> -> memref<120x512xf32, #tpu.memory_space<hbm>>
    %dma_wait3A_290 = arith.constant 0 : i32
    %dma_wait3A_291 = arith.constant 0 : i32
    %dma_wait3A_292 = tpu.memref_slice %arg4[%dma_wait3A_283, %dma_wait3A_290, %dma_wait3A_291] : memref<2x120x512xf32, #tpu.memory_space<vmem>> -> memref<1x120x512xf32, #tpu.memory_space<vmem>>
    %dma_wait3A_293 = tpu.memref_squeeze %dma_wait3A_292 : memref<1x120x512xf32, #tpu.memory_space<vmem>> -> memref<120x512xf32, #tpu.memory_space<vmem>>
    %dma_wait3A_294 = arith.constant 0 : i32
    %dma_wait3A_295 = tpu.memref_slice %arg2[%mul3A_282, %dma_wait3A_294] : memref<100000x512xf32, #tpu.memory_space<hbm>> -> memref<120x512xf32, #tpu.memory_space<hbm>>
    tpu.wait_dma2 semaphore(%arg5 : memref<!tpu.dma_semaphore, #tpu.memory_space<semaphore_mem>>) src(%dma_wait3A_295 : memref<120x512xf32, #tpu.memory_space<hbm>>) dst(%dma_wait3A_293 : memref<120x512xf32, #tpu.memory_space<vmem>>)
    %scan3A_296 = arith.constant 0 : i32
    %scan3A_297 = arith.constant 0 : i32
    %scan3A_298 = arith.constant 60 : i32
    %scan3A_299 = arith.addi %scan3A_297, %scan3A_298 : i32
    %scan3A_300 = arith.constant 1 : i32
    scf.for %scan3A_2034 = %scan3A_297 to %scan3A_299 step %scan3A_300  : i32 {
      %mul3A_2035 = arith.constant 2 : i32
      %mul3A_2036 = arith.muli %mul3A_2035, %scan3A_2034 : i32
      %add3A_2037 = vector.broadcast %mul3A_2036 : i32 to vector<16xi32>
      %add3A_2038 = arith.addi %select_n3A, %add3A_2037 : vector<16xi32>
      %scatter3A = arith.constant 0 : i32
      %scatter3A_2039 = arith.constant 0 : i32
      %scatter3A_2040 = arith.constant 0 : i32
      %scatter3A_2041 = tpu.memref_slice %arg4[%scatter3A, %scatter3A_2039, %scatter3A_2040] : memref<2x120x512xf32, #tpu.memory_space<vmem>> -> memref<1x120x512xf32, #tpu.memory_space<vmem>>
      %scatter3A_2042 = tpu.memref_squeeze %scatter3A_2041 : memref<1x120x512xf32, #tpu.memory_space<vmem>> -> memref<120x512xf32, #tpu.memory_space<vmem>>
      tpu.vector_store_idx %scatter3A_2042[%add3A_2038, %select_n3A_92], %convert_element_type3A : memref<120x512xf32, #tpu.memory_space<vmem>>[vector<16xi32>, vector<16xi32>], vector<16xf32>,
    }
    %scan3A_301 = arith.constant 60 : i32
    %add3A_302 = arith.constant 64 : i32
    %add3A_303 = arith.addi %add3A, %add3A_302 : i32
    %mul3A_304 = arith.constant 120 : i32
    %mul3A_305 = arith.muli %add3A_303, %mul3A_304 : i32
    %dma_start3A_306 = arith.constant 0 : i32
    %dma_start3A_307 = arith.constant 0 : i32
    %dma_start3A_308 = arith.constant 0 : i32
    %dma_start3A_309 = tpu.memref_slice %arg4[%dma_start3A_306, %dma_start3A_307, %dma_start3A_308] : memref<2x120x512xf32, #tpu.memory_space<vmem>> -> memref<1x120x512xf32, #tpu.memory_space<vmem>>
    %dma_start3A_310 = tpu.memref_squeeze %dma_start3A_309 : memref<1x120x512xf32, #tpu.memory_space<vmem>> -> memref<120x512xf32, #tpu.memory_space<vmem>>
    %dma_start3A_311 = arith.constant 0 : i32
    %dma_start3A_312 = tpu.memref_slice %arg3[%mul3A_305, %dma_start3A_311] : memref<100000x512xf32, #tpu.memory_space<hbm>> -> memref<120x512xf32, #tpu.memory_space<hbm>>
    %dma_start3A_313 = arith.constant 0 : i32
    %dma_start3A_314 = tpu.memref_slice %arg3[%mul3A_305, %dma_start3A_313] : memref<100000x512xf32, #tpu.memory_space<hbm>> -> memref<120x512xf32, #tpu.memory_space<hbm>>
    %dma_start3A_315 = arith.constant 0 : i32
    %dma_start3A_316 = arith.constant 0 : i32
    %dma_start3A_317 = tpu.memref_slice %arg4[%dma_start3A_306, %dma_start3A_315, %dma_start3A_316] : memref<2x120x512xf32, #tpu.memory_space<vmem>> -> memref<1x120x512xf32, #tpu.memory_space<vmem>>
    %dma_start3A_318 = tpu.memref_squeeze %dma_start3A_317 : memref<1x120x512xf32, #tpu.memory_space<vmem>> -> memref<120x512xf32, #tpu.memory_space<vmem>>
    tpu.enqueue_dma source(%dma_start3A_318 : memref<120x512xf32, #tpu.memory_space<vmem>>) target(%dma_start3A_314 : memref<120x512xf32, #tpu.memory_space<hbm>>) target_semaphore(%arg7 : memref<!tpu.dma_semaphore, #tpu.memory_space<semaphore_mem>>)
    %add3A_319 = arith.constant 64 : i32
    %add3A_320 = arith.addi %add3A, %add3A_319 : i32
    %mul3A_321 = arith.constant 120 : i32
    %mul3A_322 = arith.muli %add3A_320, %mul3A_321 : i32
    %dma_wait3A_323 = arith.constant 0 : i32
    %dma_wait3A_324 = arith.constant 0 : i32
    %dma_wait3A_325 = arith.constant 0 : i32
    %dma_wait3A_326 = tpu.memref_slice %arg4[%dma_wait3A_323, %dma_wait3A_324, %dma_wait3A_325] : memref<2x120x512xf32, #tpu.memory_space<vmem>> -> memref<1x120x512xf32, #tpu.memory_space<vmem>>
    %dma_wait3A_327 = tpu.memref_squeeze %dma_wait3A_326 : memref<1x120x512xf32, #tpu.memory_space<vmem>> -> memref<120x512xf32, #tpu.memory_space<vmem>>
    %dma_wait3A_328 = arith.constant 0 : i32
    %dma_wait3A_329 = tpu.memref_slice %arg3[%mul3A_322, %dma_wait3A_328] : memref<100000x512xf32, #tpu.memory_space<hbm>> -> memref<120x512xf32, #tpu.memory_space<hbm>>
    %dma_wait3A_330 = arith.constant 0 : i32
    %dma_wait3A_331 = tpu.memref_slice %arg3[%mul3A_322, %dma_wait3A_330] : memref<100000x512xf32, #tpu.memory_space<hbm>> -> memref<120x512xf32, #tpu.memory_space<hbm>>
    %dma_wait3A_332 = arith.constant 0 : i32
    %dma_wait3A_333 = arith.constant 0 : i32
    %dma_wait3A_334 = tpu.memref_slice %arg4[%dma_wait3A_323, %dma_wait3A_332, %dma_wait3A_333] : memref<2x120x512xf32, #tpu.memory_space<vmem>> -> memref<1x120x512xf32, #tpu.memory_space<vmem>>
    %dma_wait3A_335 = tpu.memref_squeeze %dma_wait3A_334 : memref<1x120x512xf32, #tpu.memory_space<vmem>> -> memref<120x512xf32, #tpu.memory_space<vmem>>
    tpu.wait_dma2 semaphore(%arg7 : memref<!tpu.dma_semaphore, #tpu.memory_space<semaphore_mem>>) src(%dma_wait3A_335 : memref<120x512xf32, #tpu.memory_space<vmem>>) dst(%dma_wait3A_331 : memref<120x512xf32, #tpu.memory_space<hbm>>)
    %add3A_336 = arith.constant 128 : i32
    %add3A_337 = arith.addi %add3A, %add3A_336 : i32
    %mul3A_338 = arith.constant 120 : i32
    %mul3A_339 = arith.muli %add3A_337, %mul3A_338 : i32
    %dma_start3A_340 = arith.constant 0 : i32
    %dma_start3A_341 = arith.constant 0 : i32
    %dma_start3A_342 = arith.constant 0 : i32
    %dma_start3A_343 = tpu.memref_slice %arg4[%dma_start3A_340, %dma_start3A_341, %dma_start3A_342] : memref<2x120x512xf32, #tpu.memory_space<vmem>> -> memref<1x120x512xf32, #tpu.memory_space<vmem>>
    %dma_start3A_344 = tpu.memref_squeeze %dma_start3A_343 : memref<1x120x512xf32, #tpu.memory_space<vmem>> -> memref<120x512xf32, #tpu.memory_space<vmem>>
    %dma_start3A_345 = arith.constant 0 : i32
    %dma_start3A_346 = tpu.memref_slice %arg2[%mul3A_339, %dma_start3A_345] : memref<100000x512xf32, #tpu.memory_space<hbm>> -> memref<120x512xf32, #tpu.memory_space<hbm>>
    %dma_start3A_347 = arith.constant 0 : i32
    %dma_start3A_348 = arith.constant 0 : i32
    %dma_start3A_349 = tpu.memref_slice %arg4[%dma_start3A_340, %dma_start3A_347, %dma_start3A_348] : memref<2x120x512xf32, #tpu.memory_space<vmem>> -> memref<1x120x512xf32, #tpu.memory_space<vmem>>
    %dma_start3A_350 = tpu.memref_squeeze %dma_start3A_349 : memref<1x120x512xf32, #tpu.memory_space<vmem>> -> memref<120x512xf32, #tpu.memory_space<vmem>>
    %dma_start3A_351 = arith.constant 0 : i32
    %dma_start3A_352 = tpu.memref_slice %arg2[%mul3A_339, %dma_start3A_351] : memref<100000x512xf32, #tpu.memory_space<hbm>> -> memref<120x512xf32, #tpu.memory_space<hbm>>
    tpu.enqueue_dma source(%dma_start3A_352 : memref<120x512xf32, #tpu.memory_space<hbm>>) target(%dma_start3A_350 : memref<120x512xf32, #tpu.memory_space<vmem>>) target_semaphore(%arg5 : memref<!tpu.dma_semaphore, #tpu.memory_space<semaphore_mem>>)
    %add3A_353 = arith.constant 96 : i32
    %add3A_354 = arith.addi %add3A, %add3A_353 : i32
    %mul3A_355 = arith.constant 120 : i32
    %mul3A_356 = arith.muli %add3A_354, %mul3A_355 : i32
    %dma_wait3A_357 = arith.constant 1 : i32
    %dma_wait3A_358 = arith.constant 0 : i32
    %dma_wait3A_359 = arith.constant 0 : i32
    %dma_wait3A_360 = tpu.memref_slice %arg4[%dma_wait3A_357, %dma_wait3A_358, %dma_wait3A_359] : memref<2x120x512xf32, #tpu.memory_space<vmem>> -> memref<1x120x512xf32, #tpu.memory_space<vmem>>
    %dma_wait3A_361 = tpu.memref_squeeze %dma_wait3A_360 : memref<1x120x512xf32, #tpu.memory_space<vmem>> -> memref<120x512xf32, #tpu.memory_space<vmem>>
    %dma_wait3A_362 = arith.constant 0 : i32
    %dma_wait3A_363 = tpu.memref_slice %arg2[%mul3A_356, %dma_wait3A_362] : memref<100000x512xf32, #tpu.memory_space<hbm>> -> memref<120x512xf32, #tpu.memory_space<hbm>>
    %dma_wait3A_364 = arith.constant 0 : i32
    %dma_wait3A_365 = arith.constant 0 : i32
    %dma_wait3A_366 = tpu.memref_slice %arg4[%dma_wait3A_357, %dma_wait3A_364, %dma_wait3A_365] : memref<2x120x512xf32, #tpu.memory_space<vmem>> -> memref<1x120x512xf32, #tpu.memory_space<vmem>>
    %dma_wait3A_367 = tpu.memref_squeeze %dma_wait3A_366 : memref<1x120x512xf32, #tpu.memory_space<vmem>> -> memref<120x512xf32, #tpu.memory_space<vmem>>
    %dma_wait3A_368 = arith.constant 0 : i32
    %dma_wait3A_369 = tpu.memref_slice %arg2[%mul3A_356, %dma_wait3A_368] : memref<100000x512xf32, #tpu.memory_space<hbm>> -> memref<120x512xf32, #tpu.memory_space<hbm>>
    tpu.wait_dma2 semaphore(%arg6 : memref<!tpu.dma_semaphore, #tpu.memory_space<semaphore_mem>>) src(%dma_wait3A_369 : memref<120x512xf32, #tpu.memory_space<hbm>>) dst(%dma_wait3A_367 : memref<120x512xf32, #tpu.memory_space<vmem>>)
    %scan3A_370 = arith.constant 0 : i32
    %scan3A_371 = arith.constant 0 : i32
    %scan3A_372 = arith.constant 60 : i32
    %scan3A_373 = arith.addi %scan3A_371, %scan3A_372 : i32
    %scan3A_374 = arith.constant 1 : i32
    scf.for %scan3A_2034 = %scan3A_371 to %scan3A_373 step %scan3A_374  : i32 {
      %mul3A_2035 = arith.constant 2 : i32
      %mul3A_2036 = arith.muli %mul3A_2035, %scan3A_2034 : i32
      %add3A_2037 = vector.broadcast %mul3A_2036 : i32 to vector<16xi32>
      %add3A_2038 = arith.addi %select_n3A, %add3A_2037 : vector<16xi32>
      %scatter3A = arith.constant 1 : i32
      %scatter3A_2039 = arith.constant 0 : i32
      %scatter3A_2040 = arith.constant 0 : i32
      %scatter3A_2041 = tpu.memref_slice %arg4[%scatter3A, %scatter3A_2039, %scatter3A_2040] : memref<2x120x512xf32, #tpu.memory_space<vmem>> -> memref<1x120x512xf32, #tpu.memory_space<vmem>>
      %scatter3A_2042 = tpu.memref_squeeze %scatter3A_2041 : memref<1x120x512xf32, #tpu.memory_space<vmem>> -> memref<120x512xf32, #tpu.memory_space<vmem>>
      tpu.vector_store_idx %scatter3A_2042[%add3A_2038, %select_n3A_92], %convert_element_type3A : memref<120x512xf32, #tpu.memory_space<vmem>>[vector<16xi32>, vector<16xi32>], vector<16xf32>,
    }
    %scan3A_375 = arith.constant 60 : i32
    %add3A_376 = arith.constant 96 : i32
    %add3A_377 = arith.addi %add3A, %add3A_376 : i32
    %mul3A_378 = arith.constant 120 : i32
    %mul3A_379 = arith.muli %add3A_377, %mul3A_378 : i32
    %dma_start3A_380 = arith.constant 1 : i32
    %dma_start3A_381 = arith.constant 0 : i32
    %dma_start3A_382 = arith.constant 0 : i32
    %dma_start3A_383 = tpu.memref_slice %arg4[%dma_start3A_380, %dma_start3A_381, %dma_start3A_382] : memref<2x120x512xf32, #tpu.memory_space<vmem>> -> memref<1x120x512xf32, #tpu.memory_space<vmem>>
    %dma_start3A_384 = tpu.memref_squeeze %dma_start3A_383 : memref<1x120x512xf32, #tpu.memory_space<vmem>> -> memref<120x512xf32, #tpu.memory_space<vmem>>
    %dma_start3A_385 = arith.constant 0 : i32
    %dma_start3A_386 = tpu.memref_slice %arg3[%mul3A_379, %dma_start3A_385] : memref<100000x512xf32, #tpu.memory_space<hbm>> -> memref<120x512xf32, #tpu.memory_space<hbm>>
    %dma_start3A_387 = arith.constant 0 : i32
    %dma_start3A_388 = tpu.memref_slice %arg3[%mul3A_379, %dma_start3A_387] : memref<100000x512xf32, #tpu.memory_space<hbm>> -> memref<120x512xf32, #tpu.memory_space<hbm>>
    %dma_start3A_389 = arith.constant 0 : i32
    %dma_start3A_390 = arith.constant 0 : i32
    %dma_start3A_391 = tpu.memref_slice %arg4[%dma_start3A_380, %dma_start3A_389, %dma_start3A_390] : memref<2x120x512xf32, #tpu.memory_space<vmem>> -> memref<1x120x512xf32, #tpu.memory_space<vmem>>
    %dma_start3A_392 = tpu.memref_squeeze %dma_start3A_391 : memref<1x120x512xf32, #tpu.memory_space<vmem>> -> memref<120x512xf32, #tpu.memory_space<vmem>>
    tpu.enqueue_dma source(%dma_start3A_392 : memref<120x512xf32, #tpu.memory_space<vmem>>) target(%dma_start3A_388 : memref<120x512xf32, #tpu.memory_space<hbm>>) target_semaphore(%arg8 : memref<!tpu.dma_semaphore, #tpu.memory_space<semaphore_mem>>)
    %add3A_393 = arith.constant 96 : i32
    %add3A_394 = arith.addi %add3A, %add3A_393 : i32
    %mul3A_395 = arith.constant 120 : i32
    %mul3A_396 = arith.muli %add3A_394, %mul3A_395 : i32
    %dma_wait3A_397 = arith.constant 1 : i32
    %dma_wait3A_398 = arith.constant 0 : i32
    %dma_wait3A_399 = arith.constant 0 : i32
    %dma_wait3A_400 = tpu.memref_slice %arg4[%dma_wait3A_397, %dma_wait3A_398, %dma_wait3A_399] : memref<2x120x512xf32, #tpu.memory_space<vmem>> -> memref<1x120x512xf32, #tpu.memory_space<vmem>>
    %dma_wait3A_401 = tpu.memref_squeeze %dma_wait3A_400 : memref<1x120x512xf32, #tpu.memory_space<vmem>> -> memref<120x512xf32, #tpu.memory_space<vmem>>
    %dma_wait3A_402 = arith.constant 0 : i32
    %dma_wait3A_403 = tpu.memref_slice %arg3[%mul3A_396, %dma_wait3A_402] : memref<100000x512xf32, #tpu.memory_space<hbm>> -> memref<120x512xf32, #tpu.memory_space<hbm>>
    %dma_wait3A_404 = arith.constant 0 : i32
    %dma_wait3A_405 = tpu.memref_slice %arg3[%mul3A_396, %dma_wait3A_404] : memref<100000x512xf32, #tpu.memory_space<hbm>> -> memref<120x512xf32, #tpu.memory_space<hbm>>
    %dma_wait3A_406 = arith.constant 0 : i32
    %dma_wait3A_407 = arith.constant 0 : i32
    %dma_wait3A_408 = tpu.memref_slice %arg4[%dma_wait3A_397, %dma_wait3A_406, %dma_wait3A_407] : memref<2x120x512xf32, #tpu.memory_space<vmem>> -> memref<1x120x512xf32, #tpu.memory_space<vmem>>
    %dma_wait3A_409 = tpu.memref_squeeze %dma_wait3A_408 : memref<1x120x512xf32, #tpu.memory_space<vmem>> -> memref<120x512xf32, #tpu.memory_space<vmem>>
    tpu.wait_dma2 semaphore(%arg8 : memref<!tpu.dma_semaphore, #tpu.memory_space<semaphore_mem>>) src(%dma_wait3A_409 : memref<120x512xf32, #tpu.memory_space<vmem>>) dst(%dma_wait3A_405 : memref<120x512xf32, #tpu.memory_space<hbm>>)
    %add3A_410 = arith.constant 160 : i32
    %add3A_411 = arith.addi %add3A, %add3A_410 : i32
    %mul3A_412 = arith.constant 120 : i32
    %mul3A_413 = arith.muli %add3A_411, %mul3A_412 : i32
    %dma_start3A_414 = arith.constant 1 : i32
    %dma_start3A_415 = arith.constant 0 : i32
    %dma_start3A_416 = arith.constant 0 : i32
    %dma_start3A_417 = tpu.memref_slice %arg4[%dma_start3A_414, %dma_start3A_415, %dma_start3A_416] : memref<2x120x512xf32, #tpu.memory_space<vmem>> -> memref<1x120x512xf32, #tpu.memory_space<vmem>>
    %dma_start3A_418 = tpu.memref_squeeze %dma_start3A_417 : memref<1x120x512xf32, #tpu.memory_space<vmem>> -> memref<120x512xf32, #tpu.memory_space<vmem>>
    %dma_start3A_419 = arith.constant 0 : i32
    %dma_start3A_420 = tpu.memref_slice %arg2[%mul3A_413, %dma_start3A_419] : memref<100000x512xf32, #tpu.memory_space<hbm>> -> memref<120x512xf32, #tpu.memory_space<hbm>>
    %dma_start3A_421 = arith.constant 0 : i32
    %dma_start3A_422 = arith.constant 0 : i32
    %dma_start3A_423 = tpu.memref_slice %arg4[%dma_start3A_414, %dma_start3A_421, %dma_start3A_422] : memref<2x120x512xf32, #tpu.memory_space<vmem>> -> memref<1x120x512xf32, #tpu.memory_space<vmem>>
    %dma_start3A_424 = tpu.memref_squeeze %dma_start3A_423 : memref<1x120x512xf32, #tpu.memory_space<vmem>> -> memref<120x512xf32, #tpu.memory_space<vmem>>
    %dma_start3A_425 = arith.constant 0 : i32
    %dma_start3A_426 = tpu.memref_slice %arg2[%mul3A_413, %dma_start3A_425] : memref<100000x512xf32, #tpu.memory_space<hbm>> -> memref<120x512xf32, #tpu.memory_space<hbm>>
    tpu.enqueue_dma source(%dma_start3A_426 : memref<120x512xf32, #tpu.memory_space<hbm>>) target(%dma_start3A_424 : memref<120x512xf32, #tpu.memory_space<vmem>>) target_semaphore(%arg6 : memref<!tpu.dma_semaphore, #tpu.memory_space<semaphore_mem>>)
    %add3A_427 = arith.constant 128 : i32
    %add3A_428 = arith.addi %add3A, %add3A_427 : i32
    %mul3A_429 = arith.constant 120 : i32
    %mul3A_430 = arith.muli %add3A_428, %mul3A_429 : i32
    %dma_wait3A_431 = arith.constant 0 : i32
    %dma_wait3A_432 = arith.constant 0 : i32
    %dma_wait3A_433 = arith.constant 0 : i32
    %dma_wait3A_434 = tpu.memref_slice %arg4[%dma_wait3A_431, %dma_wait3A_432, %dma_wait3A_433] : memref<2x120x512xf32, #tpu.memory_space<vmem>> -> memref<1x120x512xf32, #tpu.memory_space<vmem>>
    %dma_wait3A_435 = tpu.memref_squeeze %dma_wait3A_434 : memref<1x120x512xf32, #tpu.memory_space<vmem>> -> memref<120x512xf32, #tpu.memory_space<vmem>>
    %dma_wait3A_436 = arith.constant 0 : i32
    %dma_wait3A_437 = tpu.memref_slice %arg2[%mul3A_430, %dma_wait3A_436] : memref<100000x512xf32, #tpu.memory_space<hbm>> -> memref<120x512xf32, #tpu.memory_space<hbm>>
    %dma_wait3A_438 = arith.constant 0 : i32
    %dma_wait3A_439 = arith.constant 0 : i32
    %dma_wait3A_440 = tpu.memref_slice %arg4[%dma_wait3A_431, %dma_wait3A_438, %dma_wait3A_439] : memref<2x120x512xf32, #tpu.memory_space<vmem>> -> memref<1x120x512xf32, #tpu.memory_space<vmem>>
    %dma_wait3A_441 = tpu.memref_squeeze %dma_wait3A_440 : memref<1x120x512xf32, #tpu.memory_space<vmem>> -> memref<120x512xf32, #tpu.memory_space<vmem>>
    %dma_wait3A_442 = arith.constant 0 : i32
    %dma_wait3A_443 = tpu.memref_slice %arg2[%mul3A_430, %dma_wait3A_442] : memref<100000x512xf32, #tpu.memory_space<hbm>> -> memref<120x512xf32, #tpu.memory_space<hbm>>
    tpu.wait_dma2 semaphore(%arg5 : memref<!tpu.dma_semaphore, #tpu.memory_space<semaphore_mem>>) src(%dma_wait3A_443 : memref<120x512xf32, #tpu.memory_space<hbm>>) dst(%dma_wait3A_441 : memref<120x512xf32, #tpu.memory_space<vmem>>)
    %scan3A_444 = arith.constant 0 : i32
    %scan3A_445 = arith.constant 0 : i32
    %scan3A_446 = arith.constant 60 : i32
    %scan3A_447 = arith.addi %scan3A_445, %scan3A_446 : i32
    %scan3A_448 = arith.constant 1 : i32
    scf.for %scan3A_2034 = %scan3A_445 to %scan3A_447 step %scan3A_448  : i32 {
      %mul3A_2035 = arith.constant 2 : i32
      %mul3A_2036 = arith.muli %mul3A_2035, %scan3A_2034 : i32
      %add3A_2037 = vector.broadcast %mul3A_2036 : i32 to vector<16xi32>
      %add3A_2038 = arith.addi %select_n3A, %add3A_2037 : vector<16xi32>
      %scatter3A = arith.constant 0 : i32
      %scatter3A_2039 = arith.constant 0 : i32
      %scatter3A_2040 = arith.constant 0 : i32
      %scatter3A_2041 = tpu.memref_slice %arg4[%scatter3A, %scatter3A_2039, %scatter3A_2040] : memref<2x120x512xf32, #tpu.memory_space<vmem>> -> memref<1x120x512xf32, #tpu.memory_space<vmem>>
      %scatter3A_2042 = tpu.memref_squeeze %scatter3A_2041 : memref<1x120x512xf32, #tpu.memory_space<vmem>> -> memref<120x512xf32, #tpu.memory_space<vmem>>
      tpu.vector_store_idx %scatter3A_2042[%add3A_2038, %select_n3A_92], %convert_element_type3A : memref<120x512xf32, #tpu.memory_space<vmem>>[vector<16xi32>, vector<16xi32>], vector<16xf32>,
    }
    %scan3A_449 = arith.constant 60 : i32
    %add3A_450 = arith.constant 128 : i32
    %add3A_451 = arith.addi %add3A, %add3A_450 : i32
    %mul3A_452 = arith.constant 120 : i32
    %mul3A_453 = arith.muli %add3A_451, %mul3A_452 : i32
    %dma_start3A_454 = arith.constant 0 : i32
    %dma_start3A_455 = arith.constant 0 : i32
    %dma_start3A_456 = arith.constant 0 : i32
    %dma_start3A_457 = tpu.memref_slice %arg4[%dma_start3A_454, %dma_start3A_455, %dma_start3A_456] : memref<2x120x512xf32, #tpu.memory_space<vmem>> -> memref<1x120x512xf32, #tpu.memory_space<vmem>>
    %dma_start3A_458 = tpu.memref_squeeze %dma_start3A_457 : memref<1x120x512xf32, #tpu.memory_space<vmem>> -> memref<120x512xf32, #tpu.memory_space<vmem>>
    %dma_start3A_459 = arith.constant 0 : i32
    %dma_start3A_460 = tpu.memref_slice %arg3[%mul3A_453, %dma_start3A_459] : memref<100000x512xf32, #tpu.memory_space<hbm>> -> memref<120x512xf32, #tpu.memory_space<hbm>>
    %dma_start3A_461 = arith.constant 0 : i32
    %dma_start3A_462 = tpu.memref_slice %arg3[%mul3A_453, %dma_start3A_461] : memref<100000x512xf32, #tpu.memory_space<hbm>> -> memref<120x512xf32, #tpu.memory_space<hbm>>
    %dma_start3A_463 = arith.constant 0 : i32
    %dma_start3A_464 = arith.constant 0 : i32
    %dma_start3A_465 = tpu.memref_slice %arg4[%dma_start3A_454, %dma_start3A_463, %dma_start3A_464] : memref<2x120x512xf32, #tpu.memory_space<vmem>> -> memref<1x120x512xf32, #tpu.memory_space<vmem>>
    %dma_start3A_466 = tpu.memref_squeeze %dma_start3A_465 : memref<1x120x512xf32, #tpu.memory_space<vmem>> -> memref<120x512xf32, #tpu.memory_space<vmem>>
    tpu.enqueue_dma source(%dma_start3A_466 : memref<120x512xf32, #tpu.memory_space<vmem>>) target(%dma_start3A_462 : memref<120x512xf32, #tpu.memory_space<hbm>>) target_semaphore(%arg7 : memref<!tpu.dma_semaphore, #tpu.memory_space<semaphore_mem>>)
    %add3A_467 = arith.constant 128 : i32
    %add3A_468 = arith.addi %add3A, %add3A_467 : i32
    %mul3A_469 = arith.constant 120 : i32
    %mul3A_470 = arith.muli %add3A_468, %mul3A_469 : i32
    %dma_wait3A_471 = arith.constant 0 : i32
    %dma_wait3A_472 = arith.constant 0 : i32
    %dma_wait3A_473 = arith.constant 0 : i32
    %dma_wait3A_474 = tpu.memref_slice %arg4[%dma_wait3A_471, %dma_wait3A_472, %dma_wait3A_473] : memref<2x120x512xf32, #tpu.memory_space<vmem>> -> memref<1x120x512xf32, #tpu.memory_space<vmem>>
    %dma_wait3A_475 = tpu.memref_squeeze %dma_wait3A_474 : memref<1x120x512xf32, #tpu.memory_space<vmem>> -> memref<120x512xf32, #tpu.memory_space<vmem>>
    %dma_wait3A_476 = arith.constant 0 : i32
    %dma_wait3A_477 = tpu.memref_slice %arg3[%mul3A_470, %dma_wait3A_476] : memref<100000x512xf32, #tpu.memory_space<hbm>> -> memref<120x512xf32, #tpu.memory_space<hbm>>
    %dma_wait3A_478 = arith.constant 0 : i32
    %dma_wait3A_479 = tpu.memref_slice %arg3[%mul3A_470, %dma_wait3A_478] : memref<100000x512xf32, #tpu.memory_space<hbm>> -> memref<120x512xf32, #tpu.memory_space<hbm>>
    %dma_wait3A_480 = arith.constant 0 : i32
    %dma_wait3A_481 = arith.constant 0 : i32
    %dma_wait3A_482 = tpu.memref_slice %arg4[%dma_wait3A_471, %dma_wait3A_480, %dma_wait3A_481] : memref<2x120x512xf32, #tpu.memory_space<vmem>> -> memref<1x120x512xf32, #tpu.memory_space<vmem>>
    %dma_wait3A_483 = tpu.memref_squeeze %dma_wait3A_482 : memref<1x120x512xf32, #tpu.memory_space<vmem>> -> memref<120x512xf32, #tpu.memory_space<vmem>>
    tpu.wait_dma2 semaphore(%arg7 : memref<!tpu.dma_semaphore, #tpu.memory_space<semaphore_mem>>) src(%dma_wait3A_483 : memref<120x512xf32, #tpu.memory_space<vmem>>) dst(%dma_wait3A_479 : memref<120x512xf32, #tpu.memory_space<hbm>>)
    %add3A_484 = arith.constant 192 : i32
    %add3A_485 = arith.addi %add3A, %add3A_484 : i32
    %mul3A_486 = arith.constant 120 : i32
    %mul3A_487 = arith.muli %add3A_485, %mul3A_486 : i32
    %dma_start3A_488 = arith.constant 0 : i32
    %dma_start3A_489 = arith.constant 0 : i32
    %dma_start3A_490 = arith.constant 0 : i32
    %dma_start3A_491 = tpu.memref_slice %arg4[%dma_start3A_488, %dma_start3A_489, %dma_start3A_490] : memref<2x120x512xf32, #tpu.memory_space<vmem>> -> memref<1x120x512xf32, #tpu.memory_space<vmem>>
    %dma_start3A_492 = tpu.memref_squeeze %dma_start3A_491 : memref<1x120x512xf32, #tpu.memory_space<vmem>> -> memref<120x512xf32, #tpu.memory_space<vmem>>
    %dma_start3A_493 = arith.constant 0 : i32
    %dma_start3A_494 = tpu.memref_slice %arg2[%mul3A_487, %dma_start3A_493] : memref<100000x512xf32, #tpu.memory_space<hbm>> -> memref<120x512xf32, #tpu.memory_space<hbm>>
    %dma_start3A_495 = arith.constant 0 : i32
    %dma_start3A_496 = arith.constant 0 : i32
    %dma_start3A_497 = tpu.memref_slice %arg4[%dma_start3A_488, %dma_start3A_495, %dma_start3A_496] : memref<2x120x512xf32, #tpu.memory_space<vmem>> -> memref<1x120x512xf32, #tpu.memory_space<vmem>>
    %dma_start3A_498 = tpu.memref_squeeze %dma_start3A_497 : memref<1x120x512xf32, #tpu.memory_space<vmem>> -> memref<120x512xf32, #tpu.memory_space<vmem>>
    %dma_start3A_499 = arith.constant 0 : i32
    %dma_start3A_500 = tpu.memref_slice %arg2[%mul3A_487, %dma_start3A_499] : memref<100000x512xf32, #tpu.memory_space<hbm>> -> memref<120x512xf32, #tpu.memory_space<hbm>>
    tpu.enqueue_dma source(%dma_start3A_500 : memref<120x512xf32, #tpu.memory_space<hbm>>) target(%dma_start3A_498 : memref<120x512xf32, #tpu.memory_space<vmem>>) target_semaphore(%arg5 : memref<!tpu.dma_semaphore, #tpu.memory_space<semaphore_mem>>)
    %add3A_501 = arith.constant 160 : i32
    %add3A_502 = arith.addi %add3A, %add3A_501 : i32
    %mul3A_503 = arith.constant 120 : i32
    %mul3A_504 = arith.muli %add3A_502, %mul3A_503 : i32
    %dma_wait3A_505 = arith.constant 1 : i32
    %dma_wait3A_506 = arith.constant 0 : i32
    %dma_wait3A_507 = arith.constant 0 : i32
    %dma_wait3A_508 = tpu.memref_slice %arg4[%dma_wait3A_505, %dma_wait3A_506, %dma_wait3A_507] : memref<2x120x512xf32, #tpu.memory_space<vmem>> -> memref<1x120x512xf32, #tpu.memory_space<vmem>>
    %dma_wait3A_509 = tpu.memref_squeeze %dma_wait3A_508 : memref<1x120x512xf32, #tpu.memory_space<vmem>> -> memref<120x512xf32, #tpu.memory_space<vmem>>
    %dma_wait3A_510 = arith.constant 0 : i32
    %dma_wait3A_511 = tpu.memref_slice %arg2[%mul3A_504, %dma_wait3A_510] : memref<100000x512xf32, #tpu.memory_space<hbm>> -> memref<120x512xf32, #tpu.memory_space<hbm>>
    %dma_wait3A_512 = arith.constant 0 : i32
    %dma_wait3A_513 = arith.constant 0 : i32
    %dma_wait3A_514 = tpu.memref_slice %arg4[%dma_wait3A_505, %dma_wait3A_512, %dma_wait3A_513] : memref<2x120x512xf32, #tpu.memory_space<vmem>> -> memref<1x120x512xf32, #tpu.memory_space<vmem>>
    %dma_wait3A_515 = tpu.memref_squeeze %dma_wait3A_514 : memref<1x120x512xf32, #tpu.memory_space<vmem>> -> memref<120x512xf32, #tpu.memory_space<vmem>>
    %dma_wait3A_516 = arith.constant 0 : i32
    %dma_wait3A_517 = tpu.memref_slice %arg2[%mul3A_504, %dma_wait3A_516] : memref<100000x512xf32, #tpu.memory_space<hbm>> -> memref<120x512xf32, #tpu.memory_space<hbm>>
    tpu.wait_dma2 semaphore(%arg6 : memref<!tpu.dma_semaphore, #tpu.memory_space<semaphore_mem>>) src(%dma_wait3A_517 : memref<120x512xf32, #tpu.memory_space<hbm>>) dst(%dma_wait3A_515 : memref<120x512xf32, #tpu.memory_space<vmem>>)
    %scan3A_518 = arith.constant 0 : i32
    %scan3A_519 = arith.constant 0 : i32
    %scan3A_520 = arith.constant 60 : i32
    %scan3A_521 = arith.addi %scan3A_519, %scan3A_520 : i32
    %scan3A_522 = arith.constant 1 : i32
    scf.for %scan3A_2034 = %scan3A_519 to %scan3A_521 step %scan3A_522  : i32 {
      %mul3A_2035 = arith.constant 2 : i32
      %mul3A_2036 = arith.muli %mul3A_2035, %scan3A_2034 : i32
      %add3A_2037 = vector.broadcast %mul3A_2036 : i32 to vector<16xi32>
      %add3A_2038 = arith.addi %select_n3A, %add3A_2037 : vector<16xi32>
      %scatter3A = arith.constant 1 : i32
      %scatter3A_2039 = arith.constant 0 : i32
      %scatter3A_2040 = arith.constant 0 : i32
      %scatter3A_2041 = tpu.memref_slice %arg4[%scatter3A, %scatter3A_2039, %scatter3A_2040] : memref<2x120x512xf32, #tpu.memory_space<vmem>> -> memref<1x120x512xf32, #tpu.memory_space<vmem>>
      %scatter3A_2042 = tpu.memref_squeeze %scatter3A_2041 : memref<1x120x512xf32, #tpu.memory_space<vmem>> -> memref<120x512xf32, #tpu.memory_space<vmem>>
      tpu.vector_store_idx %scatter3A_2042[%add3A_2038, %select_n3A_92], %convert_element_type3A : memref<120x512xf32, #tpu.memory_space<vmem>>[vector<16xi32>, vector<16xi32>], vector<16xf32>,
    }
    %scan3A_523 = arith.constant 60 : i32
    %add3A_524 = arith.constant 160 : i32
    %add3A_525 = arith.addi %add3A, %add3A_524 : i32
    %mul3A_526 = arith.constant 120 : i32
    %mul3A_527 = arith.muli %add3A_525, %mul3A_526 : i32
    %dma_start3A_528 = arith.constant 1 : i32
    %dma_start3A_529 = arith.constant 0 : i32
    %dma_start3A_530 = arith.constant 0 : i32
    %dma_start3A_531 = tpu.memref_slice %arg4[%dma_start3A_528, %dma_start3A_529, %dma_start3A_530] : memref<2x120x512xf32, #tpu.memory_space<vmem>> -> memref<1x120x512xf32, #tpu.memory_space<vmem>>
    %dma_start3A_532 = tpu.memref_squeeze %dma_start3A_531 : memref<1x120x512xf32, #tpu.memory_space<vmem>> -> memref<120x512xf32, #tpu.memory_space<vmem>>
    %dma_start3A_533 = arith.constant 0 : i32
    %dma_start3A_534 = tpu.memref_slice %arg3[%mul3A_527, %dma_start3A_533] : memref<100000x512xf32, #tpu.memory_space<hbm>> -> memref<120x512xf32, #tpu.memory_space<hbm>>
    %dma_start3A_535 = arith.constant 0 : i32
    %dma_start3A_536 = tpu.memref_slice %arg3[%mul3A_527, %dma_start3A_535] : memref<100000x512xf32, #tpu.memory_space<hbm>> -> memref<120x512xf32, #tpu.memory_space<hbm>>
    %dma_start3A_537 = arith.constant 0 : i32
    %dma_start3A_538 = arith.constant 0 : i32
    %dma_start3A_539 = tpu.memref_slice %arg4[%dma_start3A_528, %dma_start3A_537, %dma_start3A_538] : memref<2x120x512xf32, #tpu.memory_space<vmem>> -> memref<1x120x512xf32, #tpu.memory_space<vmem>>
    %dma_start3A_540 = tpu.memref_squeeze %dma_start3A_539 : memref<1x120x512xf32, #tpu.memory_space<vmem>> -> memref<120x512xf32, #tpu.memory_space<vmem>>
    tpu.enqueue_dma source(%dma_start3A_540 : memref<120x512xf32, #tpu.memory_space<vmem>>) target(%dma_start3A_536 : memref<120x512xf32, #tpu.memory_space<hbm>>) target_semaphore(%arg8 : memref<!tpu.dma_semaphore, #tpu.memory_space<semaphore_mem>>)
    %add3A_541 = arith.constant 160 : i32
    %add3A_542 = arith.addi %add3A, %add3A_541 : i32
    %mul3A_543 = arith.constant 120 : i32
    %mul3A_544 = arith.muli %add3A_542, %mul3A_543 : i32
    %dma_wait3A_545 = arith.constant 1 : i32
    %dma_wait3A_546 = arith.constant 0 : i32
    %dma_wait3A_547 = arith.constant 0 : i32
    %dma_wait3A_548 = tpu.memref_slice %arg4[%dma_wait3A_545, %dma_wait3A_546, %dma_wait3A_547] : memref<2x120x512xf32, #tpu.memory_space<vmem>> -> memref<1x120x512xf32, #tpu.memory_space<vmem>>
    %dma_wait3A_549 = tpu.memref_squeeze %dma_wait3A_548 : memref<1x120x512xf32, #tpu.memory_space<vmem>> -> memref<120x512xf32, #tpu.memory_space<vmem>>
    %dma_wait3A_550 = arith.constant 0 : i32
    %dma_wait3A_551 = tpu.memref_slice %arg3[%mul3A_544, %dma_wait3A_550] : memref<100000x512xf32, #tpu.memory_space<hbm>> -> memref<120x512xf32, #tpu.memory_space<hbm>>
    %dma_wait3A_552 = arith.constant 0 : i32
    %dma_wait3A_553 = tpu.memref_slice %arg3[%mul3A_544, %dma_wait3A_552] : memref<100000x512xf32, #tpu.memory_space<hbm>> -> memref<120x512xf32, #tpu.memory_space<hbm>>
    %dma_wait3A_554 = arith.constant 0 : i32
    %dma_wait3A_555 = arith.constant 0 : i32
    %dma_wait3A_556 = tpu.memref_slice %arg4[%dma_wait3A_545, %dma_wait3A_554, %dma_wait3A_555] : memref<2x120x512xf32, #tpu.memory_space<vmem>> -> memref<1x120x512xf32, #tpu.memory_space<vmem>>
    %dma_wait3A_557 = tpu.memref_squeeze %dma_wait3A_556 : memref<1x120x512xf32, #tpu.memory_space<vmem>> -> memref<120x512xf32, #tpu.memory_space<vmem>>
    tpu.wait_dma2 semaphore(%arg8 : memref<!tpu.dma_semaphore, #tpu.memory_space<semaphore_mem>>) src(%dma_wait3A_557 : memref<120x512xf32, #tpu.memory_space<vmem>>) dst(%dma_wait3A_553 : memref<120x512xf32, #tpu.memory_space<hbm>>)
    %add3A_558 = arith.constant 224 : i32
    %add3A_559 = arith.addi %add3A, %add3A_558 : i32
    %mul3A_560 = arith.constant 120 : i32
    %mul3A_561 = arith.muli %add3A_559, %mul3A_560 : i32
    %dma_start3A_562 = arith.constant 1 : i32
    %dma_start3A_563 = arith.constant 0 : i32
    %dma_start3A_564 = arith.constant 0 : i32
    %dma_start3A_565 = tpu.memref_slice %arg4[%dma_start3A_562, %dma_start3A_563, %dma_start3A_564] : memref<2x120x512xf32, #tpu.memory_space<vmem>> -> memref<1x120x512xf32, #tpu.memory_space<vmem>>
    %dma_start3A_566 = tpu.memref_squeeze %dma_start3A_565 : memref<1x120x512xf32, #tpu.memory_space<vmem>> -> memref<120x512xf32, #tpu.memory_space<vmem>>
    %dma_start3A_567 = arith.constant 0 : i32
    %dma_start3A_568 = tpu.memref_slice %arg2[%mul3A_561, %dma_start3A_567] : memref<100000x512xf32, #tpu.memory_space<hbm>> -> memref<120x512xf32, #tpu.memory_space<hbm>>
    %dma_start3A_569 = arith.constant 0 : i32
    %dma_start3A_570 = arith.constant 0 : i32
    %dma_start3A_571 = tpu.memref_slice %arg4[%dma_start3A_562, %dma_start3A_569, %dma_start3A_570] : memref<2x120x512xf32, #tpu.memory_space<vmem>> -> memref<1x120x512xf32, #tpu.memory_space<vmem>>
    %dma_start3A_572 = tpu.memref_squeeze %dma_start3A_571 : memref<1x120x512xf32, #tpu.memory_space<vmem>> -> memref<120x512xf32, #tpu.memory_space<vmem>>
    %dma_start3A_573 = arith.constant 0 : i32
    %dma_start3A_574 = tpu.memref_slice %arg2[%mul3A_561, %dma_start3A_573] : memref<100000x512xf32, #tpu.memory_space<hbm>> -> memref<120x512xf32, #tpu.memory_space<hbm>>
    tpu.enqueue_dma source(%dma_start3A_574 : memref<120x512xf32, #tpu.memory_space<hbm>>) target(%dma_start3A_572 : memref<120x512xf32, #tpu.memory_space<vmem>>) target_semaphore(%arg6 : memref<!tpu.dma_semaphore, #tpu.memory_space<semaphore_mem>>)
    %add3A_575 = arith.constant 192 : i32
    %add3A_576 = arith.addi %add3A, %add3A_575 : i32
    %mul3A_577 = arith.constant 120 : i32
    %mul3A_578 = arith.muli %add3A_576, %mul3A_577 : i32
    %dma_wait3A_579 = arith.constant 0 : i32
    %dma_wait3A_580 = arith.constant 0 : i32
    %dma_wait3A_581 = arith.constant 0 : i32
    %dma_wait3A_582 = tpu.memref_slice %arg4[%dma_wait3A_579, %dma_wait3A_580, %dma_wait3A_581] : memref<2x120x512xf32, #tpu.memory_space<vmem>> -> memref<1x120x512xf32, #tpu.memory_space<vmem>>
    %dma_wait3A_583 = tpu.memref_squeeze %dma_wait3A_582 : memref<1x120x512xf32, #tpu.memory_space<vmem>> -> memref<120x512xf32, #tpu.memory_space<vmem>>
    %dma_wait3A_584 = arith.constant 0 : i32
    %dma_wait3A_585 = tpu.memref_slice %arg2[%mul3A_578, %dma_wait3A_584] : memref<100000x512xf32, #tpu.memory_space<hbm>> -> memref<120x512xf32, #tpu.memory_space<hbm>>
    %dma_wait3A_586 = arith.constant 0 : i32
    %dma_wait3A_587 = arith.constant 0 : i32
    %dma_wait3A_588 = tpu.memref_slice %arg4[%dma_wait3A_579, %dma_wait3A_586, %dma_wait3A_587] : memref<2x120x512xf32, #tpu.memory_space<vmem>> -> memref<1x120x512xf32, #tpu.memory_space<vmem>>
    %dma_wait3A_589 = tpu.memref_squeeze %dma_wait3A_588 : memref<1x120x512xf32, #tpu.memory_space<vmem>> -> memref<120x512xf32, #tpu.memory_space<vmem>>
    %dma_wait3A_590 = arith.constant 0 : i32
    %dma_wait3A_591 = tpu.memref_slice %arg2[%mul3A_578, %dma_wait3A_590] : memref<100000x512xf32, #tpu.memory_space<hbm>> -> memref<120x512xf32, #tpu.memory_space<hbm>>
    tpu.wait_dma2 semaphore(%arg5 : memref<!tpu.dma_semaphore, #tpu.memory_space<semaphore_mem>>) src(%dma_wait3A_591 : memref<120x512xf32, #tpu.memory_space<hbm>>) dst(%dma_wait3A_589 : memref<120x512xf32, #tpu.memory_space<vmem>>)
    %scan3A_592 = arith.constant 0 : i32
    %scan3A_593 = arith.constant 0 : i32
    %scan3A_594 = arith.constant 60 : i32
    %scan3A_595 = arith.addi %scan3A_593, %scan3A_594 : i32
    %scan3A_596 = arith.constant 1 : i32
    scf.for %scan3A_2034 = %scan3A_593 to %scan3A_595 step %scan3A_596  : i32 {
      %mul3A_2035 = arith.constant 2 : i32
      %mul3A_2036 = arith.muli %mul3A_2035, %scan3A_2034 : i32
      %add3A_2037 = vector.broadcast %mul3A_2036 : i32 to vector<16xi32>
      %add3A_2038 = arith.addi %select_n3A, %add3A_2037 : vector<16xi32>
      %scatter3A = arith.constant 0 : i32
      %scatter3A_2039 = arith.constant 0 : i32
      %scatter3A_2040 = arith.constant 0 : i32
      %scatter3A_2041 = tpu.memref_slice %arg4[%scatter3A, %scatter3A_2039, %scatter3A_2040] : memref<2x120x512xf32, #tpu.memory_space<vmem>> -> memref<1x120x512xf32, #tpu.memory_space<vmem>>
      %scatter3A_2042 = tpu.memref_squeeze %scatter3A_2041 : memref<1x120x512xf32, #tpu.memory_space<vmem>> -> memref<120x512xf32, #tpu.memory_space<vmem>>
      tpu.vector_store_idx %scatter3A_2042[%add3A_2038, %select_n3A_92], %convert_element_type3A : memref<120x512xf32, #tpu.memory_space<vmem>>[vector<16xi32>, vector<16xi32>], vector<16xf32>,
    }
    %scan3A_597 = arith.constant 60 : i32
    %add3A_598 = arith.constant 192 : i32
    %add3A_599 = arith.addi %add3A, %add3A_598 : i32
    %mul3A_600 = arith.constant 120 : i32
    %mul3A_601 = arith.muli %add3A_599, %mul3A_600 : i32
    %dma_start3A_602 = arith.constant 0 : i32
    %dma_start3A_603 = arith.constant 0 : i32
    %dma_start3A_604 = arith.constant 0 : i32
    %dma_start3A_605 = tpu.memref_slice %arg4[%dma_start3A_602, %dma_start3A_603, %dma_start3A_604] : memref<2x120x512xf32, #tpu.memory_space<vmem>> -> memref<1x120x512xf32, #tpu.memory_space<vmem>>
    %dma_start3A_606 = tpu.memref_squeeze %dma_start3A_605 : memref<1x120x512xf32, #tpu.memory_space<vmem>> -> memref<120x512xf32, #tpu.memory_space<vmem>>
    %dma_start3A_607 = arith.constant 0 : i32
    %dma_start3A_608 = tpu.memref_slice %arg3[%mul3A_601, %dma_start3A_607] : memref<100000x512xf32, #tpu.memory_space<hbm>> -> memref<120x512xf32, #tpu.memory_space<hbm>>
    %dma_start3A_609 = arith.constant 0 : i32
    %dma_start3A_610 = tpu.memref_slice %arg3[%mul3A_601, %dma_start3A_609] : memref<100000x512xf32, #tpu.memory_space<hbm>> -> memref<120x512xf32, #tpu.memory_space<hbm>>
    %dma_start3A_611 = arith.constant 0 : i32
    %dma_start3A_612 = arith.constant 0 : i32
    %dma_start3A_613 = tpu.memref_slice %arg4[%dma_start3A_602, %dma_start3A_611, %dma_start3A_612] : memref<2x120x512xf32, #tpu.memory_space<vmem>> -> memref<1x120x512xf32, #tpu.memory_space<vmem>>
    %dma_start3A_614 = tpu.memref_squeeze %dma_start3A_613 : memref<1x120x512xf32, #tpu.memory_space<vmem>> -> memref<120x512xf32, #tpu.memory_space<vmem>>
    tpu.enqueue_dma source(%dma_start3A_614 : memref<120x512xf32, #tpu.memory_space<vmem>>) target(%dma_start3A_610 : memref<120x512xf32, #tpu.memory_space<hbm>>) target_semaphore(%arg7 : memref<!tpu.dma_semaphore, #tpu.memory_space<semaphore_mem>>)
    %add3A_615 = arith.constant 192 : i32
    %add3A_616 = arith.addi %add3A, %add3A_615 : i32
    %mul3A_617 = arith.constant 120 : i32
    %mul3A_618 = arith.muli %add3A_616, %mul3A_617 : i32
    %dma_wait3A_619 = arith.constant 0 : i32
    %dma_wait3A_620 = arith.constant 0 : i32
    %dma_wait3A_621 = arith.constant 0 : i32
    %dma_wait3A_622 = tpu.memref_slice %arg4[%dma_wait3A_619, %dma_wait3A_620, %dma_wait3A_621] : memref<2x120x512xf32, #tpu.memory_space<vmem>> -> memref<1x120x512xf32, #tpu.memory_space<vmem>>
    %dma_wait3A_623 = tpu.memref_squeeze %dma_wait3A_622 : memref<1x120x512xf32, #tpu.memory_space<vmem>> -> memref<120x512xf32, #tpu.memory_space<vmem>>
    %dma_wait3A_624 = arith.constant 0 : i32
    %dma_wait3A_625 = tpu.memref_slice %arg3[%mul3A_618, %dma_wait3A_624] : memref<100000x512xf32, #tpu.memory_space<hbm>> -> memref<120x512xf32, #tpu.memory_space<hbm>>
    %dma_wait3A_626 = arith.constant 0 : i32
    %dma_wait3A_627 = tpu.memref_slice %arg3[%mul3A_618, %dma_wait3A_626] : memref<100000x512xf32, #tpu.memory_space<hbm>> -> memref<120x512xf32, #tpu.memory_space<hbm>>
    %dma_wait3A_628 = arith.constant 0 : i32
    %dma_wait3A_629 = arith.constant 0 : i32
    %dma_wait3A_630 = tpu.memref_slice %arg4[%dma_wait3A_619, %dma_wait3A_628, %dma_wait3A_629] : memref<2x120x512xf32, #tpu.memory_space<vmem>> -> memref<1x120x512xf32, #tpu.memory_space<vmem>>
    %dma_wait3A_631 = tpu.memref_squeeze %dma_wait3A_630 : memref<1x120x512xf32, #tpu.memory_space<vmem>> -> memref<120x512xf32, #tpu.memory_space<vmem>>
    tpu.wait_dma2 semaphore(%arg7 : memref<!tpu.dma_semaphore, #tpu.memory_space<semaphore_mem>>) src(%dma_wait3A_631 : memref<120x512xf32, #tpu.memory_space<vmem>>) dst(%dma_wait3A_627 : memref<120x512xf32, #tpu.memory_space<hbm>>)
    %add3A_632 = arith.constant 256 : i32
    %add3A_633 = arith.addi %add3A, %add3A_632 : i32
    %mul3A_634 = arith.constant 120 : i32
    %mul3A_635 = arith.muli %add3A_633, %mul3A_634 : i32
    %dma_start3A_636 = arith.constant 0 : i32
    %dma_start3A_637 = arith.constant 0 : i32
    %dma_start3A_638 = arith.constant 0 : i32
    %dma_start3A_639 = tpu.memref_slice %arg4[%dma_start3A_636, %dma_start3A_637, %dma_start3A_638] : memref<2x120x512xf32, #tpu.memory_space<vmem>> -> memref<1x120x512xf32, #tpu.memory_space<vmem>>
    %dma_start3A_640 = tpu.memref_squeeze %dma_start3A_639 : memref<1x120x512xf32, #tpu.memory_space<vmem>> -> memref<120x512xf32, #tpu.memory_space<vmem>>
    %dma_start3A_641 = arith.constant 0 : i32
    %dma_start3A_642 = tpu.memref_slice %arg2[%mul3A_635, %dma_start3A_641] : memref<100000x512xf32, #tpu.memory_space<hbm>> -> memref<120x512xf32, #tpu.memory_space<hbm>>
    %dma_start3A_643 = arith.constant 0 : i32
    %dma_start3A_644 = arith.constant 0 : i32
    %dma_start3A_645 = tpu.memref_slice %arg4[%dma_start3A_636, %dma_start3A_643, %dma_start3A_644] : memref<2x120x512xf32, #tpu.memory_space<vmem>> -> memref<1x120x512xf32, #tpu.memory_space<vmem>>
    %dma_start3A_646 = tpu.memref_squeeze %dma_start3A_645 : memref<1x120x512xf32, #tpu.memory_space<vmem>> -> memref<120x512xf32, #tpu.memory_space<vmem>>
    %dma_start3A_647 = arith.constant 0 : i32
    %dma_start3A_648 = tpu.memref_slice %arg2[%mul3A_635, %dma_start3A_647] : memref<100000x512xf32, #tpu.memory_space<hbm>> -> memref<120x512xf32, #tpu.memory_space<hbm>>
    tpu.enqueue_dma source(%dma_start3A_648 : memref<120x512xf32, #tpu.memory_space<hbm>>) target(%dma_start3A_646 : memref<120x512xf32, #tpu.memory_space<vmem>>) target_semaphore(%arg5 : memref<!tpu.dma_semaphore, #tpu.memory_space<semaphore_mem>>)
    %add3A_649 = arith.constant 224 : i32
    %add3A_650 = arith.addi %add3A, %add3A_649 : i32
    %mul3A_651 = arith.constant 120 : i32
    %mul3A_652 = arith.muli %add3A_650, %mul3A_651 : i32
    %dma_wait3A_653 = arith.constant 1 : i32
    %dma_wait3A_654 = arith.constant 0 : i32
    %dma_wait3A_655 = arith.constant 0 : i32
    %dma_wait3A_656 = tpu.memref_slice %arg4[%dma_wait3A_653, %dma_wait3A_654, %dma_wait3A_655] : memref<2x120x512xf32, #tpu.memory_space<vmem>> -> memref<1x120x512xf32, #tpu.memory_space<vmem>>
    %dma_wait3A_657 = tpu.memref_squeeze %dma_wait3A_656 : memref<1x120x512xf32, #tpu.memory_space<vmem>> -> memref<120x512xf32, #tpu.memory_space<vmem>>
    %dma_wait3A_658 = arith.constant 0 : i32
    %dma_wait3A_659 = tpu.memref_slice %arg2[%mul3A_652, %dma_wait3A_658] : memref<100000x512xf32, #tpu.memory_space<hbm>> -> memref<120x512xf32, #tpu.memory_space<hbm>>
    %dma_wait3A_660 = arith.constant 0 : i32
    %dma_wait3A_661 = arith.constant 0 : i32
    %dma_wait3A_662 = tpu.memref_slice %arg4[%dma_wait3A_653, %dma_wait3A_660, %dma_wait3A_661] : memref<2x120x512xf32, #tpu.memory_space<vmem>> -> memref<1x120x512xf32, #tpu.memory_space<vmem>>
    %dma_wait3A_663 = tpu.memref_squeeze %dma_wait3A_662 : memref<1x120x512xf32, #tpu.memory_space<vmem>> -> memref<120x512xf32, #tpu.memory_space<vmem>>
    %dma_wait3A_664 = arith.constant 0 : i32
    %dma_wait3A_665 = tpu.memref_slice %arg2[%mul3A_652, %dma_wait3A_664] : memref<100000x512xf32, #tpu.memory_space<hbm>> -> memref<120x512xf32, #tpu.memory_space<hbm>>
    tpu.wait_dma2 semaphore(%arg6 : memref<!tpu.dma_semaphore, #tpu.memory_space<semaphore_mem>>) src(%dma_wait3A_665 : memref<120x512xf32, #tpu.memory_space<hbm>>) dst(%dma_wait3A_663 : memref<120x512xf32, #tpu.memory_space<vmem>>)
    %scan3A_666 = arith.constant 0 : i32
    %scan3A_667 = arith.constant 0 : i32
    %scan3A_668 = arith.constant 60 : i32
    %scan3A_669 = arith.addi %scan3A_667, %scan3A_668 : i32
    %scan3A_670 = arith.constant 1 : i32
    scf.for %scan3A_2034 = %scan3A_667 to %scan3A_669 step %scan3A_670  : i32 {
      %mul3A_2035 = arith.constant 2 : i32
      %mul3A_2036 = arith.muli %mul3A_2035, %scan3A_2034 : i32
      %add3A_2037 = vector.broadcast %mul3A_2036 : i32 to vector<16xi32>
      %add3A_2038 = arith.addi %select_n3A, %add3A_2037 : vector<16xi32>
      %scatter3A = arith.constant 1 : i32
      %scatter3A_2039 = arith.constant 0 : i32
      %scatter3A_2040 = arith.constant 0 : i32
      %scatter3A_2041 = tpu.memref_slice %arg4[%scatter3A, %scatter3A_2039, %scatter3A_2040] : memref<2x120x512xf32, #tpu.memory_space<vmem>> -> memref<1x120x512xf32, #tpu.memory_space<vmem>>
      %scatter3A_2042 = tpu.memref_squeeze %scatter3A_2041 : memref<1x120x512xf32, #tpu.memory_space<vmem>> -> memref<120x512xf32, #tpu.memory_space<vmem>>
      tpu.vector_store_idx %scatter3A_2042[%add3A_2038, %select_n3A_92], %convert_element_type3A : memref<120x512xf32, #tpu.memory_space<vmem>>[vector<16xi32>, vector<16xi32>], vector<16xf32>,
    }
    %scan3A_671 = arith.constant 60 : i32
    %add3A_672 = arith.constant 224 : i32
    %add3A_673 = arith.addi %add3A, %add3A_672 : i32
    %mul3A_674 = arith.constant 120 : i32
    %mul3A_675 = arith.muli %add3A_673, %mul3A_674 : i32
    %dma_start3A_676 = arith.constant 1 : i32
    %dma_start3A_677 = arith.constant 0 : i32
    %dma_start3A_678 = arith.constant 0 : i32
    %dma_start3A_679 = tpu.memref_slice %arg4[%dma_start3A_676, %dma_start3A_677, %dma_start3A_678] : memref<2x120x512xf32, #tpu.memory_space<vmem>> -> memref<1x120x512xf32, #tpu.memory_space<vmem>>
    %dma_start3A_680 = tpu.memref_squeeze %dma_start3A_679 : memref<1x120x512xf32, #tpu.memory_space<vmem>> -> memref<120x512xf32, #tpu.memory_space<vmem>>
    %dma_start3A_681 = arith.constant 0 : i32
    %dma_start3A_682 = tpu.memref_slice %arg3[%mul3A_675, %dma_start3A_681] : memref<100000x512xf32, #tpu.memory_space<hbm>> -> memref<120x512xf32, #tpu.memory_space<hbm>>
    %dma_start3A_683 = arith.constant 0 : i32
    %dma_start3A_684 = tpu.memref_slice %arg3[%mul3A_675, %dma_start3A_683] : memref<100000x512xf32, #tpu.memory_space<hbm>> -> memref<120x512xf32, #tpu.memory_space<hbm>>
    %dma_start3A_685 = arith.constant 0 : i32
    %dma_start3A_686 = arith.constant 0 : i32
    %dma_start3A_687 = tpu.memref_slice %arg4[%dma_start3A_676, %dma_start3A_685, %dma_start3A_686] : memref<2x120x512xf32, #tpu.memory_space<vmem>> -> memref<1x120x512xf32, #tpu.memory_space<vmem>>
    %dma_start3A_688 = tpu.memref_squeeze %dma_start3A_687 : memref<1x120x512xf32, #tpu.memory_space<vmem>> -> memref<120x512xf32, #tpu.memory_space<vmem>>
    tpu.enqueue_dma source(%dma_start3A_688 : memref<120x512xf32, #tpu.memory_space<vmem>>) target(%dma_start3A_684 : memref<120x512xf32, #tpu.memory_space<hbm>>) target_semaphore(%arg8 : memref<!tpu.dma_semaphore, #tpu.memory_space<semaphore_mem>>)
    %add3A_689 = arith.constant 224 : i32
    %add3A_690 = arith.addi %add3A, %add3A_689 : i32
    %mul3A_691 = arith.constant 120 : i32
    %mul3A_692 = arith.muli %add3A_690, %mul3A_691 : i32
    %dma_wait3A_693 = arith.constant 1 : i32
    %dma_wait3A_694 = arith.constant 0 : i32
    %dma_wait3A_695 = arith.constant 0 : i32
    %dma_wait3A_696 = tpu.memref_slice %arg4[%dma_wait3A_693, %dma_wait3A_694, %dma_wait3A_695] : memref<2x120x512xf32, #tpu.memory_space<vmem>> -> memref<1x120x512xf32, #tpu.memory_space<vmem>>
    %dma_wait3A_697 = tpu.memref_squeeze %dma_wait3A_696 : memref<1x120x512xf32, #tpu.memory_space<vmem>> -> memref<120x512xf32, #tpu.memory_space<vmem>>
    %dma_wait3A_698 = arith.constant 0 : i32
    %dma_wait3A_699 = tpu.memref_slice %arg3[%mul3A_692, %dma_wait3A_698] : memref<100000x512xf32, #tpu.memory_space<hbm>> -> memref<120x512xf32, #tpu.memory_space<hbm>>
    %dma_wait3A_700 = arith.constant 0 : i32
    %dma_wait3A_701 = tpu.memref_slice %arg3[%mul3A_692, %dma_wait3A_700] : memref<100000x512xf32, #tpu.memory_space<hbm>> -> memref<120x512xf32, #tpu.memory_space<hbm>>
    %dma_wait3A_702 = arith.constant 0 : i32
    %dma_wait3A_703 = arith.constant 0 : i32
    %dma_wait3A_704 = tpu.memref_slice %arg4[%dma_wait3A_693, %dma_wait3A_702, %dma_wait3A_703] : memref<2x120x512xf32, #tpu.memory_space<vmem>> -> memref<1x120x512xf32, #tpu.memory_space<vmem>>
    %dma_wait3A_705 = tpu.memref_squeeze %dma_wait3A_704 : memref<1x120x512xf32, #tpu.memory_space<vmem>> -> memref<120x512xf32, #tpu.memory_space<vmem>>
    tpu.wait_dma2 semaphore(%arg8 : memref<!tpu.dma_semaphore, #tpu.memory_space<semaphore_mem>>) src(%dma_wait3A_705 : memref<120x512xf32, #tpu.memory_space<vmem>>) dst(%dma_wait3A_701 : memref<120x512xf32, #tpu.memory_space<hbm>>)
    %add3A_706 = arith.constant 288 : i32
    %add3A_707 = arith.addi %add3A, %add3A_706 : i32
    %mul3A_708 = arith.constant 120 : i32
    %mul3A_709 = arith.muli %add3A_707, %mul3A_708 : i32
    %dma_start3A_710 = arith.constant 1 : i32
    %dma_start3A_711 = arith.constant 0 : i32
    %dma_start3A_712 = arith.constant 0 : i32
    %dma_start3A_713 = tpu.memref_slice %arg4[%dma_start3A_710, %dma_start3A_711, %dma_start3A_712] : memref<2x120x512xf32, #tpu.memory_space<vmem>> -> memref<1x120x512xf32, #tpu.memory_space<vmem>>
    %dma_start3A_714 = tpu.memref_squeeze %dma_start3A_713 : memref<1x120x512xf32, #tpu.memory_space<vmem>> -> memref<120x512xf32, #tpu.memory_space<vmem>>
    %dma_start3A_715 = arith.constant 0 : i32
    %dma_start3A_716 = tpu.memref_slice %arg2[%mul3A_709, %dma_start3A_715] : memref<100000x512xf32, #tpu.memory_space<hbm>> -> memref<120x512xf32, #tpu.memory_space<hbm>>
    %dma_start3A_717 = arith.constant 0 : i32
    %dma_start3A_718 = arith.constant 0 : i32
    %dma_start3A_719 = tpu.memref_slice %arg4[%dma_start3A_710, %dma_start3A_717, %dma_start3A_718] : memref<2x120x512xf32, #tpu.memory_space<vmem>> -> memref<1x120x512xf32, #tpu.memory_space<vmem>>
    %dma_start3A_720 = tpu.memref_squeeze %dma_start3A_719 : memref<1x120x512xf32, #tpu.memory_space<vmem>> -> memref<120x512xf32, #tpu.memory_space<vmem>>
    %dma_start3A_721 = arith.constant 0 : i32
    %dma_start3A_722 = tpu.memref_slice %arg2[%mul3A_709, %dma_start3A_721] : memref<100000x512xf32, #tpu.memory_space<hbm>> -> memref<120x512xf32, #tpu.memory_space<hbm>>
    tpu.enqueue_dma source(%dma_start3A_722 : memref<120x512xf32, #tpu.memory_space<hbm>>) target(%dma_start3A_720 : memref<120x512xf32, #tpu.memory_space<vmem>>) target_semaphore(%arg6 : memref<!tpu.dma_semaphore, #tpu.memory_space<semaphore_mem>>)
    %add3A_723 = arith.constant 256 : i32
    %add3A_724 = arith.addi %add3A, %add3A_723 : i32
    %mul3A_725 = arith.constant 120 : i32
    %mul3A_726 = arith.muli %add3A_724, %mul3A_725 : i32
    %dma_wait3A_727 = arith.constant 0 : i32
    %dma_wait3A_728 = arith.constant 0 : i32
    %dma_wait3A_729 = arith.constant 0 : i32
    %dma_wait3A_730 = tpu.memref_slice %arg4[%dma_wait3A_727, %dma_wait3A_728, %dma_wait3A_729] : memref<2x120x512xf32, #tpu.memory_space<vmem>> -> memref<1x120x512xf32, #tpu.memory_space<vmem>>
    %dma_wait3A_731 = tpu.memref_squeeze %dma_wait3A_730 : memref<1x120x512xf32, #tpu.memory_space<vmem>> -> memref<120x512xf32, #tpu.memory_space<vmem>>
    %dma_wait3A_732 = arith.constant 0 : i32
    %dma_wait3A_733 = tpu.memref_slice %arg2[%mul3A_726, %dma_wait3A_732] : memref<100000x512xf32, #tpu.memory_space<hbm>> -> memref<120x512xf32, #tpu.memory_space<hbm>>
    %dma_wait3A_734 = arith.constant 0 : i32
    %dma_wait3A_735 = arith.constant 0 : i32
    %dma_wait3A_736 = tpu.memref_slice %arg4[%dma_wait3A_727, %dma_wait3A_734, %dma_wait3A_735] : memref<2x120x512xf32, #tpu.memory_space<vmem>> -> memref<1x120x512xf32, #tpu.memory_space<vmem>>
    %dma_wait3A_737 = tpu.memref_squeeze %dma_wait3A_736 : memref<1x120x512xf32, #tpu.memory_space<vmem>> -> memref<120x512xf32, #tpu.memory_space<vmem>>
    %dma_wait3A_738 = arith.constant 0 : i32
    %dma_wait3A_739 = tpu.memref_slice %arg2[%mul3A_726, %dma_wait3A_738] : memref<100000x512xf32, #tpu.memory_space<hbm>> -> memref<120x512xf32, #tpu.memory_space<hbm>>
    tpu.wait_dma2 semaphore(%arg5 : memref<!tpu.dma_semaphore, #tpu.memory_space<semaphore_mem>>) src(%dma_wait3A_739 : memref<120x512xf32, #tpu.memory_space<hbm>>) dst(%dma_wait3A_737 : memref<120x512xf32, #tpu.memory_space<vmem>>)
    %scan3A_740 = arith.constant 0 : i32
    %scan3A_741 = arith.constant 0 : i32
    %scan3A_742 = arith.constant 60 : i32
    %scan3A_743 = arith.addi %scan3A_741, %scan3A_742 : i32
    %scan3A_744 = arith.constant 1 : i32
    scf.for %scan3A_2034 = %scan3A_741 to %scan3A_743 step %scan3A_744  : i32 {
      %mul3A_2035 = arith.constant 2 : i32
      %mul3A_2036 = arith.muli %mul3A_2035, %scan3A_2034 : i32
      %add3A_2037 = vector.broadcast %mul3A_2036 : i32 to vector<16xi32>
      %add3A_2038 = arith.addi %select_n3A, %add3A_2037 : vector<16xi32>
      %scatter3A = arith.constant 0 : i32
      %scatter3A_2039 = arith.constant 0 : i32
      %scatter3A_2040 = arith.constant 0 : i32
      %scatter3A_2041 = tpu.memref_slice %arg4[%scatter3A, %scatter3A_2039, %scatter3A_2040] : memref<2x120x512xf32, #tpu.memory_space<vmem>> -> memref<1x120x512xf32, #tpu.memory_space<vmem>>
      %scatter3A_2042 = tpu.memref_squeeze %scatter3A_2041 : memref<1x120x512xf32, #tpu.memory_space<vmem>> -> memref<120x512xf32, #tpu.memory_space<vmem>>
      tpu.vector_store_idx %scatter3A_2042[%add3A_2038, %select_n3A_92], %convert_element_type3A : memref<120x512xf32, #tpu.memory_space<vmem>>[vector<16xi32>, vector<16xi32>], vector<16xf32>,
    }
    %scan3A_745 = arith.constant 60 : i32
    %add3A_746 = arith.constant 256 : i32
    %add3A_747 = arith.addi %add3A, %add3A_746 : i32
    %mul3A_748 = arith.constant 120 : i32
    %mul3A_749 = arith.muli %add3A_747, %mul3A_748 : i32
    %dma_start3A_750 = arith.constant 0 : i32
    %dma_start3A_751 = arith.constant 0 : i32
    %dma_start3A_752 = arith.constant 0 : i32
    %dma_start3A_753 = tpu.memref_slice %arg4[%dma_start3A_750, %dma_start3A_751, %dma_start3A_752] : memref<2x120x512xf32, #tpu.memory_space<vmem>> -> memref<1x120x512xf32, #tpu.memory_space<vmem>>
    %dma_start3A_754 = tpu.memref_squeeze %dma_start3A_753 : memref<1x120x512xf32, #tpu.memory_space<vmem>> -> memref<120x512xf32, #tpu.memory_space<vmem>>
    %dma_start3A_755 = arith.constant 0 : i32
    %dma_start3A_756 = tpu.memref_slice %arg3[%mul3A_749, %dma_start3A_755] : memref<100000x512xf32, #tpu.memory_space<hbm>> -> memref<120x512xf32, #tpu.memory_space<hbm>>
    %dma_start3A_757 = arith.constant 0 : i32
    %dma_start3A_758 = tpu.memref_slice %arg3[%mul3A_749, %dma_start3A_757] : memref<100000x512xf32, #tpu.memory_space<hbm>> -> memref<120x512xf32, #tpu.memory_space<hbm>>
    %dma_start3A_759 = arith.constant 0 : i32
    %dma_start3A_760 = arith.constant 0 : i32
    %dma_start3A_761 = tpu.memref_slice %arg4[%dma_start3A_750, %dma_start3A_759, %dma_start3A_760] : memref<2x120x512xf32, #tpu.memory_space<vmem>> -> memref<1x120x512xf32, #tpu.memory_space<vmem>>
    %dma_start3A_762 = tpu.memref_squeeze %dma_start3A_761 : memref<1x120x512xf32, #tpu.memory_space<vmem>> -> memref<120x512xf32, #tpu.memory_space<vmem>>
    tpu.enqueue_dma source(%dma_start3A_762 : memref<120x512xf32, #tpu.memory_space<vmem>>) target(%dma_start3A_758 : memref<120x512xf32, #tpu.memory_space<hbm>>) target_semaphore(%arg7 : memref<!tpu.dma_semaphore, #tpu.memory_space<semaphore_mem>>)
    %add3A_763 = arith.constant 256 : i32
    %add3A_764 = arith.addi %add3A, %add3A_763 : i32
    %mul3A_765 = arith.constant 120 : i32
    %mul3A_766 = arith.muli %add3A_764, %mul3A_765 : i32
    %dma_wait3A_767 = arith.constant 0 : i32
    %dma_wait3A_768 = arith.constant 0 : i32
    %dma_wait3A_769 = arith.constant 0 : i32
    %dma_wait3A_770 = tpu.memref_slice %arg4[%dma_wait3A_767, %dma_wait3A_768, %dma_wait3A_769] : memref<2x120x512xf32, #tpu.memory_space<vmem>> -> memref<1x120x512xf32, #tpu.memory_space<vmem>>
    %dma_wait3A_771 = tpu.memref_squeeze %dma_wait3A_770 : memref<1x120x512xf32, #tpu.memory_space<vmem>> -> memref<120x512xf32, #tpu.memory_space<vmem>>
    %dma_wait3A_772 = arith.constant 0 : i32
    %dma_wait3A_773 = tpu.memref_slice %arg3[%mul3A_766, %dma_wait3A_772] : memref<100000x512xf32, #tpu.memory_space<hbm>> -> memref<120x512xf32, #tpu.memory_space<hbm>>
    %dma_wait3A_774 = arith.constant 0 : i32
    %dma_wait3A_775 = tpu.memref_slice %arg3[%mul3A_766, %dma_wait3A_774] : memref<100000x512xf32, #tpu.memory_space<hbm>> -> memref<120x512xf32, #tpu.memory_space<hbm>>
    %dma_wait3A_776 = arith.constant 0 : i32
    %dma_wait3A_777 = arith.constant 0 : i32
    %dma_wait3A_778 = tpu.memref_slice %arg4[%dma_wait3A_767, %dma_wait3A_776, %dma_wait3A_777] : memref<2x120x512xf32, #tpu.memory_space<vmem>> -> memref<1x120x512xf32, #tpu.memory_space<vmem>>
    %dma_wait3A_779 = tpu.memref_squeeze %dma_wait3A_778 : memref<1x120x512xf32, #tpu.memory_space<vmem>> -> memref<120x512xf32, #tpu.memory_space<vmem>>
    tpu.wait_dma2 semaphore(%arg7 : memref<!tpu.dma_semaphore, #tpu.memory_space<semaphore_mem>>) src(%dma_wait3A_779 : memref<120x512xf32, #tpu.memory_space<vmem>>) dst(%dma_wait3A_775 : memref<120x512xf32, #tpu.memory_space<hbm>>)
    %add3A_780 = arith.constant 320 : i32
    %add3A_781 = arith.addi %add3A, %add3A_780 : i32
    %mul3A_782 = arith.constant 120 : i32
    %mul3A_783 = arith.muli %add3A_781, %mul3A_782 : i32
    %dma_start3A_784 = arith.constant 0 : i32
    %dma_start3A_785 = arith.constant 0 : i32
    %dma_start3A_786 = arith.constant 0 : i32
    %dma_start3A_787 = tpu.memref_slice %arg4[%dma_start3A_784, %dma_start3A_785, %dma_start3A_786] : memref<2x120x512xf32, #tpu.memory_space<vmem>> -> memref<1x120x512xf32, #tpu.memory_space<vmem>>
    %dma_start3A_788 = tpu.memref_squeeze %dma_start3A_787 : memref<1x120x512xf32, #tpu.memory_space<vmem>> -> memref<120x512xf32, #tpu.memory_space<vmem>>
    %dma_start3A_789 = arith.constant 0 : i32
    %dma_start3A_790 = tpu.memref_slice %arg2[%mul3A_783, %dma_start3A_789] : memref<100000x512xf32, #tpu.memory_space<hbm>> -> memref<120x512xf32, #tpu.memory_space<hbm>>
    %dma_start3A_791 = arith.constant 0 : i32
    %dma_start3A_792 = arith.constant 0 : i32
    %dma_start3A_793 = tpu.memref_slice %arg4[%dma_start3A_784, %dma_start3A_791, %dma_start3A_792] : memref<2x120x512xf32, #tpu.memory_space<vmem>> -> memref<1x120x512xf32, #tpu.memory_space<vmem>>
    %dma_start3A_794 = tpu.memref_squeeze %dma_start3A_793 : memref<1x120x512xf32, #tpu.memory_space<vmem>> -> memref<120x512xf32, #tpu.memory_space<vmem>>
    %dma_start3A_795 = arith.constant 0 : i32
    %dma_start3A_796 = tpu.memref_slice %arg2[%mul3A_783, %dma_start3A_795] : memref<100000x512xf32, #tpu.memory_space<hbm>> -> memref<120x512xf32, #tpu.memory_space<hbm>>
    tpu.enqueue_dma source(%dma_start3A_796 : memref<120x512xf32, #tpu.memory_space<hbm>>) target(%dma_start3A_794 : memref<120x512xf32, #tpu.memory_space<vmem>>) target_semaphore(%arg5 : memref<!tpu.dma_semaphore, #tpu.memory_space<semaphore_mem>>)
    %add3A_797 = arith.constant 288 : i32
    %add3A_798 = arith.addi %add3A, %add3A_797 : i32
    %mul3A_799 = arith.constant 120 : i32
    %mul3A_800 = arith.muli %add3A_798, %mul3A_799 : i32
    %dma_wait3A_801 = arith.constant 1 : i32
    %dma_wait3A_802 = arith.constant 0 : i32
    %dma_wait3A_803 = arith.constant 0 : i32
    %dma_wait3A_804 = tpu.memref_slice %arg4[%dma_wait3A_801, %dma_wait3A_802, %dma_wait3A_803] : memref<2x120x512xf32, #tpu.memory_space<vmem>> -> memref<1x120x512xf32, #tpu.memory_space<vmem>>
    %dma_wait3A_805 = tpu.memref_squeeze %dma_wait3A_804 : memref<1x120x512xf32, #tpu.memory_space<vmem>> -> memref<120x512xf32, #tpu.memory_space<vmem>>
    %dma_wait3A_806 = arith.constant 0 : i32
    %dma_wait3A_807 = tpu.memref_slice %arg2[%mul3A_800, %dma_wait3A_806] : memref<100000x512xf32, #tpu.memory_space<hbm>> -> memref<120x512xf32, #tpu.memory_space<hbm>>
    %dma_wait3A_808 = arith.constant 0 : i32
    %dma_wait3A_809 = arith.constant 0 : i32
    %dma_wait3A_810 = tpu.memref_slice %arg4[%dma_wait3A_801, %dma_wait3A_808, %dma_wait3A_809] : memref<2x120x512xf32, #tpu.memory_space<vmem>> -> memref<1x120x512xf32, #tpu.memory_space<vmem>>
    %dma_wait3A_811 = tpu.memref_squeeze %dma_wait3A_810 : memref<1x120x512xf32, #tpu.memory_space<vmem>> -> memref<120x512xf32, #tpu.memory_space<vmem>>
    %dma_wait3A_812 = arith.constant 0 : i32
    %dma_wait3A_813 = tpu.memref_slice %arg2[%mul3A_800, %dma_wait3A_812] : memref<100000x512xf32, #tpu.memory_space<hbm>> -> memref<120x512xf32, #tpu.memory_space<hbm>>
    tpu.wait_dma2 semaphore(%arg6 : memref<!tpu.dma_semaphore, #tpu.memory_space<semaphore_mem>>) src(%dma_wait3A_813 : memref<120x512xf32, #tpu.memory_space<hbm>>) dst(%dma_wait3A_811 : memref<120x512xf32, #tpu.memory_space<vmem>>)
    %scan3A_814 = arith.constant 0 : i32
    %scan3A_815 = arith.constant 0 : i32
    %scan3A_816 = arith.constant 60 : i32
    %scan3A_817 = arith.addi %scan3A_815, %scan3A_816 : i32
    %scan3A_818 = arith.constant 1 : i32
    scf.for %scan3A_2034 = %scan3A_815 to %scan3A_817 step %scan3A_818  : i32 {
      %mul3A_2035 = arith.constant 2 : i32
      %mul3A_2036 = arith.muli %mul3A_2035, %scan3A_2034 : i32
      %add3A_2037 = vector.broadcast %mul3A_2036 : i32 to vector<16xi32>
      %add3A_2038 = arith.addi %select_n3A, %add3A_2037 : vector<16xi32>
      %scatter3A = arith.constant 1 : i32
      %scatter3A_2039 = arith.constant 0 : i32
      %scatter3A_2040 = arith.constant 0 : i32
      %scatter3A_2041 = tpu.memref_slice %arg4[%scatter3A, %scatter3A_2039, %scatter3A_2040] : memref<2x120x512xf32, #tpu.memory_space<vmem>> -> memref<1x120x512xf32, #tpu.memory_space<vmem>>
      %scatter3A_2042 = tpu.memref_squeeze %scatter3A_2041 : memref<1x120x512xf32, #tpu.memory_space<vmem>> -> memref<120x512xf32, #tpu.memory_space<vmem>>
      tpu.vector_store_idx %scatter3A_2042[%add3A_2038, %select_n3A_92], %convert_element_type3A : memref<120x512xf32, #tpu.memory_space<vmem>>[vector<16xi32>, vector<16xi32>], vector<16xf32>,
    }
    %scan3A_819 = arith.constant 60 : i32
    %add3A_820 = arith.constant 288 : i32
    %add3A_821 = arith.addi %add3A, %add3A_820 : i32
    %mul3A_822 = arith.constant 120 : i32
    %mul3A_823 = arith.muli %add3A_821, %mul3A_822 : i32
    %dma_start3A_824 = arith.constant 1 : i32
    %dma_start3A_825 = arith.constant 0 : i32
    %dma_start3A_826 = arith.constant 0 : i32
    %dma_start3A_827 = tpu.memref_slice %arg4[%dma_start3A_824, %dma_start3A_825, %dma_start3A_826] : memref<2x120x512xf32, #tpu.memory_space<vmem>> -> memref<1x120x512xf32, #tpu.memory_space<vmem>>
    %dma_start3A_828 = tpu.memref_squeeze %dma_start3A_827 : memref<1x120x512xf32, #tpu.memory_space<vmem>> -> memref<120x512xf32, #tpu.memory_space<vmem>>
    %dma_start3A_829 = arith.constant 0 : i32
    %dma_start3A_830 = tpu.memref_slice %arg3[%mul3A_823, %dma_start3A_829] : memref<100000x512xf32, #tpu.memory_space<hbm>> -> memref<120x512xf32, #tpu.memory_space<hbm>>
    %dma_start3A_831 = arith.constant 0 : i32
    %dma_start3A_832 = tpu.memref_slice %arg3[%mul3A_823, %dma_start3A_831] : memref<100000x512xf32, #tpu.memory_space<hbm>> -> memref<120x512xf32, #tpu.memory_space<hbm>>
    %dma_start3A_833 = arith.constant 0 : i32
    %dma_start3A_834 = arith.constant 0 : i32
    %dma_start3A_835 = tpu.memref_slice %arg4[%dma_start3A_824, %dma_start3A_833, %dma_start3A_834] : memref<2x120x512xf32, #tpu.memory_space<vmem>> -> memref<1x120x512xf32, #tpu.memory_space<vmem>>
    %dma_start3A_836 = tpu.memref_squeeze %dma_start3A_835 : memref<1x120x512xf32, #tpu.memory_space<vmem>> -> memref<120x512xf32, #tpu.memory_space<vmem>>
    tpu.enqueue_dma source(%dma_start3A_836 : memref<120x512xf32, #tpu.memory_space<vmem>>) target(%dma_start3A_832 : memref<120x512xf32, #tpu.memory_space<hbm>>) target_semaphore(%arg8 : memref<!tpu.dma_semaphore, #tpu.memory_space<semaphore_mem>>)
    %add3A_837 = arith.constant 288 : i32
    %add3A_838 = arith.addi %add3A, %add3A_837 : i32
    %mul3A_839 = arith.constant 120 : i32
    %mul3A_840 = arith.muli %add3A_838, %mul3A_839 : i32
    %dma_wait3A_841 = arith.constant 1 : i32
    %dma_wait3A_842 = arith.constant 0 : i32
    %dma_wait3A_843 = arith.constant 0 : i32
    %dma_wait3A_844 = tpu.memref_slice %arg4[%dma_wait3A_841, %dma_wait3A_842, %dma_wait3A_843] : memref<2x120x512xf32, #tpu.memory_space<vmem>> -> memref<1x120x512xf32, #tpu.memory_space<vmem>>
    %dma_wait3A_845 = tpu.memref_squeeze %dma_wait3A_844 : memref<1x120x512xf32, #tpu.memory_space<vmem>> -> memref<120x512xf32, #tpu.memory_space<vmem>>
    %dma_wait3A_846 = arith.constant 0 : i32
    %dma_wait3A_847 = tpu.memref_slice %arg3[%mul3A_840, %dma_wait3A_846] : memref<100000x512xf32, #tpu.memory_space<hbm>> -> memref<120x512xf32, #tpu.memory_space<hbm>>
    %dma_wait3A_848 = arith.constant 0 : i32
    %dma_wait3A_849 = tpu.memref_slice %arg3[%mul3A_840, %dma_wait3A_848] : memref<100000x512xf32, #tpu.memory_space<hbm>> -> memref<120x512xf32, #tpu.memory_space<hbm>>
    %dma_wait3A_850 = arith.constant 0 : i32
    %dma_wait3A_851 = arith.constant 0 : i32
    %dma_wait3A_852 = tpu.memref_slice %arg4[%dma_wait3A_841, %dma_wait3A_850, %dma_wait3A_851] : memref<2x120x512xf32, #tpu.memory_space<vmem>> -> memref<1x120x512xf32, #tpu.memory_space<vmem>>
    %dma_wait3A_853 = tpu.memref_squeeze %dma_wait3A_852 : memref<1x120x512xf32, #tpu.memory_space<vmem>> -> memref<120x512xf32, #tpu.memory_space<vmem>>
    tpu.wait_dma2 semaphore(%arg8 : memref<!tpu.dma_semaphore, #tpu.memory_space<semaphore_mem>>) src(%dma_wait3A_853 : memref<120x512xf32, #tpu.memory_space<vmem>>) dst(%dma_wait3A_849 : memref<120x512xf32, #tpu.memory_space<hbm>>)
    %add3A_854 = arith.constant 352 : i32
    %add3A_855 = arith.addi %add3A, %add3A_854 : i32
    %mul3A_856 = arith.constant 120 : i32
    %mul3A_857 = arith.muli %add3A_855, %mul3A_856 : i32
    %dma_start3A_858 = arith.constant 1 : i32
    %dma_start3A_859 = arith.constant 0 : i32
    %dma_start3A_860 = arith.constant 0 : i32
    %dma_start3A_861 = tpu.memref_slice %arg4[%dma_start3A_858, %dma_start3A_859, %dma_start3A_860] : memref<2x120x512xf32, #tpu.memory_space<vmem>> -> memref<1x120x512xf32, #tpu.memory_space<vmem>>
    %dma_start3A_862 = tpu.memref_squeeze %dma_start3A_861 : memref<1x120x512xf32, #tpu.memory_space<vmem>> -> memref<120x512xf32, #tpu.memory_space<vmem>>
    %dma_start3A_863 = arith.constant 0 : i32
    %dma_start3A_864 = tpu.memref_slice %arg2[%mul3A_857, %dma_start3A_863] : memref<100000x512xf32, #tpu.memory_space<hbm>> -> memref<120x512xf32, #tpu.memory_space<hbm>>
    %dma_start3A_865 = arith.constant 0 : i32
    %dma_start3A_866 = arith.constant 0 : i32
    %dma_start3A_867 = tpu.memref_slice %arg4[%dma_start3A_858, %dma_start3A_865, %dma_start3A_866] : memref<2x120x512xf32, #tpu.memory_space<vmem>> -> memref<1x120x512xf32, #tpu.memory_space<vmem>>
    %dma_start3A_868 = tpu.memref_squeeze %dma_start3A_867 : memref<1x120x512xf32, #tpu.memory_space<vmem>> -> memref<120x512xf32, #tpu.memory_space<vmem>>
    %dma_start3A_869 = arith.constant 0 : i32
    %dma_start3A_870 = tpu.memref_slice %arg2[%mul3A_857, %dma_start3A_869] : memref<100000x512xf32, #tpu.memory_space<hbm>> -> memref<120x512xf32, #tpu.memory_space<hbm>>
    tpu.enqueue_dma source(%dma_start3A_870 : memref<120x512xf32, #tpu.memory_space<hbm>>) target(%dma_start3A_868 : memref<120x512xf32, #tpu.memory_space<vmem>>) target_semaphore(%arg6 : memref<!tpu.dma_semaphore, #tpu.memory_space<semaphore_mem>>)
    %add3A_871 = arith.constant 320 : i32
    %add3A_872 = arith.addi %add3A, %add3A_871 : i32
    %mul3A_873 = arith.constant 120 : i32
    %mul3A_874 = arith.muli %add3A_872, %mul3A_873 : i32
    %dma_wait3A_875 = arith.constant 0 : i32
    %dma_wait3A_876 = arith.constant 0 : i32
    %dma_wait3A_877 = arith.constant 0 : i32
    %dma_wait3A_878 = tpu.memref_slice %arg4[%dma_wait3A_875, %dma_wait3A_876, %dma_wait3A_877] : memref<2x120x512xf32, #tpu.memory_space<vmem>> -> memref<1x120x512xf32, #tpu.memory_space<vmem>>
    %dma_wait3A_879 = tpu.memref_squeeze %dma_wait3A_878 : memref<1x120x512xf32, #tpu.memory_space<vmem>> -> memref<120x512xf32, #tpu.memory_space<vmem>>
    %dma_wait3A_880 = arith.constant 0 : i32
    %dma_wait3A_881 = tpu.memref_slice %arg2[%mul3A_874, %dma_wait3A_880] : memref<100000x512xf32, #tpu.memory_space<hbm>> -> memref<120x512xf32, #tpu.memory_space<hbm>>
    %dma_wait3A_882 = arith.constant 0 : i32
    %dma_wait3A_883 = arith.constant 0 : i32
    %dma_wait3A_884 = tpu.memref_slice %arg4[%dma_wait3A_875, %dma_wait3A_882, %dma_wait3A_883] : memref<2x120x512xf32, #tpu.memory_space<vmem>> -> memref<1x120x512xf32, #tpu.memory_space<vmem>>
    %dma_wait3A_885 = tpu.memref_squeeze %dma_wait3A_884 : memref<1x120x512xf32, #tpu.memory_space<vmem>> -> memref<120x512xf32, #tpu.memory_space<vmem>>
    %dma_wait3A_886 = arith.constant 0 : i32
    %dma_wait3A_887 = tpu.memref_slice %arg2[%mul3A_874, %dma_wait3A_886] : memref<100000x512xf32, #tpu.memory_space<hbm>> -> memref<120x512xf32, #tpu.memory_space<hbm>>
    tpu.wait_dma2 semaphore(%arg5 : memref<!tpu.dma_semaphore, #tpu.memory_space<semaphore_mem>>) src(%dma_wait3A_887 : memref<120x512xf32, #tpu.memory_space<hbm>>) dst(%dma_wait3A_885 : memref<120x512xf32, #tpu.memory_space<vmem>>)
    %scan3A_888 = arith.constant 0 : i32
    %scan3A_889 = arith.constant 0 : i32
    %scan3A_890 = arith.constant 60 : i32
    %scan3A_891 = arith.addi %scan3A_889, %scan3A_890 : i32
    %scan3A_892 = arith.constant 1 : i32
    scf.for %scan3A_2034 = %scan3A_889 to %scan3A_891 step %scan3A_892  : i32 {
      %mul3A_2035 = arith.constant 2 : i32
      %mul3A_2036 = arith.muli %mul3A_2035, %scan3A_2034 : i32
      %add3A_2037 = vector.broadcast %mul3A_2036 : i32 to vector<16xi32>
      %add3A_2038 = arith.addi %select_n3A, %add3A_2037 : vector<16xi32>
      %scatter3A = arith.constant 0 : i32
      %scatter3A_2039 = arith.constant 0 : i32
      %scatter3A_2040 = arith.constant 0 : i32
      %scatter3A_2041 = tpu.memref_slice %arg4[%scatter3A, %scatter3A_2039, %scatter3A_2040] : memref<2x120x512xf32, #tpu.memory_space<vmem>> -> memref<1x120x512xf32, #tpu.memory_space<vmem>>
      %scatter3A_2042 = tpu.memref_squeeze %scatter3A_2041 : memref<1x120x512xf32, #tpu.memory_space<vmem>> -> memref<120x512xf32, #tpu.memory_space<vmem>>
      tpu.vector_store_idx %scatter3A_2042[%add3A_2038, %select_n3A_92], %convert_element_type3A : memref<120x512xf32, #tpu.memory_space<vmem>>[vector<16xi32>, vector<16xi32>], vector<16xf32>,
    }
    %scan3A_893 = arith.constant 60 : i32
    %add3A_894 = arith.constant 320 : i32
    %add3A_895 = arith.addi %add3A, %add3A_894 : i32
    %mul3A_896 = arith.constant 120 : i32
    %mul3A_897 = arith.muli %add3A_895, %mul3A_896 : i32
    %dma_start3A_898 = arith.constant 0 : i32
    %dma_start3A_899 = arith.constant 0 : i32
    %dma_start3A_900 = arith.constant 0 : i32
    %dma_start3A_901 = tpu.memref_slice %arg4[%dma_start3A_898, %dma_start3A_899, %dma_start3A_900] : memref<2x120x512xf32, #tpu.memory_space<vmem>> -> memref<1x120x512xf32, #tpu.memory_space<vmem>>
    %dma_start3A_902 = tpu.memref_squeeze %dma_start3A_901 : memref<1x120x512xf32, #tpu.memory_space<vmem>> -> memref<120x512xf32, #tpu.memory_space<vmem>>
    %dma_start3A_903 = arith.constant 0 : i32
    %dma_start3A_904 = tpu.memref_slice %arg3[%mul3A_897, %dma_start3A_903] : memref<100000x512xf32, #tpu.memory_space<hbm>> -> memref<120x512xf32, #tpu.memory_space<hbm>>
    %dma_start3A_905 = arith.constant 0 : i32
    %dma_start3A_906 = tpu.memref_slice %arg3[%mul3A_897, %dma_start3A_905] : memref<100000x512xf32, #tpu.memory_space<hbm>> -> memref<120x512xf32, #tpu.memory_space<hbm>>
    %dma_start3A_907 = arith.constant 0 : i32
    %dma_start3A_908 = arith.constant 0 : i32
    %dma_start3A_909 = tpu.memref_slice %arg4[%dma_start3A_898, %dma_start3A_907, %dma_start3A_908] : memref<2x120x512xf32, #tpu.memory_space<vmem>> -> memref<1x120x512xf32, #tpu.memory_space<vmem>>
    %dma_start3A_910 = tpu.memref_squeeze %dma_start3A_909 : memref<1x120x512xf32, #tpu.memory_space<vmem>> -> memref<120x512xf32, #tpu.memory_space<vmem>>
    tpu.enqueue_dma source(%dma_start3A_910 : memref<120x512xf32, #tpu.memory_space<vmem>>) target(%dma_start3A_906 : memref<120x512xf32, #tpu.memory_space<hbm>>) target_semaphore(%arg7 : memref<!tpu.dma_semaphore, #tpu.memory_space<semaphore_mem>>)
    %add3A_911 = arith.constant 320 : i32
    %add3A_912 = arith.addi %add3A, %add3A_911 : i32
    %mul3A_913 = arith.constant 120 : i32
    %mul3A_914 = arith.muli %add3A_912, %mul3A_913 : i32
    %dma_wait3A_915 = arith.constant 0 : i32
    %dma_wait3A_916 = arith.constant 0 : i32
    %dma_wait3A_917 = arith.constant 0 : i32
    %dma_wait3A_918 = tpu.memref_slice %arg4[%dma_wait3A_915, %dma_wait3A_916, %dma_wait3A_917] : memref<2x120x512xf32, #tpu.memory_space<vmem>> -> memref<1x120x512xf32, #tpu.memory_space<vmem>>
    %dma_wait3A_919 = tpu.memref_squeeze %dma_wait3A_918 : memref<1x120x512xf32, #tpu.memory_space<vmem>> -> memref<120x512xf32, #tpu.memory_space<vmem>>
    %dma_wait3A_920 = arith.constant 0 : i32
    %dma_wait3A_921 = tpu.memref_slice %arg3[%mul3A_914, %dma_wait3A_920] : memref<100000x512xf32, #tpu.memory_space<hbm>> -> memref<120x512xf32, #tpu.memory_space<hbm>>
    %dma_wait3A_922 = arith.constant 0 : i32
    %dma_wait3A_923 = tpu.memref_slice %arg3[%mul3A_914, %dma_wait3A_922] : memref<100000x512xf32, #tpu.memory_space<hbm>> -> memref<120x512xf32, #tpu.memory_space<hbm>>
    %dma_wait3A_924 = arith.constant 0 : i32
    %dma_wait3A_925 = arith.constant 0 : i32
    %dma_wait3A_926 = tpu.memref_slice %arg4[%dma_wait3A_915, %dma_wait3A_924, %dma_wait3A_925] : memref<2x120x512xf32, #tpu.memory_space<vmem>> -> memref<1x120x512xf32, #tpu.memory_space<vmem>>
    %dma_wait3A_927 = tpu.memref_squeeze %dma_wait3A_926 : memref<1x120x512xf32, #tpu.memory_space<vmem>> -> memref<120x512xf32, #tpu.memory_space<vmem>>
    tpu.wait_dma2 semaphore(%arg7 : memref<!tpu.dma_semaphore, #tpu.memory_space<semaphore_mem>>) src(%dma_wait3A_927 : memref<120x512xf32, #tpu.memory_space<vmem>>) dst(%dma_wait3A_923 : memref<120x512xf32, #tpu.memory_space<hbm>>)
    %add3A_928 = arith.constant 384 : i32
    %add3A_929 = arith.addi %add3A, %add3A_928 : i32
    %mul3A_930 = arith.constant 120 : i32
    %mul3A_931 = arith.muli %add3A_929, %mul3A_930 : i32
    %dma_start3A_932 = arith.constant 0 : i32
    %dma_start3A_933 = arith.constant 0 : i32
    %dma_start3A_934 = arith.constant 0 : i32
    %dma_start3A_935 = tpu.memref_slice %arg4[%dma_start3A_932, %dma_start3A_933, %dma_start3A_934] : memref<2x120x512xf32, #tpu.memory_space<vmem>> -> memref<1x120x512xf32, #tpu.memory_space<vmem>>
    %dma_start3A_936 = tpu.memref_squeeze %dma_start3A_935 : memref<1x120x512xf32, #tpu.memory_space<vmem>> -> memref<120x512xf32, #tpu.memory_space<vmem>>
    %dma_start3A_937 = arith.constant 0 : i32
    %dma_start3A_938 = tpu.memref_slice %arg2[%mul3A_931, %dma_start3A_937] : memref<100000x512xf32, #tpu.memory_space<hbm>> -> memref<120x512xf32, #tpu.memory_space<hbm>>
    %dma_start3A_939 = arith.constant 0 : i32
    %dma_start3A_940 = arith.constant 0 : i32
    %dma_start3A_941 = tpu.memref_slice %arg4[%dma_start3A_932, %dma_start3A_939, %dma_start3A_940] : memref<2x120x512xf32, #tpu.memory_space<vmem>> -> memref<1x120x512xf32, #tpu.memory_space<vmem>>
    %dma_start3A_942 = tpu.memref_squeeze %dma_start3A_941 : memref<1x120x512xf32, #tpu.memory_space<vmem>> -> memref<120x512xf32, #tpu.memory_space<vmem>>
    %dma_start3A_943 = arith.constant 0 : i32
    %dma_start3A_944 = tpu.memref_slice %arg2[%mul3A_931, %dma_start3A_943] : memref<100000x512xf32, #tpu.memory_space<hbm>> -> memref<120x512xf32, #tpu.memory_space<hbm>>
    tpu.enqueue_dma source(%dma_start3A_944 : memref<120x512xf32, #tpu.memory_space<hbm>>) target(%dma_start3A_942 : memref<120x512xf32, #tpu.memory_space<vmem>>) target_semaphore(%arg5 : memref<!tpu.dma_semaphore, #tpu.memory_space<semaphore_mem>>)
    %add3A_945 = arith.constant 352 : i32
    %add3A_946 = arith.addi %add3A, %add3A_945 : i32
    %mul3A_947 = arith.constant 120 : i32
    %mul3A_948 = arith.muli %add3A_946, %mul3A_947 : i32
    %dma_wait3A_949 = arith.constant 1 : i32
    %dma_wait3A_950 = arith.constant 0 : i32
    %dma_wait3A_951 = arith.constant 0 : i32
    %dma_wait3A_952 = tpu.memref_slice %arg4[%dma_wait3A_949, %dma_wait3A_950, %dma_wait3A_951] : memref<2x120x512xf32, #tpu.memory_space<vmem>> -> memref<1x120x512xf32, #tpu.memory_space<vmem>>
    %dma_wait3A_953 = tpu.memref_squeeze %dma_wait3A_952 : memref<1x120x512xf32, #tpu.memory_space<vmem>> -> memref<120x512xf32, #tpu.memory_space<vmem>>
    %dma_wait3A_954 = arith.constant 0 : i32
    %dma_wait3A_955 = tpu.memref_slice %arg2[%mul3A_948, %dma_wait3A_954] : memref<100000x512xf32, #tpu.memory_space<hbm>> -> memref<120x512xf32, #tpu.memory_space<hbm>>
    %dma_wait3A_956 = arith.constant 0 : i32
    %dma_wait3A_957 = arith.constant 0 : i32
    %dma_wait3A_958 = tpu.memref_slice %arg4[%dma_wait3A_949, %dma_wait3A_956, %dma_wait3A_957] : memref<2x120x512xf32, #tpu.memory_space<vmem>> -> memref<1x120x512xf32, #tpu.memory_space<vmem>>
    %dma_wait3A_959 = tpu.memref_squeeze %dma_wait3A_958 : memref<1x120x512xf32, #tpu.memory_space<vmem>> -> memref<120x512xf32, #tpu.memory_space<vmem>>
    %dma_wait3A_960 = arith.constant 0 : i32
    %dma_wait3A_961 = tpu.memref_slice %arg2[%mul3A_948, %dma_wait3A_960] : memref<100000x512xf32, #tpu.memory_space<hbm>> -> memref<120x512xf32, #tpu.memory_space<hbm>>
    tpu.wait_dma2 semaphore(%arg6 : memref<!tpu.dma_semaphore, #tpu.memory_space<semaphore_mem>>) src(%dma_wait3A_961 : memref<120x512xf32, #tpu.memory_space<hbm>>) dst(%dma_wait3A_959 : memref<120x512xf32, #tpu.memory_space<vmem>>)
    %scan3A_962 = arith.constant 0 : i32
    %scan3A_963 = arith.constant 0 : i32
    %scan3A_964 = arith.constant 60 : i32
    %scan3A_965 = arith.addi %scan3A_963, %scan3A_964 : i32
    %scan3A_966 = arith.constant 1 : i32
    scf.for %scan3A_2034 = %scan3A_963 to %scan3A_965 step %scan3A_966  : i32 {
      %mul3A_2035 = arith.constant 2 : i32
      %mul3A_2036 = arith.muli %mul3A_2035, %scan3A_2034 : i32
      %add3A_2037 = vector.broadcast %mul3A_2036 : i32 to vector<16xi32>
      %add3A_2038 = arith.addi %select_n3A, %add3A_2037 : vector<16xi32>
      %scatter3A = arith.constant 1 : i32
      %scatter3A_2039 = arith.constant 0 : i32
      %scatter3A_2040 = arith.constant 0 : i32
      %scatter3A_2041 = tpu.memref_slice %arg4[%scatter3A, %scatter3A_2039, %scatter3A_2040] : memref<2x120x512xf32, #tpu.memory_space<vmem>> -> memref<1x120x512xf32, #tpu.memory_space<vmem>>
      %scatter3A_2042 = tpu.memref_squeeze %scatter3A_2041 : memref<1x120x512xf32, #tpu.memory_space<vmem>> -> memref<120x512xf32, #tpu.memory_space<vmem>>
      tpu.vector_store_idx %scatter3A_2042[%add3A_2038, %select_n3A_92], %convert_element_type3A : memref<120x512xf32, #tpu.memory_space<vmem>>[vector<16xi32>, vector<16xi32>], vector<16xf32>,
    }
    %scan3A_967 = arith.constant 60 : i32
    %add3A_968 = arith.constant 352 : i32
    %add3A_969 = arith.addi %add3A, %add3A_968 : i32
    %mul3A_970 = arith.constant 120 : i32
    %mul3A_971 = arith.muli %add3A_969, %mul3A_970 : i32
    %dma_start3A_972 = arith.constant 1 : i32
    %dma_start3A_973 = arith.constant 0 : i32
    %dma_start3A_974 = arith.constant 0 : i32
    %dma_start3A_975 = tpu.memref_slice %arg4[%dma_start3A_972, %dma_start3A_973, %dma_start3A_974] : memref<2x120x512xf32, #tpu.memory_space<vmem>> -> memref<1x120x512xf32, #tpu.memory_space<vmem>>
    %dma_start3A_976 = tpu.memref_squeeze %dma_start3A_975 : memref<1x120x512xf32, #tpu.memory_space<vmem>> -> memref<120x512xf32, #tpu.memory_space<vmem>>
    %dma_start3A_977 = arith.constant 0 : i32
    %dma_start3A_978 = tpu.memref_slice %arg3[%mul3A_971, %dma_start3A_977] : memref<100000x512xf32, #tpu.memory_space<hbm>> -> memref<120x512xf32, #tpu.memory_space<hbm>>
    %dma_start3A_979 = arith.constant 0 : i32
    %dma_start3A_980 = tpu.memref_slice %arg3[%mul3A_971, %dma_start3A_979] : memref<100000x512xf32, #tpu.memory_space<hbm>> -> memref<120x512xf32, #tpu.memory_space<hbm>>
    %dma_start3A_981 = arith.constant 0 : i32
    %dma_start3A_982 = arith.constant 0 : i32
    %dma_start3A_983 = tpu.memref_slice %arg4[%dma_start3A_972, %dma_start3A_981, %dma_start3A_982] : memref<2x120x512xf32, #tpu.memory_space<vmem>> -> memref<1x120x512xf32, #tpu.memory_space<vmem>>
    %dma_start3A_984 = tpu.memref_squeeze %dma_start3A_983 : memref<1x120x512xf32, #tpu.memory_space<vmem>> -> memref<120x512xf32, #tpu.memory_space<vmem>>
    tpu.enqueue_dma source(%dma_start3A_984 : memref<120x512xf32, #tpu.memory_space<vmem>>) target(%dma_start3A_980 : memref<120x512xf32, #tpu.memory_space<hbm>>) target_semaphore(%arg8 : memref<!tpu.dma_semaphore, #tpu.memory_space<semaphore_mem>>)
    %add3A_985 = arith.constant 352 : i32
    %add3A_986 = arith.addi %add3A, %add3A_985 : i32
    %mul3A_987 = arith.constant 120 : i32
    %mul3A_988 = arith.muli %add3A_986, %mul3A_987 : i32
    %dma_wait3A_989 = arith.constant 1 : i32
    %dma_wait3A_990 = arith.constant 0 : i32
    %dma_wait3A_991 = arith.constant 0 : i32
    %dma_wait3A_992 = tpu.memref_slice %arg4[%dma_wait3A_989, %dma_wait3A_990, %dma_wait3A_991] : memref<2x120x512xf32, #tpu.memory_space<vmem>> -> memref<1x120x512xf32, #tpu.memory_space<vmem>>
    %dma_wait3A_993 = tpu.memref_squeeze %dma_wait3A_992 : memref<1x120x512xf32, #tpu.memory_space<vmem>> -> memref<120x512xf32, #tpu.memory_space<vmem>>
    %dma_wait3A_994 = arith.constant 0 : i32
    %dma_wait3A_995 = tpu.memref_slice %arg3[%mul3A_988, %dma_wait3A_994] : memref<100000x512xf32, #tpu.memory_space<hbm>> -> memref<120x512xf32, #tpu.memory_space<hbm>>
    %dma_wait3A_996 = arith.constant 0 : i32
    %dma_wait3A_997 = tpu.memref_slice %arg3[%mul3A_988, %dma_wait3A_996] : memref<100000x512xf32, #tpu.memory_space<hbm>> -> memref<120x512xf32, #tpu.memory_space<hbm>>
    %dma_wait3A_998 = arith.constant 0 : i32
    %dma_wait3A_999 = arith.constant 0 : i32
    %dma_wait3A_1000 = tpu.memref_slice %arg4[%dma_wait3A_989, %dma_wait3A_998, %dma_wait3A_999] : memref<2x120x512xf32, #tpu.memory_space<vmem>> -> memref<1x120x512xf32, #tpu.memory_space<vmem>>
    %dma_wait3A_1001 = tpu.memref_squeeze %dma_wait3A_1000 : memref<1x120x512xf32, #tpu.memory_space<vmem>> -> memref<120x512xf32, #tpu.memory_space<vmem>>
    tpu.wait_dma2 semaphore(%arg8 : memref<!tpu.dma_semaphore, #tpu.memory_space<semaphore_mem>>) src(%dma_wait3A_1001 : memref<120x512xf32, #tpu.memory_space<vmem>>) dst(%dma_wait3A_997 : memref<120x512xf32, #tpu.memory_space<hbm>>)
    %add3A_1002 = arith.constant 416 : i32
    %add3A_1003 = arith.addi %add3A, %add3A_1002 : i32
    %mul3A_1004 = arith.constant 120 : i32
    %mul3A_1005 = arith.muli %add3A_1003, %mul3A_1004 : i32
    %dma_start3A_1006 = arith.constant 1 : i32
    %dma_start3A_1007 = arith.constant 0 : i32
    %dma_start3A_1008 = arith.constant 0 : i32
    %dma_start3A_1009 = tpu.memref_slice %arg4[%dma_start3A_1006, %dma_start3A_1007, %dma_start3A_1008] : memref<2x120x512xf32, #tpu.memory_space<vmem>> -> memref<1x120x512xf32, #tpu.memory_space<vmem>>
    %dma_start3A_1010 = tpu.memref_squeeze %dma_start3A_1009 : memref<1x120x512xf32, #tpu.memory_space<vmem>> -> memref<120x512xf32, #tpu.memory_space<vmem>>
    %dma_start3A_1011 = arith.constant 0 : i32
    %dma_start3A_1012 = tpu.memref_slice %arg2[%mul3A_1005, %dma_start3A_1011] : memref<100000x512xf32, #tpu.memory_space<hbm>> -> memref<120x512xf32, #tpu.memory_space<hbm>>
    %dma_start3A_1013 = arith.constant 0 : i32
    %dma_start3A_1014 = arith.constant 0 : i32
    %dma_start3A_1015 = tpu.memref_slice %arg4[%dma_start3A_1006, %dma_start3A_1013, %dma_start3A_1014] : memref<2x120x512xf32, #tpu.memory_space<vmem>> -> memref<1x120x512xf32, #tpu.memory_space<vmem>>
    %dma_start3A_1016 = tpu.memref_squeeze %dma_start3A_1015 : memref<1x120x512xf32, #tpu.memory_space<vmem>> -> memref<120x512xf32, #tpu.memory_space<vmem>>
    %dma_start3A_1017 = arith.constant 0 : i32
    %dma_start3A_1018 = tpu.memref_slice %arg2[%mul3A_1005, %dma_start3A_1017] : memref<100000x512xf32, #tpu.memory_space<hbm>> -> memref<120x512xf32, #tpu.memory_space<hbm>>
    tpu.enqueue_dma source(%dma_start3A_1018 : memref<120x512xf32, #tpu.memory_space<hbm>>) target(%dma_start3A_1016 : memref<120x512xf32, #tpu.memory_space<vmem>>) target_semaphore(%arg6 : memref<!tpu.dma_semaphore, #tpu.memory_space<semaphore_mem>>)
    %add3A_1019 = arith.constant 384 : i32
    %add3A_1020 = arith.addi %add3A, %add3A_1019 : i32
    %mul3A_1021 = arith.constant 120 : i32
    %mul3A_1022 = arith.muli %add3A_1020, %mul3A_1021 : i32
    %dma_wait3A_1023 = arith.constant 0 : i32
    %dma_wait3A_1024 = arith.constant 0 : i32
    %dma_wait3A_1025 = arith.constant 0 : i32
    %dma_wait3A_1026 = tpu.memref_slice %arg4[%dma_wait3A_1023, %dma_wait3A_1024, %dma_wait3A_1025] : memref<2x120x512xf32, #tpu.memory_space<vmem>> -> memref<1x120x512xf32, #tpu.memory_space<vmem>>
    %dma_wait3A_1027 = tpu.memref_squeeze %dma_wait3A_1026 : memref<1x120x512xf32, #tpu.memory_space<vmem>> -> memref<120x512xf32, #tpu.memory_space<vmem>>
    %dma_wait3A_1028 = arith.constant 0 : i32
    %dma_wait3A_1029 = tpu.memref_slice %arg2[%mul3A_1022, %dma_wait3A_1028] : memref<100000x512xf32, #tpu.memory_space<hbm>> -> memref<120x512xf32, #tpu.memory_space<hbm>>
    %dma_wait3A_1030 = arith.constant 0 : i32
    %dma_wait3A_1031 = arith.constant 0 : i32
    %dma_wait3A_1032 = tpu.memref_slice %arg4[%dma_wait3A_1023, %dma_wait3A_1030, %dma_wait3A_1031] : memref<2x120x512xf32, #tpu.memory_space<vmem>> -> memref<1x120x512xf32, #tpu.memory_space<vmem>>
    %dma_wait3A_1033 = tpu.memref_squeeze %dma_wait3A_1032 : memref<1x120x512xf32, #tpu.memory_space<vmem>> -> memref<120x512xf32, #tpu.memory_space<vmem>>
    %dma_wait3A_1034 = arith.constant 0 : i32
    %dma_wait3A_1035 = tpu.memref_slice %arg2[%mul3A_1022, %dma_wait3A_1034] : memref<100000x512xf32, #tpu.memory_space<hbm>> -> memref<120x512xf32, #tpu.memory_space<hbm>>
    tpu.wait_dma2 semaphore(%arg5 : memref<!tpu.dma_semaphore, #tpu.memory_space<semaphore_mem>>) src(%dma_wait3A_1035 : memref<120x512xf32, #tpu.memory_space<hbm>>) dst(%dma_wait3A_1033 : memref<120x512xf32, #tpu.memory_space<vmem>>)
    %scan3A_1036 = arith.constant 0 : i32
    %scan3A_1037 = arith.constant 0 : i32
    %scan3A_1038 = arith.constant 60 : i32
    %scan3A_1039 = arith.addi %scan3A_1037, %scan3A_1038 : i32
    %scan3A_1040 = arith.constant 1 : i32
    scf.for %scan3A_2034 = %scan3A_1037 to %scan3A_1039 step %scan3A_1040  : i32 {
      %mul3A_2035 = arith.constant 2 : i32
      %mul3A_2036 = arith.muli %mul3A_2035, %scan3A_2034 : i32
      %add3A_2037 = vector.broadcast %mul3A_2036 : i32 to vector<16xi32>
      %add3A_2038 = arith.addi %select_n3A, %add3A_2037 : vector<16xi32>
      %scatter3A = arith.constant 0 : i32
      %scatter3A_2039 = arith.constant 0 : i32
      %scatter3A_2040 = arith.constant 0 : i32
      %scatter3A_2041 = tpu.memref_slice %arg4[%scatter3A, %scatter3A_2039, %scatter3A_2040] : memref<2x120x512xf32, #tpu.memory_space<vmem>> -> memref<1x120x512xf32, #tpu.memory_space<vmem>>
      %scatter3A_2042 = tpu.memref_squeeze %scatter3A_2041 : memref<1x120x512xf32, #tpu.memory_space<vmem>> -> memref<120x512xf32, #tpu.memory_space<vmem>>
      tpu.vector_store_idx %scatter3A_2042[%add3A_2038, %select_n3A_92], %convert_element_type3A : memref<120x512xf32, #tpu.memory_space<vmem>>[vector<16xi32>, vector<16xi32>], vector<16xf32>,
    }
    %scan3A_1041 = arith.constant 60 : i32
    %add3A_1042 = arith.constant 384 : i32
    %add3A_1043 = arith.addi %add3A, %add3A_1042 : i32
    %mul3A_1044 = arith.constant 120 : i32
    %mul3A_1045 = arith.muli %add3A_1043, %mul3A_1044 : i32
    %dma_start3A_1046 = arith.constant 0 : i32
    %dma_start3A_1047 = arith.constant 0 : i32
    %dma_start3A_1048 = arith.constant 0 : i32
    %dma_start3A_1049 = tpu.memref_slice %arg4[%dma_start3A_1046, %dma_start3A_1047, %dma_start3A_1048] : memref<2x120x512xf32, #tpu.memory_space<vmem>> -> memref<1x120x512xf32, #tpu.memory_space<vmem>>
    %dma_start3A_1050 = tpu.memref_squeeze %dma_start3A_1049 : memref<1x120x512xf32, #tpu.memory_space<vmem>> -> memref<120x512xf32, #tpu.memory_space<vmem>>
    %dma_start3A_1051 = arith.constant 0 : i32
    %dma_start3A_1052 = tpu.memref_slice %arg3[%mul3A_1045, %dma_start3A_1051] : memref<100000x512xf32, #tpu.memory_space<hbm>> -> memref<120x512xf32, #tpu.memory_space<hbm>>
    %dma_start3A_1053 = arith.constant 0 : i32
    %dma_start3A_1054 = tpu.memref_slice %arg3[%mul3A_1045, %dma_start3A_1053] : memref<100000x512xf32, #tpu.memory_space<hbm>> -> memref<120x512xf32, #tpu.memory_space<hbm>>
    %dma_start3A_1055 = arith.constant 0 : i32
    %dma_start3A_1056 = arith.constant 0 : i32
    %dma_start3A_1057 = tpu.memref_slice %arg4[%dma_start3A_1046, %dma_start3A_1055, %dma_start3A_1056] : memref<2x120x512xf32, #tpu.memory_space<vmem>> -> memref<1x120x512xf32, #tpu.memory_space<vmem>>
    %dma_start3A_1058 = tpu.memref_squeeze %dma_start3A_1057 : memref<1x120x512xf32, #tpu.memory_space<vmem>> -> memref<120x512xf32, #tpu.memory_space<vmem>>
    tpu.enqueue_dma source(%dma_start3A_1058 : memref<120x512xf32, #tpu.memory_space<vmem>>) target(%dma_start3A_1054 : memref<120x512xf32, #tpu.memory_space<hbm>>) target_semaphore(%arg7 : memref<!tpu.dma_semaphore, #tpu.memory_space<semaphore_mem>>)
    %add3A_1059 = arith.constant 384 : i32
    %add3A_1060 = arith.addi %add3A, %add3A_1059 : i32
    %mul3A_1061 = arith.constant 120 : i32
    %mul3A_1062 = arith.muli %add3A_1060, %mul3A_1061 : i32
    %dma_wait3A_1063 = arith.constant 0 : i32
    %dma_wait3A_1064 = arith.constant 0 : i32
    %dma_wait3A_1065 = arith.constant 0 : i32
    %dma_wait3A_1066 = tpu.memref_slice %arg4[%dma_wait3A_1063, %dma_wait3A_1064, %dma_wait3A_1065] : memref<2x120x512xf32, #tpu.memory_space<vmem>> -> memref<1x120x512xf32, #tpu.memory_space<vmem>>
    %dma_wait3A_1067 = tpu.memref_squeeze %dma_wait3A_1066 : memref<1x120x512xf32, #tpu.memory_space<vmem>> -> memref<120x512xf32, #tpu.memory_space<vmem>>
    %dma_wait3A_1068 = arith.constant 0 : i32
    %dma_wait3A_1069 = tpu.memref_slice %arg3[%mul3A_1062, %dma_wait3A_1068] : memref<100000x512xf32, #tpu.memory_space<hbm>> -> memref<120x512xf32, #tpu.memory_space<hbm>>
    %dma_wait3A_1070 = arith.constant 0 : i32
    %dma_wait3A_1071 = tpu.memref_slice %arg3[%mul3A_1062, %dma_wait3A_1070] : memref<100000x512xf32, #tpu.memory_space<hbm>> -> memref<120x512xf32, #tpu.memory_space<hbm>>
    %dma_wait3A_1072 = arith.constant 0 : i32
    %dma_wait3A_1073 = arith.constant 0 : i32
    %dma_wait3A_1074 = tpu.memref_slice %arg4[%dma_wait3A_1063, %dma_wait3A_1072, %dma_wait3A_1073] : memref<2x120x512xf32, #tpu.memory_space<vmem>> -> memref<1x120x512xf32, #tpu.memory_space<vmem>>
    %dma_wait3A_1075 = tpu.memref_squeeze %dma_wait3A_1074 : memref<1x120x512xf32, #tpu.memory_space<vmem>> -> memref<120x512xf32, #tpu.memory_space<vmem>>
    tpu.wait_dma2 semaphore(%arg7 : memref<!tpu.dma_semaphore, #tpu.memory_space<semaphore_mem>>) src(%dma_wait3A_1075 : memref<120x512xf32, #tpu.memory_space<vmem>>) dst(%dma_wait3A_1071 : memref<120x512xf32, #tpu.memory_space<hbm>>)
    %add3A_1076 = arith.constant 448 : i32
    %add3A_1077 = arith.addi %add3A, %add3A_1076 : i32
    %mul3A_1078 = arith.constant 120 : i32
    %mul3A_1079 = arith.muli %add3A_1077, %mul3A_1078 : i32
    %dma_start3A_1080 = arith.constant 0 : i32
    %dma_start3A_1081 = arith.constant 0 : i32
    %dma_start3A_1082 = arith.constant 0 : i32
    %dma_start3A_1083 = tpu.memref_slice %arg4[%dma_start3A_1080, %dma_start3A_1081, %dma_start3A_1082] : memref<2x120x512xf32, #tpu.memory_space<vmem>> -> memref<1x120x512xf32, #tpu.memory_space<vmem>>
    %dma_start3A_1084 = tpu.memref_squeeze %dma_start3A_1083 : memref<1x120x512xf32, #tpu.memory_space<vmem>> -> memref<120x512xf32, #tpu.memory_space<vmem>>
    %dma_start3A_1085 = arith.constant 0 : i32
    %dma_start3A_1086 = tpu.memref_slice %arg2[%mul3A_1079, %dma_start3A_1085] : memref<100000x512xf32, #tpu.memory_space<hbm>> -> memref<120x512xf32, #tpu.memory_space<hbm>>
    %dma_start3A_1087 = arith.constant 0 : i32
    %dma_start3A_1088 = arith.constant 0 : i32
    %dma_start3A_1089 = tpu.memref_slice %arg4[%dma_start3A_1080, %dma_start3A_1087, %dma_start3A_1088] : memref<2x120x512xf32, #tpu.memory_space<vmem>> -> memref<1x120x512xf32, #tpu.memory_space<vmem>>
    %dma_start3A_1090 = tpu.memref_squeeze %dma_start3A_1089 : memref<1x120x512xf32, #tpu.memory_space<vmem>> -> memref<120x512xf32, #tpu.memory_space<vmem>>
    %dma_start3A_1091 = arith.constant 0 : i32
    %dma_start3A_1092 = tpu.memref_slice %arg2[%mul3A_1079, %dma_start3A_1091] : memref<100000x512xf32, #tpu.memory_space<hbm>> -> memref<120x512xf32, #tpu.memory_space<hbm>>
    tpu.enqueue_dma source(%dma_start3A_1092 : memref<120x512xf32, #tpu.memory_space<hbm>>) target(%dma_start3A_1090 : memref<120x512xf32, #tpu.memory_space<vmem>>) target_semaphore(%arg5 : memref<!tpu.dma_semaphore, #tpu.memory_space<semaphore_mem>>)
    %add3A_1093 = arith.constant 416 : i32
    %add3A_1094 = arith.addi %add3A, %add3A_1093 : i32
    %mul3A_1095 = arith.constant 120 : i32
    %mul3A_1096 = arith.muli %add3A_1094, %mul3A_1095 : i32
    %dma_wait3A_1097 = arith.constant 1 : i32
    %dma_wait3A_1098 = arith.constant 0 : i32
    %dma_wait3A_1099 = arith.constant 0 : i32
    %dma_wait3A_1100 = tpu.memref_slice %arg4[%dma_wait3A_1097, %dma_wait3A_1098, %dma_wait3A_1099] : memref<2x120x512xf32, #tpu.memory_space<vmem>> -> memref<1x120x512xf32, #tpu.memory_space<vmem>>
    %dma_wait3A_1101 = tpu.memref_squeeze %dma_wait3A_1100 : memref<1x120x512xf32, #tpu.memory_space<vmem>> -> memref<120x512xf32, #tpu.memory_space<vmem>>
    %dma_wait3A_1102 = arith.constant 0 : i32
    %dma_wait3A_1103 = tpu.memref_slice %arg2[%mul3A_1096, %dma_wait3A_1102] : memref<100000x512xf32, #tpu.memory_space<hbm>> -> memref<120x512xf32, #tpu.memory_space<hbm>>
    %dma_wait3A_1104 = arith.constant 0 : i32
    %dma_wait3A_1105 = arith.constant 0 : i32
    %dma_wait3A_1106 = tpu.memref_slice %arg4[%dma_wait3A_1097, %dma_wait3A_1104, %dma_wait3A_1105] : memref<2x120x512xf32, #tpu.memory_space<vmem>> -> memref<1x120x512xf32, #tpu.memory_space<vmem>>
    %dma_wait3A_1107 = tpu.memref_squeeze %dma_wait3A_1106 : memref<1x120x512xf32, #tpu.memory_space<vmem>> -> memref<120x512xf32, #tpu.memory_space<vmem>>
    %dma_wait3A_1108 = arith.constant 0 : i32
    %dma_wait3A_1109 = tpu.memref_slice %arg2[%mul3A_1096, %dma_wait3A_1108] : memref<100000x512xf32, #tpu.memory_space<hbm>> -> memref<120x512xf32, #tpu.memory_space<hbm>>
    tpu.wait_dma2 semaphore(%arg6 : memref<!tpu.dma_semaphore, #tpu.memory_space<semaphore_mem>>) src(%dma_wait3A_1109 : memref<120x512xf32, #tpu.memory_space<hbm>>) dst(%dma_wait3A_1107 : memref<120x512xf32, #tpu.memory_space<vmem>>)
    %scan3A_1110 = arith.constant 0 : i32
    %scan3A_1111 = arith.constant 0 : i32
    %scan3A_1112 = arith.constant 60 : i32
    %scan3A_1113 = arith.addi %scan3A_1111, %scan3A_1112 : i32
    %scan3A_1114 = arith.constant 1 : i32
    scf.for %scan3A_2034 = %scan3A_1111 to %scan3A_1113 step %scan3A_1114  : i32 {
      %mul3A_2035 = arith.constant 2 : i32
      %mul3A_2036 = arith.muli %mul3A_2035, %scan3A_2034 : i32
      %add3A_2037 = vector.broadcast %mul3A_2036 : i32 to vector<16xi32>
      %add3A_2038 = arith.addi %select_n3A, %add3A_2037 : vector<16xi32>
      %scatter3A = arith.constant 1 : i32
      %scatter3A_2039 = arith.constant 0 : i32
      %scatter3A_2040 = arith.constant 0 : i32
      %scatter3A_2041 = tpu.memref_slice %arg4[%scatter3A, %scatter3A_2039, %scatter3A_2040] : memref<2x120x512xf32, #tpu.memory_space<vmem>> -> memref<1x120x512xf32, #tpu.memory_space<vmem>>
      %scatter3A_2042 = tpu.memref_squeeze %scatter3A_2041 : memref<1x120x512xf32, #tpu.memory_space<vmem>> -> memref<120x512xf32, #tpu.memory_space<vmem>>
      tpu.vector_store_idx %scatter3A_2042[%add3A_2038, %select_n3A_92], %convert_element_type3A : memref<120x512xf32, #tpu.memory_space<vmem>>[vector<16xi32>, vector<16xi32>], vector<16xf32>,
    }
    %scan3A_1115 = arith.constant 60 : i32
    %add3A_1116 = arith.constant 416 : i32
    %add3A_1117 = arith.addi %add3A, %add3A_1116 : i32
    %mul3A_1118 = arith.constant 120 : i32
    %mul3A_1119 = arith.muli %add3A_1117, %mul3A_1118 : i32
    %dma_start3A_1120 = arith.constant 1 : i32
    %dma_start3A_1121 = arith.constant 0 : i32
    %dma_start3A_1122 = arith.constant 0 : i32
    %dma_start3A_1123 = tpu.memref_slice %arg4[%dma_start3A_1120, %dma_start3A_1121, %dma_start3A_1122] : memref<2x120x512xf32, #tpu.memory_space<vmem>> -> memref<1x120x512xf32, #tpu.memory_space<vmem>>
    %dma_start3A_1124 = tpu.memref_squeeze %dma_start3A_1123 : memref<1x120x512xf32, #tpu.memory_space<vmem>> -> memref<120x512xf32, #tpu.memory_space<vmem>>
    %dma_start3A_1125 = arith.constant 0 : i32
    %dma_start3A_1126 = tpu.memref_slice %arg3[%mul3A_1119, %dma_start3A_1125] : memref<100000x512xf32, #tpu.memory_space<hbm>> -> memref<120x512xf32, #tpu.memory_space<hbm>>
    %dma_start3A_1127 = arith.constant 0 : i32
    %dma_start3A_1128 = tpu.memref_slice %arg3[%mul3A_1119, %dma_start3A_1127] : memref<100000x512xf32, #tpu.memory_space<hbm>> -> memref<120x512xf32, #tpu.memory_space<hbm>>
    %dma_start3A_1129 = arith.constant 0 : i32
    %dma_start3A_1130 = arith.constant 0 : i32
    %dma_start3A_1131 = tpu.memref_slice %arg4[%dma_start3A_1120, %dma_start3A_1129, %dma_start3A_1130] : memref<2x120x512xf32, #tpu.memory_space<vmem>> -> memref<1x120x512xf32, #tpu.memory_space<vmem>>
    %dma_start3A_1132 = tpu.memref_squeeze %dma_start3A_1131 : memref<1x120x512xf32, #tpu.memory_space<vmem>> -> memref<120x512xf32, #tpu.memory_space<vmem>>
    tpu.enqueue_dma source(%dma_start3A_1132 : memref<120x512xf32, #tpu.memory_space<vmem>>) target(%dma_start3A_1128 : memref<120x512xf32, #tpu.memory_space<hbm>>) target_semaphore(%arg8 : memref<!tpu.dma_semaphore, #tpu.memory_space<semaphore_mem>>)
    %add3A_1133 = arith.constant 416 : i32
    %add3A_1134 = arith.addi %add3A, %add3A_1133 : i32
    %mul3A_1135 = arith.constant 120 : i32
    %mul3A_1136 = arith.muli %add3A_1134, %mul3A_1135 : i32
    %dma_wait3A_1137 = arith.constant 1 : i32
    %dma_wait3A_1138 = arith.constant 0 : i32
    %dma_wait3A_1139 = arith.constant 0 : i32
    %dma_wait3A_1140 = tpu.memref_slice %arg4[%dma_wait3A_1137, %dma_wait3A_1138, %dma_wait3A_1139] : memref<2x120x512xf32, #tpu.memory_space<vmem>> -> memref<1x120x512xf32, #tpu.memory_space<vmem>>
    %dma_wait3A_1141 = tpu.memref_squeeze %dma_wait3A_1140 : memref<1x120x512xf32, #tpu.memory_space<vmem>> -> memref<120x512xf32, #tpu.memory_space<vmem>>
    %dma_wait3A_1142 = arith.constant 0 : i32
    %dma_wait3A_1143 = tpu.memref_slice %arg3[%mul3A_1136, %dma_wait3A_1142] : memref<100000x512xf32, #tpu.memory_space<hbm>> -> memref<120x512xf32, #tpu.memory_space<hbm>>
    %dma_wait3A_1144 = arith.constant 0 : i32
    %dma_wait3A_1145 = tpu.memref_slice %arg3[%mul3A_1136, %dma_wait3A_1144] : memref<100000x512xf32, #tpu.memory_space<hbm>> -> memref<120x512xf32, #tpu.memory_space<hbm>>
    %dma_wait3A_1146 = arith.constant 0 : i32
    %dma_wait3A_1147 = arith.constant 0 : i32
    %dma_wait3A_1148 = tpu.memref_slice %arg4[%dma_wait3A_1137, %dma_wait3A_1146, %dma_wait3A_1147] : memref<2x120x512xf32, #tpu.memory_space<vmem>> -> memref<1x120x512xf32, #tpu.memory_space<vmem>>
    %dma_wait3A_1149 = tpu.memref_squeeze %dma_wait3A_1148 : memref<1x120x512xf32, #tpu.memory_space<vmem>> -> memref<120x512xf32, #tpu.memory_space<vmem>>
    tpu.wait_dma2 semaphore(%arg8 : memref<!tpu.dma_semaphore, #tpu.memory_space<semaphore_mem>>) src(%dma_wait3A_1149 : memref<120x512xf32, #tpu.memory_space<vmem>>) dst(%dma_wait3A_1145 : memref<120x512xf32, #tpu.memory_space<hbm>>)
    %add3A_1150 = arith.constant 480 : i32
    %add3A_1151 = arith.addi %add3A, %add3A_1150 : i32
    %mul3A_1152 = arith.constant 120 : i32
    %mul3A_1153 = arith.muli %add3A_1151, %mul3A_1152 : i32
    %dma_start3A_1154 = arith.constant 1 : i32
    %dma_start3A_1155 = arith.constant 0 : i32
    %dma_start3A_1156 = arith.constant 0 : i32
    %dma_start3A_1157 = tpu.memref_slice %arg4[%dma_start3A_1154, %dma_start3A_1155, %dma_start3A_1156] : memref<2x120x512xf32, #tpu.memory_space<vmem>> -> memref<1x120x512xf32, #tpu.memory_space<vmem>>
    %dma_start3A_1158 = tpu.memref_squeeze %dma_start3A_1157 : memref<1x120x512xf32, #tpu.memory_space<vmem>> -> memref<120x512xf32, #tpu.memory_space<vmem>>
    %dma_start3A_1159 = arith.constant 0 : i32
    %dma_start3A_1160 = tpu.memref_slice %arg2[%mul3A_1153, %dma_start3A_1159] : memref<100000x512xf32, #tpu.memory_space<hbm>> -> memref<120x512xf32, #tpu.memory_space<hbm>>
    %dma_start3A_1161 = arith.constant 0 : i32
    %dma_start3A_1162 = arith.constant 0 : i32
    %dma_start3A_1163 = tpu.memref_slice %arg4[%dma_start3A_1154, %dma_start3A_1161, %dma_start3A_1162] : memref<2x120x512xf32, #tpu.memory_space<vmem>> -> memref<1x120x512xf32, #tpu.memory_space<vmem>>
    %dma_start3A_1164 = tpu.memref_squeeze %dma_start3A_1163 : memref<1x120x512xf32, #tpu.memory_space<vmem>> -> memref<120x512xf32, #tpu.memory_space<vmem>>
    %dma_start3A_1165 = arith.constant 0 : i32
    %dma_start3A_1166 = tpu.memref_slice %arg2[%mul3A_1153, %dma_start3A_1165] : memref<100000x512xf32, #tpu.memory_space<hbm>> -> memref<120x512xf32, #tpu.memory_space<hbm>>
    tpu.enqueue_dma source(%dma_start3A_1166 : memref<120x512xf32, #tpu.memory_space<hbm>>) target(%dma_start3A_1164 : memref<120x512xf32, #tpu.memory_space<vmem>>) target_semaphore(%arg6 : memref<!tpu.dma_semaphore, #tpu.memory_space<semaphore_mem>>)
    %add3A_1167 = arith.constant 448 : i32
    %add3A_1168 = arith.addi %add3A, %add3A_1167 : i32
    %mul3A_1169 = arith.constant 120 : i32
    %mul3A_1170 = arith.muli %add3A_1168, %mul3A_1169 : i32
    %dma_wait3A_1171 = arith.constant 0 : i32
    %dma_wait3A_1172 = arith.constant 0 : i32
    %dma_wait3A_1173 = arith.constant 0 : i32
    %dma_wait3A_1174 = tpu.memref_slice %arg4[%dma_wait3A_1171, %dma_wait3A_1172, %dma_wait3A_1173] : memref<2x120x512xf32, #tpu.memory_space<vmem>> -> memref<1x120x512xf32, #tpu.memory_space<vmem>>
    %dma_wait3A_1175 = tpu.memref_squeeze %dma_wait3A_1174 : memref<1x120x512xf32, #tpu.memory_space<vmem>> -> memref<120x512xf32, #tpu.memory_space<vmem>>
    %dma_wait3A_1176 = arith.constant 0 : i32
    %dma_wait3A_1177 = tpu.memref_slice %arg2[%mul3A_1170, %dma_wait3A_1176] : memref<100000x512xf32, #tpu.memory_space<hbm>> -> memref<120x512xf32, #tpu.memory_space<hbm>>
    %dma_wait3A_1178 = arith.constant 0 : i32
    %dma_wait3A_1179 = arith.constant 0 : i32
    %dma_wait3A_1180 = tpu.memref_slice %arg4[%dma_wait3A_1171, %dma_wait3A_1178, %dma_wait3A_1179] : memref<2x120x512xf32, #tpu.memory_space<vmem>> -> memref<1x120x512xf32, #tpu.memory_space<vmem>>
    %dma_wait3A_1181 = tpu.memref_squeeze %dma_wait3A_1180 : memref<1x120x512xf32, #tpu.memory_space<vmem>> -> memref<120x512xf32, #tpu.memory_space<vmem>>
    %dma_wait3A_1182 = arith.constant 0 : i32
    %dma_wait3A_1183 = tpu.memref_slice %arg2[%mul3A_1170, %dma_wait3A_1182] : memref<100000x512xf32, #tpu.memory_space<hbm>> -> memref<120x512xf32, #tpu.memory_space<hbm>>
    tpu.wait_dma2 semaphore(%arg5 : memref<!tpu.dma_semaphore, #tpu.memory_space<semaphore_mem>>) src(%dma_wait3A_1183 : memref<120x512xf32, #tpu.memory_space<hbm>>) dst(%dma_wait3A_1181 : memref<120x512xf32, #tpu.memory_space<vmem>>)
    %scan3A_1184 = arith.constant 0 : i32
    %scan3A_1185 = arith.constant 0 : i32
    %scan3A_1186 = arith.constant 60 : i32
    %scan3A_1187 = arith.addi %scan3A_1185, %scan3A_1186 : i32
    %scan3A_1188 = arith.constant 1 : i32
    scf.for %scan3A_2034 = %scan3A_1185 to %scan3A_1187 step %scan3A_1188  : i32 {
      %mul3A_2035 = arith.constant 2 : i32
      %mul3A_2036 = arith.muli %mul3A_2035, %scan3A_2034 : i32
      %add3A_2037 = vector.broadcast %mul3A_2036 : i32 to vector<16xi32>
      %add3A_2038 = arith.addi %select_n3A, %add3A_2037 : vector<16xi32>
      %scatter3A = arith.constant 0 : i32
      %scatter3A_2039 = arith.constant 0 : i32
      %scatter3A_2040 = arith.constant 0 : i32
      %scatter3A_2041 = tpu.memref_slice %arg4[%scatter3A, %scatter3A_2039, %scatter3A_2040] : memref<2x120x512xf32, #tpu.memory_space<vmem>> -> memref<1x120x512xf32, #tpu.memory_space<vmem>>
      %scatter3A_2042 = tpu.memref_squeeze %scatter3A_2041 : memref<1x120x512xf32, #tpu.memory_space<vmem>> -> memref<120x512xf32, #tpu.memory_space<vmem>>
      tpu.vector_store_idx %scatter3A_2042[%add3A_2038, %select_n3A_92], %convert_element_type3A : memref<120x512xf32, #tpu.memory_space<vmem>>[vector<16xi32>, vector<16xi32>], vector<16xf32>,
    }
    %scan3A_1189 = arith.constant 60 : i32
    %add3A_1190 = arith.constant 448 : i32
    %add3A_1191 = arith.addi %add3A, %add3A_1190 : i32
    %mul3A_1192 = arith.constant 120 : i32
    %mul3A_1193 = arith.muli %add3A_1191, %mul3A_1192 : i32
    %dma_start3A_1194 = arith.constant 0 : i32
    %dma_start3A_1195 = arith.constant 0 : i32
    %dma_start3A_1196 = arith.constant 0 : i32
    %dma_start3A_1197 = tpu.memref_slice %arg4[%dma_start3A_1194, %dma_start3A_1195, %dma_start3A_1196] : memref<2x120x512xf32, #tpu.memory_space<vmem>> -> memref<1x120x512xf32, #tpu.memory_space<vmem>>
    %dma_start3A_1198 = tpu.memref_squeeze %dma_start3A_1197 : memref<1x120x512xf32, #tpu.memory_space<vmem>> -> memref<120x512xf32, #tpu.memory_space<vmem>>
    %dma_start3A_1199 = arith.constant 0 : i32
    %dma_start3A_1200 = tpu.memref_slice %arg3[%mul3A_1193, %dma_start3A_1199] : memref<100000x512xf32, #tpu.memory_space<hbm>> -> memref<120x512xf32, #tpu.memory_space<hbm>>
    %dma_start3A_1201 = arith.constant 0 : i32
    %dma_start3A_1202 = tpu.memref_slice %arg3[%mul3A_1193, %dma_start3A_1201] : memref<100000x512xf32, #tpu.memory_space<hbm>> -> memref<120x512xf32, #tpu.memory_space<hbm>>
    %dma_start3A_1203 = arith.constant 0 : i32
    %dma_start3A_1204 = arith.constant 0 : i32
    %dma_start3A_1205 = tpu.memref_slice %arg4[%dma_start3A_1194, %dma_start3A_1203, %dma_start3A_1204] : memref<2x120x512xf32, #tpu.memory_space<vmem>> -> memref<1x120x512xf32, #tpu.memory_space<vmem>>
    %dma_start3A_1206 = tpu.memref_squeeze %dma_start3A_1205 : memref<1x120x512xf32, #tpu.memory_space<vmem>> -> memref<120x512xf32, #tpu.memory_space<vmem>>
    tpu.enqueue_dma source(%dma_start3A_1206 : memref<120x512xf32, #tpu.memory_space<vmem>>) target(%dma_start3A_1202 : memref<120x512xf32, #tpu.memory_space<hbm>>) target_semaphore(%arg7 : memref<!tpu.dma_semaphore, #tpu.memory_space<semaphore_mem>>)
    %add3A_1207 = arith.constant 448 : i32
    %add3A_1208 = arith.addi %add3A, %add3A_1207 : i32
    %mul3A_1209 = arith.constant 120 : i32
    %mul3A_1210 = arith.muli %add3A_1208, %mul3A_1209 : i32
    %dma_wait3A_1211 = arith.constant 0 : i32
    %dma_wait3A_1212 = arith.constant 0 : i32
    %dma_wait3A_1213 = arith.constant 0 : i32
    %dma_wait3A_1214 = tpu.memref_slice %arg4[%dma_wait3A_1211, %dma_wait3A_1212, %dma_wait3A_1213] : memref<2x120x512xf32, #tpu.memory_space<vmem>> -> memref<1x120x512xf32, #tpu.memory_space<vmem>>
    %dma_wait3A_1215 = tpu.memref_squeeze %dma_wait3A_1214 : memref<1x120x512xf32, #tpu.memory_space<vmem>> -> memref<120x512xf32, #tpu.memory_space<vmem>>
    %dma_wait3A_1216 = arith.constant 0 : i32
    %dma_wait3A_1217 = tpu.memref_slice %arg3[%mul3A_1210, %dma_wait3A_1216] : memref<100000x512xf32, #tpu.memory_space<hbm>> -> memref<120x512xf32, #tpu.memory_space<hbm>>
    %dma_wait3A_1218 = arith.constant 0 : i32
    %dma_wait3A_1219 = tpu.memref_slice %arg3[%mul3A_1210, %dma_wait3A_1218] : memref<100000x512xf32, #tpu.memory_space<hbm>> -> memref<120x512xf32, #tpu.memory_space<hbm>>
    %dma_wait3A_1220 = arith.constant 0 : i32
    %dma_wait3A_1221 = arith.constant 0 : i32
    %dma_wait3A_1222 = tpu.memref_slice %arg4[%dma_wait3A_1211, %dma_wait3A_1220, %dma_wait3A_1221] : memref<2x120x512xf32, #tpu.memory_space<vmem>> -> memref<1x120x512xf32, #tpu.memory_space<vmem>>
    %dma_wait3A_1223 = tpu.memref_squeeze %dma_wait3A_1222 : memref<1x120x512xf32, #tpu.memory_space<vmem>> -> memref<120x512xf32, #tpu.memory_space<vmem>>
    tpu.wait_dma2 semaphore(%arg7 : memref<!tpu.dma_semaphore, #tpu.memory_space<semaphore_mem>>) src(%dma_wait3A_1223 : memref<120x512xf32, #tpu.memory_space<vmem>>) dst(%dma_wait3A_1219 : memref<120x512xf32, #tpu.memory_space<hbm>>)
    %add3A_1224 = arith.constant 512 : i32
    %add3A_1225 = arith.addi %add3A, %add3A_1224 : i32
    %mul3A_1226 = arith.constant 120 : i32
    %mul3A_1227 = arith.muli %add3A_1225, %mul3A_1226 : i32
    %dma_start3A_1228 = arith.constant 0 : i32
    %dma_start3A_1229 = arith.constant 0 : i32
    %dma_start3A_1230 = arith.constant 0 : i32
    %dma_start3A_1231 = tpu.memref_slice %arg4[%dma_start3A_1228, %dma_start3A_1229, %dma_start3A_1230] : memref<2x120x512xf32, #tpu.memory_space<vmem>> -> memref<1x120x512xf32, #tpu.memory_space<vmem>>
    %dma_start3A_1232 = tpu.memref_squeeze %dma_start3A_1231 : memref<1x120x512xf32, #tpu.memory_space<vmem>> -> memref<120x512xf32, #tpu.memory_space<vmem>>
    %dma_start3A_1233 = arith.constant 0 : i32
    %dma_start3A_1234 = tpu.memref_slice %arg2[%mul3A_1227, %dma_start3A_1233] : memref<100000x512xf32, #tpu.memory_space<hbm>> -> memref<120x512xf32, #tpu.memory_space<hbm>>
    %dma_start3A_1235 = arith.constant 0 : i32
    %dma_start3A_1236 = arith.constant 0 : i32
    %dma_start3A_1237 = tpu.memref_slice %arg4[%dma_start3A_1228, %dma_start3A_1235, %dma_start3A_1236] : memref<2x120x512xf32, #tpu.memory_space<vmem>> -> memref<1x120x512xf32, #tpu.memory_space<vmem>>
    %dma_start3A_1238 = tpu.memref_squeeze %dma_start3A_1237 : memref<1x120x512xf32, #tpu.memory_space<vmem>> -> memref<120x512xf32, #tpu.memory_space<vmem>>
    %dma_start3A_1239 = arith.constant 0 : i32
    %dma_start3A_1240 = tpu.memref_slice %arg2[%mul3A_1227, %dma_start3A_1239] : memref<100000x512xf32, #tpu.memory_space<hbm>> -> memref<120x512xf32, #tpu.memory_space<hbm>>
    tpu.enqueue_dma source(%dma_start3A_1240 : memref<120x512xf32, #tpu.memory_space<hbm>>) target(%dma_start3A_1238 : memref<120x512xf32, #tpu.memory_space<vmem>>) target_semaphore(%arg5 : memref<!tpu.dma_semaphore, #tpu.memory_space<semaphore_mem>>)
    %add3A_1241 = arith.constant 480 : i32
    %add3A_1242 = arith.addi %add3A, %add3A_1241 : i32
    %mul3A_1243 = arith.constant 120 : i32
    %mul3A_1244 = arith.muli %add3A_1242, %mul3A_1243 : i32
    %dma_wait3A_1245 = arith.constant 1 : i32
    %dma_wait3A_1246 = arith.constant 0 : i32
    %dma_wait3A_1247 = arith.constant 0 : i32
    %dma_wait3A_1248 = tpu.memref_slice %arg4[%dma_wait3A_1245, %dma_wait3A_1246, %dma_wait3A_1247] : memref<2x120x512xf32, #tpu.memory_space<vmem>> -> memref<1x120x512xf32, #tpu.memory_space<vmem>>
    %dma_wait3A_1249 = tpu.memref_squeeze %dma_wait3A_1248 : memref<1x120x512xf32, #tpu.memory_space<vmem>> -> memref<120x512xf32, #tpu.memory_space<vmem>>
    %dma_wait3A_1250 = arith.constant 0 : i32
    %dma_wait3A_1251 = tpu.memref_slice %arg2[%mul3A_1244, %dma_wait3A_1250] : memref<100000x512xf32, #tpu.memory_space<hbm>> -> memref<120x512xf32, #tpu.memory_space<hbm>>
    %dma_wait3A_1252 = arith.constant 0 : i32
    %dma_wait3A_1253 = arith.constant 0 : i32
    %dma_wait3A_1254 = tpu.memref_slice %arg4[%dma_wait3A_1245, %dma_wait3A_1252, %dma_wait3A_1253] : memref<2x120x512xf32, #tpu.memory_space<vmem>> -> memref<1x120x512xf32, #tpu.memory_space<vmem>>
    %dma_wait3A_1255 = tpu.memref_squeeze %dma_wait3A_1254 : memref<1x120x512xf32, #tpu.memory_space<vmem>> -> memref<120x512xf32, #tpu.memory_space<vmem>>
    %dma_wait3A_1256 = arith.constant 0 : i32
    %dma_wait3A_1257 = tpu.memref_slice %arg2[%mul3A_1244, %dma_wait3A_1256] : memref<100000x512xf32, #tpu.memory_space<hbm>> -> memref<120x512xf32, #tpu.memory_space<hbm>>
    tpu.wait_dma2 semaphore(%arg6 : memref<!tpu.dma_semaphore, #tpu.memory_space<semaphore_mem>>) src(%dma_wait3A_1257 : memref<120x512xf32, #tpu.memory_space<hbm>>) dst(%dma_wait3A_1255 : memref<120x512xf32, #tpu.memory_space<vmem>>)
    %scan3A_1258 = arith.constant 0 : i32
    %scan3A_1259 = arith.constant 0 : i32
    %scan3A_1260 = arith.constant 60 : i32
    %scan3A_1261 = arith.addi %scan3A_1259, %scan3A_1260 : i32
    %scan3A_1262 = arith.constant 1 : i32
    scf.for %scan3A_2034 = %scan3A_1259 to %scan3A_1261 step %scan3A_1262  : i32 {
      %mul3A_2035 = arith.constant 2 : i32
      %mul3A_2036 = arith.muli %mul3A_2035, %scan3A_2034 : i32
      %add3A_2037 = vector.broadcast %mul3A_2036 : i32 to vector<16xi32>
      %add3A_2038 = arith.addi %select_n3A, %add3A_2037 : vector<16xi32>
      %scatter3A = arith.constant 1 : i32
      %scatter3A_2039 = arith.constant 0 : i32
      %scatter3A_2040 = arith.constant 0 : i32
      %scatter3A_2041 = tpu.memref_slice %arg4[%scatter3A, %scatter3A_2039, %scatter3A_2040] : memref<2x120x512xf32, #tpu.memory_space<vmem>> -> memref<1x120x512xf32, #tpu.memory_space<vmem>>
      %scatter3A_2042 = tpu.memref_squeeze %scatter3A_2041 : memref<1x120x512xf32, #tpu.memory_space<vmem>> -> memref<120x512xf32, #tpu.memory_space<vmem>>
      tpu.vector_store_idx %scatter3A_2042[%add3A_2038, %select_n3A_92], %convert_element_type3A : memref<120x512xf32, #tpu.memory_space<vmem>>[vector<16xi32>, vector<16xi32>], vector<16xf32>,
    }
    %scan3A_1263 = arith.constant 60 : i32
    %add3A_1264 = arith.constant 480 : i32
    %add3A_1265 = arith.addi %add3A, %add3A_1264 : i32
    %mul3A_1266 = arith.constant 120 : i32
    %mul3A_1267 = arith.muli %add3A_1265, %mul3A_1266 : i32
    %dma_start3A_1268 = arith.constant 1 : i32
    %dma_start3A_1269 = arith.constant 0 : i32
    %dma_start3A_1270 = arith.constant 0 : i32
    %dma_start3A_1271 = tpu.memref_slice %arg4[%dma_start3A_1268, %dma_start3A_1269, %dma_start3A_1270] : memref<2x120x512xf32, #tpu.memory_space<vmem>> -> memref<1x120x512xf32, #tpu.memory_space<vmem>>
    %dma_start3A_1272 = tpu.memref_squeeze %dma_start3A_1271 : memref<1x120x512xf32, #tpu.memory_space<vmem>> -> memref<120x512xf32, #tpu.memory_space<vmem>>
    %dma_start3A_1273 = arith.constant 0 : i32
    %dma_start3A_1274 = tpu.memref_slice %arg3[%mul3A_1267, %dma_start3A_1273] : memref<100000x512xf32, #tpu.memory_space<hbm>> -> memref<120x512xf32, #tpu.memory_space<hbm>>
    %dma_start3A_1275 = arith.constant 0 : i32
    %dma_start3A_1276 = tpu.memref_slice %arg3[%mul3A_1267, %dma_start3A_1275] : memref<100000x512xf32, #tpu.memory_space<hbm>> -> memref<120x512xf32, #tpu.memory_space<hbm>>
    %dma_start3A_1277 = arith.constant 0 : i32
    %dma_start3A_1278 = arith.constant 0 : i32
    %dma_start3A_1279 = tpu.memref_slice %arg4[%dma_start3A_1268, %dma_start3A_1277, %dma_start3A_1278] : memref<2x120x512xf32, #tpu.memory_space<vmem>> -> memref<1x120x512xf32, #tpu.memory_space<vmem>>
    %dma_start3A_1280 = tpu.memref_squeeze %dma_start3A_1279 : memref<1x120x512xf32, #tpu.memory_space<vmem>> -> memref<120x512xf32, #tpu.memory_space<vmem>>
    tpu.enqueue_dma source(%dma_start3A_1280 : memref<120x512xf32, #tpu.memory_space<vmem>>) target(%dma_start3A_1276 : memref<120x512xf32, #tpu.memory_space<hbm>>) target_semaphore(%arg8 : memref<!tpu.dma_semaphore, #tpu.memory_space<semaphore_mem>>)
    %add3A_1281 = arith.constant 480 : i32
    %add3A_1282 = arith.addi %add3A, %add3A_1281 : i32
    %mul3A_1283 = arith.constant 120 : i32
    %mul3A_1284 = arith.muli %add3A_1282, %mul3A_1283 : i32
    %dma_wait3A_1285 = arith.constant 1 : i32
    %dma_wait3A_1286 = arith.constant 0 : i32
    %dma_wait3A_1287 = arith.constant 0 : i32
    %dma_wait3A_1288 = tpu.memref_slice %arg4[%dma_wait3A_1285, %dma_wait3A_1286, %dma_wait3A_1287] : memref<2x120x512xf32, #tpu.memory_space<vmem>> -> memref<1x120x512xf32, #tpu.memory_space<vmem>>
    %dma_wait3A_1289 = tpu.memref_squeeze %dma_wait3A_1288 : memref<1x120x512xf32, #tpu.memory_space<vmem>> -> memref<120x512xf32, #tpu.memory_space<vmem>>
    %dma_wait3A_1290 = arith.constant 0 : i32
    %dma_wait3A_1291 = tpu.memref_slice %arg3[%mul3A_1284, %dma_wait3A_1290] : memref<100000x512xf32, #tpu.memory_space<hbm>> -> memref<120x512xf32, #tpu.memory_space<hbm>>
    %dma_wait3A_1292 = arith.constant 0 : i32
    %dma_wait3A_1293 = tpu.memref_slice %arg3[%mul3A_1284, %dma_wait3A_1292] : memref<100000x512xf32, #tpu.memory_space<hbm>> -> memref<120x512xf32, #tpu.memory_space<hbm>>
    %dma_wait3A_1294 = arith.constant 0 : i32
    %dma_wait3A_1295 = arith.constant 0 : i32
    %dma_wait3A_1296 = tpu.memref_slice %arg4[%dma_wait3A_1285, %dma_wait3A_1294, %dma_wait3A_1295] : memref<2x120x512xf32, #tpu.memory_space<vmem>> -> memref<1x120x512xf32, #tpu.memory_space<vmem>>
    %dma_wait3A_1297 = tpu.memref_squeeze %dma_wait3A_1296 : memref<1x120x512xf32, #tpu.memory_space<vmem>> -> memref<120x512xf32, #tpu.memory_space<vmem>>
    tpu.wait_dma2 semaphore(%arg8 : memref<!tpu.dma_semaphore, #tpu.memory_space<semaphore_mem>>) src(%dma_wait3A_1297 : memref<120x512xf32, #tpu.memory_space<vmem>>) dst(%dma_wait3A_1293 : memref<120x512xf32, #tpu.memory_space<hbm>>)
    %add3A_1298 = arith.constant 544 : i32
    %add3A_1299 = arith.addi %add3A, %add3A_1298 : i32
    %mul3A_1300 = arith.constant 120 : i32
    %mul3A_1301 = arith.muli %add3A_1299, %mul3A_1300 : i32
    %dma_start3A_1302 = arith.constant 1 : i32
    %dma_start3A_1303 = arith.constant 0 : i32
    %dma_start3A_1304 = arith.constant 0 : i32
    %dma_start3A_1305 = tpu.memref_slice %arg4[%dma_start3A_1302, %dma_start3A_1303, %dma_start3A_1304] : memref<2x120x512xf32, #tpu.memory_space<vmem>> -> memref<1x120x512xf32, #tpu.memory_space<vmem>>
    %dma_start3A_1306 = tpu.memref_squeeze %dma_start3A_1305 : memref<1x120x512xf32, #tpu.memory_space<vmem>> -> memref<120x512xf32, #tpu.memory_space<vmem>>
    %dma_start3A_1307 = arith.constant 0 : i32
    %dma_start3A_1308 = tpu.memref_slice %arg2[%mul3A_1301, %dma_start3A_1307] : memref<100000x512xf32, #tpu.memory_space<hbm>> -> memref<120x512xf32, #tpu.memory_space<hbm>>
    %dma_start3A_1309 = arith.constant 0 : i32
    %dma_start3A_1310 = arith.constant 0 : i32
    %dma_start3A_1311 = tpu.memref_slice %arg4[%dma_start3A_1302, %dma_start3A_1309, %dma_start3A_1310] : memref<2x120x512xf32, #tpu.memory_space<vmem>> -> memref<1x120x512xf32, #tpu.memory_space<vmem>>
    %dma_start3A_1312 = tpu.memref_squeeze %dma_start3A_1311 : memref<1x120x512xf32, #tpu.memory_space<vmem>> -> memref<120x512xf32, #tpu.memory_space<vmem>>
    %dma_start3A_1313 = arith.constant 0 : i32
    %dma_start3A_1314 = tpu.memref_slice %arg2[%mul3A_1301, %dma_start3A_1313] : memref<100000x512xf32, #tpu.memory_space<hbm>> -> memref<120x512xf32, #tpu.memory_space<hbm>>
    tpu.enqueue_dma source(%dma_start3A_1314 : memref<120x512xf32, #tpu.memory_space<hbm>>) target(%dma_start3A_1312 : memref<120x512xf32, #tpu.memory_space<vmem>>) target_semaphore(%arg6 : memref<!tpu.dma_semaphore, #tpu.memory_space<semaphore_mem>>)
    %add3A_1315 = arith.constant 512 : i32
    %add3A_1316 = arith.addi %add3A, %add3A_1315 : i32
    %mul3A_1317 = arith.constant 120 : i32
    %mul3A_1318 = arith.muli %add3A_1316, %mul3A_1317 : i32
    %dma_wait3A_1319 = arith.constant 0 : i32
    %dma_wait3A_1320 = arith.constant 0 : i32
    %dma_wait3A_1321 = arith.constant 0 : i32
    %dma_wait3A_1322 = tpu.memref_slice %arg4[%dma_wait3A_1319, %dma_wait3A_1320, %dma_wait3A_1321] : memref<2x120x512xf32, #tpu.memory_space<vmem>> -> memref<1x120x512xf32, #tpu.memory_space<vmem>>
    %dma_wait3A_1323 = tpu.memref_squeeze %dma_wait3A_1322 : memref<1x120x512xf32, #tpu.memory_space<vmem>> -> memref<120x512xf32, #tpu.memory_space<vmem>>
    %dma_wait3A_1324 = arith.constant 0 : i32
    %dma_wait3A_1325 = tpu.memref_slice %arg2[%mul3A_1318, %dma_wait3A_1324] : memref<100000x512xf32, #tpu.memory_space<hbm>> -> memref<120x512xf32, #tpu.memory_space<hbm>>
    %dma_wait3A_1326 = arith.constant 0 : i32
    %dma_wait3A_1327 = arith.constant 0 : i32
    %dma_wait3A_1328 = tpu.memref_slice %arg4[%dma_wait3A_1319, %dma_wait3A_1326, %dma_wait3A_1327] : memref<2x120x512xf32, #tpu.memory_space<vmem>> -> memref<1x120x512xf32, #tpu.memory_space<vmem>>
    %dma_wait3A_1329 = tpu.memref_squeeze %dma_wait3A_1328 : memref<1x120x512xf32, #tpu.memory_space<vmem>> -> memref<120x512xf32, #tpu.memory_space<vmem>>
    %dma_wait3A_1330 = arith.constant 0 : i32
    %dma_wait3A_1331 = tpu.memref_slice %arg2[%mul3A_1318, %dma_wait3A_1330] : memref<100000x512xf32, #tpu.memory_space<hbm>> -> memref<120x512xf32, #tpu.memory_space<hbm>>
    tpu.wait_dma2 semaphore(%arg5 : memref<!tpu.dma_semaphore, #tpu.memory_space<semaphore_mem>>) src(%dma_wait3A_1331 : memref<120x512xf32, #tpu.memory_space<hbm>>) dst(%dma_wait3A_1329 : memref<120x512xf32, #tpu.memory_space<vmem>>)
    %scan3A_1332 = arith.constant 0 : i32
    %scan3A_1333 = arith.constant 0 : i32
    %scan3A_1334 = arith.constant 60 : i32
    %scan3A_1335 = arith.addi %scan3A_1333, %scan3A_1334 : i32
    %scan3A_1336 = arith.constant 1 : i32
    scf.for %scan3A_2034 = %scan3A_1333 to %scan3A_1335 step %scan3A_1336  : i32 {
      %mul3A_2035 = arith.constant 2 : i32
      %mul3A_2036 = arith.muli %mul3A_2035, %scan3A_2034 : i32
      %add3A_2037 = vector.broadcast %mul3A_2036 : i32 to vector<16xi32>
      %add3A_2038 = arith.addi %select_n3A, %add3A_2037 : vector<16xi32>
      %scatter3A = arith.constant 0 : i32
      %scatter3A_2039 = arith.constant 0 : i32
      %scatter3A_2040 = arith.constant 0 : i32
      %scatter3A_2041 = tpu.memref_slice %arg4[%scatter3A, %scatter3A_2039, %scatter3A_2040] : memref<2x120x512xf32, #tpu.memory_space<vmem>> -> memref<1x120x512xf32, #tpu.memory_space<vmem>>
      %scatter3A_2042 = tpu.memref_squeeze %scatter3A_2041 : memref<1x120x512xf32, #tpu.memory_space<vmem>> -> memref<120x512xf32, #tpu.memory_space<vmem>>
      tpu.vector_store_idx %scatter3A_2042[%add3A_2038, %select_n3A_92], %convert_element_type3A : memref<120x512xf32, #tpu.memory_space<vmem>>[vector<16xi32>, vector<16xi32>], vector<16xf32>,
    }
    %scan3A_1337 = arith.constant 60 : i32
    %add3A_1338 = arith.constant 512 : i32
    %add3A_1339 = arith.addi %add3A, %add3A_1338 : i32
    %mul3A_1340 = arith.constant 120 : i32
    %mul3A_1341 = arith.muli %add3A_1339, %mul3A_1340 : i32
    %dma_start3A_1342 = arith.constant 0 : i32
    %dma_start3A_1343 = arith.constant 0 : i32
    %dma_start3A_1344 = arith.constant 0 : i32
    %dma_start3A_1345 = tpu.memref_slice %arg4[%dma_start3A_1342, %dma_start3A_1343, %dma_start3A_1344] : memref<2x120x512xf32, #tpu.memory_space<vmem>> -> memref<1x120x512xf32, #tpu.memory_space<vmem>>
    %dma_start3A_1346 = tpu.memref_squeeze %dma_start3A_1345 : memref<1x120x512xf32, #tpu.memory_space<vmem>> -> memref<120x512xf32, #tpu.memory_space<vmem>>
    %dma_start3A_1347 = arith.constant 0 : i32
    %dma_start3A_1348 = tpu.memref_slice %arg3[%mul3A_1341, %dma_start3A_1347] : memref<100000x512xf32, #tpu.memory_space<hbm>> -> memref<120x512xf32, #tpu.memory_space<hbm>>
    %dma_start3A_1349 = arith.constant 0 : i32
    %dma_start3A_1350 = tpu.memref_slice %arg3[%mul3A_1341, %dma_start3A_1349] : memref<100000x512xf32, #tpu.memory_space<hbm>> -> memref<120x512xf32, #tpu.memory_space<hbm>>
    %dma_start3A_1351 = arith.constant 0 : i32
    %dma_start3A_1352 = arith.constant 0 : i32
    %dma_start3A_1353 = tpu.memref_slice %arg4[%dma_start3A_1342, %dma_start3A_1351, %dma_start3A_1352] : memref<2x120x512xf32, #tpu.memory_space<vmem>> -> memref<1x120x512xf32, #tpu.memory_space<vmem>>
    %dma_start3A_1354 = tpu.memref_squeeze %dma_start3A_1353 : memref<1x120x512xf32, #tpu.memory_space<vmem>> -> memref<120x512xf32, #tpu.memory_space<vmem>>
    tpu.enqueue_dma source(%dma_start3A_1354 : memref<120x512xf32, #tpu.memory_space<vmem>>) target(%dma_start3A_1350 : memref<120x512xf32, #tpu.memory_space<hbm>>) target_semaphore(%arg7 : memref<!tpu.dma_semaphore, #tpu.memory_space<semaphore_mem>>)
    %add3A_1355 = arith.constant 512 : i32
    %add3A_1356 = arith.addi %add3A, %add3A_1355 : i32
    %mul3A_1357 = arith.constant 120 : i32
    %mul3A_1358 = arith.muli %add3A_1356, %mul3A_1357 : i32
    %dma_wait3A_1359 = arith.constant 0 : i32
    %dma_wait3A_1360 = arith.constant 0 : i32
    %dma_wait3A_1361 = arith.constant 0 : i32
    %dma_wait3A_1362 = tpu.memref_slice %arg4[%dma_wait3A_1359, %dma_wait3A_1360, %dma_wait3A_1361] : memref<2x120x512xf32, #tpu.memory_space<vmem>> -> memref<1x120x512xf32, #tpu.memory_space<vmem>>
    %dma_wait3A_1363 = tpu.memref_squeeze %dma_wait3A_1362 : memref<1x120x512xf32, #tpu.memory_space<vmem>> -> memref<120x512xf32, #tpu.memory_space<vmem>>
    %dma_wait3A_1364 = arith.constant 0 : i32
    %dma_wait3A_1365 = tpu.memref_slice %arg3[%mul3A_1358, %dma_wait3A_1364] : memref<100000x512xf32, #tpu.memory_space<hbm>> -> memref<120x512xf32, #tpu.memory_space<hbm>>
    %dma_wait3A_1366 = arith.constant 0 : i32
    %dma_wait3A_1367 = tpu.memref_slice %arg3[%mul3A_1358, %dma_wait3A_1366] : memref<100000x512xf32, #tpu.memory_space<hbm>> -> memref<120x512xf32, #tpu.memory_space<hbm>>
    %dma_wait3A_1368 = arith.constant 0 : i32
    %dma_wait3A_1369 = arith.constant 0 : i32
    %dma_wait3A_1370 = tpu.memref_slice %arg4[%dma_wait3A_1359, %dma_wait3A_1368, %dma_wait3A_1369] : memref<2x120x512xf32, #tpu.memory_space<vmem>> -> memref<1x120x512xf32, #tpu.memory_space<vmem>>
    %dma_wait3A_1371 = tpu.memref_squeeze %dma_wait3A_1370 : memref<1x120x512xf32, #tpu.memory_space<vmem>> -> memref<120x512xf32, #tpu.memory_space<vmem>>
    tpu.wait_dma2 semaphore(%arg7 : memref<!tpu.dma_semaphore, #tpu.memory_space<semaphore_mem>>) src(%dma_wait3A_1371 : memref<120x512xf32, #tpu.memory_space<vmem>>) dst(%dma_wait3A_1367 : memref<120x512xf32, #tpu.memory_space<hbm>>)
    %add3A_1372 = arith.constant 576 : i32
    %add3A_1373 = arith.addi %add3A, %add3A_1372 : i32
    %mul3A_1374 = arith.constant 120 : i32
    %mul3A_1375 = arith.muli %add3A_1373, %mul3A_1374 : i32
    %dma_start3A_1376 = arith.constant 0 : i32
    %dma_start3A_1377 = arith.constant 0 : i32
    %dma_start3A_1378 = arith.constant 0 : i32
    %dma_start3A_1379 = tpu.memref_slice %arg4[%dma_start3A_1376, %dma_start3A_1377, %dma_start3A_1378] : memref<2x120x512xf32, #tpu.memory_space<vmem>> -> memref<1x120x512xf32, #tpu.memory_space<vmem>>
    %dma_start3A_1380 = tpu.memref_squeeze %dma_start3A_1379 : memref<1x120x512xf32, #tpu.memory_space<vmem>> -> memref<120x512xf32, #tpu.memory_space<vmem>>
    %dma_start3A_1381 = arith.constant 0 : i32
    %dma_start3A_1382 = tpu.memref_slice %arg2[%mul3A_1375, %dma_start3A_1381] : memref<100000x512xf32, #tpu.memory_space<hbm>> -> memref<120x512xf32, #tpu.memory_space<hbm>>
    %dma_start3A_1383 = arith.constant 0 : i32
    %dma_start3A_1384 = arith.constant 0 : i32
    %dma_start3A_1385 = tpu.memref_slice %arg4[%dma_start3A_1376, %dma_start3A_1383, %dma_start3A_1384] : memref<2x120x512xf32, #tpu.memory_space<vmem>> -> memref<1x120x512xf32, #tpu.memory_space<vmem>>
    %dma_start3A_1386 = tpu.memref_squeeze %dma_start3A_1385 : memref<1x120x512xf32, #tpu.memory_space<vmem>> -> memref<120x512xf32, #tpu.memory_space<vmem>>
    %dma_start3A_1387 = arith.constant 0 : i32
    %dma_start3A_1388 = tpu.memref_slice %arg2[%mul3A_1375, %dma_start3A_1387] : memref<100000x512xf32, #tpu.memory_space<hbm>> -> memref<120x512xf32, #tpu.memory_space<hbm>>
    tpu.enqueue_dma source(%dma_start3A_1388 : memref<120x512xf32, #tpu.memory_space<hbm>>) target(%dma_start3A_1386 : memref<120x512xf32, #tpu.memory_space<vmem>>) target_semaphore(%arg5 : memref<!tpu.dma_semaphore, #tpu.memory_space<semaphore_mem>>)
    %add3A_1389 = arith.constant 544 : i32
    %add3A_1390 = arith.addi %add3A, %add3A_1389 : i32
    %mul3A_1391 = arith.constant 120 : i32
    %mul3A_1392 = arith.muli %add3A_1390, %mul3A_1391 : i32
    %dma_wait3A_1393 = arith.constant 1 : i32
    %dma_wait3A_1394 = arith.constant 0 : i32
    %dma_wait3A_1395 = arith.constant 0 : i32
    %dma_wait3A_1396 = tpu.memref_slice %arg4[%dma_wait3A_1393, %dma_wait3A_1394, %dma_wait3A_1395] : memref<2x120x512xf32, #tpu.memory_space<vmem>> -> memref<1x120x512xf32, #tpu.memory_space<vmem>>
    %dma_wait3A_1397 = tpu.memref_squeeze %dma_wait3A_1396 : memref<1x120x512xf32, #tpu.memory_space<vmem>> -> memref<120x512xf32, #tpu.memory_space<vmem>>
    %dma_wait3A_1398 = arith.constant 0 : i32
    %dma_wait3A_1399 = tpu.memref_slice %arg2[%mul3A_1392, %dma_wait3A_1398] : memref<100000x512xf32, #tpu.memory_space<hbm>> -> memref<120x512xf32, #tpu.memory_space<hbm>>
    %dma_wait3A_1400 = arith.constant 0 : i32
    %dma_wait3A_1401 = arith.constant 0 : i32
    %dma_wait3A_1402 = tpu.memref_slice %arg4[%dma_wait3A_1393, %dma_wait3A_1400, %dma_wait3A_1401] : memref<2x120x512xf32, #tpu.memory_space<vmem>> -> memref<1x120x512xf32, #tpu.memory_space<vmem>>
    %dma_wait3A_1403 = tpu.memref_squeeze %dma_wait3A_1402 : memref<1x120x512xf32, #tpu.memory_space<vmem>> -> memref<120x512xf32, #tpu.memory_space<vmem>>
    %dma_wait3A_1404 = arith.constant 0 : i32
    %dma_wait3A_1405 = tpu.memref_slice %arg2[%mul3A_1392, %dma_wait3A_1404] : memref<100000x512xf32, #tpu.memory_space<hbm>> -> memref<120x512xf32, #tpu.memory_space<hbm>>
    tpu.wait_dma2 semaphore(%arg6 : memref<!tpu.dma_semaphore, #tpu.memory_space<semaphore_mem>>) src(%dma_wait3A_1405 : memref<120x512xf32, #tpu.memory_space<hbm>>) dst(%dma_wait3A_1403 : memref<120x512xf32, #tpu.memory_space<vmem>>)
    %scan3A_1406 = arith.constant 0 : i32
    %scan3A_1407 = arith.constant 0 : i32
    %scan3A_1408 = arith.constant 60 : i32
    %scan3A_1409 = arith.addi %scan3A_1407, %scan3A_1408 : i32
    %scan3A_1410 = arith.constant 1 : i32
    scf.for %scan3A_2034 = %scan3A_1407 to %scan3A_1409 step %scan3A_1410  : i32 {
      %mul3A_2035 = arith.constant 2 : i32
      %mul3A_2036 = arith.muli %mul3A_2035, %scan3A_2034 : i32
      %add3A_2037 = vector.broadcast %mul3A_2036 : i32 to vector<16xi32>
      %add3A_2038 = arith.addi %select_n3A, %add3A_2037 : vector<16xi32>
      %scatter3A = arith.constant 1 : i32
      %scatter3A_2039 = arith.constant 0 : i32
      %scatter3A_2040 = arith.constant 0 : i32
      %scatter3A_2041 = tpu.memref_slice %arg4[%scatter3A, %scatter3A_2039, %scatter3A_2040] : memref<2x120x512xf32, #tpu.memory_space<vmem>> -> memref<1x120x512xf32, #tpu.memory_space<vmem>>
      %scatter3A_2042 = tpu.memref_squeeze %scatter3A_2041 : memref<1x120x512xf32, #tpu.memory_space<vmem>> -> memref<120x512xf32, #tpu.memory_space<vmem>>
      tpu.vector_store_idx %scatter3A_2042[%add3A_2038, %select_n3A_92], %convert_element_type3A : memref<120x512xf32, #tpu.memory_space<vmem>>[vector<16xi32>, vector<16xi32>], vector<16xf32>,
    }
    %scan3A_1411 = arith.constant 60 : i32
    %add3A_1412 = arith.constant 544 : i32
    %add3A_1413 = arith.addi %add3A, %add3A_1412 : i32
    %mul3A_1414 = arith.constant 120 : i32
    %mul3A_1415 = arith.muli %add3A_1413, %mul3A_1414 : i32
    %dma_start3A_1416 = arith.constant 1 : i32
    %dma_start3A_1417 = arith.constant 0 : i32
    %dma_start3A_1418 = arith.constant 0 : i32
    %dma_start3A_1419 = tpu.memref_slice %arg4[%dma_start3A_1416, %dma_start3A_1417, %dma_start3A_1418] : memref<2x120x512xf32, #tpu.memory_space<vmem>> -> memref<1x120x512xf32, #tpu.memory_space<vmem>>
    %dma_start3A_1420 = tpu.memref_squeeze %dma_start3A_1419 : memref<1x120x512xf32, #tpu.memory_space<vmem>> -> memref<120x512xf32, #tpu.memory_space<vmem>>
    %dma_start3A_1421 = arith.constant 0 : i32
    %dma_start3A_1422 = tpu.memref_slice %arg3[%mul3A_1415, %dma_start3A_1421] : memref<100000x512xf32, #tpu.memory_space<hbm>> -> memref<120x512xf32, #tpu.memory_space<hbm>>
    %dma_start3A_1423 = arith.constant 0 : i32
    %dma_start3A_1424 = tpu.memref_slice %arg3[%mul3A_1415, %dma_start3A_1423] : memref<100000x512xf32, #tpu.memory_space<hbm>> -> memref<120x512xf32, #tpu.memory_space<hbm>>
    %dma_start3A_1425 = arith.constant 0 : i32
    %dma_start3A_1426 = arith.constant 0 : i32
    %dma_start3A_1427 = tpu.memref_slice %arg4[%dma_start3A_1416, %dma_start3A_1425, %dma_start3A_1426] : memref<2x120x512xf32, #tpu.memory_space<vmem>> -> memref<1x120x512xf32, #tpu.memory_space<vmem>>
    %dma_start3A_1428 = tpu.memref_squeeze %dma_start3A_1427 : memref<1x120x512xf32, #tpu.memory_space<vmem>> -> memref<120x512xf32, #tpu.memory_space<vmem>>
    tpu.enqueue_dma source(%dma_start3A_1428 : memref<120x512xf32, #tpu.memory_space<vmem>>) target(%dma_start3A_1424 : memref<120x512xf32, #tpu.memory_space<hbm>>) target_semaphore(%arg8 : memref<!tpu.dma_semaphore, #tpu.memory_space<semaphore_mem>>)
    %add3A_1429 = arith.constant 544 : i32
    %add3A_1430 = arith.addi %add3A, %add3A_1429 : i32
    %mul3A_1431 = arith.constant 120 : i32
    %mul3A_1432 = arith.muli %add3A_1430, %mul3A_1431 : i32
    %dma_wait3A_1433 = arith.constant 1 : i32
    %dma_wait3A_1434 = arith.constant 0 : i32
    %dma_wait3A_1435 = arith.constant 0 : i32
    %dma_wait3A_1436 = tpu.memref_slice %arg4[%dma_wait3A_1433, %dma_wait3A_1434, %dma_wait3A_1435] : memref<2x120x512xf32, #tpu.memory_space<vmem>> -> memref<1x120x512xf32, #tpu.memory_space<vmem>>
    %dma_wait3A_1437 = tpu.memref_squeeze %dma_wait3A_1436 : memref<1x120x512xf32, #tpu.memory_space<vmem>> -> memref<120x512xf32, #tpu.memory_space<vmem>>
    %dma_wait3A_1438 = arith.constant 0 : i32
    %dma_wait3A_1439 = tpu.memref_slice %arg3[%mul3A_1432, %dma_wait3A_1438] : memref<100000x512xf32, #tpu.memory_space<hbm>> -> memref<120x512xf32, #tpu.memory_space<hbm>>
    %dma_wait3A_1440 = arith.constant 0 : i32
    %dma_wait3A_1441 = tpu.memref_slice %arg3[%mul3A_1432, %dma_wait3A_1440] : memref<100000x512xf32, #tpu.memory_space<hbm>> -> memref<120x512xf32, #tpu.memory_space<hbm>>
    %dma_wait3A_1442 = arith.constant 0 : i32
    %dma_wait3A_1443 = arith.constant 0 : i32
    %dma_wait3A_1444 = tpu.memref_slice %arg4[%dma_wait3A_1433, %dma_wait3A_1442, %dma_wait3A_1443] : memref<2x120x512xf32, #tpu.memory_space<vmem>> -> memref<1x120x512xf32, #tpu.memory_space<vmem>>
    %dma_wait3A_1445 = tpu.memref_squeeze %dma_wait3A_1444 : memref<1x120x512xf32, #tpu.memory_space<vmem>> -> memref<120x512xf32, #tpu.memory_space<vmem>>
    tpu.wait_dma2 semaphore(%arg8 : memref<!tpu.dma_semaphore, #tpu.memory_space<semaphore_mem>>) src(%dma_wait3A_1445 : memref<120x512xf32, #tpu.memory_space<vmem>>) dst(%dma_wait3A_1441 : memref<120x512xf32, #tpu.memory_space<hbm>>)
    %add3A_1446 = arith.constant 608 : i32
    %add3A_1447 = arith.addi %add3A, %add3A_1446 : i32
    %mul3A_1448 = arith.constant 120 : i32
    %mul3A_1449 = arith.muli %add3A_1447, %mul3A_1448 : i32
    %dma_start3A_1450 = arith.constant 1 : i32
    %dma_start3A_1451 = arith.constant 0 : i32
    %dma_start3A_1452 = arith.constant 0 : i32
    %dma_start3A_1453 = tpu.memref_slice %arg4[%dma_start3A_1450, %dma_start3A_1451, %dma_start3A_1452] : memref<2x120x512xf32, #tpu.memory_space<vmem>> -> memref<1x120x512xf32, #tpu.memory_space<vmem>>
    %dma_start3A_1454 = tpu.memref_squeeze %dma_start3A_1453 : memref<1x120x512xf32, #tpu.memory_space<vmem>> -> memref<120x512xf32, #tpu.memory_space<vmem>>
    %dma_start3A_1455 = arith.constant 0 : i32
    %dma_start3A_1456 = tpu.memref_slice %arg2[%mul3A_1449, %dma_start3A_1455] : memref<100000x512xf32, #tpu.memory_space<hbm>> -> memref<120x512xf32, #tpu.memory_space<hbm>>
    %dma_start3A_1457 = arith.constant 0 : i32
    %dma_start3A_1458 = arith.constant 0 : i32
    %dma_start3A_1459 = tpu.memref_slice %arg4[%dma_start3A_1450, %dma_start3A_1457, %dma_start3A_1458] : memref<2x120x512xf32, #tpu.memory_space<vmem>> -> memref<1x120x512xf32, #tpu.memory_space<vmem>>
    %dma_start3A_1460 = tpu.memref_squeeze %dma_start3A_1459 : memref<1x120x512xf32, #tpu.memory_space<vmem>> -> memref<120x512xf32, #tpu.memory_space<vmem>>
    %dma_start3A_1461 = arith.constant 0 : i32
    %dma_start3A_1462 = tpu.memref_slice %arg2[%mul3A_1449, %dma_start3A_1461] : memref<100000x512xf32, #tpu.memory_space<hbm>> -> memref<120x512xf32, #tpu.memory_space<hbm>>
    tpu.enqueue_dma source(%dma_start3A_1462 : memref<120x512xf32, #tpu.memory_space<hbm>>) target(%dma_start3A_1460 : memref<120x512xf32, #tpu.memory_space<vmem>>) target_semaphore(%arg6 : memref<!tpu.dma_semaphore, #tpu.memory_space<semaphore_mem>>)
    %add3A_1463 = arith.constant 576 : i32
    %add3A_1464 = arith.addi %add3A, %add3A_1463 : i32
    %mul3A_1465 = arith.constant 120 : i32
    %mul3A_1466 = arith.muli %add3A_1464, %mul3A_1465 : i32
    %dma_wait3A_1467 = arith.constant 0 : i32
    %dma_wait3A_1468 = arith.constant 0 : i32
    %dma_wait3A_1469 = arith.constant 0 : i32
    %dma_wait3A_1470 = tpu.memref_slice %arg4[%dma_wait3A_1467, %dma_wait3A_1468, %dma_wait3A_1469] : memref<2x120x512xf32, #tpu.memory_space<vmem>> -> memref<1x120x512xf32, #tpu.memory_space<vmem>>
    %dma_wait3A_1471 = tpu.memref_squeeze %dma_wait3A_1470 : memref<1x120x512xf32, #tpu.memory_space<vmem>> -> memref<120x512xf32, #tpu.memory_space<vmem>>
    %dma_wait3A_1472 = arith.constant 0 : i32
    %dma_wait3A_1473 = tpu.memref_slice %arg2[%mul3A_1466, %dma_wait3A_1472] : memref<100000x512xf32, #tpu.memory_space<hbm>> -> memref<120x512xf32, #tpu.memory_space<hbm>>
    %dma_wait3A_1474 = arith.constant 0 : i32
    %dma_wait3A_1475 = arith.constant 0 : i32
    %dma_wait3A_1476 = tpu.memref_slice %arg4[%dma_wait3A_1467, %dma_wait3A_1474, %dma_wait3A_1475] : memref<2x120x512xf32, #tpu.memory_space<vmem>> -> memref<1x120x512xf32, #tpu.memory_space<vmem>>
    %dma_wait3A_1477 = tpu.memref_squeeze %dma_wait3A_1476 : memref<1x120x512xf32, #tpu.memory_space<vmem>> -> memref<120x512xf32, #tpu.memory_space<vmem>>
    %dma_wait3A_1478 = arith.constant 0 : i32
    %dma_wait3A_1479 = tpu.memref_slice %arg2[%mul3A_1466, %dma_wait3A_1478] : memref<100000x512xf32, #tpu.memory_space<hbm>> -> memref<120x512xf32, #tpu.memory_space<hbm>>
    tpu.wait_dma2 semaphore(%arg5 : memref<!tpu.dma_semaphore, #tpu.memory_space<semaphore_mem>>) src(%dma_wait3A_1479 : memref<120x512xf32, #tpu.memory_space<hbm>>) dst(%dma_wait3A_1477 : memref<120x512xf32, #tpu.memory_space<vmem>>)
    %scan3A_1480 = arith.constant 0 : i32
    %scan3A_1481 = arith.constant 0 : i32
    %scan3A_1482 = arith.constant 60 : i32
    %scan3A_1483 = arith.addi %scan3A_1481, %scan3A_1482 : i32
    %scan3A_1484 = arith.constant 1 : i32
    scf.for %scan3A_2034 = %scan3A_1481 to %scan3A_1483 step %scan3A_1484  : i32 {
      %mul3A_2035 = arith.constant 2 : i32
      %mul3A_2036 = arith.muli %mul3A_2035, %scan3A_2034 : i32
      %add3A_2037 = vector.broadcast %mul3A_2036 : i32 to vector<16xi32>
      %add3A_2038 = arith.addi %select_n3A, %add3A_2037 : vector<16xi32>
      %scatter3A = arith.constant 0 : i32
      %scatter3A_2039 = arith.constant 0 : i32
      %scatter3A_2040 = arith.constant 0 : i32
      %scatter3A_2041 = tpu.memref_slice %arg4[%scatter3A, %scatter3A_2039, %scatter3A_2040] : memref<2x120x512xf32, #tpu.memory_space<vmem>> -> memref<1x120x512xf32, #tpu.memory_space<vmem>>
      %scatter3A_2042 = tpu.memref_squeeze %scatter3A_2041 : memref<1x120x512xf32, #tpu.memory_space<vmem>> -> memref<120x512xf32, #tpu.memory_space<vmem>>
      tpu.vector_store_idx %scatter3A_2042[%add3A_2038, %select_n3A_92], %convert_element_type3A : memref<120x512xf32, #tpu.memory_space<vmem>>[vector<16xi32>, vector<16xi32>], vector<16xf32>,
    }
    %scan3A_1485 = arith.constant 60 : i32
    %add3A_1486 = arith.constant 576 : i32
    %add3A_1487 = arith.addi %add3A, %add3A_1486 : i32
    %mul3A_1488 = arith.constant 120 : i32
    %mul3A_1489 = arith.muli %add3A_1487, %mul3A_1488 : i32
    %dma_start3A_1490 = arith.constant 0 : i32
    %dma_start3A_1491 = arith.constant 0 : i32
    %dma_start3A_1492 = arith.constant 0 : i32
    %dma_start3A_1493 = tpu.memref_slice %arg4[%dma_start3A_1490, %dma_start3A_1491, %dma_start3A_1492] : memref<2x120x512xf32, #tpu.memory_space<vmem>> -> memref<1x120x512xf32, #tpu.memory_space<vmem>>
    %dma_start3A_1494 = tpu.memref_squeeze %dma_start3A_1493 : memref<1x120x512xf32, #tpu.memory_space<vmem>> -> memref<120x512xf32, #tpu.memory_space<vmem>>
    %dma_start3A_1495 = arith.constant 0 : i32
    %dma_start3A_1496 = tpu.memref_slice %arg3[%mul3A_1489, %dma_start3A_1495] : memref<100000x512xf32, #tpu.memory_space<hbm>> -> memref<120x512xf32, #tpu.memory_space<hbm>>
    %dma_start3A_1497 = arith.constant 0 : i32
    %dma_start3A_1498 = tpu.memref_slice %arg3[%mul3A_1489, %dma_start3A_1497] : memref<100000x512xf32, #tpu.memory_space<hbm>> -> memref<120x512xf32, #tpu.memory_space<hbm>>
    %dma_start3A_1499 = arith.constant 0 : i32
    %dma_start3A_1500 = arith.constant 0 : i32
    %dma_start3A_1501 = tpu.memref_slice %arg4[%dma_start3A_1490, %dma_start3A_1499, %dma_start3A_1500] : memref<2x120x512xf32, #tpu.memory_space<vmem>> -> memref<1x120x512xf32, #tpu.memory_space<vmem>>
    %dma_start3A_1502 = tpu.memref_squeeze %dma_start3A_1501 : memref<1x120x512xf32, #tpu.memory_space<vmem>> -> memref<120x512xf32, #tpu.memory_space<vmem>>
    tpu.enqueue_dma source(%dma_start3A_1502 : memref<120x512xf32, #tpu.memory_space<vmem>>) target(%dma_start3A_1498 : memref<120x512xf32, #tpu.memory_space<hbm>>) target_semaphore(%arg7 : memref<!tpu.dma_semaphore, #tpu.memory_space<semaphore_mem>>)
    %add3A_1503 = arith.constant 576 : i32
    %add3A_1504 = arith.addi %add3A, %add3A_1503 : i32
    %mul3A_1505 = arith.constant 120 : i32
    %mul3A_1506 = arith.muli %add3A_1504, %mul3A_1505 : i32
    %dma_wait3A_1507 = arith.constant 0 : i32
    %dma_wait3A_1508 = arith.constant 0 : i32
    %dma_wait3A_1509 = arith.constant 0 : i32
    %dma_wait3A_1510 = tpu.memref_slice %arg4[%dma_wait3A_1507, %dma_wait3A_1508, %dma_wait3A_1509] : memref<2x120x512xf32, #tpu.memory_space<vmem>> -> memref<1x120x512xf32, #tpu.memory_space<vmem>>
    %dma_wait3A_1511 = tpu.memref_squeeze %dma_wait3A_1510 : memref<1x120x512xf32, #tpu.memory_space<vmem>> -> memref<120x512xf32, #tpu.memory_space<vmem>>
    %dma_wait3A_1512 = arith.constant 0 : i32
    %dma_wait3A_1513 = tpu.memref_slice %arg3[%mul3A_1506, %dma_wait3A_1512] : memref<100000x512xf32, #tpu.memory_space<hbm>> -> memref<120x512xf32, #tpu.memory_space<hbm>>
    %dma_wait3A_1514 = arith.constant 0 : i32
    %dma_wait3A_1515 = tpu.memref_slice %arg3[%mul3A_1506, %dma_wait3A_1514] : memref<100000x512xf32, #tpu.memory_space<hbm>> -> memref<120x512xf32, #tpu.memory_space<hbm>>
    %dma_wait3A_1516 = arith.constant 0 : i32
    %dma_wait3A_1517 = arith.constant 0 : i32
    %dma_wait3A_1518 = tpu.memref_slice %arg4[%dma_wait3A_1507, %dma_wait3A_1516, %dma_wait3A_1517] : memref<2x120x512xf32, #tpu.memory_space<vmem>> -> memref<1x120x512xf32, #tpu.memory_space<vmem>>
    %dma_wait3A_1519 = tpu.memref_squeeze %dma_wait3A_1518 : memref<1x120x512xf32, #tpu.memory_space<vmem>> -> memref<120x512xf32, #tpu.memory_space<vmem>>
    tpu.wait_dma2 semaphore(%arg7 : memref<!tpu.dma_semaphore, #tpu.memory_space<semaphore_mem>>) src(%dma_wait3A_1519 : memref<120x512xf32, #tpu.memory_space<vmem>>) dst(%dma_wait3A_1515 : memref<120x512xf32, #tpu.memory_space<hbm>>)
    %add3A_1520 = arith.constant 640 : i32
    %add3A_1521 = arith.addi %add3A, %add3A_1520 : i32
    %mul3A_1522 = arith.constant 120 : i32
    %mul3A_1523 = arith.muli %add3A_1521, %mul3A_1522 : i32
    %dma_start3A_1524 = arith.constant 0 : i32
    %dma_start3A_1525 = arith.constant 0 : i32
    %dma_start3A_1526 = arith.constant 0 : i32
    %dma_start3A_1527 = tpu.memref_slice %arg4[%dma_start3A_1524, %dma_start3A_1525, %dma_start3A_1526] : memref<2x120x512xf32, #tpu.memory_space<vmem>> -> memref<1x120x512xf32, #tpu.memory_space<vmem>>
    %dma_start3A_1528 = tpu.memref_squeeze %dma_start3A_1527 : memref<1x120x512xf32, #tpu.memory_space<vmem>> -> memref<120x512xf32, #tpu.memory_space<vmem>>
    %dma_start3A_1529 = arith.constant 0 : i32
    %dma_start3A_1530 = tpu.memref_slice %arg2[%mul3A_1523, %dma_start3A_1529] : memref<100000x512xf32, #tpu.memory_space<hbm>> -> memref<120x512xf32, #tpu.memory_space<hbm>>
    %dma_start3A_1531 = arith.constant 0 : i32
    %dma_start3A_1532 = arith.constant 0 : i32
    %dma_start3A_1533 = tpu.memref_slice %arg4[%dma_start3A_1524, %dma_start3A_1531, %dma_start3A_1532] : memref<2x120x512xf32, #tpu.memory_space<vmem>> -> memref<1x120x512xf32, #tpu.memory_space<vmem>>
    %dma_start3A_1534 = tpu.memref_squeeze %dma_start3A_1533 : memref<1x120x512xf32, #tpu.memory_space<vmem>> -> memref<120x512xf32, #tpu.memory_space<vmem>>
    %dma_start3A_1535 = arith.constant 0 : i32
    %dma_start3A_1536 = tpu.memref_slice %arg2[%mul3A_1523, %dma_start3A_1535] : memref<100000x512xf32, #tpu.memory_space<hbm>> -> memref<120x512xf32, #tpu.memory_space<hbm>>
    tpu.enqueue_dma source(%dma_start3A_1536 : memref<120x512xf32, #tpu.memory_space<hbm>>) target(%dma_start3A_1534 : memref<120x512xf32, #tpu.memory_space<vmem>>) target_semaphore(%arg5 : memref<!tpu.dma_semaphore, #tpu.memory_space<semaphore_mem>>)
    %add3A_1537 = arith.constant 608 : i32
    %add3A_1538 = arith.addi %add3A, %add3A_1537 : i32
    %mul3A_1539 = arith.constant 120 : i32
    %mul3A_1540 = arith.muli %add3A_1538, %mul3A_1539 : i32
    %dma_wait3A_1541 = arith.constant 1 : i32
    %dma_wait3A_1542 = arith.constant 0 : i32
    %dma_wait3A_1543 = arith.constant 0 : i32
    %dma_wait3A_1544 = tpu.memref_slice %arg4[%dma_wait3A_1541, %dma_wait3A_1542, %dma_wait3A_1543] : memref<2x120x512xf32, #tpu.memory_space<vmem>> -> memref<1x120x512xf32, #tpu.memory_space<vmem>>
    %dma_wait3A_1545 = tpu.memref_squeeze %dma_wait3A_1544 : memref<1x120x512xf32, #tpu.memory_space<vmem>> -> memref<120x512xf32, #tpu.memory_space<vmem>>
    %dma_wait3A_1546 = arith.constant 0 : i32
    %dma_wait3A_1547 = tpu.memref_slice %arg2[%mul3A_1540, %dma_wait3A_1546] : memref<100000x512xf32, #tpu.memory_space<hbm>> -> memref<120x512xf32, #tpu.memory_space<hbm>>
    %dma_wait3A_1548 = arith.constant 0 : i32
    %dma_wait3A_1549 = arith.constant 0 : i32
    %dma_wait3A_1550 = tpu.memref_slice %arg4[%dma_wait3A_1541, %dma_wait3A_1548, %dma_wait3A_1549] : memref<2x120x512xf32, #tpu.memory_space<vmem>> -> memref<1x120x512xf32, #tpu.memory_space<vmem>>
    %dma_wait3A_1551 = tpu.memref_squeeze %dma_wait3A_1550 : memref<1x120x512xf32, #tpu.memory_space<vmem>> -> memref<120x512xf32, #tpu.memory_space<vmem>>
    %dma_wait3A_1552 = arith.constant 0 : i32
    %dma_wait3A_1553 = tpu.memref_slice %arg2[%mul3A_1540, %dma_wait3A_1552] : memref<100000x512xf32, #tpu.memory_space<hbm>> -> memref<120x512xf32, #tpu.memory_space<hbm>>
    tpu.wait_dma2 semaphore(%arg6 : memref<!tpu.dma_semaphore, #tpu.memory_space<semaphore_mem>>) src(%dma_wait3A_1553 : memref<120x512xf32, #tpu.memory_space<hbm>>) dst(%dma_wait3A_1551 : memref<120x512xf32, #tpu.memory_space<vmem>>)
    %scan3A_1554 = arith.constant 0 : i32
    %scan3A_1555 = arith.constant 0 : i32
    %scan3A_1556 = arith.constant 60 : i32
    %scan3A_1557 = arith.addi %scan3A_1555, %scan3A_1556 : i32
    %scan3A_1558 = arith.constant 1 : i32
    scf.for %scan3A_2034 = %scan3A_1555 to %scan3A_1557 step %scan3A_1558  : i32 {
      %mul3A_2035 = arith.constant 2 : i32
      %mul3A_2036 = arith.muli %mul3A_2035, %scan3A_2034 : i32
      %add3A_2037 = vector.broadcast %mul3A_2036 : i32 to vector<16xi32>
      %add3A_2038 = arith.addi %select_n3A, %add3A_2037 : vector<16xi32>
      %scatter3A = arith.constant 1 : i32
      %scatter3A_2039 = arith.constant 0 : i32
      %scatter3A_2040 = arith.constant 0 : i32
      %scatter3A_2041 = tpu.memref_slice %arg4[%scatter3A, %scatter3A_2039, %scatter3A_2040] : memref<2x120x512xf32, #tpu.memory_space<vmem>> -> memref<1x120x512xf32, #tpu.memory_space<vmem>>
      %scatter3A_2042 = tpu.memref_squeeze %scatter3A_2041 : memref<1x120x512xf32, #tpu.memory_space<vmem>> -> memref<120x512xf32, #tpu.memory_space<vmem>>
      tpu.vector_store_idx %scatter3A_2042[%add3A_2038, %select_n3A_92], %convert_element_type3A : memref<120x512xf32, #tpu.memory_space<vmem>>[vector<16xi32>, vector<16xi32>], vector<16xf32>,
    }
    %scan3A_1559 = arith.constant 60 : i32
    %add3A_1560 = arith.constant 608 : i32
    %add3A_1561 = arith.addi %add3A, %add3A_1560 : i32
    %mul3A_1562 = arith.constant 120 : i32
    %mul3A_1563 = arith.muli %add3A_1561, %mul3A_1562 : i32
    %dma_start3A_1564 = arith.constant 1 : i32
    %dma_start3A_1565 = arith.constant 0 : i32
    %dma_start3A_1566 = arith.constant 0 : i32
    %dma_start3A_1567 = tpu.memref_slice %arg4[%dma_start3A_1564, %dma_start3A_1565, %dma_start3A_1566] : memref<2x120x512xf32, #tpu.memory_space<vmem>> -> memref<1x120x512xf32, #tpu.memory_space<vmem>>
    %dma_start3A_1568 = tpu.memref_squeeze %dma_start3A_1567 : memref<1x120x512xf32, #tpu.memory_space<vmem>> -> memref<120x512xf32, #tpu.memory_space<vmem>>
    %dma_start3A_1569 = arith.constant 0 : i32
    %dma_start3A_1570 = tpu.memref_slice %arg3[%mul3A_1563, %dma_start3A_1569] : memref<100000x512xf32, #tpu.memory_space<hbm>> -> memref<120x512xf32, #tpu.memory_space<hbm>>
    %dma_start3A_1571 = arith.constant 0 : i32
    %dma_start3A_1572 = tpu.memref_slice %arg3[%mul3A_1563, %dma_start3A_1571] : memref<100000x512xf32, #tpu.memory_space<hbm>> -> memref<120x512xf32, #tpu.memory_space<hbm>>
    %dma_start3A_1573 = arith.constant 0 : i32
    %dma_start3A_1574 = arith.constant 0 : i32
    %dma_start3A_1575 = tpu.memref_slice %arg4[%dma_start3A_1564, %dma_start3A_1573, %dma_start3A_1574] : memref<2x120x512xf32, #tpu.memory_space<vmem>> -> memref<1x120x512xf32, #tpu.memory_space<vmem>>
    %dma_start3A_1576 = tpu.memref_squeeze %dma_start3A_1575 : memref<1x120x512xf32, #tpu.memory_space<vmem>> -> memref<120x512xf32, #tpu.memory_space<vmem>>
    tpu.enqueue_dma source(%dma_start3A_1576 : memref<120x512xf32, #tpu.memory_space<vmem>>) target(%dma_start3A_1572 : memref<120x512xf32, #tpu.memory_space<hbm>>) target_semaphore(%arg8 : memref<!tpu.dma_semaphore, #tpu.memory_space<semaphore_mem>>)
    %add3A_1577 = arith.constant 608 : i32
    %add3A_1578 = arith.addi %add3A, %add3A_1577 : i32
    %mul3A_1579 = arith.constant 120 : i32
    %mul3A_1580 = arith.muli %add3A_1578, %mul3A_1579 : i32
    %dma_wait3A_1581 = arith.constant 1 : i32
    %dma_wait3A_1582 = arith.constant 0 : i32
    %dma_wait3A_1583 = arith.constant 0 : i32
    %dma_wait3A_1584 = tpu.memref_slice %arg4[%dma_wait3A_1581, %dma_wait3A_1582, %dma_wait3A_1583] : memref<2x120x512xf32, #tpu.memory_space<vmem>> -> memref<1x120x512xf32, #tpu.memory_space<vmem>>
    %dma_wait3A_1585 = tpu.memref_squeeze %dma_wait3A_1584 : memref<1x120x512xf32, #tpu.memory_space<vmem>> -> memref<120x512xf32, #tpu.memory_space<vmem>>
    %dma_wait3A_1586 = arith.constant 0 : i32
    %dma_wait3A_1587 = tpu.memref_slice %arg3[%mul3A_1580, %dma_wait3A_1586] : memref<100000x512xf32, #tpu.memory_space<hbm>> -> memref<120x512xf32, #tpu.memory_space<hbm>>
    %dma_wait3A_1588 = arith.constant 0 : i32
    %dma_wait3A_1589 = tpu.memref_slice %arg3[%mul3A_1580, %dma_wait3A_1588] : memref<100000x512xf32, #tpu.memory_space<hbm>> -> memref<120x512xf32, #tpu.memory_space<hbm>>
    %dma_wait3A_1590 = arith.constant 0 : i32
    %dma_wait3A_1591 = arith.constant 0 : i32
    %dma_wait3A_1592 = tpu.memref_slice %arg4[%dma_wait3A_1581, %dma_wait3A_1590, %dma_wait3A_1591] : memref<2x120x512xf32, #tpu.memory_space<vmem>> -> memref<1x120x512xf32, #tpu.memory_space<vmem>>
    %dma_wait3A_1593 = tpu.memref_squeeze %dma_wait3A_1592 : memref<1x120x512xf32, #tpu.memory_space<vmem>> -> memref<120x512xf32, #tpu.memory_space<vmem>>
    tpu.wait_dma2 semaphore(%arg8 : memref<!tpu.dma_semaphore, #tpu.memory_space<semaphore_mem>>) src(%dma_wait3A_1593 : memref<120x512xf32, #tpu.memory_space<vmem>>) dst(%dma_wait3A_1589 : memref<120x512xf32, #tpu.memory_space<hbm>>)
    %add3A_1594 = arith.constant 672 : i32
    %add3A_1595 = arith.addi %add3A, %add3A_1594 : i32
    %mul3A_1596 = arith.constant 120 : i32
    %mul3A_1597 = arith.muli %add3A_1595, %mul3A_1596 : i32
    %dma_start3A_1598 = arith.constant 1 : i32
    %dma_start3A_1599 = arith.constant 0 : i32
    %dma_start3A_1600 = arith.constant 0 : i32
    %dma_start3A_1601 = tpu.memref_slice %arg4[%dma_start3A_1598, %dma_start3A_1599, %dma_start3A_1600] : memref<2x120x512xf32, #tpu.memory_space<vmem>> -> memref<1x120x512xf32, #tpu.memory_space<vmem>>
    %dma_start3A_1602 = tpu.memref_squeeze %dma_start3A_1601 : memref<1x120x512xf32, #tpu.memory_space<vmem>> -> memref<120x512xf32, #tpu.memory_space<vmem>>
    %dma_start3A_1603 = arith.constant 0 : i32
    %dma_start3A_1604 = tpu.memref_slice %arg2[%mul3A_1597, %dma_start3A_1603] : memref<100000x512xf32, #tpu.memory_space<hbm>> -> memref<120x512xf32, #tpu.memory_space<hbm>>
    %dma_start3A_1605 = arith.constant 0 : i32
    %dma_start3A_1606 = arith.constant 0 : i32
    %dma_start3A_1607 = tpu.memref_slice %arg4[%dma_start3A_1598, %dma_start3A_1605, %dma_start3A_1606] : memref<2x120x512xf32, #tpu.memory_space<vmem>> -> memref<1x120x512xf32, #tpu.memory_space<vmem>>
    %dma_start3A_1608 = tpu.memref_squeeze %dma_start3A_1607 : memref<1x120x512xf32, #tpu.memory_space<vmem>> -> memref<120x512xf32, #tpu.memory_space<vmem>>
    %dma_start3A_1609 = arith.constant 0 : i32
    %dma_start3A_1610 = tpu.memref_slice %arg2[%mul3A_1597, %dma_start3A_1609] : memref<100000x512xf32, #tpu.memory_space<hbm>> -> memref<120x512xf32, #tpu.memory_space<hbm>>
    tpu.enqueue_dma source(%dma_start3A_1610 : memref<120x512xf32, #tpu.memory_space<hbm>>) target(%dma_start3A_1608 : memref<120x512xf32, #tpu.memory_space<vmem>>) target_semaphore(%arg6 : memref<!tpu.dma_semaphore, #tpu.memory_space<semaphore_mem>>)
    %add3A_1611 = arith.constant 640 : i32
    %add3A_1612 = arith.addi %add3A, %add3A_1611 : i32
    %mul3A_1613 = arith.constant 120 : i32
    %mul3A_1614 = arith.muli %add3A_1612, %mul3A_1613 : i32
    %dma_wait3A_1615 = arith.constant 0 : i32
    %dma_wait3A_1616 = arith.constant 0 : i32
    %dma_wait3A_1617 = arith.constant 0 : i32
    %dma_wait3A_1618 = tpu.memref_slice %arg4[%dma_wait3A_1615, %dma_wait3A_1616, %dma_wait3A_1617] : memref<2x120x512xf32, #tpu.memory_space<vmem>> -> memref<1x120x512xf32, #tpu.memory_space<vmem>>
    %dma_wait3A_1619 = tpu.memref_squeeze %dma_wait3A_1618 : memref<1x120x512xf32, #tpu.memory_space<vmem>> -> memref<120x512xf32, #tpu.memory_space<vmem>>
    %dma_wait3A_1620 = arith.constant 0 : i32
    %dma_wait3A_1621 = tpu.memref_slice %arg2[%mul3A_1614, %dma_wait3A_1620] : memref<100000x512xf32, #tpu.memory_space<hbm>> -> memref<120x512xf32, #tpu.memory_space<hbm>>
    %dma_wait3A_1622 = arith.constant 0 : i32
    %dma_wait3A_1623 = arith.constant 0 : i32
    %dma_wait3A_1624 = tpu.memref_slice %arg4[%dma_wait3A_1615, %dma_wait3A_1622, %dma_wait3A_1623] : memref<2x120x512xf32, #tpu.memory_space<vmem>> -> memref<1x120x512xf32, #tpu.memory_space<vmem>>
    %dma_wait3A_1625 = tpu.memref_squeeze %dma_wait3A_1624 : memref<1x120x512xf32, #tpu.memory_space<vmem>> -> memref<120x512xf32, #tpu.memory_space<vmem>>
    %dma_wait3A_1626 = arith.constant 0 : i32
    %dma_wait3A_1627 = tpu.memref_slice %arg2[%mul3A_1614, %dma_wait3A_1626] : memref<100000x512xf32, #tpu.memory_space<hbm>> -> memref<120x512xf32, #tpu.memory_space<hbm>>
    tpu.wait_dma2 semaphore(%arg5 : memref<!tpu.dma_semaphore, #tpu.memory_space<semaphore_mem>>) src(%dma_wait3A_1627 : memref<120x512xf32, #tpu.memory_space<hbm>>) dst(%dma_wait3A_1625 : memref<120x512xf32, #tpu.memory_space<vmem>>)
    %scan3A_1628 = arith.constant 0 : i32
    %scan3A_1629 = arith.constant 0 : i32
    %scan3A_1630 = arith.constant 60 : i32
    %scan3A_1631 = arith.addi %scan3A_1629, %scan3A_1630 : i32
    %scan3A_1632 = arith.constant 1 : i32
    scf.for %scan3A_2034 = %scan3A_1629 to %scan3A_1631 step %scan3A_1632  : i32 {
      %mul3A_2035 = arith.constant 2 : i32
      %mul3A_2036 = arith.muli %mul3A_2035, %scan3A_2034 : i32
      %add3A_2037 = vector.broadcast %mul3A_2036 : i32 to vector<16xi32>
      %add3A_2038 = arith.addi %select_n3A, %add3A_2037 : vector<16xi32>
      %scatter3A = arith.constant 0 : i32
      %scatter3A_2039 = arith.constant 0 : i32
      %scatter3A_2040 = arith.constant 0 : i32
      %scatter3A_2041 = tpu.memref_slice %arg4[%scatter3A, %scatter3A_2039, %scatter3A_2040] : memref<2x120x512xf32, #tpu.memory_space<vmem>> -> memref<1x120x512xf32, #tpu.memory_space<vmem>>
      %scatter3A_2042 = tpu.memref_squeeze %scatter3A_2041 : memref<1x120x512xf32, #tpu.memory_space<vmem>> -> memref<120x512xf32, #tpu.memory_space<vmem>>
      tpu.vector_store_idx %scatter3A_2042[%add3A_2038, %select_n3A_92], %convert_element_type3A : memref<120x512xf32, #tpu.memory_space<vmem>>[vector<16xi32>, vector<16xi32>], vector<16xf32>,
    }
    %scan3A_1633 = arith.constant 60 : i32
    %add3A_1634 = arith.constant 640 : i32
    %add3A_1635 = arith.addi %add3A, %add3A_1634 : i32
    %mul3A_1636 = arith.constant 120 : i32
    %mul3A_1637 = arith.muli %add3A_1635, %mul3A_1636 : i32
    %dma_start3A_1638 = arith.constant 0 : i32
    %dma_start3A_1639 = arith.constant 0 : i32
    %dma_start3A_1640 = arith.constant 0 : i32
    %dma_start3A_1641 = tpu.memref_slice %arg4[%dma_start3A_1638, %dma_start3A_1639, %dma_start3A_1640] : memref<2x120x512xf32, #tpu.memory_space<vmem>> -> memref<1x120x512xf32, #tpu.memory_space<vmem>>
    %dma_start3A_1642 = tpu.memref_squeeze %dma_start3A_1641 : memref<1x120x512xf32, #tpu.memory_space<vmem>> -> memref<120x512xf32, #tpu.memory_space<vmem>>
    %dma_start3A_1643 = arith.constant 0 : i32
    %dma_start3A_1644 = tpu.memref_slice %arg3[%mul3A_1637, %dma_start3A_1643] : memref<100000x512xf32, #tpu.memory_space<hbm>> -> memref<120x512xf32, #tpu.memory_space<hbm>>
    %dma_start3A_1645 = arith.constant 0 : i32
    %dma_start3A_1646 = tpu.memref_slice %arg3[%mul3A_1637, %dma_start3A_1645] : memref<100000x512xf32, #tpu.memory_space<hbm>> -> memref<120x512xf32, #tpu.memory_space<hbm>>
    %dma_start3A_1647 = arith.constant 0 : i32
    %dma_start3A_1648 = arith.constant 0 : i32
    %dma_start3A_1649 = tpu.memref_slice %arg4[%dma_start3A_1638, %dma_start3A_1647, %dma_start3A_1648] : memref<2x120x512xf32, #tpu.memory_space<vmem>> -> memref<1x120x512xf32, #tpu.memory_space<vmem>>
    %dma_start3A_1650 = tpu.memref_squeeze %dma_start3A_1649 : memref<1x120x512xf32, #tpu.memory_space<vmem>> -> memref<120x512xf32, #tpu.memory_space<vmem>>
    tpu.enqueue_dma source(%dma_start3A_1650 : memref<120x512xf32, #tpu.memory_space<vmem>>) target(%dma_start3A_1646 : memref<120x512xf32, #tpu.memory_space<hbm>>) target_semaphore(%arg7 : memref<!tpu.dma_semaphore, #tpu.memory_space<semaphore_mem>>)
    %add3A_1651 = arith.constant 640 : i32
    %add3A_1652 = arith.addi %add3A, %add3A_1651 : i32
    %mul3A_1653 = arith.constant 120 : i32
    %mul3A_1654 = arith.muli %add3A_1652, %mul3A_1653 : i32
    %dma_wait3A_1655 = arith.constant 0 : i32
    %dma_wait3A_1656 = arith.constant 0 : i32
    %dma_wait3A_1657 = arith.constant 0 : i32
    %dma_wait3A_1658 = tpu.memref_slice %arg4[%dma_wait3A_1655, %dma_wait3A_1656, %dma_wait3A_1657] : memref<2x120x512xf32, #tpu.memory_space<vmem>> -> memref<1x120x512xf32, #tpu.memory_space<vmem>>
    %dma_wait3A_1659 = tpu.memref_squeeze %dma_wait3A_1658 : memref<1x120x512xf32, #tpu.memory_space<vmem>> -> memref<120x512xf32, #tpu.memory_space<vmem>>
    %dma_wait3A_1660 = arith.constant 0 : i32
    %dma_wait3A_1661 = tpu.memref_slice %arg3[%mul3A_1654, %dma_wait3A_1660] : memref<100000x512xf32, #tpu.memory_space<hbm>> -> memref<120x512xf32, #tpu.memory_space<hbm>>
    %dma_wait3A_1662 = arith.constant 0 : i32
    %dma_wait3A_1663 = tpu.memref_slice %arg3[%mul3A_1654, %dma_wait3A_1662] : memref<100000x512xf32, #tpu.memory_space<hbm>> -> memref<120x512xf32, #tpu.memory_space<hbm>>
    %dma_wait3A_1664 = arith.constant 0 : i32
    %dma_wait3A_1665 = arith.constant 0 : i32
    %dma_wait3A_1666 = tpu.memref_slice %arg4[%dma_wait3A_1655, %dma_wait3A_1664, %dma_wait3A_1665] : memref<2x120x512xf32, #tpu.memory_space<vmem>> -> memref<1x120x512xf32, #tpu.memory_space<vmem>>
    %dma_wait3A_1667 = tpu.memref_squeeze %dma_wait3A_1666 : memref<1x120x512xf32, #tpu.memory_space<vmem>> -> memref<120x512xf32, #tpu.memory_space<vmem>>
    tpu.wait_dma2 semaphore(%arg7 : memref<!tpu.dma_semaphore, #tpu.memory_space<semaphore_mem>>) src(%dma_wait3A_1667 : memref<120x512xf32, #tpu.memory_space<vmem>>) dst(%dma_wait3A_1663 : memref<120x512xf32, #tpu.memory_space<hbm>>)
    %add3A_1668 = arith.constant 704 : i32
    %add3A_1669 = arith.addi %add3A, %add3A_1668 : i32
    %mul3A_1670 = arith.constant 120 : i32
    %mul3A_1671 = arith.muli %add3A_1669, %mul3A_1670 : i32
    %dma_start3A_1672 = arith.constant 0 : i32
    %dma_start3A_1673 = arith.constant 0 : i32
    %dma_start3A_1674 = arith.constant 0 : i32
    %dma_start3A_1675 = tpu.memref_slice %arg4[%dma_start3A_1672, %dma_start3A_1673, %dma_start3A_1674] : memref<2x120x512xf32, #tpu.memory_space<vmem>> -> memref<1x120x512xf32, #tpu.memory_space<vmem>>
    %dma_start3A_1676 = tpu.memref_squeeze %dma_start3A_1675 : memref<1x120x512xf32, #tpu.memory_space<vmem>> -> memref<120x512xf32, #tpu.memory_space<vmem>>
    %dma_start3A_1677 = arith.constant 0 : i32
    %dma_start3A_1678 = tpu.memref_slice %arg2[%mul3A_1671, %dma_start3A_1677] : memref<100000x512xf32, #tpu.memory_space<hbm>> -> memref<120x512xf32, #tpu.memory_space<hbm>>
    %dma_start3A_1679 = arith.constant 0 : i32
    %dma_start3A_1680 = arith.constant 0 : i32
    %dma_start3A_1681 = tpu.memref_slice %arg4[%dma_start3A_1672, %dma_start3A_1679, %dma_start3A_1680] : memref<2x120x512xf32, #tpu.memory_space<vmem>> -> memref<1x120x512xf32, #tpu.memory_space<vmem>>
    %dma_start3A_1682 = tpu.memref_squeeze %dma_start3A_1681 : memref<1x120x512xf32, #tpu.memory_space<vmem>> -> memref<120x512xf32, #tpu.memory_space<vmem>>
    %dma_start3A_1683 = arith.constant 0 : i32
    %dma_start3A_1684 = tpu.memref_slice %arg2[%mul3A_1671, %dma_start3A_1683] : memref<100000x512xf32, #tpu.memory_space<hbm>> -> memref<120x512xf32, #tpu.memory_space<hbm>>
    tpu.enqueue_dma source(%dma_start3A_1684 : memref<120x512xf32, #tpu.memory_space<hbm>>) target(%dma_start3A_1682 : memref<120x512xf32, #tpu.memory_space<vmem>>) target_semaphore(%arg5 : memref<!tpu.dma_semaphore, #tpu.memory_space<semaphore_mem>>)
    %add3A_1685 = arith.constant 672 : i32
    %add3A_1686 = arith.addi %add3A, %add3A_1685 : i32
    %mul3A_1687 = arith.constant 120 : i32
    %mul3A_1688 = arith.muli %add3A_1686, %mul3A_1687 : i32
    %dma_wait3A_1689 = arith.constant 1 : i32
    %dma_wait3A_1690 = arith.constant 0 : i32
    %dma_wait3A_1691 = arith.constant 0 : i32
    %dma_wait3A_1692 = tpu.memref_slice %arg4[%dma_wait3A_1689, %dma_wait3A_1690, %dma_wait3A_1691] : memref<2x120x512xf32, #tpu.memory_space<vmem>> -> memref<1x120x512xf32, #tpu.memory_space<vmem>>
    %dma_wait3A_1693 = tpu.memref_squeeze %dma_wait3A_1692 : memref<1x120x512xf32, #tpu.memory_space<vmem>> -> memref<120x512xf32, #tpu.memory_space<vmem>>
    %dma_wait3A_1694 = arith.constant 0 : i32
    %dma_wait3A_1695 = tpu.memref_slice %arg2[%mul3A_1688, %dma_wait3A_1694] : memref<100000x512xf32, #tpu.memory_space<hbm>> -> memref<120x512xf32, #tpu.memory_space<hbm>>
    %dma_wait3A_1696 = arith.constant 0 : i32
    %dma_wait3A_1697 = arith.constant 0 : i32
    %dma_wait3A_1698 = tpu.memref_slice %arg4[%dma_wait3A_1689, %dma_wait3A_1696, %dma_wait3A_1697] : memref<2x120x512xf32, #tpu.memory_space<vmem>> -> memref<1x120x512xf32, #tpu.memory_space<vmem>>
    %dma_wait3A_1699 = tpu.memref_squeeze %dma_wait3A_1698 : memref<1x120x512xf32, #tpu.memory_space<vmem>> -> memref<120x512xf32, #tpu.memory_space<vmem>>
    %dma_wait3A_1700 = arith.constant 0 : i32
    %dma_wait3A_1701 = tpu.memref_slice %arg2[%mul3A_1688, %dma_wait3A_1700] : memref<100000x512xf32, #tpu.memory_space<hbm>> -> memref<120x512xf32, #tpu.memory_space<hbm>>
    tpu.wait_dma2 semaphore(%arg6 : memref<!tpu.dma_semaphore, #tpu.memory_space<semaphore_mem>>) src(%dma_wait3A_1701 : memref<120x512xf32, #tpu.memory_space<hbm>>) dst(%dma_wait3A_1699 : memref<120x512xf32, #tpu.memory_space<vmem>>)
    %scan3A_1702 = arith.constant 0 : i32
    %scan3A_1703 = arith.constant 0 : i32
    %scan3A_1704 = arith.constant 60 : i32
    %scan3A_1705 = arith.addi %scan3A_1703, %scan3A_1704 : i32
    %scan3A_1706 = arith.constant 1 : i32
    scf.for %scan3A_2034 = %scan3A_1703 to %scan3A_1705 step %scan3A_1706  : i32 {
      %mul3A_2035 = arith.constant 2 : i32
      %mul3A_2036 = arith.muli %mul3A_2035, %scan3A_2034 : i32
      %add3A_2037 = vector.broadcast %mul3A_2036 : i32 to vector<16xi32>
      %add3A_2038 = arith.addi %select_n3A, %add3A_2037 : vector<16xi32>
      %scatter3A = arith.constant 1 : i32
      %scatter3A_2039 = arith.constant 0 : i32
      %scatter3A_2040 = arith.constant 0 : i32
      %scatter3A_2041 = tpu.memref_slice %arg4[%scatter3A, %scatter3A_2039, %scatter3A_2040] : memref<2x120x512xf32, #tpu.memory_space<vmem>> -> memref<1x120x512xf32, #tpu.memory_space<vmem>>
      %scatter3A_2042 = tpu.memref_squeeze %scatter3A_2041 : memref<1x120x512xf32, #tpu.memory_space<vmem>> -> memref<120x512xf32, #tpu.memory_space<vmem>>
      tpu.vector_store_idx %scatter3A_2042[%add3A_2038, %select_n3A_92], %convert_element_type3A : memref<120x512xf32, #tpu.memory_space<vmem>>[vector<16xi32>, vector<16xi32>], vector<16xf32>,
    }
    %scan3A_1707 = arith.constant 60 : i32
    %add3A_1708 = arith.constant 672 : i32
    %add3A_1709 = arith.addi %add3A, %add3A_1708 : i32
    %mul3A_1710 = arith.constant 120 : i32
    %mul3A_1711 = arith.muli %add3A_1709, %mul3A_1710 : i32
    %dma_start3A_1712 = arith.constant 1 : i32
    %dma_start3A_1713 = arith.constant 0 : i32
    %dma_start3A_1714 = arith.constant 0 : i32
    %dma_start3A_1715 = tpu.memref_slice %arg4[%dma_start3A_1712, %dma_start3A_1713, %dma_start3A_1714] : memref<2x120x512xf32, #tpu.memory_space<vmem>> -> memref<1x120x512xf32, #tpu.memory_space<vmem>>
    %dma_start3A_1716 = tpu.memref_squeeze %dma_start3A_1715 : memref<1x120x512xf32, #tpu.memory_space<vmem>> -> memref<120x512xf32, #tpu.memory_space<vmem>>
    %dma_start3A_1717 = arith.constant 0 : i32
    %dma_start3A_1718 = tpu.memref_slice %arg3[%mul3A_1711, %dma_start3A_1717] : memref<100000x512xf32, #tpu.memory_space<hbm>> -> memref<120x512xf32, #tpu.memory_space<hbm>>
    %dma_start3A_1719 = arith.constant 0 : i32
    %dma_start3A_1720 = tpu.memref_slice %arg3[%mul3A_1711, %dma_start3A_1719] : memref<100000x512xf32, #tpu.memory_space<hbm>> -> memref<120x512xf32, #tpu.memory_space<hbm>>
    %dma_start3A_1721 = arith.constant 0 : i32
    %dma_start3A_1722 = arith.constant 0 : i32
    %dma_start3A_1723 = tpu.memref_slice %arg4[%dma_start3A_1712, %dma_start3A_1721, %dma_start3A_1722] : memref<2x120x512xf32, #tpu.memory_space<vmem>> -> memref<1x120x512xf32, #tpu.memory_space<vmem>>
    %dma_start3A_1724 = tpu.memref_squeeze %dma_start3A_1723 : memref<1x120x512xf32, #tpu.memory_space<vmem>> -> memref<120x512xf32, #tpu.memory_space<vmem>>
    tpu.enqueue_dma source(%dma_start3A_1724 : memref<120x512xf32, #tpu.memory_space<vmem>>) target(%dma_start3A_1720 : memref<120x512xf32, #tpu.memory_space<hbm>>) target_semaphore(%arg8 : memref<!tpu.dma_semaphore, #tpu.memory_space<semaphore_mem>>)
    %add3A_1725 = arith.constant 672 : i32
    %add3A_1726 = arith.addi %add3A, %add3A_1725 : i32
    %mul3A_1727 = arith.constant 120 : i32
    %mul3A_1728 = arith.muli %add3A_1726, %mul3A_1727 : i32
    %dma_wait3A_1729 = arith.constant 1 : i32
    %dma_wait3A_1730 = arith.constant 0 : i32
    %dma_wait3A_1731 = arith.constant 0 : i32
    %dma_wait3A_1732 = tpu.memref_slice %arg4[%dma_wait3A_1729, %dma_wait3A_1730, %dma_wait3A_1731] : memref<2x120x512xf32, #tpu.memory_space<vmem>> -> memref<1x120x512xf32, #tpu.memory_space<vmem>>
    %dma_wait3A_1733 = tpu.memref_squeeze %dma_wait3A_1732 : memref<1x120x512xf32, #tpu.memory_space<vmem>> -> memref<120x512xf32, #tpu.memory_space<vmem>>
    %dma_wait3A_1734 = arith.constant 0 : i32
    %dma_wait3A_1735 = tpu.memref_slice %arg3[%mul3A_1728, %dma_wait3A_1734] : memref<100000x512xf32, #tpu.memory_space<hbm>> -> memref<120x512xf32, #tpu.memory_space<hbm>>
    %dma_wait3A_1736 = arith.constant 0 : i32
    %dma_wait3A_1737 = tpu.memref_slice %arg3[%mul3A_1728, %dma_wait3A_1736] : memref<100000x512xf32, #tpu.memory_space<hbm>> -> memref<120x512xf32, #tpu.memory_space<hbm>>
    %dma_wait3A_1738 = arith.constant 0 : i32
    %dma_wait3A_1739 = arith.constant 0 : i32
    %dma_wait3A_1740 = tpu.memref_slice %arg4[%dma_wait3A_1729, %dma_wait3A_1738, %dma_wait3A_1739] : memref<2x120x512xf32, #tpu.memory_space<vmem>> -> memref<1x120x512xf32, #tpu.memory_space<vmem>>
    %dma_wait3A_1741 = tpu.memref_squeeze %dma_wait3A_1740 : memref<1x120x512xf32, #tpu.memory_space<vmem>> -> memref<120x512xf32, #tpu.memory_space<vmem>>
    tpu.wait_dma2 semaphore(%arg8 : memref<!tpu.dma_semaphore, #tpu.memory_space<semaphore_mem>>) src(%dma_wait3A_1741 : memref<120x512xf32, #tpu.memory_space<vmem>>) dst(%dma_wait3A_1737 : memref<120x512xf32, #tpu.memory_space<hbm>>)
    %add3A_1742 = arith.constant 736 : i32
    %add3A_1743 = arith.addi %add3A, %add3A_1742 : i32
    %mul3A_1744 = arith.constant 120 : i32
    %mul3A_1745 = arith.muli %add3A_1743, %mul3A_1744 : i32
    %dma_start3A_1746 = arith.constant 1 : i32
    %dma_start3A_1747 = arith.constant 0 : i32
    %dma_start3A_1748 = arith.constant 0 : i32
    %dma_start3A_1749 = tpu.memref_slice %arg4[%dma_start3A_1746, %dma_start3A_1747, %dma_start3A_1748] : memref<2x120x512xf32, #tpu.memory_space<vmem>> -> memref<1x120x512xf32, #tpu.memory_space<vmem>>
    %dma_start3A_1750 = tpu.memref_squeeze %dma_start3A_1749 : memref<1x120x512xf32, #tpu.memory_space<vmem>> -> memref<120x512xf32, #tpu.memory_space<vmem>>
    %dma_start3A_1751 = arith.constant 0 : i32
    %dma_start3A_1752 = tpu.memref_slice %arg2[%mul3A_1745, %dma_start3A_1751] : memref<100000x512xf32, #tpu.memory_space<hbm>> -> memref<120x512xf32, #tpu.memory_space<hbm>>
    %dma_start3A_1753 = arith.constant 0 : i32
    %dma_start3A_1754 = arith.constant 0 : i32
    %dma_start3A_1755 = tpu.memref_slice %arg4[%dma_start3A_1746, %dma_start3A_1753, %dma_start3A_1754] : memref<2x120x512xf32, #tpu.memory_space<vmem>> -> memref<1x120x512xf32, #tpu.memory_space<vmem>>
    %dma_start3A_1756 = tpu.memref_squeeze %dma_start3A_1755 : memref<1x120x512xf32, #tpu.memory_space<vmem>> -> memref<120x512xf32, #tpu.memory_space<vmem>>
    %dma_start3A_1757 = arith.constant 0 : i32
    %dma_start3A_1758 = tpu.memref_slice %arg2[%mul3A_1745, %dma_start3A_1757] : memref<100000x512xf32, #tpu.memory_space<hbm>> -> memref<120x512xf32, #tpu.memory_space<hbm>>
    tpu.enqueue_dma source(%dma_start3A_1758 : memref<120x512xf32, #tpu.memory_space<hbm>>) target(%dma_start3A_1756 : memref<120x512xf32, #tpu.memory_space<vmem>>) target_semaphore(%arg6 : memref<!tpu.dma_semaphore, #tpu.memory_space<semaphore_mem>>)
    %add3A_1759 = arith.constant 704 : i32
    %add3A_1760 = arith.addi %add3A, %add3A_1759 : i32
    %mul3A_1761 = arith.constant 120 : i32
    %mul3A_1762 = arith.muli %add3A_1760, %mul3A_1761 : i32
    %dma_wait3A_1763 = arith.constant 0 : i32
    %dma_wait3A_1764 = arith.constant 0 : i32
    %dma_wait3A_1765 = arith.constant 0 : i32
    %dma_wait3A_1766 = tpu.memref_slice %arg4[%dma_wait3A_1763, %dma_wait3A_1764, %dma_wait3A_1765] : memref<2x120x512xf32, #tpu.memory_space<vmem>> -> memref<1x120x512xf32, #tpu.memory_space<vmem>>
    %dma_wait3A_1767 = tpu.memref_squeeze %dma_wait3A_1766 : memref<1x120x512xf32, #tpu.memory_space<vmem>> -> memref<120x512xf32, #tpu.memory_space<vmem>>
    %dma_wait3A_1768 = arith.constant 0 : i32
    %dma_wait3A_1769 = tpu.memref_slice %arg2[%mul3A_1762, %dma_wait3A_1768] : memref<100000x512xf32, #tpu.memory_space<hbm>> -> memref<120x512xf32, #tpu.memory_space<hbm>>
    %dma_wait3A_1770 = arith.constant 0 : i32
    %dma_wait3A_1771 = arith.constant 0 : i32
    %dma_wait3A_1772 = tpu.memref_slice %arg4[%dma_wait3A_1763, %dma_wait3A_1770, %dma_wait3A_1771] : memref<2x120x512xf32, #tpu.memory_space<vmem>> -> memref<1x120x512xf32, #tpu.memory_space<vmem>>
    %dma_wait3A_1773 = tpu.memref_squeeze %dma_wait3A_1772 : memref<1x120x512xf32, #tpu.memory_space<vmem>> -> memref<120x512xf32, #tpu.memory_space<vmem>>
    %dma_wait3A_1774 = arith.constant 0 : i32
    %dma_wait3A_1775 = tpu.memref_slice %arg2[%mul3A_1762, %dma_wait3A_1774] : memref<100000x512xf32, #tpu.memory_space<hbm>> -> memref<120x512xf32, #tpu.memory_space<hbm>>
    tpu.wait_dma2 semaphore(%arg5 : memref<!tpu.dma_semaphore, #tpu.memory_space<semaphore_mem>>) src(%dma_wait3A_1775 : memref<120x512xf32, #tpu.memory_space<hbm>>) dst(%dma_wait3A_1773 : memref<120x512xf32, #tpu.memory_space<vmem>>)
    %scan3A_1776 = arith.constant 0 : i32
    %scan3A_1777 = arith.constant 0 : i32
    %scan3A_1778 = arith.constant 60 : i32
    %scan3A_1779 = arith.addi %scan3A_1777, %scan3A_1778 : i32
    %scan3A_1780 = arith.constant 1 : i32
    scf.for %scan3A_2034 = %scan3A_1777 to %scan3A_1779 step %scan3A_1780  : i32 {
      %mul3A_2035 = arith.constant 2 : i32
      %mul3A_2036 = arith.muli %mul3A_2035, %scan3A_2034 : i32
      %add3A_2037 = vector.broadcast %mul3A_2036 : i32 to vector<16xi32>
      %add3A_2038 = arith.addi %select_n3A, %add3A_2037 : vector<16xi32>
      %scatter3A = arith.constant 0 : i32
      %scatter3A_2039 = arith.constant 0 : i32
      %scatter3A_2040 = arith.constant 0 : i32
      %scatter3A_2041 = tpu.memref_slice %arg4[%scatter3A, %scatter3A_2039, %scatter3A_2040] : memref<2x120x512xf32, #tpu.memory_space<vmem>> -> memref<1x120x512xf32, #tpu.memory_space<vmem>>
      %scatter3A_2042 = tpu.memref_squeeze %scatter3A_2041 : memref<1x120x512xf32, #tpu.memory_space<vmem>> -> memref<120x512xf32, #tpu.memory_space<vmem>>
      tpu.vector_store_idx %scatter3A_2042[%add3A_2038, %select_n3A_92], %convert_element_type3A : memref<120x512xf32, #tpu.memory_space<vmem>>[vector<16xi32>, vector<16xi32>], vector<16xf32>,
    }
    %scan3A_1781 = arith.constant 60 : i32
    %add3A_1782 = arith.constant 704 : i32
    %add3A_1783 = arith.addi %add3A, %add3A_1782 : i32
    %mul3A_1784 = arith.constant 120 : i32
    %mul3A_1785 = arith.muli %add3A_1783, %mul3A_1784 : i32
    %dma_start3A_1786 = arith.constant 0 : i32
    %dma_start3A_1787 = arith.constant 0 : i32
    %dma_start3A_1788 = arith.constant 0 : i32
    %dma_start3A_1789 = tpu.memref_slice %arg4[%dma_start3A_1786, %dma_start3A_1787, %dma_start3A_1788] : memref<2x120x512xf32, #tpu.memory_space<vmem>> -> memref<1x120x512xf32, #tpu.memory_space<vmem>>
    %dma_start3A_1790 = tpu.memref_squeeze %dma_start3A_1789 : memref<1x120x512xf32, #tpu.memory_space<vmem>> -> memref<120x512xf32, #tpu.memory_space<vmem>>
    %dma_start3A_1791 = arith.constant 0 : i32
    %dma_start3A_1792 = tpu.memref_slice %arg3[%mul3A_1785, %dma_start3A_1791] : memref<100000x512xf32, #tpu.memory_space<hbm>> -> memref<120x512xf32, #tpu.memory_space<hbm>>
    %dma_start3A_1793 = arith.constant 0 : i32
    %dma_start3A_1794 = tpu.memref_slice %arg3[%mul3A_1785, %dma_start3A_1793] : memref<100000x512xf32, #tpu.memory_space<hbm>> -> memref<120x512xf32, #tpu.memory_space<hbm>>
    %dma_start3A_1795 = arith.constant 0 : i32
    %dma_start3A_1796 = arith.constant 0 : i32
    %dma_start3A_1797 = tpu.memref_slice %arg4[%dma_start3A_1786, %dma_start3A_1795, %dma_start3A_1796] : memref<2x120x512xf32, #tpu.memory_space<vmem>> -> memref<1x120x512xf32, #tpu.memory_space<vmem>>
    %dma_start3A_1798 = tpu.memref_squeeze %dma_start3A_1797 : memref<1x120x512xf32, #tpu.memory_space<vmem>> -> memref<120x512xf32, #tpu.memory_space<vmem>>
    tpu.enqueue_dma source(%dma_start3A_1798 : memref<120x512xf32, #tpu.memory_space<vmem>>) target(%dma_start3A_1794 : memref<120x512xf32, #tpu.memory_space<hbm>>) target_semaphore(%arg7 : memref<!tpu.dma_semaphore, #tpu.memory_space<semaphore_mem>>)
    %add3A_1799 = arith.constant 704 : i32
    %add3A_1800 = arith.addi %add3A, %add3A_1799 : i32
    %mul3A_1801 = arith.constant 120 : i32
    %mul3A_1802 = arith.muli %add3A_1800, %mul3A_1801 : i32
    %dma_wait3A_1803 = arith.constant 0 : i32
    %dma_wait3A_1804 = arith.constant 0 : i32
    %dma_wait3A_1805 = arith.constant 0 : i32
    %dma_wait3A_1806 = tpu.memref_slice %arg4[%dma_wait3A_1803, %dma_wait3A_1804, %dma_wait3A_1805] : memref<2x120x512xf32, #tpu.memory_space<vmem>> -> memref<1x120x512xf32, #tpu.memory_space<vmem>>
    %dma_wait3A_1807 = tpu.memref_squeeze %dma_wait3A_1806 : memref<1x120x512xf32, #tpu.memory_space<vmem>> -> memref<120x512xf32, #tpu.memory_space<vmem>>
    %dma_wait3A_1808 = arith.constant 0 : i32
    %dma_wait3A_1809 = tpu.memref_slice %arg3[%mul3A_1802, %dma_wait3A_1808] : memref<100000x512xf32, #tpu.memory_space<hbm>> -> memref<120x512xf32, #tpu.memory_space<hbm>>
    %dma_wait3A_1810 = arith.constant 0 : i32
    %dma_wait3A_1811 = tpu.memref_slice %arg3[%mul3A_1802, %dma_wait3A_1810] : memref<100000x512xf32, #tpu.memory_space<hbm>> -> memref<120x512xf32, #tpu.memory_space<hbm>>
    %dma_wait3A_1812 = arith.constant 0 : i32
    %dma_wait3A_1813 = arith.constant 0 : i32
    %dma_wait3A_1814 = tpu.memref_slice %arg4[%dma_wait3A_1803, %dma_wait3A_1812, %dma_wait3A_1813] : memref<2x120x512xf32, #tpu.memory_space<vmem>> -> memref<1x120x512xf32, #tpu.memory_space<vmem>>
    %dma_wait3A_1815 = tpu.memref_squeeze %dma_wait3A_1814 : memref<1x120x512xf32, #tpu.memory_space<vmem>> -> memref<120x512xf32, #tpu.memory_space<vmem>>
    tpu.wait_dma2 semaphore(%arg7 : memref<!tpu.dma_semaphore, #tpu.memory_space<semaphore_mem>>) src(%dma_wait3A_1815 : memref<120x512xf32, #tpu.memory_space<vmem>>) dst(%dma_wait3A_1811 : memref<120x512xf32, #tpu.memory_space<hbm>>)
    %add3A_1816 = arith.constant 768 : i32
    %add3A_1817 = arith.addi %add3A, %add3A_1816 : i32
    %mul3A_1818 = arith.constant 120 : i32
    %mul3A_1819 = arith.muli %add3A_1817, %mul3A_1818 : i32
    %dma_start3A_1820 = arith.constant 0 : i32
    %dma_start3A_1821 = arith.constant 0 : i32
    %dma_start3A_1822 = arith.constant 0 : i32
    %dma_start3A_1823 = tpu.memref_slice %arg4[%dma_start3A_1820, %dma_start3A_1821, %dma_start3A_1822] : memref<2x120x512xf32, #tpu.memory_space<vmem>> -> memref<1x120x512xf32, #tpu.memory_space<vmem>>
    %dma_start3A_1824 = tpu.memref_squeeze %dma_start3A_1823 : memref<1x120x512xf32, #tpu.memory_space<vmem>> -> memref<120x512xf32, #tpu.memory_space<vmem>>
    %dma_start3A_1825 = arith.constant 0 : i32
    %dma_start3A_1826 = tpu.memref_slice %arg2[%mul3A_1819, %dma_start3A_1825] : memref<100000x512xf32, #tpu.memory_space<hbm>> -> memref<120x512xf32, #tpu.memory_space<hbm>>
    %dma_start3A_1827 = arith.constant 0 : i32
    %dma_start3A_1828 = arith.constant 0 : i32
    %dma_start3A_1829 = tpu.memref_slice %arg4[%dma_start3A_1820, %dma_start3A_1827, %dma_start3A_1828] : memref<2x120x512xf32, #tpu.memory_space<vmem>> -> memref<1x120x512xf32, #tpu.memory_space<vmem>>
    %dma_start3A_1830 = tpu.memref_squeeze %dma_start3A_1829 : memref<1x120x512xf32, #tpu.memory_space<vmem>> -> memref<120x512xf32, #tpu.memory_space<vmem>>
    %dma_start3A_1831 = arith.constant 0 : i32
    %dma_start3A_1832 = tpu.memref_slice %arg2[%mul3A_1819, %dma_start3A_1831] : memref<100000x512xf32, #tpu.memory_space<hbm>> -> memref<120x512xf32, #tpu.memory_space<hbm>>
    tpu.enqueue_dma source(%dma_start3A_1832 : memref<120x512xf32, #tpu.memory_space<hbm>>) target(%dma_start3A_1830 : memref<120x512xf32, #tpu.memory_space<vmem>>) target_semaphore(%arg5 : memref<!tpu.dma_semaphore, #tpu.memory_space<semaphore_mem>>)
    %add3A_1833 = arith.constant 736 : i32
    %add3A_1834 = arith.addi %add3A, %add3A_1833 : i32
    %mul3A_1835 = arith.constant 120 : i32
    %mul3A_1836 = arith.muli %add3A_1834, %mul3A_1835 : i32
    %dma_wait3A_1837 = arith.constant 1 : i32
    %dma_wait3A_1838 = arith.constant 0 : i32
    %dma_wait3A_1839 = arith.constant 0 : i32
    %dma_wait3A_1840 = tpu.memref_slice %arg4[%dma_wait3A_1837, %dma_wait3A_1838, %dma_wait3A_1839] : memref<2x120x512xf32, #tpu.memory_space<vmem>> -> memref<1x120x512xf32, #tpu.memory_space<vmem>>
    %dma_wait3A_1841 = tpu.memref_squeeze %dma_wait3A_1840 : memref<1x120x512xf32, #tpu.memory_space<vmem>> -> memref<120x512xf32, #tpu.memory_space<vmem>>
    %dma_wait3A_1842 = arith.constant 0 : i32
    %dma_wait3A_1843 = tpu.memref_slice %arg2[%mul3A_1836, %dma_wait3A_1842] : memref<100000x512xf32, #tpu.memory_space<hbm>> -> memref<120x512xf32, #tpu.memory_space<hbm>>
    %dma_wait3A_1844 = arith.constant 0 : i32
    %dma_wait3A_1845 = arith.constant 0 : i32
    %dma_wait3A_1846 = tpu.memref_slice %arg4[%dma_wait3A_1837, %dma_wait3A_1844, %dma_wait3A_1845] : memref<2x120x512xf32, #tpu.memory_space<vmem>> -> memref<1x120x512xf32, #tpu.memory_space<vmem>>
    %dma_wait3A_1847 = tpu.memref_squeeze %dma_wait3A_1846 : memref<1x120x512xf32, #tpu.memory_space<vmem>> -> memref<120x512xf32, #tpu.memory_space<vmem>>
    %dma_wait3A_1848 = arith.constant 0 : i32
    %dma_wait3A_1849 = tpu.memref_slice %arg2[%mul3A_1836, %dma_wait3A_1848] : memref<100000x512xf32, #tpu.memory_space<hbm>> -> memref<120x512xf32, #tpu.memory_space<hbm>>
    tpu.wait_dma2 semaphore(%arg6 : memref<!tpu.dma_semaphore, #tpu.memory_space<semaphore_mem>>) src(%dma_wait3A_1849 : memref<120x512xf32, #tpu.memory_space<hbm>>) dst(%dma_wait3A_1847 : memref<120x512xf32, #tpu.memory_space<vmem>>)
    %scan3A_1850 = arith.constant 0 : i32
    %scan3A_1851 = arith.constant 0 : i32
    %scan3A_1852 = arith.constant 60 : i32
    %scan3A_1853 = arith.addi %scan3A_1851, %scan3A_1852 : i32
    %scan3A_1854 = arith.constant 1 : i32
    scf.for %scan3A_2034 = %scan3A_1851 to %scan3A_1853 step %scan3A_1854  : i32 {
      %mul3A_2035 = arith.constant 2 : i32
      %mul3A_2036 = arith.muli %mul3A_2035, %scan3A_2034 : i32
      %add3A_2037 = vector.broadcast %mul3A_2036 : i32 to vector<16xi32>
      %add3A_2038 = arith.addi %select_n3A, %add3A_2037 : vector<16xi32>
      %scatter3A = arith.constant 1 : i32
      %scatter3A_2039 = arith.constant 0 : i32
      %scatter3A_2040 = arith.constant 0 : i32
      %scatter3A_2041 = tpu.memref_slice %arg4[%scatter3A, %scatter3A_2039, %scatter3A_2040] : memref<2x120x512xf32, #tpu.memory_space<vmem>> -> memref<1x120x512xf32, #tpu.memory_space<vmem>>
      %scatter3A_2042 = tpu.memref_squeeze %scatter3A_2041 : memref<1x120x512xf32, #tpu.memory_space<vmem>> -> memref<120x512xf32, #tpu.memory_space<vmem>>
      tpu.vector_store_idx %scatter3A_2042[%add3A_2038, %select_n3A_92], %convert_element_type3A : memref<120x512xf32, #tpu.memory_space<vmem>>[vector<16xi32>, vector<16xi32>], vector<16xf32>,
    }
    %scan3A_1855 = arith.constant 60 : i32
    %add3A_1856 = arith.constant 736 : i32
    %add3A_1857 = arith.addi %add3A, %add3A_1856 : i32
    %mul3A_1858 = arith.constant 120 : i32
    %mul3A_1859 = arith.muli %add3A_1857, %mul3A_1858 : i32
    %dma_start3A_1860 = arith.constant 1 : i32
    %dma_start3A_1861 = arith.constant 0 : i32
    %dma_start3A_1862 = arith.constant 0 : i32
    %dma_start3A_1863 = tpu.memref_slice %arg4[%dma_start3A_1860, %dma_start3A_1861, %dma_start3A_1862] : memref<2x120x512xf32, #tpu.memory_space<vmem>> -> memref<1x120x512xf32, #tpu.memory_space<vmem>>
    %dma_start3A_1864 = tpu.memref_squeeze %dma_start3A_1863 : memref<1x120x512xf32, #tpu.memory_space<vmem>> -> memref<120x512xf32, #tpu.memory_space<vmem>>
    %dma_start3A_1865 = arith.constant 0 : i32
    %dma_start3A_1866 = tpu.memref_slice %arg3[%mul3A_1859, %dma_start3A_1865] : memref<100000x512xf32, #tpu.memory_space<hbm>> -> memref<120x512xf32, #tpu.memory_space<hbm>>
    %dma_start3A_1867 = arith.constant 0 : i32
    %dma_start3A_1868 = tpu.memref_slice %arg3[%mul3A_1859, %dma_start3A_1867] : memref<100000x512xf32, #tpu.memory_space<hbm>> -> memref<120x512xf32, #tpu.memory_space<hbm>>
    %dma_start3A_1869 = arith.constant 0 : i32
    %dma_start3A_1870 = arith.constant 0 : i32
    %dma_start3A_1871 = tpu.memref_slice %arg4[%dma_start3A_1860, %dma_start3A_1869, %dma_start3A_1870] : memref<2x120x512xf32, #tpu.memory_space<vmem>> -> memref<1x120x512xf32, #tpu.memory_space<vmem>>
    %dma_start3A_1872 = tpu.memref_squeeze %dma_start3A_1871 : memref<1x120x512xf32, #tpu.memory_space<vmem>> -> memref<120x512xf32, #tpu.memory_space<vmem>>
    tpu.enqueue_dma source(%dma_start3A_1872 : memref<120x512xf32, #tpu.memory_space<vmem>>) target(%dma_start3A_1868 : memref<120x512xf32, #tpu.memory_space<hbm>>) target_semaphore(%arg8 : memref<!tpu.dma_semaphore, #tpu.memory_space<semaphore_mem>>)
    %add3A_1873 = arith.constant 736 : i32
    %add3A_1874 = arith.addi %add3A, %add3A_1873 : i32
    %mul3A_1875 = arith.constant 120 : i32
    %mul3A_1876 = arith.muli %add3A_1874, %mul3A_1875 : i32
    %dma_wait3A_1877 = arith.constant 1 : i32
    %dma_wait3A_1878 = arith.constant 0 : i32
    %dma_wait3A_1879 = arith.constant 0 : i32
    %dma_wait3A_1880 = tpu.memref_slice %arg4[%dma_wait3A_1877, %dma_wait3A_1878, %dma_wait3A_1879] : memref<2x120x512xf32, #tpu.memory_space<vmem>> -> memref<1x120x512xf32, #tpu.memory_space<vmem>>
    %dma_wait3A_1881 = tpu.memref_squeeze %dma_wait3A_1880 : memref<1x120x512xf32, #tpu.memory_space<vmem>> -> memref<120x512xf32, #tpu.memory_space<vmem>>
    %dma_wait3A_1882 = arith.constant 0 : i32
    %dma_wait3A_1883 = tpu.memref_slice %arg3[%mul3A_1876, %dma_wait3A_1882] : memref<100000x512xf32, #tpu.memory_space<hbm>> -> memref<120x512xf32, #tpu.memory_space<hbm>>
    %dma_wait3A_1884 = arith.constant 0 : i32
    %dma_wait3A_1885 = tpu.memref_slice %arg3[%mul3A_1876, %dma_wait3A_1884] : memref<100000x512xf32, #tpu.memory_space<hbm>> -> memref<120x512xf32, #tpu.memory_space<hbm>>
    %dma_wait3A_1886 = arith.constant 0 : i32
    %dma_wait3A_1887 = arith.constant 0 : i32
    %dma_wait3A_1888 = tpu.memref_slice %arg4[%dma_wait3A_1877, %dma_wait3A_1886, %dma_wait3A_1887] : memref<2x120x512xf32, #tpu.memory_space<vmem>> -> memref<1x120x512xf32, #tpu.memory_space<vmem>>
    %dma_wait3A_1889 = tpu.memref_squeeze %dma_wait3A_1888 : memref<1x120x512xf32, #tpu.memory_space<vmem>> -> memref<120x512xf32, #tpu.memory_space<vmem>>
    tpu.wait_dma2 semaphore(%arg8 : memref<!tpu.dma_semaphore, #tpu.memory_space<semaphore_mem>>) src(%dma_wait3A_1889 : memref<120x512xf32, #tpu.memory_space<vmem>>) dst(%dma_wait3A_1885 : memref<120x512xf32, #tpu.memory_space<hbm>>)
    %add3A_1890 = arith.constant 800 : i32
    %add3A_1891 = arith.addi %add3A, %add3A_1890 : i32
    %mul3A_1892 = arith.constant 120 : i32
    %mul3A_1893 = arith.muli %add3A_1891, %mul3A_1892 : i32
    %dma_start3A_1894 = arith.constant 1 : i32
    %dma_start3A_1895 = arith.constant 0 : i32
    %dma_start3A_1896 = arith.constant 0 : i32
    %dma_start3A_1897 = tpu.memref_slice %arg4[%dma_start3A_1894, %dma_start3A_1895, %dma_start3A_1896] : memref<2x120x512xf32, #tpu.memory_space<vmem>> -> memref<1x120x512xf32, #tpu.memory_space<vmem>>
    %dma_start3A_1898 = tpu.memref_squeeze %dma_start3A_1897 : memref<1x120x512xf32, #tpu.memory_space<vmem>> -> memref<120x512xf32, #tpu.memory_space<vmem>>
    %dma_start3A_1899 = arith.constant 0 : i32
    %dma_start3A_1900 = tpu.memref_slice %arg2[%mul3A_1893, %dma_start3A_1899] : memref<100000x512xf32, #tpu.memory_space<hbm>> -> memref<120x512xf32, #tpu.memory_space<hbm>>
    %dma_start3A_1901 = arith.constant 0 : i32
    %dma_start3A_1902 = arith.constant 0 : i32
    %dma_start3A_1903 = tpu.memref_slice %arg4[%dma_start3A_1894, %dma_start3A_1901, %dma_start3A_1902] : memref<2x120x512xf32, #tpu.memory_space<vmem>> -> memref<1x120x512xf32, #tpu.memory_space<vmem>>
    %dma_start3A_1904 = tpu.memref_squeeze %dma_start3A_1903 : memref<1x120x512xf32, #tpu.memory_space<vmem>> -> memref<120x512xf32, #tpu.memory_space<vmem>>
    %dma_start3A_1905 = arith.constant 0 : i32
    %dma_start3A_1906 = tpu.memref_slice %arg2[%mul3A_1893, %dma_start3A_1905] : memref<100000x512xf32, #tpu.memory_space<hbm>> -> memref<120x512xf32, #tpu.memory_space<hbm>>
    tpu.enqueue_dma source(%dma_start3A_1906 : memref<120x512xf32, #tpu.memory_space<hbm>>) target(%dma_start3A_1904 : memref<120x512xf32, #tpu.memory_space<vmem>>) target_semaphore(%arg6 : memref<!tpu.dma_semaphore, #tpu.memory_space<semaphore_mem>>)
    %add3A_1907 = arith.constant 768 : i32
    %add3A_1908 = arith.addi %add3A, %add3A_1907 : i32
    %mul3A_1909 = arith.constant 120 : i32
    %mul3A_1910 = arith.muli %add3A_1908, %mul3A_1909 : i32
    %dma_wait3A_1911 = arith.constant 0 : i32
    %dma_wait3A_1912 = arith.constant 0 : i32
    %dma_wait3A_1913 = arith.constant 0 : i32
    %dma_wait3A_1914 = tpu.memref_slice %arg4[%dma_wait3A_1911, %dma_wait3A_1912, %dma_wait3A_1913] : memref<2x120x512xf32, #tpu.memory_space<vmem>> -> memref<1x120x512xf32, #tpu.memory_space<vmem>>
    %dma_wait3A_1915 = tpu.memref_squeeze %dma_wait3A_1914 : memref<1x120x512xf32, #tpu.memory_space<vmem>> -> memref<120x512xf32, #tpu.memory_space<vmem>>
    %dma_wait3A_1916 = arith.constant 0 : i32
    %dma_wait3A_1917 = tpu.memref_slice %arg2[%mul3A_1910, %dma_wait3A_1916] : memref<100000x512xf32, #tpu.memory_space<hbm>> -> memref<120x512xf32, #tpu.memory_space<hbm>>
    %dma_wait3A_1918 = arith.constant 0 : i32
    %dma_wait3A_1919 = arith.constant 0 : i32
    %dma_wait3A_1920 = tpu.memref_slice %arg4[%dma_wait3A_1911, %dma_wait3A_1918, %dma_wait3A_1919] : memref<2x120x512xf32, #tpu.memory_space<vmem>> -> memref<1x120x512xf32, #tpu.memory_space<vmem>>
    %dma_wait3A_1921 = tpu.memref_squeeze %dma_wait3A_1920 : memref<1x120x512xf32, #tpu.memory_space<vmem>> -> memref<120x512xf32, #tpu.memory_space<vmem>>
    %dma_wait3A_1922 = arith.constant 0 : i32
    %dma_wait3A_1923 = tpu.memref_slice %arg2[%mul3A_1910, %dma_wait3A_1922] : memref<100000x512xf32, #tpu.memory_space<hbm>> -> memref<120x512xf32, #tpu.memory_space<hbm>>
    tpu.wait_dma2 semaphore(%arg5 : memref<!tpu.dma_semaphore, #tpu.memory_space<semaphore_mem>>) src(%dma_wait3A_1923 : memref<120x512xf32, #tpu.memory_space<hbm>>) dst(%dma_wait3A_1921 : memref<120x512xf32, #tpu.memory_space<vmem>>)
    %scan3A_1924 = arith.constant 0 : i32
    %scan3A_1925 = arith.constant 0 : i32
    %scan3A_1926 = arith.constant 60 : i32
    %scan3A_1927 = arith.addi %scan3A_1925, %scan3A_1926 : i32
    %scan3A_1928 = arith.constant 1 : i32
    scf.for %scan3A_2034 = %scan3A_1925 to %scan3A_1927 step %scan3A_1928  : i32 {
      %mul3A_2035 = arith.constant 2 : i32
      %mul3A_2036 = arith.muli %mul3A_2035, %scan3A_2034 : i32
      %add3A_2037 = vector.broadcast %mul3A_2036 : i32 to vector<16xi32>
      %add3A_2038 = arith.addi %select_n3A, %add3A_2037 : vector<16xi32>
      %scatter3A = arith.constant 0 : i32
      %scatter3A_2039 = arith.constant 0 : i32
      %scatter3A_2040 = arith.constant 0 : i32
      %scatter3A_2041 = tpu.memref_slice %arg4[%scatter3A, %scatter3A_2039, %scatter3A_2040] : memref<2x120x512xf32, #tpu.memory_space<vmem>> -> memref<1x120x512xf32, #tpu.memory_space<vmem>>
      %scatter3A_2042 = tpu.memref_squeeze %scatter3A_2041 : memref<1x120x512xf32, #tpu.memory_space<vmem>> -> memref<120x512xf32, #tpu.memory_space<vmem>>
      tpu.vector_store_idx %scatter3A_2042[%add3A_2038, %select_n3A_92], %convert_element_type3A : memref<120x512xf32, #tpu.memory_space<vmem>>[vector<16xi32>, vector<16xi32>], vector<16xf32>,
    }
    %scan3A_1929 = arith.constant 60 : i32
    %add3A_1930 = arith.constant 768 : i32
    %add3A_1931 = arith.addi %add3A, %add3A_1930 : i32
    %mul3A_1932 = arith.constant 120 : i32
    %mul3A_1933 = arith.muli %add3A_1931, %mul3A_1932 : i32
    %dma_start3A_1934 = arith.constant 0 : i32
    %dma_start3A_1935 = arith.constant 0 : i32
    %dma_start3A_1936 = arith.constant 0 : i32
    %dma_start3A_1937 = tpu.memref_slice %arg4[%dma_start3A_1934, %dma_start3A_1935, %dma_start3A_1936] : memref<2x120x512xf32, #tpu.memory_space<vmem>> -> memref<1x120x512xf32, #tpu.memory_space<vmem>>
    %dma_start3A_1938 = tpu.memref_squeeze %dma_start3A_1937 : memref<1x120x512xf32, #tpu.memory_space<vmem>> -> memref<120x512xf32, #tpu.memory_space<vmem>>
    %dma_start3A_1939 = arith.constant 0 : i32
    %dma_start3A_1940 = tpu.memref_slice %arg3[%mul3A_1933, %dma_start3A_1939] : memref<100000x512xf32, #tpu.memory_space<hbm>> -> memref<120x512xf32, #tpu.memory_space<hbm>>
    %dma_start3A_1941 = arith.constant 0 : i32
    %dma_start3A_1942 = tpu.memref_slice %arg3[%mul3A_1933, %dma_start3A_1941] : memref<100000x512xf32, #tpu.memory_space<hbm>> -> memref<120x512xf32, #tpu.memory_space<hbm>>
    %dma_start3A_1943 = arith.constant 0 : i32
    %dma_start3A_1944 = arith.constant 0 : i32
    %dma_start3A_1945 = tpu.memref_slice %arg4[%dma_start3A_1934, %dma_start3A_1943, %dma_start3A_1944] : memref<2x120x512xf32, #tpu.memory_space<vmem>> -> memref<1x120x512xf32, #tpu.memory_space<vmem>>
    %dma_start3A_1946 = tpu.memref_squeeze %dma_start3A_1945 : memref<1x120x512xf32, #tpu.memory_space<vmem>> -> memref<120x512xf32, #tpu.memory_space<vmem>>
    tpu.enqueue_dma source(%dma_start3A_1946 : memref<120x512xf32, #tpu.memory_space<vmem>>) target(%dma_start3A_1942 : memref<120x512xf32, #tpu.memory_space<hbm>>) target_semaphore(%arg7 : memref<!tpu.dma_semaphore, #tpu.memory_space<semaphore_mem>>)
    %add3A_1947 = arith.constant 768 : i32
    %add3A_1948 = arith.addi %add3A, %add3A_1947 : i32
    %mul3A_1949 = arith.constant 120 : i32
    %mul3A_1950 = arith.muli %add3A_1948, %mul3A_1949 : i32
    %dma_wait3A_1951 = arith.constant 0 : i32
    %dma_wait3A_1952 = arith.constant 0 : i32
    %dma_wait3A_1953 = arith.constant 0 : i32
    %dma_wait3A_1954 = tpu.memref_slice %arg4[%dma_wait3A_1951, %dma_wait3A_1952, %dma_wait3A_1953] : memref<2x120x512xf32, #tpu.memory_space<vmem>> -> memref<1x120x512xf32, #tpu.memory_space<vmem>>
    %dma_wait3A_1955 = tpu.memref_squeeze %dma_wait3A_1954 : memref<1x120x512xf32, #tpu.memory_space<vmem>> -> memref<120x512xf32, #tpu.memory_space<vmem>>
    %dma_wait3A_1956 = arith.constant 0 : i32
    %dma_wait3A_1957 = tpu.memref_slice %arg3[%mul3A_1950, %dma_wait3A_1956] : memref<100000x512xf32, #tpu.memory_space<hbm>> -> memref<120x512xf32, #tpu.memory_space<hbm>>
    %dma_wait3A_1958 = arith.constant 0 : i32
    %dma_wait3A_1959 = tpu.memref_slice %arg3[%mul3A_1950, %dma_wait3A_1958] : memref<100000x512xf32, #tpu.memory_space<hbm>> -> memref<120x512xf32, #tpu.memory_space<hbm>>
    %dma_wait3A_1960 = arith.constant 0 : i32
    %dma_wait3A_1961 = arith.constant 0 : i32
    %dma_wait3A_1962 = tpu.memref_slice %arg4[%dma_wait3A_1951, %dma_wait3A_1960, %dma_wait3A_1961] : memref<2x120x512xf32, #tpu.memory_space<vmem>> -> memref<1x120x512xf32, #tpu.memory_space<vmem>>
    %dma_wait3A_1963 = tpu.memref_squeeze %dma_wait3A_1962 : memref<1x120x512xf32, #tpu.memory_space<vmem>> -> memref<120x512xf32, #tpu.memory_space<vmem>>
    tpu.wait_dma2 semaphore(%arg7 : memref<!tpu.dma_semaphore, #tpu.memory_space<semaphore_mem>>) src(%dma_wait3A_1963 : memref<120x512xf32, #tpu.memory_space<vmem>>) dst(%dma_wait3A_1959 : memref<120x512xf32, #tpu.memory_space<hbm>>)
    %convert_element_type3A_1964 = arith.extui %lt3A_99 : i1 to i32
    %cond3A = arith.constant 0 : i32
    %cond3A_1965 = arith.cmpi ne, %convert_element_type3A_1964, %cond3A : i32
    scf.if %cond3A_1965 {
      %add3A_2034 = arith.constant 832 : i32
      %add3A_2035 = arith.addi %add3A, %add3A_2034 : i32
      %mul3A_2036 = arith.constant 120 : i32
      %mul3A_2037 = arith.muli %add3A_2035, %mul3A_2036 : i32
      %dma_start3A_2038 = arith.constant 0 : i32
      %dma_start3A_2039 = arith.constant 0 : i32
      %dma_start3A_2040 = arith.constant 0 : i32
      %dma_start3A_2041 = tpu.memref_slice %arg4[%dma_start3A_2038, %dma_start3A_2039, %dma_start3A_2040] : memref<2x120x512xf32, #tpu.memory_space<vmem>> -> memref<1x120x512xf32, #tpu.memory_space<vmem>>
      %dma_start3A_2042 = tpu.memref_squeeze %dma_start3A_2041 : memref<1x120x512xf32, #tpu.memory_space<vmem>> -> memref<120x512xf32, #tpu.memory_space<vmem>>
      %dma_start3A_2043 = arith.constant 0 : i32
      %dma_start3A_2044 = tpu.memref_slice %arg2[%mul3A_2037, %dma_start3A_2043] : memref<100000x512xf32, #tpu.memory_space<hbm>> -> memref<120x512xf32, #tpu.memory_space<hbm>>
      %dma_start3A_2045 = arith.constant 0 : i32
      %dma_start3A_2046 = arith.constant 0 : i32
      %dma_start3A_2047 = tpu.memref_slice %arg4[%dma_start3A_2038, %dma_start3A_2045, %dma_start3A_2046] : memref<2x120x512xf32, #tpu.memory_space<vmem>> -> memref<1x120x512xf32, #tpu.memory_space<vmem>>
      %dma_start3A_2048 = tpu.memref_squeeze %dma_start3A_2047 : memref<1x120x512xf32, #tpu.memory_space<vmem>> -> memref<120x512xf32, #tpu.memory_space<vmem>>
      %dma_start3A_2049 = arith.constant 0 : i32
      %dma_start3A_2050 = tpu.memref_slice %arg2[%mul3A_2037, %dma_start3A_2049] : memref<100000x512xf32, #tpu.memory_space<hbm>> -> memref<120x512xf32, #tpu.memory_space<hbm>>
      tpu.enqueue_dma source(%dma_start3A_2050 : memref<120x512xf32, #tpu.memory_space<hbm>>) target(%dma_start3A_2048 : memref<120x512xf32, #tpu.memory_space<vmem>>) target_semaphore(%arg5 : memref<!tpu.dma_semaphore, #tpu.memory_space<semaphore_mem>>)
    } else {
    }
    %add3A_1966 = arith.constant 800 : i32
    %add3A_1967 = arith.addi %add3A, %add3A_1966 : i32
    %mul3A_1968 = arith.constant 120 : i32
    %mul3A_1969 = arith.muli %add3A_1967, %mul3A_1968 : i32
    %dma_wait3A_1970 = arith.constant 1 : i32
    %dma_wait3A_1971 = arith.constant 0 : i32
    %dma_wait3A_1972 = arith.constant 0 : i32
    %dma_wait3A_1973 = tpu.memref_slice %arg4[%dma_wait3A_1970, %dma_wait3A_1971, %dma_wait3A_1972] : memref<2x120x512xf32, #tpu.memory_space<vmem>> -> memref<1x120x512xf32, #tpu.memory_space<vmem>>
    %dma_wait3A_1974 = tpu.memref_squeeze %dma_wait3A_1973 : memref<1x120x512xf32, #tpu.memory_space<vmem>> -> memref<120x512xf32, #tpu.memory_space<vmem>>
    %dma_wait3A_1975 = arith.constant 0 : i32
    %dma_wait3A_1976 = tpu.memref_slice %arg2[%mul3A_1969, %dma_wait3A_1975] : memref<100000x512xf32, #tpu.memory_space<hbm>> -> memref<120x512xf32, #tpu.memory_space<hbm>>
    %dma_wait3A_1977 = arith.constant 0 : i32
    %dma_wait3A_1978 = arith.constant 0 : i32
    %dma_wait3A_1979 = tpu.memref_slice %arg4[%dma_wait3A_1970, %dma_wait3A_1977, %dma_wait3A_1978] : memref<2x120x512xf32, #tpu.memory_space<vmem>> -> memref<1x120x512xf32, #tpu.memory_space<vmem>>
    %dma_wait3A_1980 = tpu.memref_squeeze %dma_wait3A_1979 : memref<1x120x512xf32, #tpu.memory_space<vmem>> -> memref<120x512xf32, #tpu.memory_space<vmem>>
    %dma_wait3A_1981 = arith.constant 0 : i32
    %dma_wait3A_1982 = tpu.memref_slice %arg2[%mul3A_1969, %dma_wait3A_1981] : memref<100000x512xf32, #tpu.memory_space<hbm>> -> memref<120x512xf32, #tpu.memory_space<hbm>>
    tpu.wait_dma2 semaphore(%arg6 : memref<!tpu.dma_semaphore, #tpu.memory_space<semaphore_mem>>) src(%dma_wait3A_1982 : memref<120x512xf32, #tpu.memory_space<hbm>>) dst(%dma_wait3A_1980 : memref<120x512xf32, #tpu.memory_space<vmem>>)
    %scan3A_1983 = arith.constant 0 : i32
    %scan3A_1984 = arith.constant 0 : i32
    %scan3A_1985 = arith.constant 60 : i32
    %scan3A_1986 = arith.addi %scan3A_1984, %scan3A_1985 : i32
    %scan3A_1987 = arith.constant 1 : i32
    scf.for %scan3A_2034 = %scan3A_1984 to %scan3A_1986 step %scan3A_1987  : i32 {
      %mul3A_2035 = arith.constant 2 : i32
      %mul3A_2036 = arith.muli %mul3A_2035, %scan3A_2034 : i32
      %add3A_2037 = vector.broadcast %mul3A_2036 : i32 to vector<16xi32>
      %add3A_2038 = arith.addi %select_n3A, %add3A_2037 : vector<16xi32>
      %scatter3A = arith.constant 1 : i32
      %scatter3A_2039 = arith.constant 0 : i32
      %scatter3A_2040 = arith.constant 0 : i32
      %scatter3A_2041 = tpu.memref_slice %arg4[%scatter3A, %scatter3A_2039, %scatter3A_2040] : memref<2x120x512xf32, #tpu.memory_space<vmem>> -> memref<1x120x512xf32, #tpu.memory_space<vmem>>
      %scatter3A_2042 = tpu.memref_squeeze %scatter3A_2041 : memref<1x120x512xf32, #tpu.memory_space<vmem>> -> memref<120x512xf32, #tpu.memory_space<vmem>>
      tpu.vector_store_idx %scatter3A_2042[%add3A_2038, %select_n3A_92], %convert_element_type3A : memref<120x512xf32, #tpu.memory_space<vmem>>[vector<16xi32>, vector<16xi32>], vector<16xf32>,
    }
    %scan3A_1988 = arith.constant 60 : i32
    %add3A_1989 = arith.constant 800 : i32
    %add3A_1990 = arith.addi %add3A, %add3A_1989 : i32
    %mul3A_1991 = arith.constant 120 : i32
    %mul3A_1992 = arith.muli %add3A_1990, %mul3A_1991 : i32
    %dma_start3A_1993 = arith.constant 1 : i32
    %dma_start3A_1994 = arith.constant 0 : i32
    %dma_start3A_1995 = arith.constant 0 : i32
    %dma_start3A_1996 = tpu.memref_slice %arg4[%dma_start3A_1993, %dma_start3A_1994, %dma_start3A_1995] : memref<2x120x512xf32, #tpu.memory_space<vmem>> -> memref<1x120x512xf32, #tpu.memory_space<vmem>>
    %dma_start3A_1997 = tpu.memref_squeeze %dma_start3A_1996 : memref<1x120x512xf32, #tpu.memory_space<vmem>> -> memref<120x512xf32, #tpu.memory_space<vmem>>
    %dma_start3A_1998 = arith.constant 0 : i32
    %dma_start3A_1999 = tpu.memref_slice %arg3[%mul3A_1992, %dma_start3A_1998] : memref<100000x512xf32, #tpu.memory_space<hbm>> -> memref<120x512xf32, #tpu.memory_space<hbm>>
    %dma_start3A_2000 = arith.constant 0 : i32
    %dma_start3A_2001 = tpu.memref_slice %arg3[%mul3A_1992, %dma_start3A_2000] : memref<100000x512xf32, #tpu.memory_space<hbm>> -> memref<120x512xf32, #tpu.memory_space<hbm>>
    %dma_start3A_2002 = arith.constant 0 : i32
    %dma_start3A_2003 = arith.constant 0 : i32
    %dma_start3A_2004 = tpu.memref_slice %arg4[%dma_start3A_1993, %dma_start3A_2002, %dma_start3A_2003] : memref<2x120x512xf32, #tpu.memory_space<vmem>> -> memref<1x120x512xf32, #tpu.memory_space<vmem>>
    %dma_start3A_2005 = tpu.memref_squeeze %dma_start3A_2004 : memref<1x120x512xf32, #tpu.memory_space<vmem>> -> memref<120x512xf32, #tpu.memory_space<vmem>>
    tpu.enqueue_dma source(%dma_start3A_2005 : memref<120x512xf32, #tpu.memory_space<vmem>>) target(%dma_start3A_2001 : memref<120x512xf32, #tpu.memory_space<hbm>>) target_semaphore(%arg8 : memref<!tpu.dma_semaphore, #tpu.memory_space<semaphore_mem>>)
    %convert_element_type3A_2006 = arith.extui %lt3A_99 : i1 to i32
    %cond3A_2007 = arith.constant 0 : i32
    %cond3A_2008 = arith.cmpi ne, %convert_element_type3A_2006, %cond3A_2007 : i32
    scf.if %cond3A_2008 {
      %add3A_2034 = arith.constant 832 : i32
      %add3A_2035 = arith.addi %add3A, %add3A_2034 : i32
      %mul3A_2036 = arith.constant 120 : i32
      %mul3A_2037 = arith.muli %add3A_2035, %mul3A_2036 : i32
      %dma_wait3A_2038 = arith.constant 0 : i32
      %dma_wait3A_2039 = arith.constant 0 : i32
      %dma_wait3A_2040 = arith.constant 0 : i32
      %dma_wait3A_2041 = tpu.memref_slice %arg4[%dma_wait3A_2038, %dma_wait3A_2039, %dma_wait3A_2040] : memref<2x120x512xf32, #tpu.memory_space<vmem>> -> memref<1x120x512xf32, #tpu.memory_space<vmem>>
      %dma_wait3A_2042 = tpu.memref_squeeze %dma_wait3A_2041 : memref<1x120x512xf32, #tpu.memory_space<vmem>> -> memref<120x512xf32, #tpu.memory_space<vmem>>
      %dma_wait3A_2043 = arith.constant 0 : i32
      %dma_wait3A_2044 = tpu.memref_slice %arg2[%mul3A_2037, %dma_wait3A_2043] : memref<100000x512xf32, #tpu.memory_space<hbm>> -> memref<120x512xf32, #tpu.memory_space<hbm>>
      %dma_wait3A_2045 = arith.constant 0 : i32
      %dma_wait3A_2046 = arith.constant 0 : i32
      %dma_wait3A_2047 = tpu.memref_slice %arg4[%dma_wait3A_2038, %dma_wait3A_2045, %dma_wait3A_2046] : memref<2x120x512xf32, #tpu.memory_space<vmem>> -> memref<1x120x512xf32, #tpu.memory_space<vmem>>
      %dma_wait3A_2048 = tpu.memref_squeeze %dma_wait3A_2047 : memref<1x120x512xf32, #tpu.memory_space<vmem>> -> memref<120x512xf32, #tpu.memory_space<vmem>>
      %dma_wait3A_2049 = arith.constant 0 : i32
      %dma_wait3A_2050 = tpu.memref_slice %arg2[%mul3A_2037, %dma_wait3A_2049] : memref<100000x512xf32, #tpu.memory_space<hbm>> -> memref<120x512xf32, #tpu.memory_space<hbm>>
      tpu.wait_dma2 semaphore(%arg5 : memref<!tpu.dma_semaphore, #tpu.memory_space<semaphore_mem>>) src(%dma_wait3A_2050 : memref<120x512xf32, #tpu.memory_space<hbm>>) dst(%dma_wait3A_2048 : memref<120x512xf32, #tpu.memory_space<vmem>>)
      %scan3A_2051 = arith.constant 0 : i32
      %scan3A_2052 = arith.constant 0 : i32
      %scan3A_2053 = arith.constant 60 : i32
      %scan3A_2054 = arith.addi %scan3A_2052, %scan3A_2053 : i32
      %scan3A_2055 = arith.constant 1 : i32
      scf.for %scan3A_2074 = %scan3A_2052 to %scan3A_2054 step %scan3A_2055  : i32 {
        %mul3A_2075 = arith.constant 2 : i32
        %mul3A_2076 = arith.muli %mul3A_2075, %scan3A_2074 : i32
        %add3A_2077 = vector.broadcast %mul3A_2076 : i32 to vector<16xi32>
        %add3A_2078 = arith.addi %select_n3A, %add3A_2077 : vector<16xi32>
        %scatter3A = arith.constant 0 : i32
        %scatter3A_2079 = arith.constant 0 : i32
        %scatter3A_2080 = arith.constant 0 : i32
        %scatter3A_2081 = tpu.memref_slice %arg4[%scatter3A, %scatter3A_2079, %scatter3A_2080] : memref<2x120x512xf32, #tpu.memory_space<vmem>> -> memref<1x120x512xf32, #tpu.memory_space<vmem>>
        %scatter3A_2082 = tpu.memref_squeeze %scatter3A_2081 : memref<1x120x512xf32, #tpu.memory_space<vmem>> -> memref<120x512xf32, #tpu.memory_space<vmem>>
        tpu.vector_store_idx %scatter3A_2082[%add3A_2078, %select_n3A_92], %convert_element_type3A : memref<120x512xf32, #tpu.memory_space<vmem>>[vector<16xi32>, vector<16xi32>], vector<16xf32>,
      }
      %scan3A_2056 = arith.constant 60 : i32
      %add3A_2057 = arith.constant 832 : i32
      %add3A_2058 = arith.addi %add3A, %add3A_2057 : i32
      %mul3A_2059 = arith.constant 120 : i32
      %mul3A_2060 = arith.muli %add3A_2058, %mul3A_2059 : i32
      %dma_start3A_2061 = arith.constant 0 : i32
      %dma_start3A_2062 = arith.constant 0 : i32
      %dma_start3A_2063 = arith.constant 0 : i32
      %dma_start3A_2064 = tpu.memref_slice %arg4[%dma_start3A_2061, %dma_start3A_2062, %dma_start3A_2063] : memref<2x120x512xf32, #tpu.memory_space<vmem>> -> memref<1x120x512xf32, #tpu.memory_space<vmem>>
      %dma_start3A_2065 = tpu.memref_squeeze %dma_start3A_2064 : memref<1x120x512xf32, #tpu.memory_space<vmem>> -> memref<120x512xf32, #tpu.memory_space<vmem>>
      %dma_start3A_2066 = arith.constant 0 : i32
      %dma_start3A_2067 = tpu.memref_slice %arg3[%mul3A_2060, %dma_start3A_2066] : memref<100000x512xf32, #tpu.memory_space<hbm>> -> memref<120x512xf32, #tpu.memory_space<hbm>>
      %dma_start3A_2068 = arith.constant 0 : i32
      %dma_start3A_2069 = tpu.memref_slice %arg3[%mul3A_2060, %dma_start3A_2068] : memref<100000x512xf32, #tpu.memory_space<hbm>> -> memref<120x512xf32, #tpu.memory_space<hbm>>
      %dma_start3A_2070 = arith.constant 0 : i32
      %dma_start3A_2071 = arith.constant 0 : i32
      %dma_start3A_2072 = tpu.memref_slice %arg4[%dma_start3A_2061, %dma_start3A_2070, %dma_start3A_2071] : memref<2x120x512xf32, #tpu.memory_space<vmem>> -> memref<1x120x512xf32, #tpu.memory_space<vmem>>
      %dma_start3A_2073 = tpu.memref_squeeze %dma_start3A_2072 : memref<1x120x512xf32, #tpu.memory_space<vmem>> -> memref<120x512xf32, #tpu.memory_space<vmem>>
      tpu.enqueue_dma source(%dma_start3A_2073 : memref<120x512xf32, #tpu.memory_space<vmem>>) target(%dma_start3A_2069 : memref<120x512xf32, #tpu.memory_space<hbm>>) target_semaphore(%arg7 : memref<!tpu.dma_semaphore, #tpu.memory_space<semaphore_mem>>)
    } else {
    }
    %add3A_2009 = arith.constant 800 : i32
    %add3A_2010 = arith.addi %add3A, %add3A_2009 : i32
    %mul3A_2011 = arith.constant 120 : i32
    %mul3A_2012 = arith.muli %add3A_2010, %mul3A_2011 : i32
    %dma_wait3A_2013 = arith.constant 1 : i32
    %dma_wait3A_2014 = arith.constant 0 : i32
    %dma_wait3A_2015 = arith.constant 0 : i32
    %dma_wait3A_2016 = tpu.memref_slice %arg4[%dma_wait3A_2013, %dma_wait3A_2014, %dma_wait3A_2015] : memref<2x120x512xf32, #tpu.memory_space<vmem>> -> memref<1x120x512xf32, #tpu.memory_space<vmem>>
    %dma_wait3A_2017 = tpu.memref_squeeze %dma_wait3A_2016 : memref<1x120x512xf32, #tpu.memory_space<vmem>> -> memref<120x512xf32, #tpu.memory_space<vmem>>
    %dma_wait3A_2018 = arith.constant 0 : i32
    %dma_wait3A_2019 = tpu.memref_slice %arg3[%mul3A_2012, %dma_wait3A_2018] : memref<100000x512xf32, #tpu.memory_space<hbm>> -> memref<120x512xf32, #tpu.memory_space<hbm>>
    %dma_wait3A_2020 = arith.constant 0 : i32
    %dma_wait3A_2021 = tpu.memref_slice %arg3[%mul3A_2012, %dma_wait3A_2020] : memref<100000x512xf32, #tpu.memory_space<hbm>> -> memref<120x512xf32, #tpu.memory_space<hbm>>
    %dma_wait3A_2022 = arith.constant 0 : i32
    %dma_wait3A_2023 = arith.constant 0 : i32
    %dma_wait3A_2024 = tpu.memref_slice %arg4[%dma_wait3A_2013, %dma_wait3A_2022, %dma_wait3A_2023] : memref<2x120x512xf32, #tpu.memory_space<vmem>> -> memref<1x120x512xf32, #tpu.memory_space<vmem>>
    %dma_wait3A_2025 = tpu.memref_squeeze %dma_wait3A_2024 : memref<1x120x512xf32, #tpu.memory_space<vmem>> -> memref<120x512xf32, #tpu.memory_space<vmem>>
    tpu.wait_dma2 semaphore(%arg8 : memref<!tpu.dma_semaphore, #tpu.memory_space<semaphore_mem>>) src(%dma_wait3A_2025 : memref<120x512xf32, #tpu.memory_space<vmem>>) dst(%dma_wait3A_2021 : memref<120x512xf32, #tpu.memory_space<hbm>>)
    %convert_element_type3A_2026 = arith.extui %lt3A_99 : i1 to i32
    %cond3A_2027 = arith.constant 0 : i32
    %cond3A_2028 = arith.cmpi ne, %convert_element_type3A_2026, %cond3A_2027 : i32
    scf.if %cond3A_2028 {
      %add3A_2034 = arith.constant 832 : i32
      %add3A_2035 = arith.addi %add3A, %add3A_2034 : i32
      %mul3A_2036 = arith.constant 120 : i32
      %mul3A_2037 = arith.muli %add3A_2035, %mul3A_2036 : i32
      %dma_wait3A_2038 = arith.constant 0 : i32
      %dma_wait3A_2039 = arith.constant 0 : i32
      %dma_wait3A_2040 = arith.constant 0 : i32
      %dma_wait3A_2041 = tpu.memref_slice %arg4[%dma_wait3A_2038, %dma_wait3A_2039, %dma_wait3A_2040] : memref<2x120x512xf32, #tpu.memory_space<vmem>> -> memref<1x120x512xf32, #tpu.memory_space<vmem>>
      %dma_wait3A_2042 = tpu.memref_squeeze %dma_wait3A_2041 : memref<1x120x512xf32, #tpu.memory_space<vmem>> -> memref<120x512xf32, #tpu.memory_space<vmem>>
      %dma_wait3A_2043 = arith.constant 0 : i32
      %dma_wait3A_2044 = tpu.memref_slice %arg3[%mul3A_2037, %dma_wait3A_2043] : memref<100000x512xf32, #tpu.memory_space<hbm>> -> memref<120x512xf32, #tpu.memory_space<hbm>>
      %dma_wait3A_2045 = arith.constant 0 : i32
      %dma_wait3A_2046 = tpu.memref_slice %arg3[%mul3A_2037, %dma_wait3A_2045] : memref<100000x512xf32, #tpu.memory_space<hbm>> -> memref<120x512xf32, #tpu.memory_space<hbm>>
      %dma_wait3A_2047 = arith.constant 0 : i32
      %dma_wait3A_2048 = arith.constant 0 : i32
      %dma_wait3A_2049 = tpu.memref_slice %arg4[%dma_wait3A_2038, %dma_wait3A_2047, %dma_wait3A_2048] : memref<2x120x512xf32, #tpu.memory_space<vmem>> -> memref<1x120x512xf32, #tpu.memory_space<vmem>>
      %dma_wait3A_2050 = tpu.memref_squeeze %dma_wait3A_2049 : memref<1x120x512xf32, #tpu.memory_space<vmem>> -> memref<120x512xf32, #tpu.memory_space<vmem>>
      tpu.wait_dma2 semaphore(%arg7 : memref<!tpu.dma_semaphore, #tpu.memory_space<semaphore_mem>>) src(%dma_wait3A_2050 : memref<120x512xf32, #tpu.memory_space<vmem>>) dst(%dma_wait3A_2046 : memref<120x512xf32, #tpu.memory_space<hbm>>)
    } else {
    }
    %eq3A_2029 = arith.constant 31 : i32
    %eq3A_2030 = arith.cmpi eq, %add3A, %eq3A_2029 : i32
    %convert_element_type3A_2031 = arith.extui %eq3A_2030 : i1 to i32
    %cond3A_2032 = arith.constant 0 : i32
    %cond3A_2033 = arith.cmpi ne, %convert_element_type3A_2031, %cond3A_2032 : i32
    scf.if %cond3A_2033 {
      %dma_start3A_2034 = arith.constant 0 : i32
      %dma_start3A_2035 = arith.constant 0 : i32
      %dma_start3A_2036 = arith.constant 0 : i32
      %dma_start3A_2037 = tpu.memref_slice %arg4[%dma_start3A_2034, %dma_start3A_2035, %dma_start3A_2036] : memref<2x120x512xf32, #tpu.memory_space<vmem>> -> memref<1x120x512xf32, #tpu.memory_space<vmem>>
      %dma_start3A_2038 = tpu.memref_squeeze %dma_start3A_2037 : memref<1x120x512xf32, #tpu.memory_space<vmem>> -> memref<120x512xf32, #tpu.memory_space<vmem>>
      %dma_start3A_2039 = arith.constant 0 : i32
      %dma_start3A_2040 = arith.constant 0 : i32
      %dma_start3A_2041 = tpu.memref_slice %dma_start3A_2038[%dma_start3A_2039, %dma_start3A_2040] : memref<120x512xf32, #tpu.memory_space<vmem>> -> memref<40x512xf32, #tpu.memory_space<vmem>>
      %dma_start3A_2042 = arith.constant 99960 : i32
      %dma_start3A_2043 = arith.constant 0 : i32
      %dma_start3A_2044 = tpu.memref_slice %arg2[%dma_start3A_2042, %dma_start3A_2043] : memref<100000x512xf32, #tpu.memory_space<hbm>> -> memref<40x512xf32, #tpu.memory_space<hbm>>
      %dma_start3A_2045 = arith.constant 0 : i32
      %dma_start3A_2046 = arith.constant 0 : i32
      %dma_start3A_2047 = tpu.memref_slice %arg4[%dma_start3A_2034, %dma_start3A_2045, %dma_start3A_2046] : memref<2x120x512xf32, #tpu.memory_space<vmem>> -> memref<1x120x512xf32, #tpu.memory_space<vmem>>
      %dma_start3A_2048 = tpu.memref_squeeze %dma_start3A_2047 : memref<1x120x512xf32, #tpu.memory_space<vmem>> -> memref<120x512xf32, #tpu.memory_space<vmem>>
      %dma_start3A_2049 = arith.constant 0 : i32
      %dma_start3A_2050 = arith.constant 0 : i32
      %dma_start3A_2051 = tpu.memref_slice %dma_start3A_2048[%dma_start3A_2049, %dma_start3A_2050] : memref<120x512xf32, #tpu.memory_space<vmem>> -> memref<40x512xf32, #tpu.memory_space<vmem>>
      %dma_start3A_2052 = arith.constant 99960 : i32
      %dma_start3A_2053 = arith.constant 0 : i32
      %dma_start3A_2054 = tpu.memref_slice %arg2[%dma_start3A_2052, %dma_start3A_2053] : memref<100000x512xf32, #tpu.memory_space<hbm>> -> memref<40x512xf32, #tpu.memory_space<hbm>>
      tpu.enqueue_dma source(%dma_start3A_2054 : memref<40x512xf32, #tpu.memory_space<hbm>>) target(%dma_start3A_2051 : memref<40x512xf32, #tpu.memory_space<vmem>>) target_semaphore(%arg5 : memref<!tpu.dma_semaphore, #tpu.memory_space<semaphore_mem>>)
      %dma_wait3A_2055 = arith.constant 0 : i32
      %dma_wait3A_2056 = arith.constant 0 : i32
      %dma_wait3A_2057 = arith.constant 0 : i32
      %dma_wait3A_2058 = tpu.memref_slice %arg4[%dma_wait3A_2055, %dma_wait3A_2056, %dma_wait3A_2057] : memref<2x120x512xf32, #tpu.memory_space<vmem>> -> memref<1x120x512xf32, #tpu.memory_space<vmem>>
      %dma_wait3A_2059 = tpu.memref_squeeze %dma_wait3A_2058 : memref<1x120x512xf32, #tpu.memory_space<vmem>> -> memref<120x512xf32, #tpu.memory_space<vmem>>
      %dma_wait3A_2060 = arith.constant 0 : i32
      %dma_wait3A_2061 = arith.constant 0 : i32
      %dma_wait3A_2062 = tpu.memref_slice %dma_wait3A_2059[%dma_wait3A_2060, %dma_wait3A_2061] : memref<120x512xf32, #tpu.memory_space<vmem>> -> memref<40x512xf32, #tpu.memory_space<vmem>>
      %dma_wait3A_2063 = arith.constant 99960 : i32
      %dma_wait3A_2064 = arith.constant 0 : i32
      %dma_wait3A_2065 = tpu.memref_slice %arg2[%dma_wait3A_2063, %dma_wait3A_2064] : memref<100000x512xf32, #tpu.memory_space<hbm>> -> memref<40x512xf32, #tpu.memory_space<hbm>>
      %dma_wait3A_2066 = arith.constant 0 : i32
      %dma_wait3A_2067 = arith.constant 0 : i32
      %dma_wait3A_2068 = tpu.memref_slice %arg4[%dma_wait3A_2055, %dma_wait3A_2066, %dma_wait3A_2067] : memref<2x120x512xf32, #tpu.memory_space<vmem>> -> memref<1x120x512xf32, #tpu.memory_space<vmem>>
      %dma_wait3A_2069 = tpu.memref_squeeze %dma_wait3A_2068 : memref<1x120x512xf32, #tpu.memory_space<vmem>> -> memref<120x512xf32, #tpu.memory_space<vmem>>
      %dma_wait3A_2070 = arith.constant 0 : i32
      %dma_wait3A_2071 = arith.constant 0 : i32
      %dma_wait3A_2072 = tpu.memref_slice %dma_wait3A_2069[%dma_wait3A_2070, %dma_wait3A_2071] : memref<120x512xf32, #tpu.memory_space<vmem>> -> memref<40x512xf32, #tpu.memory_space<vmem>>
      %dma_wait3A_2073 = arith.constant 99960 : i32
      %dma_wait3A_2074 = arith.constant 0 : i32
      %dma_wait3A_2075 = tpu.memref_slice %arg2[%dma_wait3A_2073, %dma_wait3A_2074] : memref<100000x512xf32, #tpu.memory_space<hbm>> -> memref<40x512xf32, #tpu.memory_space<hbm>>
      tpu.wait_dma2 semaphore(%arg5 : memref<!tpu.dma_semaphore, #tpu.memory_space<semaphore_mem>>) src(%dma_wait3A_2075 : memref<40x512xf32, #tpu.memory_space<hbm>>) dst(%dma_wait3A_2072 : memref<40x512xf32, #tpu.memory_space<vmem>>)
      %scan3A_2076 = arith.constant 0 : i32
      %scan3A_2077 = arith.constant 0 : i32
      %scan3A_2078 = arith.constant 20 : i32
      %scan3A_2079 = arith.addi %scan3A_2077, %scan3A_2078 : i32
      %scan3A_2080 = arith.constant 1 : i32
      scf.for %scan3A_2124 = %scan3A_2077 to %scan3A_2079 step %scan3A_2080  : i32 {
        %mul3A_2125 = arith.constant 2 : i32
        %mul3A_2126 = arith.muli %mul3A_2125, %scan3A_2124 : i32
        %add3A_2127 = vector.broadcast %mul3A_2126 : i32 to vector<16xi32>
        %add3A_2128 = arith.addi %select_n3A, %add3A_2127 : vector<16xi32>
        %scatter3A = arith.constant 0 : i32
        %scatter3A_2129 = arith.constant 0 : i32
        %scatter3A_2130 = arith.constant 0 : i32
        %scatter3A_2131 = tpu.memref_slice %arg4[%scatter3A, %scatter3A_2129, %scatter3A_2130] : memref<2x120x512xf32, #tpu.memory_space<vmem>> -> memref<1x120x512xf32, #tpu.memory_space<vmem>>
        %scatter3A_2132 = tpu.memref_squeeze %scatter3A_2131 : memref<1x120x512xf32, #tpu.memory_space<vmem>> -> memref<120x512xf32, #tpu.memory_space<vmem>>
        tpu.vector_store_idx %scatter3A_2132[%add3A_2128, %select_n3A_92], %convert_element_type3A : memref<120x512xf32, #tpu.memory_space<vmem>>[vector<16xi32>, vector<16xi32>], vector<16xf32>,
      }
      %scan3A_2081 = arith.constant 20 : i32
      %dma_start3A_2082 = arith.constant 0 : i32
      %dma_start3A_2083 = arith.constant 0 : i32
      %dma_start3A_2084 = arith.constant 0 : i32
      %dma_start3A_2085 = tpu.memref_slice %arg4[%dma_start3A_2082, %dma_start3A_2083, %dma_start3A_2084] : memref<2x120x512xf32, #tpu.memory_space<vmem>> -> memref<1x120x512xf32, #tpu.memory_space<vmem>>
      %dma_start3A_2086 = tpu.memref_squeeze %dma_start3A_2085 : memref<1x120x512xf32, #tpu.memory_space<vmem>> -> memref<120x512xf32, #tpu.memory_space<vmem>>
      %dma_start3A_2087 = arith.constant 0 : i32
      %dma_start3A_2088 = arith.constant 0 : i32
      %dma_start3A_2089 = tpu.memref_slice %dma_start3A_2086[%dma_start3A_2087, %dma_start3A_2088] : memref<120x512xf32, #tpu.memory_space<vmem>> -> memref<40x512xf32, #tpu.memory_space<vmem>>
      %dma_start3A_2090 = arith.constant 99960 : i32
      %dma_start3A_2091 = arith.constant 0 : i32
      %dma_start3A_2092 = tpu.memref_slice %arg3[%dma_start3A_2090, %dma_start3A_2091] : memref<100000x512xf32, #tpu.memory_space<hbm>> -> memref<40x512xf32, #tpu.memory_space<hbm>>
      %dma_start3A_2093 = arith.constant 99960 : i32
      %dma_start3A_2094 = arith.constant 0 : i32
      %dma_start3A_2095 = tpu.memref_slice %arg3[%dma_start3A_2093, %dma_start3A_2094] : memref<100000x512xf32, #tpu.memory_space<hbm>> -> memref<40x512xf32, #tpu.memory_space<hbm>>
      %dma_start3A_2096 = arith.constant 0 : i32
      %dma_start3A_2097 = arith.constant 0 : i32
      %dma_start3A_2098 = tpu.memref_slice %arg4[%dma_start3A_2082, %dma_start3A_2096, %dma_start3A_2097] : memref<2x120x512xf32, #tpu.memory_space<vmem>> -> memref<1x120x512xf32, #tpu.memory_space<vmem>>
      %dma_start3A_2099 = tpu.memref_squeeze %dma_start3A_2098 : memref<1x120x512xf32, #tpu.memory_space<vmem>> -> memref<120x512xf32, #tpu.memory_space<vmem>>
      %dma_start3A_2100 = arith.constant 0 : i32
      %dma_start3A_2101 = arith.constant 0 : i32
      %dma_start3A_2102 = tpu.memref_slice %dma_start3A_2099[%dma_start3A_2100, %dma_start3A_2101] : memref<120x512xf32, #tpu.memory_space<vmem>> -> memref<40x512xf32, #tpu.memory_space<vmem>>
      tpu.enqueue_dma source(%dma_start3A_2102 : memref<40x512xf32, #tpu.memory_space<vmem>>) target(%dma_start3A_2095 : memref<40x512xf32, #tpu.memory_space<hbm>>) target_semaphore(%arg7 : memref<!tpu.dma_semaphore, #tpu.memory_space<semaphore_mem>>)
      %dma_wait3A_2103 = arith.constant 0 : i32
      %dma_wait3A_2104 = arith.constant 0 : i32
      %dma_wait3A_2105 = arith.constant 0 : i32
      %dma_wait3A_2106 = tpu.memref_slice %arg4[%dma_wait3A_2103, %dma_wait3A_2104, %dma_wait3A_2105] : memref<2x120x512xf32, #tpu.memory_space<vmem>> -> memref<1x120x512xf32, #tpu.memory_space<vmem>>
      %dma_wait3A_2107 = tpu.memref_squeeze %dma_wait3A_2106 : memref<1x120x512xf32, #tpu.memory_space<vmem>> -> memref<120x512xf32, #tpu.memory_space<vmem>>
      %dma_wait3A_2108 = arith.constant 0 : i32
      %dma_wait3A_2109 = arith.constant 0 : i32
      %dma_wait3A_2110 = tpu.memref_slice %dma_wait3A_2107[%dma_wait3A_2108, %dma_wait3A_2109] : memref<120x512xf32, #tpu.memory_space<vmem>> -> memref<40x512xf32, #tpu.memory_space<vmem>>
      %dma_wait3A_2111 = arith.constant 99960 : i32
      %dma_wait3A_2112 = arith.constant 0 : i32
      %dma_wait3A_2113 = tpu.memref_slice %arg3[%dma_wait3A_2111, %dma_wait3A_2112] : memref<100000x512xf32, #tpu.memory_space<hbm>> -> memref<40x512xf32, #tpu.memory_space<hbm>>
      %dma_wait3A_2114 = arith.constant 99960 : i32
      %dma_wait3A_2115 = arith.constant 0 : i32
      %dma_wait3A_2116 = tpu.memref_slice %arg3[%dma_wait3A_2114, %dma_wait3A_2115] : memref<100000x512xf32, #tpu.memory_space<hbm>> -> memref<40x512xf32, #tpu.memory_space<hbm>>
      %dma_wait3A_2117 = arith.constant 0 : i32
      %dma_wait3A_2118 = arith.constant 0 : i32
      %dma_wait3A_2119 = tpu.memref_slice %arg4[%dma_wait3A_2103, %dma_wait3A_2117, %dma_wait3A_2118] : memref<2x120x512xf32, #tpu.memory_space<vmem>> -> memref<1x120x512xf32, #tpu.memory_space<vmem>>
      %dma_wait3A_2120 = tpu.memref_squeeze %dma_wait3A_2119 : memref<1x120x512xf32, #tpu.memory_space<vmem>> -> memref<120x512xf32, #tpu.memory_space<vmem>>
      %dma_wait3A_2121 = arith.constant 0 : i32
      %dma_wait3A_2122 = arith.constant 0 : i32
      %dma_wait3A_2123 = tpu.memref_slice %dma_wait3A_2120[%dma_wait3A_2121, %dma_wait3A_2122] : memref<120x512xf32, #tpu.memory_space<vmem>> -> memref<40x512xf32, #tpu.memory_space<vmem>>
      tpu.wait_dma2 semaphore(%arg7 : memref<!tpu.dma_semaphore, #tpu.memory_space<semaphore_mem>>) src(%dma_wait3A_2123 : memref<40x512xf32, #tpu.memory_space<vmem>>) dst(%dma_wait3A_2116 : memref<40x512xf32, #tpu.memory_space<hbm>>)
    } else {
    }
    return
  }
}

</mosaic_0001>

<sc_bundles>
// kernel: kernel.3.cloned.1.call-start
scs
__scs_entry_jumppad:
0x0: {  	(pc) =	sbr.rel $0x88, $3  }
0x1: {  	(tag) =	ssettag $0x0;
	lr =	simm.s32 $0x1  }
0x2: {  	[smem:$0x3FA0] =	sst lr;
	_ =	strace $0xD0000000  }
0x3: {  	_ = 	snop  }
0x4: {  	_ = 	snop  }
0x5: {  	_ = 	snop  }
0x6: {  	_ = 	snop  }
0x7: {  	_ = 	snop  }
__scs_overlays_trampoline_lowered:
0x8: {  	[smem:$0x3FAF] =	sst s0  }
0x9: {  	[smem:$0x3FB0] =	sst s1  }
0xa: {  	[smem:$0x3FB1] =	sst s2  }
0xb: {  	[smem:$0x3FB2] =	sst s3  }
0xc: {  	[smem:$0x3FB3] =	sst s4  }
0xd: {  	[smem:$0x3FB4] =	sst s5  }
0xe: {  	[smem:$0x3FB5] =	sst s6  }
0xf: {  	[smem:$0x3FB6] =	sst s7  }
0x10: {  	[smem:$0x3FB7] =	sst s8  }
0x11: {  	[smem:$0x3FB8] =	sst s9;
	s0 =	simm.s32 @!p0 $0x0  }
0x12: {  	s1 =	sld [smem:$0x3F9E];
	s0 =	simm.s32 @p0 $0x1  }
0x13: {  	[smem:$0x3FB9] =	sst s0;
	s0 =	simm.s32 @!p1 $0x0  }
0x14: {  	s2 =	sld [smem:$0x3F9D];
	s0 =	simm.s32 @p1 $0x1  }
0x15: {  	[smem:$0x3FBA] =	sst s0;
	s0 =	simm.s32 @!p2 $0x0  }
0x16: {  	s3 =	sld [smem:$0x3FDB];
	s0 =	simm.s32 @p2 $0x1  }
0x17: {  	s4 =	simm.s32 $0x1BF5;
	[smem:$0x3FBC] =	sst s0  }
0x18: {  	s0 =	sld [smem:$0x3F9F];
	_ =	swait.ge [sflag:s4], $0x0  }
0x19: {  	s7 =	sld [smem:$0x3FA0]  }
0x1a: {  	s8 =	sadd.s32 $0xFFFFE003, lr  }
0x1b: {  	s9 =	sadd.s32 $0xFFFFFEF7, lr;
	s5 =	simm.s32 $0xFFFFFFFF;
	p2 =	slt.u32 s8, $0xFFFFF086  }
0x1c: {  	p1 =	slt.u32 s9, $0xF7A;
	s5 =	simm.s32 @!p2 $0x0  }
0x1d: {  	s5 =	simm.s32 @p1 $0x1;
	p0 =	seq.s32 s7, s2  }
0x1e: {  	s7 =	smul.u32 @!p0 $0xF7A, s2;
	p2 =	seq.s32 @!p0 s5, $0x0  }
0x1f: {  	s9 =	smul.u32 $0xF7A, s1;
	s8 =	simm.s32 @!p0 $0x1BF5;
	p2 =	por !p2, p0  }
0x20: {  	[sflag:s8] =	ssyncset.s32 @!p0 $0xFFFFF086;
	s6 =	sadd.s32 @!p0 s3, s7;
	s7 =	simm.s32 @!p0 $0x108  }
0x21: {  	s3 =	sadd.s32 s3, s9;
	s6 =	sadd.s32 @!p0 $0x88, s6;
	s7 =	simm.s32 @p2 $0x1082  }
0x22: {  	[simem:s7], [sflag:s8] =	dma.local @!p0 [hbm:s6], $0xF7A  }
0x23: {  	s9 =	sor.u32 $0xD0000000, s2;
	s6 =	simm.s32 $0x108;
	_ =	swait.ge @!p0 [sflag:s8], $0x0  }
0x24: {  	s3 =	sadd.s32 $0x88, s3;
	s6 =	simm.s32 @!p1 $0x1082;
	[sflag:s4] =	ssyncset.s32 $0xFFFFF086  }
0x25: {  	[simem:s6], [sflag:s4] =	dma.local [hbm:s3], $0xF7A  }
0x26: {  	[smem:$0x3FA0] =	sst s1;
	(tag) =	ssettag s2;
	_ =	strace s9  }
0x27: {  	s1 =	sld [smem:$0x3FB0]  }
0x28: {  	s2 =	sld [smem:$0x3FB1]  }
0x29: {  	s4 =	sld [smem:$0x3FB3]  }
0x2a: {  	p0 =	seq.s32 s5, $0x0;
	s5 =	sld [smem:$0x3FB4]  }
0x2b: {  	s6 =	sld [smem:$0x3FB5]  }
0x2c: {  	s7 =	sld [smem:$0x3FB6]  }
0x2d: {  	s3 =	simm.s32 $0x108;
	s8 =	sld [smem:$0x3FB7]  }
0x2e: {  	s3 =	simm.s32 @!p0 $0x1082;
	s9 =	sld [smem:$0x3FB8]  }
0x2f: {  	lr =	sadd.s32 s0, s3;
	s0 =	sld [smem:$0x3FAF]  }
0x30: {  	s3 =	sld [smem:$0x3FB2]  }
0x31: {  	[smem:$0x3FBB] =	sst s10  }
0x32: {  	s10 =	sld [smem:$0x3FB9];
	_ =	sdelay $0x3  }
0x33: {  	p0 =	seq.s32 s10, $0x1;
	s10 =	sld [smem:$0x3FBB];
	_ =	sdelay $0x3  }
0x34: {  	[smem:$0x3FBB] =	sst s10  }
0x35: {  	s10 =	sld [smem:$0x3FBA];
	_ =	sdelay $0x3  }
0x36: {  	p1 =	seq.s32 s10, $0x1;
	s10 =	sld [smem:$0x3FBB];
	_ =	sdelay $0x3  }
0x37: {  	[smem:$0x3FBB] =	sst s10  }
0x38: {  	s10 =	sld [smem:$0x3FBC]  }
0x39: {  	_ = 	snop;
	(pc) =	sbr.ind lr, $3  }
0x3a: {  	_ = 	snop  }
0x3b: {  	_ = 	snop  }
0x3c: {  	p2 =	seq.s32 s10, $0x1;
	s10 =	sld [smem:$0x3FBB]  }
0x3d: {  	_ =	shalt  }
0x3e: {  	_ =	shalt  }
0x3f: {  	_ =	shalt  }
0x40: {  	_ =	shalt  }
0x41: {  	_ =	shalt  }
0x42: {  	_ =	shalt  }
0x43: {  	_ =	shalt  }
0x44: {  	_ =	shalt  }
0x45: {  	_ =	shalt  }
0x46: {  	_ =	shalt  }
0x47: {  	_ =	shalt  }
0x48: {  	_ =	shalt  }
0x49: {  	_ =	shalt  }
0x4a: {  	_ =	shalt  }
0x4b: {  	_ =	shalt  }
0x4c: {  	_ =	shalt  }
0x4d: {  	_ =	shalt  }
0x4e: {  	_ =	shalt  }
0x4f: {  	_ =	shalt  }
0x50: {  	_ =	shalt  }
0x51: {  	_ =	shalt  }
0x52: {  	_ =	shalt  }
0x53: {  	_ =	shalt  }
0x54: {  	_ =	shalt  }
0x55: {  	_ =	shalt  }
0x56: {  	_ =	shalt  }
0x57: {  	_ =	shalt  }
0x58: {  	_ =	shalt  }
0x59: {  	_ =	shalt  }
0x5a: {  	_ =	shalt  }
0x5b: {  	_ =	shalt  }
0x5c: {  	_ =	shalt  }
0x5d: {  	_ =	shalt  }
0x5e: {  	_ =	shalt  }
0x5f: {  	_ =	shalt  }
0x60: {  	_ =	shalt  }
0x61: {  	_ =	shalt  }
0x62: {  	_ =	shalt  }
0x63: {  	_ =	shalt  }
0x64: {  	_ =	shalt  }
0x65: {  	_ =	shalt  }
0x66: {  	_ =	shalt  }
0x67: {  	_ =	shalt  }
0x68: {  	_ =	shalt  }
0x69: {  	_ =	shalt  }
0x6a: {  	_ =	shalt  }
0x6b: {  	_ =	shalt  }
0x6c: {  	_ =	shalt  }
0x6d: {  	_ =	shalt  }
0x6e: {  	_ =	shalt  }
0x6f: {  	_ =	shalt  }
0x70: {  	_ =	shalt  }
0x71: {  	_ =	shalt  }
0x72: {  	_ =	shalt  }
0x73: {  	_ =	shalt  }
0x74: {  	_ =	shalt  }
0x75: {  	_ =	shalt  }
0x76: {  	_ =	shalt  }
0x77: {  	_ =	shalt  }
0x78: {  	_ =	shalt  }
0x79: {  	_ =	shalt  }
0x7a: {  	_ =	shalt  }
0x7b: {  	_ =	shalt  }
0x7c: {  	_ =	shalt  }
0x7d: {  	_ =	shalt  }
0x7e: {  	_ =	shalt  }
0x7f: {  	_ =	shalt  }
0x80: {  	_ =	shalt  }
0x81: {  	_ =	shalt  }
0x82: {  	_ =	shalt  }
0x83: {  	_ =	shalt  }
0x84: {  	_ =	shalt  }
0x85: {  	_ =	shalt  }
0x86: {  	_ =	shalt  }
0x87: {  	_ =	shalt  }
.Lfunc_end0:
.L_simem_size_0:
called_computation_lowered:
.L_overlay_start_0:
0x88: {  	s2 =	sld [smem:$0x3FD9]  }
0x89: {  	s3 =	sld [smem:$0x3FFE];
	_ =	sdelay $0x1  }
0x8a: {  	s1 =	srdreg.scid  }
0x8b: {  	s0 =	sand.u32 $0x1, s1  }
0x8c: {  	s18 =	sshll.u32 s0, $0xA;
	s2 =	sadd.s32 s3, s2  }
0x8d: {  	s2 =	sadd.s32 s2, s18  }
0x8e: {  	[smem:$0x3FC7] =	sst s2  }
0x8f: {  	_ = 	snop  }
0x90: {  	s2 =	sld [smem:$0x3FC9]  }
0x91: {  	s19 =	sld [smem:$0x3FD0];
	(tm) =	ssettm $0x1  }
0x92: {  	s4 =	sld [smem:$0x3FFB];
	_ =	sdelay $0x3  }
0x93: {  	_ =	strace s4  }
0x94: {  	s4 =	sld [smem:$0x3FFC];
	_ =	sdelay $0x3  }
0x95: {  	_ =	strace s4  }
0x96: {  	s4 =	sld [smem:$0x3FFD];
	_ =	sdelay $0x3  }
0x97: {  	_ =	strace s4  }
0x98: {  	_ =	strace $0x8FFFFFFF  }
0x99: {  	s20 =	sld [smem:$0x3FDB];
	_ =	sdelay $0x1  }
0x9a: {  	s5 =	simm.s32 $_scs_section_size  }
0x9b: {  	s6 =	simm.s32 $_size__tile_overlayer_lowered;
	s7 =	simm.s32 $_tile_overlayer_lowered  }
0x9c: {  	s23 =	simm.s32 $0x1BFF;
	s22 =	sshll.u32 s7, $0x1;
	s4 =	sadd.s32 s5, s20  }
0x9d: {  	s8 =	simm.s32 $0x0;
	s21 =	sshll.u32 s6, $0x1;
	s6 =	sadd.s32 s22, s4  }
0x9e: {  	[timem:s8], [sflag:s23] =	dma.local [hbm:s6], s21  }
0x9f: {  	_ =	swait.ge [sflag:s23], s21  }
0xa0: {  	s5 =	ssub.s32 $0x0, s21;
	[sflag:s23] =	ssyncset.done $0x0  }
0xa1: {  	[sflag:s23] =	ssyncadd.s32 s5;
	_ =	sdelay $0x1  }
0xa2: {  	s24 =	simm.s32 $0x1B8B  }
0xa3: {  	_ =	swait.ge [sflag:s24], $0x1  }
0xa4: {  	[sflag:s24] =	ssyncset.done $0x0  }
0xa5: {  	s25 =	simm.s32 $0x1B8E;
	[sflag:s24] =	ssyncadd.s32 $0xFFFFFFFF  }
0xa6: {  	s26 =	simm.s32 $execute0_lowered;
	[smem:$0x3FD2] =	sst s25  }
0xa7: {  	s5 =	sshll.u32 s26, $0x1;
	_ =	strace $0x80000046;
	[dreg:$0x1] =	wrdreg $0xFFFFFFFF  }
0xa8: {  	s28 =	simm.s32 $_size_execute0_lowered;
	s4 =	sadd.s32 s4, s5;
	[dreg:$0x0] =	wrdreg $0x0  }
0xa9: {  	s5 =	sshll.u32 s28, $0x1;
	[dreg:$0x2] =	wrdreg s4  }
0xaa: {  	[dreg:$0x3] =	wrdreg s5  }
0xab: {  	[dreg:$0x4] =	wrdreg $0xC0  }
0xac: {  	_ =	task [dreg:s8], $0x5FFFF  }
0xad: {  	[dreg:$0x1] =	wrdreg $0xFFFFFFFF  }
0xae: {  	[dreg:$0x0] =	wrdreg $0x60  }
0xaf: {  	[dreg:$0x2] =	wrdreg s2  }
0xb0: {  	[dreg:$0x3] =	wrdreg s19  }
0xb1: {  	[dreg:$0x4] =	wrdreg $0x9  }
0xb2: {  	_ =	task.clear_ibuf [dreg:s8], $0x5FFFF;
	_ =	strace $0x90000046  }
0xb3: {  	s29 =	simm.s32 $0x9;
	_ =	strace $0x80000048  }
0xb4: {  	_ =	swait.ge [sflag:s29], $0x1  }
0xb5: {  	[sflag:s29] =	ssyncadd.s32 $0xFFFFFFFF  }
0xb6: {  	_ =	strace $0x90000048  }
0xb7: {  	_ =	sfence  }
0xb8: {  	s30 =	sld [smem:$0x0];
	_ =	sdelay $0x2  }
0xb9: {  	s31 =	sshll.u32 s1, $0xD;
	s1 =	sshrl.u32 s1, $0x2  }
0xba: {  	s3 =	sand.u32 $0x4000, s31;
	s1 =	sadd.s32 s1, s30  }
0xbb: {  	s0 =	sor.u32 s3, s0;
	s1 =	sshll.u32 s1, $0x11  }
0xbc: {  	s0 =	sor.u32 s1, s0  }
0xbd: {  	s0 =	sadd.s32 $0x8F2B, s0  }
0xbe: {  	[sflag:s0] =	ssyncadd.remote.s32 $0x1  }
0xbf: {  	_ =	sfence.sel $0xFFFF  }
0xc0: {  	[dreg:$0x0] =	wrdreg $0xFFFFFFFF;
	(pc) =	sbr.abs _section_cstart, $3  }
0xc1: {  	[dreg:$0x1] =	wrdreg $0xFFFFFFFF  }
0xc2: {  	_ =	task.clear_ibuf [dreg:s8], $0x2FFFF;
	_ =	strace $0x9FFFFFFF  }
0xc3: {  	(tm) =	ssettm $0x7FFFFFFF  }
tec
execute0_lowered:
.L_overlay_start_1:
0x0: {  	(tag) =	ssettag $0x1  }
0x1: {  	s1 =	rddreg [dreg:$0x0];
	s2 =	srdreg.scid  }
0x2: {  	s4 =	stileid.u32;
	s0 =	rddreg [dreg:$0x1]  }
0x3: {  	s28 =	simm.s32 $0xF000;
	s3 =	sand.u32 $0x1, s2;
	s22 =	sshll.u32 s4, $0x1  }
0x4: {  	s29 =	simm.s32 $0x1;
	s30 =	simm.s32 $0x3;
	s4 =	sor.u32 s3, s22  }
0x5: {  	s31 =	simm.s32 $0x2;
	s2 =	simm.s32 $0x0;
	s5 =	smul.u32 $0xF000, s4  }
0x6: {  	s3 =	ssub.s32 $0x2, s3;
	[smem:$0x7FF] =	sst s2;
	s7 =	smul.u32 $0x1E00, s4  }
0x7: {  	s6 =	sshrl.u32 s3, $0x1;
	_ =	strace $0x80000047;
	p0 =	sne.s32 s4, $0x0  }
0x8: {  	p1 =	sne.s32 s4, $0x1F;
	s21 =	sshrl.u32 s5, $0x3;
	s23 =	sadd.s32 s1, s7  }
0x9: {  	s7 =	sadd.s32 s0, s7;
	[dreg:$0x3] =	wrdreg s23;
	s24 =	sadd.s32 $0x3C000, s21  }
0xa: {  	s5 =	sadd.s32 $0x78000, s21;
	[dreg:$0x5] =	wrdreg s7;
	s25 =	sadd.s32 s1, s24  }
0xb: {  	s26 =	ssub.s32 s3, s6;
	s8 =	sadd.s32 s1, s5;
	[dreg:$0x4] =	wrdreg s25  }
0xc: {  	s9 =	sadd.s32 $0xB4000, s21;
	s3 =	sadd.s32 s0, s24;
	[dreg:$0x6] =	wrdreg s8  }
0xd: {  	s26 =	smax.u32 s26, $0x1;
	s11 =	sadd.s32 s1, s9;
	[dreg:$0x7] =	wrdreg s3  }
0xe: {  	s10 =	sadd.s32 $0xF0000, s21;
	s5 =	sadd.s32 s0, s5;
	[dreg:$0x8] =	wrdreg s11  }
0xf: {  	s13 =	sadd.s32 $0x12C000, s21;
	s12 =	sadd.s32 s1, s10;
	[dreg:$0x9] =	wrdreg s5  }
0x10: {  	s14 =	sadd.s32 $0x168000, s21;
	s15 =	sadd.s32 s1, s13;
	[dreg:$0xa] =	wrdreg s12  }
0x11: {  	s17 =	sadd.s32 $0x1A4000, s21;
	s6 =	sadd.s32 s0, s10;
	[dreg:$0xc] =	wrdreg s15  }
0x12: {  	s18 =	sadd.s32 $0x1E0000, s21;
	s16 =	sadd.s32 s1, s14;
	[dreg:$0xd] =	wrdreg s6  }
0x13: {  	s22 =	sadd.s32 $0x21C000, s21;
	s19 =	sadd.s32 s1, s17;
	[dreg:$0xe] =	wrdreg s16  }
0x14: {  	s4 =	sadd.s32 $0x258000, s21;
	s20 =	sadd.s32 s1, s18;
	[dreg:$0x10] =	wrdreg s19  }
0x15: {  	s23 =	sadd.s32 s0, s18;
	s24 =	sadd.s32 s1, s22;
	[dreg:$0x12] =	wrdreg s20  }
0x16: {  	s7 =	sadd.s32 s1, s4;
	s10 =	sadd.s32 $0x2D0000, s21;
	[dreg:$0x14] =	wrdreg s23  }
0x17: {  	s3 =	sadd.s32 s0, s9;
	s5 =	sadd.s32 s0, s14;
	[dreg:$0x15] =	wrdreg s24  }
0x18: {  	s25 =	sadd.s32 s0, s22;
	s6 =	sadd.s32 $0x294000, s21;
	[dreg:$0x17] =	wrdreg s7  }
0x19: {  	s11 =	sadd.s32 $0x30C000, s21;
	s12 =	sadd.s32 s1, s10;
	s15 =	sadd.s32 $0x348000, s21  }
0x1a: {  	s16 =	sadd.s32 $0x384000, s21;
	s20 =	sor.u32 $0x3C0000, s21;
	[dreg:$0xb] =	wrdreg s3  }
0x1b: {  	s22 =	sadd.s32 $0x438000, s21;
	s23 =	sadd.s32 $0x4B0000, s21;
	[dreg:$0x11] =	wrdreg s5  }
0x1c: {  	s24 =	sadd.s32 $0x528000, s21;
	s3 =	sadd.s32 s0, s13;
	[dreg:$0x16] =	wrdreg s25  }
0x1d: {  	s8 =	sadd.s32 s1, s6;
	s9 =	sadd.s32 s0, s6;
	[dreg:$0x1b] =	wrdreg s12  }
0x1e: {  	s13 =	sadd.s32 s1, s11;
	s14 =	sadd.s32 s0, s11;
	[dreg:$0xf] =	wrdreg s3  }
0x1f: {  	s18 =	sadd.s32 s1, s16;
	s19 =	sadd.s32 s0, s16;
	[dreg:$0x19] =	wrdreg s8  }
0x20: {  	s5 =	sadd.s32 s1, s20;
	s6 =	sadd.s32 s0, s20;
	[dreg:$0x1a] =	wrdreg s9  }
0x21: {  	s12 =	sadd.s32 $0x474000, s21;
	s16 =	sadd.s32 $0x4EC000, s21;
	[dreg:$0x1d] =	wrdreg s13  }
0x22: {  	s20 =	sadd.s32 $0x564000, s21;
	s25 =	sadd.s32 $0x5A0000, s21;
	[dreg:$0x1e] =	wrdreg s14  }
0x23: {  	s3 =	sadd.s32 s0, s17;
	s17 =	sadd.s32 s1, s15;
	[smem:$0x7F9] =	sst s18  }
0x24: {  	[smem:$0x7FA] =	sst s19;
	s8 =	sadd.s32 $0x3FC000, s21;
	s9 =	sadd.s32 s1, s22  }
0x25: {  	s11 =	sadd.s32 s1, s12;
	s12 =	sadd.s32 s0, s12;
	s13 =	sadd.s32 s1, s23  }
0x26: {  	v0 =	vimm.s32 $0x4D2A1103;
	s14 =	sadd.s32 s0, s23;
	s18 =	sadd.s32 s0, s24;
	s19 =	sadd.s32 s1, s20  }
0x27: {  	v0 =	vunpack.c.0.s8.s32 v0;
	s20 =	sadd.s32 s0, s20;
	[dreg:$0x13] =	wrdreg s3;
	s3 =	sadd.s32 s0, s4  }
0x28: {  	vm0 =	vcmask $0xF00;
	[dreg:$0x1f] =	wrdreg s17;
	s7 =	sadd.s32 s1, s8;
	s8 =	sadd.s32 s0, s8  }
0x29: {  	vm9 =	vcmask $0x1310;
	v1 =	vnsel vm0, $0xC42, v0;
	s17 =	sadd.s32 s1, s24;
	s24 =	sadd.s32 $0x5DC000, s21;
	s21 =	sadd.s32 s1, s25  }
0x2a: {  	vm10 =	vcmask $0x1714;
	v1 =	vsel vm9, $0x65, v1;
	s4 =	sadd.s32 $0x618000, s0;
	[dreg:$0x18] =	wrdreg s3;
	s3 =	sadd.s32 s0, s10  }
0x2b: {  	vm11 =	vcmask $0x1B18;
	v1 =	vsel vm10, $0x448, v1;
	s10 =	sadd.s32 s0, s22;
	s22 =	sadd.s32 s0, s25;
	s23 =	sadd.s32 s1, s24  }
.Ltmp0:
0x2c: {  	vm12 =	vcmask $0x2F20;
	v1 =	vsel vm11, $0x84D, v1;
	s24 =	sadd.s32 s0, s24;
	[smem:$0x7FC] =	sst s4;
	(pc) =	sbr.rel .LBB2_1-.Ltmp0, $4  }
0x2d: {  	vm13 =	vcmask $0x3330;
	v0 =	vsel vm12, v0, v1;
	s25 =	sadd.s32 $0x618000, s1;
	[dreg:$0x1c] =	wrdreg s3;
	s3 =	sadd.s32 s0, s15  }
0x2e: {  	vm14 =	vcmask $0x3734;
	v1 =	vlaneseq.u32;
	v0 =	vsel vm13, $0x65, v0;
	s15 =	sadd.s32 s1, s16;
	s1 =	sadd.s32 $0x619E00, s1;
	[smem:$0x7F8] =	sst s3  }
0x2f: {  	vm15 =	vcmask $0x3B38;
	v1 =	vshrl.u32 v1, $0x3;
	v2 =	vsel vm14, $0x448, v0;
	s16 =	sadd.s32 s0, s16;
	s0 =	sadd.s32 $0x619E00, s0;
	[smem:$0x7FB] =	sst s1  }
0x30: {  	v0 =	vmul.u32 $0x80, v1;
	v1 =	vsel vm15, $0x84D, v2;
	v2 =	vimm.f32 $0.0e+00;
	[smem:$0x7FD] =	sst s0;
	s1 =	simm.s32 $0x4;
	s0 =	simm.s32 $0x0  }
.LBB2_60:
0x31: {  	_ =	sdelay $0x1  }
0x32: {  	s3 =	sld [smem:$0x7FD];
	_ =	sdelay $0x1  }
0x33: {  	[tilespmem:v3+s2+$0x0] =	vst.idx.msk $0xffff, v2  }
0x34: {  	[hbm4b:s3+s2] =	stream.linear.scatter [tilespmem:s2], [sflag:$0x3], $0x5000, $0x38;
	[tilespmem:$0x1E000] =	vst v63  }
0x35: {  	_ =	swait.ge [sflag:s30], $0x5000  }
0x36: {  	[sflag:s30] =	ssyncset.done $0x0  }
0x37: {  	[sflag:s30] =	ssyncadd.s32 $0xFFFFB000  }
.LBB2_61:
0x38: {  	s0 =	sadd.s32 $0x1, s0  }
0x39: {  	p2 =	sne.s32 s0, s26  }
.Ltmp1:
0x3a: {  	_ = 	snop;
	(pc) =	sbr.rel @!p2 .LBB2_62-.Ltmp1, $1  }
0x3b: {  	_ =	sdelay $0x3  }
.LBB2_1:
0x3c: {  	s3 =	rddreg [dreg:$0x3]  }
0x3d: {  	v3 =	vmov s2;
	[tilespmem:s2], [sflag:$0x1] =	stream.linear.gather [hbm4b:s3+s2], $0xF000, $0x38;
	[tilespmem:$0x1E000] =	vst v63  }
0x3e: {  	s4 =	rddreg [dreg:$0x4];
	v4 =	vshll.u32 v3, $0x7  }
0x3f: {  	v3 =	vshll.u32 v3, $0x9;
	v4 =	vor.u32 v0, v4;
	[tilespmem:s28], [sflag:$0x2] =	stream.linear.gather [hbm4b:s4+s2], $0xF000, $0x38;
	[tilespmem:$0x1E000] =	vst v63  }
0x40: {  	v3 =	vand.u32 $0xF000, v3;
	v4 =	vand.u32 $0x380, v4;
	_ =	swait.ge [sflag:s29], $0xF000  }
0x41: {  	v3 =	vor.u32 v4, v3;
	[sflag:s29] =	ssyncset.done $0x0  }
0x42: {  	s3 =	simm.s32 $0x2;
	v3 =	vor.u32 v1, v3;
	[sflag:s29] =	ssyncadd.s32 $0xFFFF1000  }
.LBB2_2:
0x43: {  	v4 =	vmov s3;
	p2 =	sne.s32 s3, $0x76;
	s3 =	sadd.s32 $0x2, s3  }
.Ltmp2:
0x44: {  	v5 =	vshll.u32 v4, $0x7;
	(pc) =	sbr.rel @p2 .LBB2_2-.Ltmp2, $4  }
0x45: {  	v4 =	vshll.u32 v4, $0x9;
	v5 =	vor.u32 v0, v5  }
0x46: {  	v4 =	vand.u32 $0xF000, v4;
	v5 =	vand.u32 $0x380, v5  }
0x47: {  	v4 =	vor.u32 v5, v4;
	[tilespmem:v3+s2+$0x0] =	vst.idx.msk $0xffff, v2  }
0x48: {  	v3 =	vor.u32 v1, v4  }
0x49: {  	_ =	sdelay $0x3  }
0x4a: {  	[tilespmem:v3+s2+$0x0] =	vst.idx.msk $0xffff, v2;
	s3 =	simm.s32 $0x0;
	s4 =	rddreg [dreg:$0x5]  }
0x4b: {  	[hbm4b:s4+s3] =	stream.linear.scatter [tilespmem:s3], [sflag:$0x3], $0xF000, $0x38;
	[tilespmem:$0x1E000] =	vst v63  }
0x4c: {  	_ =	swait.ge [sflag:s30], $0xF000  }
0x4d: {  	v3 =	vmov s3;
	[sflag:s30] =	ssyncset.done $0x0  }
0x4e: {  	v4 =	vshll.u32 v3, $0x7;
	s4 =	rddreg [dreg:$0x6];
	[sflag:s30] =	ssyncadd.s32 $0xFFFF1000  }
0x4f: {  	v3 =	vshll.u32 v3, $0x9;
	v4 =	vor.u32 v0, v4;
	[tilespmem:s3], [sflag:$0x1] =	stream.linear.gather [hbm4b:s4+s3], $0xF000, $0x38;
	[tilespmem:$0x1E000] =	vst v63  }
0x50: {  	v3 =	vand.u32 $0xF000, v3;
	v4 =	vand.u32 $0x380, v4;
	_ =	swait.ge [sflag:s31], $0xF000  }
0x51: {  	v3 =	vor.u32 v4, v3;
	[sflag:s31] =	ssyncset.done $0x0  }
0x52: {  	s3 =	simm.s32 $0x2;
	v3 =	vor.u32 v1, v3;
	[sflag:s31] =	ssyncadd.s32 $0xFFFF1000  }
.LBB2_4:
0x53: {  	v4 =	vmov s3;
	p2 =	sne.s32 s3, $0x76;
	s3 =	sadd.s32 $0x2, s3  }
.Ltmp3:
0x54: {  	v5 =	vshll.u32 v4, $0x7;
	(pc) =	sbr.rel @p2 .LBB2_4-.Ltmp3, $4  }
0x55: {  	v4 =	vshll.u32 v4, $0x9;
	v5 =	vor.u32 v0, v5  }
0x56: {  	v4 =	vand.u32 $0xF000, v4;
	v5 =	vand.u32 $0x380, v5  }
0x57: {  	v4 =	vor.u32 v5, v4;
	[tilespmem:v3+s28+$0x0] =	vst.idx.msk $0xffff, v2  }
0x58: {  	v3 =	vor.u32 v1, v4  }
0x59: {  	_ =	sdelay $0x3  }
0x5a: {  	[tilespmem:v3+s28+$0x0] =	vst.idx.msk $0xffff, v2;
	s3 =	simm.s32 $0x0;
	s4 =	rddreg [dreg:$0x7]  }
0x5b: {  	[hbm4b:s4+s3] =	stream.linear.scatter [tilespmem:s28], [sflag:$0x4], $0xF000, $0x38;
	[tilespmem:$0x1E000] =	vst v63  }
0x5c: {  	_ =	swait.ge [sflag:s1], $0xF000  }
0x5d: {  	v3 =	vmov s3;
	[sflag:s1] =	ssyncset.done $0x0  }
0x5e: {  	v4 =	vshll.u32 v3, $0x7;
	s4 =	rddreg [dreg:$0x8];
	[sflag:s1] =	ssyncadd.s32 $0xFFFF1000  }
0x5f: {  	v3 =	vshll.u32 v3, $0x9;
	v4 =	vor.u32 v0, v4;
	[tilespmem:s28], [sflag:$0x2] =	stream.linear.gather [hbm4b:s4+s3], $0xF000, $0x38;
	[tilespmem:$0x1E000] =	vst v63  }
0x60: {  	v3 =	vand.u32 $0xF000, v3;
	v4 =	vand.u32 $0x380, v4;
	_ =	swait.ge [sflag:s29], $0xF000  }
0x61: {  	v3 =	vor.u32 v4, v3;
	[sflag:s29] =	ssyncset.done $0x0  }
0x62: {  	s3 =	simm.s32 $0x2;
	v3 =	vor.u32 v1, v3;
	[sflag:s29] =	ssyncadd.s32 $0xFFFF1000  }
.LBB2_6:
0x63: {  	v4 =	vmov s3;
	p2 =	sne.s32 s3, $0x76;
	s3 =	sadd.s32 $0x2, s3  }
.Ltmp4:
0x64: {  	v5 =	vshll.u32 v4, $0x7;
	(pc) =	sbr.rel @p2 .LBB2_6-.Ltmp4, $4  }
0x65: {  	v4 =	vshll.u32 v4, $0x9;
	v5 =	vor.u32 v0, v5  }
0x66: {  	v4 =	vand.u32 $0xF000, v4;
	v5 =	vand.u32 $0x380, v5  }
0x67: {  	v4 =	vor.u32 v5, v4;
	[tilespmem:v3+s2+$0x0] =	vst.idx.msk $0xffff, v2  }
0x68: {  	v3 =	vor.u32 v1, v4  }
0x69: {  	_ =	sdelay $0x3  }
0x6a: {  	[tilespmem:v3+s2+$0x0] =	vst.idx.msk $0xffff, v2;
	s3 =	simm.s32 $0x0;
	s4 =	rddreg [dreg:$0x9]  }
0x6b: {  	[hbm4b:s4+s3] =	stream.linear.scatter [tilespmem:s3], [sflag:$0x3], $0xF000, $0x38;
	[tilespmem:$0x1E000] =	vst v63  }
0x6c: {  	_ =	swait.ge [sflag:s30], $0xF000  }
0x6d: {  	v3 =	vmov s3;
	[sflag:s30] =	ssyncset.done $0x0  }
0x6e: {  	v4 =	vshll.u32 v3, $0x7;
	s4 =	rddreg [dreg:$0xa];
	[sflag:s30] =	ssyncadd.s32 $0xFFFF1000  }
0x6f: {  	v3 =	vshll.u32 v3, $0x9;
	v4 =	vor.u32 v0, v4;
	[tilespmem:s3], [sflag:$0x1] =	stream.linear.gather [hbm4b:s4+s3], $0xF000, $0x38;
	[tilespmem:$0x1E000] =	vst v63  }
0x70: {  	v3 =	vand.u32 $0xF000, v3;
	v4 =	vand.u32 $0x380, v4;
	_ =	swait.ge [sflag:s31], $0xF000  }
0x71: {  	v3 =	vor.u32 v4, v3;
	[sflag:s31] =	ssyncset.done $0x0  }
0x72: {  	s3 =	simm.s32 $0x2;
	v3 =	vor.u32 v1, v3;
	[sflag:s31] =	ssyncadd.s32 $0xFFFF1000  }
.LBB2_8:
0x73: {  	v4 =	vmov s3;
	p2 =	sne.s32 s3, $0x76;
	s3 =	sadd.s32 $0x2, s3  }
.Ltmp5:
0x74: {  	v5 =	vshll.u32 v4, $0x7;
	(pc) =	sbr.rel @p2 .LBB2_8-.Ltmp5, $4  }
0x75: {  	v4 =	vshll.u32 v4, $0x9;
	v5 =	vor.u32 v0, v5  }
0x76: {  	v4 =	vand.u32 $0xF000, v4;
	v5 =	vand.u32 $0x380, v5  }
0x77: {  	v4 =	vor.u32 v5, v4;
	[tilespmem:v3+s28+$0x0] =	vst.idx.msk $0xffff, v2  }
0x78: {  	v3 =	vor.u32 v1, v4  }
0x79: {  	_ =	sdelay $0x3  }
0x7a: {  	[tilespmem:v3+s28+$0x0] =	vst.idx.msk $0xffff, v2;
	s3 =	simm.s32 $0x0;
	s4 =	rddreg [dreg:$0xb]  }
0x7b: {  	[hbm4b:s4+s3] =	stream.linear.scatter [tilespmem:s28], [sflag:$0x4], $0xF000, $0x38;
	[tilespmem:$0x1E000] =	vst v63  }
0x7c: {  	_ =	swait.ge [sflag:s1], $0xF000  }
0x7d: {  	v3 =	vmov s3;
	[sflag:s1] =	ssyncset.done $0x0  }
0x7e: {  	v4 =	vshll.u32 v3, $0x7;
	s4 =	rddreg [dreg:$0xc];
	[sflag:s1] =	ssyncadd.s32 $0xFFFF1000  }
0x7f: {  	v3 =	vshll.u32 v3, $0x9;
	v4 =	vor.u32 v0, v4;
	[tilespmem:s28], [sflag:$0x2] =	stream.linear.gather [hbm4b:s4+s3], $0xF000, $0x38;
	[tilespmem:$0x1E000] =	vst v63  }
0x80: {  	v3 =	vand.u32 $0xF000, v3;
	v4 =	vand.u32 $0x380, v4;
	_ =	swait.ge [sflag:s29], $0xF000  }
0x81: {  	v3 =	vor.u32 v4, v3;
	[sflag:s29] =	ssyncset.done $0x0  }
0x82: {  	s3 =	simm.s32 $0x2;
	v3 =	vor.u32 v1, v3;
	[sflag:s29] =	ssyncadd.s32 $0xFFFF1000  }
.LBB2_10:
0x83: {  	v4 =	vmov s3;
	p2 =	sne.s32 s3, $0x76;
	s3 =	sadd.s32 $0x2, s3  }
.Ltmp6:
0x84: {  	v5 =	vshll.u32 v4, $0x7;
	(pc) =	sbr.rel @p2 .LBB2_10-.Ltmp6, $4  }
0x85: {  	v4 =	vshll.u32 v4, $0x9;
	v5 =	vor.u32 v0, v5  }
0x86: {  	v4 =	vand.u32 $0xF000, v4;
	v5 =	vand.u32 $0x380, v5  }
0x87: {  	v4 =	vor.u32 v5, v4;
	[tilespmem:v3+s2+$0x0] =	vst.idx.msk $0xffff, v2  }
0x88: {  	v3 =	vor.u32 v1, v4  }
0x89: {  	_ =	sdelay $0x3  }
0x8a: {  	[tilespmem:v3+s2+$0x0] =	vst.idx.msk $0xffff, v2;
	s3 =	simm.s32 $0x0;
	s4 =	rddreg [dreg:$0xd]  }
0x8b: {  	[hbm4b:s4+s3] =	stream.linear.scatter [tilespmem:s3], [sflag:$0x3], $0xF000, $0x38;
	[tilespmem:$0x1E000] =	vst v63  }
0x8c: {  	_ =	swait.ge [sflag:s30], $0xF000  }
0x8d: {  	v3 =	vmov s3;
	[sflag:s30] =	ssyncset.done $0x0  }
0x8e: {  	v4 =	vshll.u32 v3, $0x7;
	s4 =	rddreg [dreg:$0xe];
	[sflag:s30] =	ssyncadd.s32 $0xFFFF1000  }
0x8f: {  	v3 =	vshll.u32 v3, $0x9;
	v4 =	vor.u32 v0, v4;
	[tilespmem:s3], [sflag:$0x1] =	stream.linear.gather [hbm4b:s4+s3], $0xF000, $0x38;
	[tilespmem:$0x1E000] =	vst v63  }
0x90: {  	v3 =	vand.u32 $0xF000, v3;
	v4 =	vand.u32 $0x380, v4;
	_ =	swait.ge [sflag:s31], $0xF000  }
0x91: {  	v3 =	vor.u32 v4, v3;
	[sflag:s31] =	ssyncset.done $0x0  }
0x92: {  	s3 =	simm.s32 $0x2;
	v3 =	vor.u32 v1, v3;
	[sflag:s31] =	ssyncadd.s32 $0xFFFF1000  }
.LBB2_12:
0x93: {  	v4 =	vmov s3;
	p2 =	sne.s32 s3, $0x76;
	s3 =	sadd.s32 $0x2, s3  }
.Ltmp7:
0x94: {  	v5 =	vshll.u32 v4, $0x7;
	(pc) =	sbr.rel @p2 .LBB2_12-.Ltmp7, $4  }
0x95: {  	v4 =	vshll.u32 v4, $0x9;
	v5 =	vor.u32 v0, v5  }
0x96: {  	v4 =	vand.u32 $0xF000, v4;
	v5 =	vand.u32 $0x380, v5  }
0x97: {  	v4 =	vor.u32 v5, v4;
	[tilespmem:v3+s28+$0x0] =	vst.idx.msk $0xffff, v2  }
0x98: {  	v3 =	vor.u32 v1, v4  }
0x99: {  	_ =	sdelay $0x3  }
0x9a: {  	[tilespmem:v3+s28+$0x0] =	vst.idx.msk $0xffff, v2;
	s3 =	simm.s32 $0x0;
	s4 =	rddreg [dreg:$0xf]  }
0x9b: {  	[hbm4b:s4+s3] =	stream.linear.scatter [tilespmem:s28], [sflag:$0x4], $0xF000, $0x38;
	[tilespmem:$0x1E000] =	vst v63  }
0x9c: {  	_ =	swait.ge [sflag:s1], $0xF000  }
0x9d: {  	v3 =	vmov s3;
	[sflag:s1] =	ssyncset.done $0x0  }
0x9e: {  	v4 =	vshll.u32 v3, $0x7;
	s4 =	rddreg [dreg:$0x10];
	[sflag:s1] =	ssyncadd.s32 $0xFFFF1000  }
0x9f: {  	v3 =	vshll.u32 v3, $0x9;
	v4 =	vor.u32 v0, v4;
	[tilespmem:s28], [sflag:$0x2] =	stream.linear.gather [hbm4b:s4+s3], $0xF000, $0x38;
	[tilespmem:$0x1E000] =	vst v63  }
0xa0: {  	v3 =	vand.u32 $0xF000, v3;
	v4 =	vand.u32 $0x380, v4;
	_ =	swait.ge [sflag:s29], $0xF000  }
0xa1: {  	v3 =	vor.u32 v4, v3;
	[sflag:s29] =	ssyncset.done $0x0  }
0xa2: {  	s3 =	simm.s32 $0x2;
	v3 =	vor.u32 v1, v3;
	[sflag:s29] =	ssyncadd.s32 $0xFFFF1000  }
.LBB2_14:
0xa3: {  	v4 =	vmov s3;
	p2 =	sne.s32 s3, $0x76;
	s3 =	sadd.s32 $0x2, s3  }
.Ltmp8:
0xa4: {  	v5 =	vshll.u32 v4, $0x7;
	(pc) =	sbr.rel @p2 .LBB2_14-.Ltmp8, $4  }
0xa5: {  	v4 =	vshll.u32 v4, $0x9;
	v5 =	vor.u32 v0, v5  }
0xa6: {  	v4 =	vand.u32 $0xF000, v4;
	v5 =	vand.u32 $0x380, v5  }
0xa7: {  	v4 =	vor.u32 v5, v4;
	[tilespmem:v3+s2+$0x0] =	vst.idx.msk $0xffff, v2  }
0xa8: {  	v3 =	vor.u32 v1, v4  }
0xa9: {  	_ =	sdelay $0x3  }
0xaa: {  	[tilespmem:v3+s2+$0x0] =	vst.idx.msk $0xffff, v2;
	s3 =	simm.s32 $0x0;
	s4 =	rddreg [dreg:$0x11]  }
0xab: {  	[hbm4b:s4+s3] =	stream.linear.scatter [tilespmem:s3], [sflag:$0x3], $0xF000, $0x38;
	[tilespmem:$0x1E000] =	vst v63  }
0xac: {  	_ =	swait.ge [sflag:s30], $0xF000  }
0xad: {  	v3 =	vmov s3;
	[sflag:s30] =	ssyncset.done $0x0  }
0xae: {  	v4 =	vshll.u32 v3, $0x7;
	s4 =	rddreg [dreg:$0x12];
	[sflag:s30] =	ssyncadd.s32 $0xFFFF1000  }
0xaf: {  	v3 =	vshll.u32 v3, $0x9;
	v4 =	vor.u32 v0, v4;
	[tilespmem:s3], [sflag:$0x1] =	stream.linear.gather [hbm4b:s4+s3], $0xF000, $0x38;
	[tilespmem:$0x1E000] =	vst v63  }
0xb0: {  	v3 =	vand.u32 $0xF000, v3;
	v4 =	vand.u32 $0x380, v4;
	_ =	swait.ge [sflag:s31], $0xF000  }
0xb1: {  	v3 =	vor.u32 v4, v3;
	[sflag:s31] =	ssyncset.done $0x0  }
0xb2: {  	s3 =	simm.s32 $0x2;
	v3 =	vor.u32 v1, v3;
	[sflag:s31] =	ssyncadd.s32 $0xFFFF1000  }
.LBB2_16:
0xb3: {  	v4 =	vmov s3;
	p2 =	sne.s32 s3, $0x76;
	s3 =	sadd.s32 $0x2, s3  }
.Ltmp9:
0xb4: {  	v5 =	vshll.u32 v4, $0x7;
	(pc) =	sbr.rel @p2 .LBB2_16-.Ltmp9, $4  }
0xb5: {  	v4 =	vshll.u32 v4, $0x9;
	v5 =	vor.u32 v0, v5  }
0xb6: {  	v4 =	vand.u32 $0xF000, v4;
	v5 =	vand.u32 $0x380, v5  }
0xb7: {  	v4 =	vor.u32 v5, v4;
	[tilespmem:v3+s28+$0x0] =	vst.idx.msk $0xffff, v2  }
0xb8: {  	v3 =	vor.u32 v1, v4  }
0xb9: {  	_ =	sdelay $0x3  }
0xba: {  	[tilespmem:v3+s28+$0x0] =	vst.idx.msk $0xffff, v2;
	s3 =	simm.s32 $0x0;
	s4 =	rddreg [dreg:$0x13]  }
0xbb: {  	[hbm4b:s4+s3] =	stream.linear.scatter [tilespmem:s28], [sflag:$0x4], $0xF000, $0x38;
	[tilespmem:$0x1E000] =	vst v63  }
0xbc: {  	_ =	swait.ge [sflag:s1], $0xF000  }
0xbd: {  	v3 =	vmov s3;
	[sflag:s1] =	ssyncset.done $0x0  }
0xbe: {  	v4 =	vshll.u32 v3, $0x7;
	s4 =	rddreg [dreg:$0x15];
	[sflag:s1] =	ssyncadd.s32 $0xFFFF1000  }
0xbf: {  	v3 =	vshll.u32 v3, $0x9;
	v4 =	vor.u32 v0, v4;
	[tilespmem:s28], [sflag:$0x2] =	stream.linear.gather [hbm4b:s4+s3], $0xF000, $0x38;
	[tilespmem:$0x1E000] =	vst v63  }
0xc0: {  	v3 =	vand.u32 $0xF000, v3;
	v4 =	vand.u32 $0x380, v4;
	_ =	swait.ge [sflag:s29], $0xF000  }
0xc1: {  	v3 =	vor.u32 v4, v3;
	[sflag:s29] =	ssyncset.done $0x0  }
0xc2: {  	s3 =	simm.s32 $0x2;
	v3 =	vor.u32 v1, v3;
	[sflag:s29] =	ssyncadd.s32 $0xFFFF1000  }
.LBB2_18:
0xc3: {  	v4 =	vmov s3;
	p2 =	sne.s32 s3, $0x76;
	s3 =	sadd.s32 $0x2, s3  }
.Ltmp10:
0xc4: {  	v5 =	vshll.u32 v4, $0x7;
	(pc) =	sbr.rel @p2 .LBB2_18-.Ltmp10, $4  }
0xc5: {  	v4 =	vshll.u32 v4, $0x9;
	v5 =	vor.u32 v0, v5  }
0xc6: {  	v4 =	vand.u32 $0xF000, v4;
	v5 =	vand.u32 $0x380, v5  }
0xc7: {  	v4 =	vor.u32 v5, v4;
	[tilespmem:v3+s2+$0x0] =	vst.idx.msk $0xffff, v2  }
0xc8: {  	v3 =	vor.u32 v1, v4  }
0xc9: {  	_ =	sdelay $0x3  }
0xca: {  	[tilespmem:v3+s2+$0x0] =	vst.idx.msk $0xffff, v2;
	s3 =	simm.s32 $0x0;
	s4 =	rddreg [dreg:$0x14]  }
0xcb: {  	[hbm4b:s4+s3] =	stream.linear.scatter [tilespmem:s3], [sflag:$0x3], $0xF000, $0x38;
	[tilespmem:$0x1E000] =	vst v63  }
0xcc: {  	_ =	swait.ge [sflag:s30], $0xF000  }
0xcd: {  	v3 =	vmov s3;
	[sflag:s30] =	ssyncset.done $0x0  }
0xce: {  	v4 =	vshll.u32 v3, $0x7;
	s4 =	rddreg [dreg:$0x17];
	[sflag:s30] =	ssyncadd.s32 $0xFFFF1000  }
0xcf: {  	v3 =	vshll.u32 v3, $0x9;
	v4 =	vor.u32 v0, v4;
	[tilespmem:s3], [sflag:$0x1] =	stream.linear.gather [hbm4b:s4+s3], $0xF000, $0x38;
	[tilespmem:$0x1E000] =	vst v63  }
0xd0: {  	v3 =	vand.u32 $0xF000, v3;
	v4 =	vand.u32 $0x380, v4;
	_ =	swait.ge [sflag:s31], $0xF000  }
0xd1: {  	v3 =	vor.u32 v4, v3;
	[sflag:s31] =	ssyncset.done $0x0  }
0xd2: {  	s3 =	simm.s32 $0x2;
	v3 =	vor.u32 v1, v3;
	[sflag:s31] =	ssyncadd.s32 $0xFFFF1000  }
.LBB2_20:
0xd3: {  	v4 =	vmov s3;
	p2 =	sne.s32 s3, $0x76;
	s3 =	sadd.s32 $0x2, s3  }
.Ltmp11:
0xd4: {  	v5 =	vshll.u32 v4, $0x7;
	(pc) =	sbr.rel @p2 .LBB2_20-.Ltmp11, $4  }
0xd5: {  	v4 =	vshll.u32 v4, $0x9;
	v5 =	vor.u32 v0, v5  }
0xd6: {  	v4 =	vand.u32 $0xF000, v4;
	v5 =	vand.u32 $0x380, v5  }
0xd7: {  	v4 =	vor.u32 v5, v4;
	[tilespmem:v3+s28+$0x0] =	vst.idx.msk $0xffff, v2  }
0xd8: {  	v3 =	vor.u32 v1, v4  }
0xd9: {  	_ =	sdelay $0x3  }
0xda: {  	[tilespmem:v3+s28+$0x0] =	vst.idx.msk $0xffff, v2;
	s3 =	simm.s32 $0x0;
	s4 =	rddreg [dreg:$0x16]  }
0xdb: {  	[hbm4b:s4+s3] =	stream.linear.scatter [tilespmem:s28], [sflag:$0x4], $0xF000, $0x38;
	[tilespmem:$0x1E000] =	vst v63  }
0xdc: {  	_ =	swait.ge [sflag:s1], $0xF000  }
0xdd: {  	v3 =	vmov s3;
	[sflag:s1] =	ssyncset.done $0x0  }
0xde: {  	v4 =	vshll.u32 v3, $0x7;
	s4 =	rddreg [dreg:$0x19];
	[sflag:s1] =	ssyncadd.s32 $0xFFFF1000  }
0xdf: {  	v3 =	vshll.u32 v3, $0x9;
	v4 =	vor.u32 v0, v4;
	[tilespmem:s28], [sflag:$0x2] =	stream.linear.gather [hbm4b:s4+s3], $0xF000, $0x38;
	[tilespmem:$0x1E000] =	vst v63  }
0xe0: {  	v3 =	vand.u32 $0xF000, v3;
	v4 =	vand.u32 $0x380, v4;
	_ =	swait.ge [sflag:s29], $0xF000  }
0xe1: {  	v3 =	vor.u32 v4, v3;
	[sflag:s29] =	ssyncset.done $0x0  }
0xe2: {  	s3 =	simm.s32 $0x2;
	v3 =	vor.u32 v1, v3;
	[sflag:s29] =	ssyncadd.s32 $0xFFFF1000  }
.LBB2_22:
0xe3: {  	v4 =	vmov s3;
	p2 =	sne.s32 s3, $0x76;
	s3 =	sadd.s32 $0x2, s3  }
.Ltmp12:
0xe4: {  	v5 =	vshll.u32 v4, $0x7;
	(pc) =	sbr.rel @p2 .LBB2_22-.Ltmp12, $4  }
0xe5: {  	v4 =	vshll.u32 v4, $0x9;
	v5 =	vor.u32 v0, v5  }
0xe6: {  	v4 =	vand.u32 $0xF000, v4;
	v5 =	vand.u32 $0x380, v5  }
0xe7: {  	v4 =	vor.u32 v5, v4;
	[tilespmem:v3+s2+$0x0] =	vst.idx.msk $0xffff, v2  }
0xe8: {  	v3 =	vor.u32 v1, v4  }
0xe9: {  	_ =	sdelay $0x3  }
0xea: {  	[tilespmem:v3+s2+$0x0] =	vst.idx.msk $0xffff, v2;
	s3 =	simm.s32 $0x0;
	s4 =	rddreg [dreg:$0x18]  }
0xeb: {  	[hbm4b:s4+s3] =	stream.linear.scatter [tilespmem:s3], [sflag:$0x3], $0xF000, $0x38;
	[tilespmem:$0x1E000] =	vst v63  }
0xec: {  	_ =	swait.ge [sflag:s30], $0xF000  }
0xed: {  	v3 =	vmov s3;
	[sflag:s30] =	ssyncset.done $0x0  }
0xee: {  	v4 =	vshll.u32 v3, $0x7;
	s4 =	rddreg [dreg:$0x1b];
	[sflag:s30] =	ssyncadd.s32 $0xFFFF1000  }
0xef: {  	v3 =	vshll.u32 v3, $0x9;
	v4 =	vor.u32 v0, v4;
	[tilespmem:s3], [sflag:$0x1] =	stream.linear.gather [hbm4b:s4+s3], $0xF000, $0x38;
	[tilespmem:$0x1E000] =	vst v63  }
0xf0: {  	v3 =	vand.u32 $0xF000, v3;
	v4 =	vand.u32 $0x380, v4;
	_ =	swait.ge [sflag:s31], $0xF000  }
0xf1: {  	v3 =	vor.u32 v4, v3;
	[sflag:s31] =	ssyncset.done $0x0  }
0xf2: {  	s3 =	simm.s32 $0x2;
	v3 =	vor.u32 v1, v3;
	[sflag:s31] =	ssyncadd.s32 $0xFFFF1000  }
.LBB2_24:
0xf3: {  	v4 =	vmov s3;
	p2 =	sne.s32 s3, $0x76;
	s3 =	sadd.s32 $0x2, s3  }
.Ltmp13:
0xf4: {  	v5 =	vshll.u32 v4, $0x7;
	(pc) =	sbr.rel @p2 .LBB2_24-.Ltmp13, $4  }
0xf5: {  	v4 =	vshll.u32 v4, $0x9;
	v5 =	vor.u32 v0, v5  }
0xf6: {  	v4 =	vand.u32 $0xF000, v4;
	v5 =	vand.u32 $0x380, v5  }
0xf7: {  	v4 =	vor.u32 v5, v4;
	[tilespmem:v3+s28+$0x0] =	vst.idx.msk $0xffff, v2  }
0xf8: {  	v3 =	vor.u32 v1, v4  }
0xf9: {  	_ =	sdelay $0x3  }
0xfa: {  	[tilespmem:v3+s28+$0x0] =	vst.idx.msk $0xffff, v2;
	s3 =	simm.s32 $0x0;
	s4 =	rddreg [dreg:$0x1a]  }
0xfb: {  	[hbm4b:s4+s3] =	stream.linear.scatter [tilespmem:s28], [sflag:$0x4], $0xF000, $0x38;
	[tilespmem:$0x1E000] =	vst v63  }
0xfc: {  	_ =	swait.ge [sflag:s1], $0xF000  }
0xfd: {  	v3 =	vmov s3;
	[sflag:s1] =	ssyncset.done $0x0  }
0xfe: {  	v4 =	vshll.u32 v3, $0x7;
	s4 =	rddreg [dreg:$0x1d];
	[sflag:s1] =	ssyncadd.s32 $0xFFFF1000  }
0xff: {  	v3 =	vshll.u32 v3, $0x9;
	v4 =	vor.u32 v0, v4;
	[tilespmem:s28], [sflag:$0x2] =	stream.linear.gather [hbm4b:s4+s3], $0xF000, $0x38;
	[tilespmem:$0x1E000] =	vst v63  }
0x100: {  	v3 =	vand.u32 $0xF000, v3;
	v4 =	vand.u32 $0x380, v4;
	_ =	swait.ge [sflag:s29], $0xF000  }
0x101: {  	v3 =	vor.u32 v4, v3;
	[sflag:s29] =	ssyncset.done $0x0  }
0x102: {  	s3 =	simm.s32 $0x2;
	v3 =	vor.u32 v1, v3;
	[sflag:s29] =	ssyncadd.s32 $0xFFFF1000  }
.LBB2_26:
0x103: {  	v4 =	vmov s3;
	p2 =	sne.s32 s3, $0x76;
	s3 =	sadd.s32 $0x2, s3  }
.Ltmp14:
0x104: {  	v5 =	vshll.u32 v4, $0x7;
	(pc) =	sbr.rel @p2 .LBB2_26-.Ltmp14, $4  }
0x105: {  	v4 =	vshll.u32 v4, $0x9;
	v5 =	vor.u32 v0, v5  }
0x106: {  	v4 =	vand.u32 $0xF000, v4;
	v5 =	vand.u32 $0x380, v5  }
0x107: {  	v4 =	vor.u32 v5, v4;
	[tilespmem:v3+s2+$0x0] =	vst.idx.msk $0xffff, v2  }
0x108: {  	v3 =	vor.u32 v1, v4  }
0x109: {  	_ =	sdelay $0x3  }
0x10a: {  	[tilespmem:v3+s2+$0x0] =	vst.idx.msk $0xffff, v2;
	s3 =	simm.s32 $0x0;
	s4 =	rddreg [dreg:$0x1c]  }
0x10b: {  	[hbm4b:s4+s3] =	stream.linear.scatter [tilespmem:s3], [sflag:$0x3], $0xF000, $0x38;
	[tilespmem:$0x1E000] =	vst v63  }
0x10c: {  	_ =	swait.ge [sflag:s30], $0xF000  }
0x10d: {  	v3 =	vmov s3;
	[sflag:s30] =	ssyncset.done $0x0  }
0x10e: {  	v4 =	vshll.u32 v3, $0x7;
	s4 =	rddreg [dreg:$0x1f];
	[sflag:s30] =	ssyncadd.s32 $0xFFFF1000  }
0x10f: {  	v3 =	vshll.u32 v3, $0x9;
	v4 =	vor.u32 v0, v4;
	[tilespmem:s3], [sflag:$0x1] =	stream.linear.gather [hbm4b:s4+s3], $0xF000, $0x38;
	[tilespmem:$0x1E000] =	vst v63  }
0x110: {  	v3 =	vand.u32 $0xF000, v3;
	v4 =	vand.u32 $0x380, v4;
	_ =	swait.ge [sflag:s31], $0xF000  }
0x111: {  	v3 =	vor.u32 v4, v3;
	[sflag:s31] =	ssyncset.done $0x0  }
0x112: {  	s3 =	simm.s32 $0x2;
	v3 =	vor.u32 v1, v3;
	[sflag:s31] =	ssyncadd.s32 $0xFFFF1000  }
.LBB2_28:
0x113: {  	v4 =	vmov s3;
	p2 =	sne.s32 s3, $0x76;
	s3 =	sadd.s32 $0x2, s3  }
.Ltmp15:
0x114: {  	v5 =	vshll.u32 v4, $0x7;
	(pc) =	sbr.rel @p2 .LBB2_28-.Ltmp15, $4  }
0x115: {  	v4 =	vshll.u32 v4, $0x9;
	v5 =	vor.u32 v0, v5  }
0x116: {  	v4 =	vand.u32 $0xF000, v4;
	v5 =	vand.u32 $0x380, v5  }
0x117: {  	v4 =	vor.u32 v5, v4;
	[tilespmem:v3+s28+$0x0] =	vst.idx.msk $0xffff, v2  }
0x118: {  	v3 =	vor.u32 v1, v4  }
0x119: {  	_ =	sdelay $0x3  }
0x11a: {  	[tilespmem:v3+s28+$0x0] =	vst.idx.msk $0xffff, v2;
	s3 =	simm.s32 $0x0;
	s4 =	rddreg [dreg:$0x1e]  }
0x11b: {  	[hbm4b:s4+s3] =	stream.linear.scatter [tilespmem:s28], [sflag:$0x4], $0xF000, $0x38;
	[tilespmem:$0x1E000] =	vst v63  }
0x11c: {  	_ =	swait.ge [sflag:s1], $0xF000  }
0x11d: {  	s4 =	sld [smem:$0x7F9]  }
0x11e: {  	v3 =	vmov s3;
	[sflag:s1] =	ssyncset.done $0x0  }
0x11f: {  	v4 =	vshll.u32 v3, $0x7;
	[sflag:s1] =	ssyncadd.s32 $0xFFFF1000  }
0x120: {  	v3 =	vshll.u32 v3, $0x9;
	v4 =	vor.u32 v0, v4;
	[tilespmem:s28], [sflag:$0x2] =	stream.linear.gather [hbm4b:s4+s3], $0xF000, $0x38;
	[tilespmem:$0x1E000] =	vst v63  }
0x121: {  	v3 =	vand.u32 $0xF000, v3;
	v4 =	vand.u32 $0x380, v4;
	_ =	swait.ge [sflag:s29], $0xF000  }
0x122: {  	v3 =	vor.u32 v4, v3;
	[sflag:s29] =	ssyncset.done $0x0  }
0x123: {  	s3 =	simm.s32 $0x2;
	v3 =	vor.u32 v1, v3;
	[sflag:s29] =	ssyncadd.s32 $0xFFFF1000  }
.LBB2_30:
0x124: {  	v4 =	vmov s3;
	p2 =	sne.s32 s3, $0x76;
	s3 =	sadd.s32 $0x2, s3  }
.Ltmp16:
0x125: {  	v5 =	vshll.u32 v4, $0x7;
	(pc) =	sbr.rel @p2 .LBB2_30-.Ltmp16, $4  }
0x126: {  	v4 =	vshll.u32 v4, $0x9;
	v5 =	vor.u32 v0, v5  }
0x127: {  	v4 =	vand.u32 $0xF000, v4;
	v5 =	vand.u32 $0x380, v5  }
0x128: {  	v4 =	vor.u32 v5, v4;
	[tilespmem:v3+s2+$0x0] =	vst.idx.msk $0xffff, v2  }
0x129: {  	v3 =	vor.u32 v1, v4  }
0x12a: {  	_ =	sdelay $0x1  }
0x12b: {  	s4 =	sld [smem:$0x7F8];
	_ =	sdelay $0x1  }
0x12c: {  	[tilespmem:v3+s2+$0x0] =	vst.idx.msk $0xffff, v2;
	s3 =	simm.s32 $0x0  }
0x12d: {  	[hbm4b:s4+s3] =	stream.linear.scatter [tilespmem:s3], [sflag:$0x3], $0xF000, $0x38;
	[tilespmem:$0x1E000] =	vst v63  }
0x12e: {  	_ =	swait.ge [sflag:s30], $0xF000  }
0x12f: {  	v3 =	vmov s3;
	[sflag:s30] =	ssyncset.done $0x0  }
0x130: {  	v4 =	vshll.u32 v3, $0x7;
	[sflag:s30] =	ssyncadd.s32 $0xFFFF1000  }
0x131: {  	v3 =	vshll.u32 v3, $0x9;
	v4 =	vor.u32 v0, v4;
	[tilespmem:s3], [sflag:$0x1] =	stream.linear.gather [hbm4b:s5+s3], $0xF000, $0x38;
	[tilespmem:$0x1E000] =	vst v63  }
0x132: {  	v3 =	vand.u32 $0xF000, v3;
	v4 =	vand.u32 $0x380, v4;
	_ =	swait.ge [sflag:s31], $0xF000  }
0x133: {  	v3 =	vor.u32 v4, v3;
	[sflag:s31] =	ssyncset.done $0x0  }
0x134: {  	v3 =	vor.u32 v1, v3;
	s3 =	simm.s32 $0x2;
	[sflag:s31] =	ssyncadd.s32 $0xFFFF1000  }
.LBB2_32:
0x135: {  	v4 =	vmov s3;
	p2 =	sne.s32 s3, $0x76;
	s3 =	sadd.s32 $0x2, s3  }
.Ltmp17:
0x136: {  	v5 =	vshll.u32 v4, $0x7;
	(pc) =	sbr.rel @p2 .LBB2_32-.Ltmp17, $4  }
0x137: {  	v4 =	vshll.u32 v4, $0x9;
	v5 =	vor.u32 v0, v5  }
0x138: {  	v4 =	vand.u32 $0xF000, v4;
	v5 =	vand.u32 $0x380, v5  }
0x139: {  	v4 =	vor.u32 v5, v4;
	[tilespmem:v3+s28+$0x0] =	vst.idx.msk $0xffff, v2  }
0x13a: {  	v3 =	vor.u32 v1, v4  }
0x13b: {  	_ =	sdelay $0x1  }
0x13c: {  	s4 =	sld [smem:$0x7FA];
	_ =	sdelay $0x1  }
0x13d: {  	[tilespmem:v3+s28+$0x0] =	vst.idx.msk $0xffff, v2;
	s3 =	simm.s32 $0x0  }
0x13e: {  	[hbm4b:s4+s3] =	stream.linear.scatter [tilespmem:s28], [sflag:$0x4], $0xF000, $0x38;
	[tilespmem:$0x1E000] =	vst v63  }
0x13f: {  	_ =	swait.ge [sflag:s1], $0xF000  }
0x140: {  	v3 =	vmov s3;
	[sflag:s1] =	ssyncset.done $0x0  }
0x141: {  	v4 =	vshll.u32 v3, $0x7;
	[sflag:s1] =	ssyncadd.s32 $0xFFFF1000  }
0x142: {  	v3 =	vshll.u32 v3, $0x9;
	v4 =	vor.u32 v0, v4;
	[tilespmem:s28], [sflag:$0x2] =	stream.linear.gather [hbm4b:s7+s3], $0xF000, $0x38;
	[tilespmem:$0x1E000] =	vst v63  }
0x143: {  	v3 =	vand.u32 $0xF000, v3;
	v4 =	vand.u32 $0x380, v4;
	_ =	swait.ge [sflag:s29], $0xF000  }
0x144: {  	v3 =	vor.u32 v4, v3;
	[sflag:s29] =	ssyncset.done $0x0  }
0x145: {  	v3 =	vor.u32 v1, v3;
	s3 =	simm.s32 $0x2;
	[sflag:s29] =	ssyncadd.s32 $0xFFFF1000  }
.LBB2_34:
0x146: {  	v4 =	vmov s3;
	p2 =	sne.s32 s3, $0x76;
	s3 =	sadd.s32 $0x2, s3  }
.Ltmp18:
0x147: {  	v5 =	vshll.u32 v4, $0x7;
	(pc) =	sbr.rel @p2 .LBB2_34-.Ltmp18, $4  }
0x148: {  	v4 =	vshll.u32 v4, $0x9;
	v5 =	vor.u32 v0, v5  }
0x149: {  	v4 =	vand.u32 $0xF000, v4;
	v5 =	vand.u32 $0x380, v5  }
0x14a: {  	v4 =	vor.u32 v5, v4;
	[tilespmem:v3+s2+$0x0] =	vst.idx.msk $0xffff, v2  }
0x14b: {  	v3 =	vor.u32 v1, v4  }
0x14c: {  	_ =	sdelay $0x3  }
0x14d: {  	[tilespmem:v3+s2+$0x0] =	vst.idx.msk $0xffff, v2;
	s3 =	simm.s32 $0x0  }
0x14e: {  	[hbm4b:s6+s3] =	stream.linear.scatter [tilespmem:s3], [sflag:$0x3], $0xF000, $0x38;
	[tilespmem:$0x1E000] =	vst v63  }
0x14f: {  	_ =	swait.ge [sflag:s30], $0xF000  }
0x150: {  	v3 =	vmov s3;
	[sflag:s30] =	ssyncset.done $0x0  }
0x151: {  	v4 =	vshll.u32 v3, $0x7;
	[sflag:s30] =	ssyncadd.s32 $0xFFFF1000  }
0x152: {  	v3 =	vshll.u32 v3, $0x9;
	v4 =	vor.u32 v0, v4;
	[tilespmem:s3], [sflag:$0x1] =	stream.linear.gather [hbm4b:s9+s3], $0xF000, $0x38;
	[tilespmem:$0x1E000] =	vst v63  }
0x153: {  	v3 =	vand.u32 $0xF000, v3;
	v4 =	vand.u32 $0x380, v4;
	_ =	swait.ge [sflag:s31], $0xF000  }
0x154: {  	v3 =	vor.u32 v4, v3;
	[sflag:s31] =	ssyncset.done $0x0  }
0x155: {  	s3 =	simm.s32 $0x2;
	v3 =	vor.u32 v1, v3;
	[sflag:s31] =	ssyncadd.s32 $0xFFFF1000  }
.LBB2_36:
0x156: {  	v4 =	vmov s3;
	p2 =	sne.s32 s3, $0x76;
	s3 =	sadd.s32 $0x2, s3  }
.Ltmp19:
0x157: {  	v5 =	vshll.u32 v4, $0x7;
	(pc) =	sbr.rel @p2 .LBB2_36-.Ltmp19, $4  }
0x158: {  	v4 =	vshll.u32 v4, $0x9;
	v5 =	vor.u32 v0, v5  }
0x159: {  	v4 =	vand.u32 $0xF000, v4;
	v5 =	vand.u32 $0x380, v5  }
0x15a: {  	v4 =	vor.u32 v5, v4;
	[tilespmem:v3+s28+$0x0] =	vst.idx.msk $0xffff, v2  }
0x15b: {  	v3 =	vor.u32 v1, v4  }
0x15c: {  	_ =	sdelay $0x3  }
0x15d: {  	[tilespmem:v3+s28+$0x0] =	vst.idx.msk $0xffff, v2;
	s3 =	simm.s32 $0x0  }
0x15e: {  	[hbm4b:s8+s3] =	stream.linear.scatter [tilespmem:s28], [sflag:$0x4], $0xF000, $0x38;
	[tilespmem:$0x1E000] =	vst v63  }
0x15f: {  	_ =	swait.ge [sflag:s1], $0xF000  }
0x160: {  	v3 =	vmov s3;
	[sflag:s1] =	ssyncset.done $0x0  }
0x161: {  	v4 =	vshll.u32 v3, $0x7;
	[sflag:s1] =	ssyncadd.s32 $0xFFFF1000  }
0x162: {  	v3 =	vshll.u32 v3, $0x9;
	v4 =	vor.u32 v0, v4;
	[tilespmem:s28], [sflag:$0x2] =	stream.linear.gather [hbm4b:s11+s3], $0xF000, $0x38;
	[tilespmem:$0x1E000] =	vst v63  }
0x163: {  	v3 =	vand.u32 $0xF000, v3;
	v4 =	vand.u32 $0x380, v4;
	_ =	swait.ge [sflag:s29], $0xF000  }
0x164: {  	v3 =	vor.u32 v4, v3;
	[sflag:s29] =	ssyncset.done $0x0  }
0x165: {  	s3 =	simm.s32 $0x2;
	v3 =	vor.u32 v1, v3;
	[sflag:s29] =	ssyncadd.s32 $0xFFFF1000  }
.LBB2_38:
0x166: {  	v4 =	vmov s3;
	p2 =	sne.s32 s3, $0x76;
	s3 =	sadd.s32 $0x2, s3  }
.Ltmp20:
0x167: {  	v5 =	vshll.u32 v4, $0x7;
	(pc) =	sbr.rel @p2 .LBB2_38-.Ltmp20, $4  }
0x168: {  	v4 =	vshll.u32 v4, $0x9;
	v5 =	vor.u32 v0, v5  }
0x169: {  	v4 =	vand.u32 $0xF000, v4;
	v5 =	vand.u32 $0x380, v5  }
0x16a: {  	v4 =	vor.u32 v5, v4;
	[tilespmem:v3+s2+$0x0] =	vst.idx.msk $0xffff, v2  }
0x16b: {  	v3 =	vor.u32 v1, v4  }
0x16c: {  	_ =	sdelay $0x3  }
0x16d: {  	[tilespmem:v3+s2+$0x0] =	vst.idx.msk $0xffff, v2;
	s3 =	simm.s32 $0x0  }
0x16e: {  	[hbm4b:s10+s3] =	stream.linear.scatter [tilespmem:s3], [sflag:$0x3], $0xF000, $0x38;
	[tilespmem:$0x1E000] =	vst v63  }
0x16f: {  	_ =	swait.ge [sflag:s30], $0xF000  }
0x170: {  	v3 =	vmov s3;
	[sflag:s30] =	ssyncset.done $0x0  }
0x171: {  	v4 =	vshll.u32 v3, $0x7;
	[sflag:s30] =	ssyncadd.s32 $0xFFFF1000  }
0x172: {  	v3 =	vshll.u32 v3, $0x9;
	v4 =	vor.u32 v0, v4;
	[tilespmem:s3], [sflag:$0x1] =	stream.linear.gather [hbm4b:s13+s3], $0xF000, $0x38;
	[tilespmem:$0x1E000] =	vst v63  }
0x173: {  	v3 =	vand.u32 $0xF000, v3;
	v4 =	vand.u32 $0x380, v4;
	_ =	swait.ge [sflag:s31], $0xF000  }
0x174: {  	v3 =	vor.u32 v4, v3;
	[sflag:s31] =	ssyncset.done $0x0  }
0x175: {  	s3 =	simm.s32 $0x2;
	v3 =	vor.u32 v1, v3;
	[sflag:s31] =	ssyncadd.s32 $0xFFFF1000  }
.LBB2_40:
0x176: {  	v4 =	vmov s3;
	p2 =	sne.s32 s3, $0x76;
	s3 =	sadd.s32 $0x2, s3  }
.Ltmp21:
0x177: {  	v5 =	vshll.u32 v4, $0x7;
	(pc) =	sbr.rel @p2 .LBB2_40-.Ltmp21, $4  }
0x178: {  	v4 =	vshll.u32 v4, $0x9;
	v5 =	vor.u32 v0, v5  }
0x179: {  	v4 =	vand.u32 $0xF000, v4;
	v5 =	vand.u32 $0x380, v5  }
0x17a: {  	v4 =	vor.u32 v5, v4;
	[tilespmem:v3+s28+$0x0] =	vst.idx.msk $0xffff, v2  }
0x17b: {  	v3 =	vor.u32 v1, v4  }
0x17c: {  	_ =	sdelay $0x3  }
0x17d: {  	[tilespmem:v3+s28+$0x0] =	vst.idx.msk $0xffff, v2;
	s3 =	simm.s32 $0x0  }
0x17e: {  	[hbm4b:s12+s3] =	stream.linear.scatter [tilespmem:s28], [sflag:$0x4], $0xF000, $0x38;
	[tilespmem:$0x1E000] =	vst v63  }
0x17f: {  	_ =	swait.ge [sflag:s1], $0xF000  }
0x180: {  	v3 =	vmov s3;
	[sflag:s1] =	ssyncset.done $0x0  }
0x181: {  	v4 =	vshll.u32 v3, $0x7;
	[sflag:s1] =	ssyncadd.s32 $0xFFFF1000  }
0x182: {  	v3 =	vshll.u32 v3, $0x9;
	v4 =	vor.u32 v0, v4;
	[tilespmem:s28], [sflag:$0x2] =	stream.linear.gather [hbm4b:s15+s3], $0xF000, $0x38;
	[tilespmem:$0x1E000] =	vst v63  }
0x183: {  	v3 =	vand.u32 $0xF000, v3;
	v4 =	vand.u32 $0x380, v4;
	_ =	swait.ge [sflag:s29], $0xF000  }
0x184: {  	v3 =	vor.u32 v4, v3;
	[sflag:s29] =	ssyncset.done $0x0  }
0x185: {  	s3 =	simm.s32 $0x2;
	v3 =	vor.u32 v1, v3;
	[sflag:s29] =	ssyncadd.s32 $0xFFFF1000  }
.LBB2_42:
0x186: {  	v4 =	vmov s3;
	p2 =	sne.s32 s3, $0x76;
	s3 =	sadd.s32 $0x2, s3  }
.Ltmp22:
0x187: {  	v5 =	vshll.u32 v4, $0x7;
	(pc) =	sbr.rel @p2 .LBB2_42-.Ltmp22, $4  }
0x188: {  	v4 =	vshll.u32 v4, $0x9;
	v5 =	vor.u32 v0, v5  }
0x189: {  	v4 =	vand.u32 $0xF000, v4;
	v5 =	vand.u32 $0x380, v5  }
0x18a: {  	v4 =	vor.u32 v5, v4;
	[tilespmem:v3+s2+$0x0] =	vst.idx.msk $0xffff, v2  }
0x18b: {  	v3 =	vor.u32 v1, v4  }
0x18c: {  	_ =	sdelay $0x3  }
0x18d: {  	[tilespmem:v3+s2+$0x0] =	vst.idx.msk $0xffff, v2;
	s3 =	simm.s32 $0x0  }
0x18e: {  	[hbm4b:s14+s3] =	stream.linear.scatter [tilespmem:s3], [sflag:$0x3], $0xF000, $0x38;
	[tilespmem:$0x1E000] =	vst v63  }
0x18f: {  	_ =	swait.ge [sflag:s30], $0xF000  }
0x190: {  	v3 =	vmov s3;
	[sflag:s30] =	ssyncset.done $0x0  }
0x191: {  	v4 =	vshll.u32 v3, $0x7;
	[sflag:s30] =	ssyncadd.s32 $0xFFFF1000  }
0x192: {  	v3 =	vshll.u32 v3, $0x9;
	v4 =	vor.u32 v0, v4;
	[tilespmem:s3], [sflag:$0x1] =	stream.linear.gather [hbm4b:s17+s3], $0xF000, $0x38;
	[tilespmem:$0x1E000] =	vst v63  }
0x193: {  	v3 =	vand.u32 $0xF000, v3;
	v4 =	vand.u32 $0x380, v4;
	_ =	swait.ge [sflag:s31], $0xF000  }
0x194: {  	v3 =	vor.u32 v4, v3;
	[sflag:s31] =	ssyncset.done $0x0  }
0x195: {  	s3 =	simm.s32 $0x2;
	v3 =	vor.u32 v1, v3;
	[sflag:s31] =	ssyncadd.s32 $0xFFFF1000  }
.LBB2_44:
0x196: {  	v4 =	vmov s3;
	p2 =	sne.s32 s3, $0x76;
	s3 =	sadd.s32 $0x2, s3  }
.Ltmp23:
0x197: {  	v5 =	vshll.u32 v4, $0x7;
	(pc) =	sbr.rel @p2 .LBB2_44-.Ltmp23, $4  }
0x198: {  	v4 =	vshll.u32 v4, $0x9;
	v5 =	vor.u32 v0, v5  }
0x199: {  	v4 =	vand.u32 $0xF000, v4;
	v5 =	vand.u32 $0x380, v5  }
0x19a: {  	v4 =	vor.u32 v5, v4;
	[tilespmem:v3+s28+$0x0] =	vst.idx.msk $0xffff, v2  }
0x19b: {  	v3 =	vor.u32 v1, v4  }
0x19c: {  	_ =	sdelay $0x3  }
0x19d: {  	[tilespmem:v3+s28+$0x0] =	vst.idx.msk $0xffff, v2;
	s3 =	simm.s32 $0x0  }
0x19e: {  	[hbm4b:s16+s3] =	stream.linear.scatter [tilespmem:s28], [sflag:$0x4], $0xF000, $0x38;
	[tilespmem:$0x1E000] =	vst v63  }
0x19f: {  	_ =	swait.ge [sflag:s1], $0xF000  }
0x1a0: {  	v3 =	vmov s3;
	[sflag:s1] =	ssyncset.done $0x0  }
0x1a1: {  	v4 =	vshll.u32 v3, $0x7;
	[sflag:s1] =	ssyncadd.s32 $0xFFFF1000  }
0x1a2: {  	v3 =	vshll.u32 v3, $0x9;
	v4 =	vor.u32 v0, v4;
	[tilespmem:s28], [sflag:$0x2] =	stream.linear.gather [hbm4b:s19+s3], $0xF000, $0x38;
	[tilespmem:$0x1E000] =	vst v63  }
0x1a3: {  	v3 =	vand.u32 $0xF000, v3;
	v4 =	vand.u32 $0x380, v4;
	_ =	swait.ge [sflag:s29], $0xF000  }
0x1a4: {  	v3 =	vor.u32 v4, v3;
	[sflag:s29] =	ssyncset.done $0x0  }
0x1a5: {  	s3 =	simm.s32 $0x2;
	v3 =	vor.u32 v1, v3;
	[sflag:s29] =	ssyncadd.s32 $0xFFFF1000  }
.LBB2_46:
0x1a6: {  	v4 =	vmov s3;
	p2 =	sne.s32 s3, $0x76;
	s3 =	sadd.s32 $0x2, s3  }
.Ltmp24:
0x1a7: {  	v5 =	vshll.u32 v4, $0x7;
	(pc) =	sbr.rel @p2 .LBB2_46-.Ltmp24, $4  }
0x1a8: {  	v4 =	vshll.u32 v4, $0x9;
	v5 =	vor.u32 v0, v5  }
0x1a9: {  	v4 =	vand.u32 $0xF000, v4;
	v5 =	vand.u32 $0x380, v5  }
0x1aa: {  	v4 =	vor.u32 v5, v4;
	[tilespmem:v3+s2+$0x0] =	vst.idx.msk $0xffff, v2  }
0x1ab: {  	v3 =	vor.u32 v1, v4  }
0x1ac: {  	_ =	sdelay $0x3  }
0x1ad: {  	[tilespmem:v3+s2+$0x0] =	vst.idx.msk $0xffff, v2;
	s3 =	simm.s32 $0x0  }
0x1ae: {  	[hbm4b:s18+s3] =	stream.linear.scatter [tilespmem:s3], [sflag:$0x3], $0xF000, $0x38;
	[tilespmem:$0x1E000] =	vst v63  }
0x1af: {  	_ =	swait.ge [sflag:s30], $0xF000  }
0x1b0: {  	v3 =	vmov s3;
	[sflag:s30] =	ssyncset.done $0x0  }
0x1b1: {  	v4 =	vshll.u32 v3, $0x7;
	[sflag:s30] =	ssyncadd.s32 $0xFFFF1000  }
0x1b2: {  	v3 =	vshll.u32 v3, $0x9;
	v4 =	vor.u32 v0, v4;
	[tilespmem:s3], [sflag:$0x1] =	stream.linear.gather [hbm4b:s21+s3], $0xF000, $0x38;
	[tilespmem:$0x1E000] =	vst v63  }
0x1b3: {  	v3 =	vand.u32 $0xF000, v3;
	v4 =	vand.u32 $0x380, v4;
	_ =	swait.ge [sflag:s31], $0xF000  }
0x1b4: {  	v3 =	vor.u32 v4, v3;
	[sflag:s31] =	ssyncset.done $0x0  }
0x1b5: {  	s3 =	simm.s32 $0x2;
	v3 =	vor.u32 v1, v3;
	[sflag:s31] =	ssyncadd.s32 $0xFFFF1000  }
.LBB2_48:
0x1b6: {  	v4 =	vmov s3;
	p2 =	sne.s32 s3, $0x76;
	s3 =	sadd.s32 $0x2, s3  }
.Ltmp25:
0x1b7: {  	v5 =	vshll.u32 v4, $0x7;
	(pc) =	sbr.rel @p2 .LBB2_48-.Ltmp25, $4  }
0x1b8: {  	v4 =	vshll.u32 v4, $0x9;
	v5 =	vor.u32 v0, v5  }
0x1b9: {  	v4 =	vand.u32 $0xF000, v4;
	v5 =	vand.u32 $0x380, v5  }
0x1ba: {  	v4 =	vor.u32 v5, v4;
	[tilespmem:v3+s28+$0x0] =	vst.idx.msk $0xffff, v2  }
0x1bb: {  	v3 =	vor.u32 v1, v4  }
0x1bc: {  	_ =	sdelay $0x3  }
0x1bd: {  	[tilespmem:v3+s28+$0x0] =	vst.idx.msk $0xffff, v2;
	s3 =	simm.s32 $0x0  }
0x1be: {  	[hbm4b:s20+s3] =	stream.linear.scatter [tilespmem:s28], [sflag:$0x4], $0xF000, $0x38;
	[tilespmem:$0x1E000] =	vst v63  }
0x1bf: {  	_ =	swait.ge [sflag:s1], $0xF000  }
0x1c0: {  	v3 =	vmov s3;
	[sflag:s1] =	ssyncset.done $0x0  }
0x1c1: {  	v4 =	vshll.u32 v3, $0x7;
	[sflag:s1] =	ssyncadd.s32 $0xFFFF1000  }
0x1c2: {  	v3 =	vshll.u32 v3, $0x9;
	v4 =	vor.u32 v0, v4;
	[tilespmem:s28], [sflag:$0x2] =	stream.linear.gather [hbm4b:s23+s3], $0xF000, $0x38;
	[tilespmem:$0x1E000] =	vst v63  }
0x1c3: {  	v3 =	vand.u32 $0xF000, v3;
	v4 =	vand.u32 $0x380, v4;
	_ =	swait.ge [sflag:s29], $0xF000  }
0x1c4: {  	v3 =	vor.u32 v4, v3;
	[sflag:s29] =	ssyncset.done $0x0  }
0x1c5: {  	s3 =	simm.s32 $0x2;
	v3 =	vor.u32 v1, v3;
	[sflag:s29] =	ssyncadd.s32 $0xFFFF1000  }
.LBB2_50:
0x1c6: {  	v4 =	vmov s3;
	p2 =	sne.s32 s3, $0x76;
	s3 =	sadd.s32 $0x2, s3  }
.Ltmp26:
0x1c7: {  	v5 =	vshll.u32 v4, $0x7;
	(pc) =	sbr.rel @p2 .LBB2_50-.Ltmp26, $4  }
0x1c8: {  	v4 =	vshll.u32 v4, $0x9;
	v5 =	vor.u32 v0, v5  }
0x1c9: {  	v4 =	vand.u32 $0xF000, v4;
	v5 =	vand.u32 $0x380, v5  }
0x1ca: {  	v4 =	vor.u32 v5, v4;
	[tilespmem:v3+s2+$0x0] =	vst.idx.msk $0xffff, v2  }
0x1cb: {  	v3 =	vor.u32 v1, v4  }
0x1cc: {  	_ =	sdelay $0x3  }
0x1cd: {  	[tilespmem:v3+s2+$0x0] =	vst.idx.msk $0xffff, v2  }
0x1ce: {  	[hbm4b:s22+s2] =	stream.linear.scatter [tilespmem:s2], [sflag:$0x3], $0xF000, $0x38;
	[tilespmem:$0x1E000] =	vst v63  }
0x1cf: {  	s3 =	simm.s32 $0x0;
	_ =	swait.ge [sflag:s30], $0xF000  }
0x1d0: {  	v3 =	vmov s3;
	[sflag:s30] =	ssyncset.done $0x0  }
0x1d1: {  	s3 =	simm.s32 @!p0 $0x0;
	v4 =	vshll.u32 v3, $0x7;
	[sflag:s30] =	ssyncadd.s32 $0xFFFF1000  }
0x1d2: {  	v3 =	vshll.u32 v3, $0x9;
	v4 =	vor.u32 v0, v4;
	[tilespmem:s3], [sflag:$0x1] =	stream.linear.gather @!p0 [hbm4b:s25+s3], $0xF000, $0x38;
	[tilespmem:$0x1E000] =	vst v63  }
0x1d3: {  	v3 =	vand.u32 $0xF000, v3;
	v4 =	vand.u32 $0x380, v4;
	_ =	swait.ge [sflag:s31], $0xF000  }
0x1d4: {  	v3 =	vor.u32 v4, v3;
	[sflag:s31] =	ssyncset.done $0x0  }
0x1d5: {  	s3 =	simm.s32 $0x2;
	v3 =	vor.u32 v1, v3;
	[sflag:s31] =	ssyncadd.s32 $0xFFFF1000  }
.LBB2_52:
0x1d6: {  	v4 =	vmov s3;
	p2 =	sne.s32 s3, $0x76;
	s3 =	sadd.s32 $0x2, s3  }
.Ltmp27:
0x1d7: {  	v5 =	vshll.u32 v4, $0x7;
	(pc) =	sbr.rel @p2 .LBB2_52-.Ltmp27, $4  }
0x1d8: {  	v4 =	vshll.u32 v4, $0x9;
	v5 =	vor.u32 v0, v5  }
0x1d9: {  	v4 =	vand.u32 $0xF000, v4;
	v5 =	vand.u32 $0x380, v5  }
0x1da: {  	v4 =	vor.u32 v5, v4;
	[tilespmem:v3+s28+$0x0] =	vst.idx.msk $0xffff, v2  }
0x1db: {  	v3 =	vor.u32 v1, v4  }
0x1dc: {  	_ = 	snop  }
.Ltmp28:
0x1dd: {  	_ = 	snop;
	(pc) =	sbr.rel @!p0 .LBB2_54-.Ltmp28, $3  }
0x1de: {  	_ =	sdelay $0x1  }
0x1df: {  	[tilespmem:v3+s28+$0x0] =	vst.idx.msk $0xffff, v2  }
0x1e0: {  	[hbm4b:s24+s2] =	stream.linear.scatter [tilespmem:s28], [sflag:$0x4], $0xF000, $0x38;
	[tilespmem:$0x1E000] =	vst v63  }
.Ltmp29:
0x1e1: {  	(pc) =	sbr.rel @p1 .LBB2_61-.Ltmp29, $4  }
0x1e2: {  	_ = 	snop  }
0x1e3: {  	_ =	swait.ge [sflag:s1], $0xF000  }
0x1e4: {  	[sflag:s1] =	ssyncset.done $0x0  }
0x1e5: {  	[sflag:s1] =	ssyncadd.s32 $0xFFFF1000  }
0x1e6: {  	s3 =	simm.s32 $0x0;
	s4 =	sld [smem:$0x7FB]  }
0x1e7: {  	v3 =	vmov s3  }
0x1e8: {  	v4 =	vshll.u32 v3, $0x7  }
0x1e9: {  	v3 =	vshll.u32 v3, $0x9;
	[tilespmem:s3], [sflag:$0x1] =	stream.linear.gather [hbm4b:s4+s3], $0x5000, $0x38;
	v4 =	vor.u32 v0, v4;
	[tilespmem:$0x1E000] =	vst v63  }
0x1ea: {  	v3 =	vand.u32 $0x7000, v3;
	_ =	swait.ge [sflag:s29], $0x5000;
	v4 =	vand.u32 $0x380, v4  }
0x1eb: {  	[sflag:s29] =	ssyncset.done $0x0;
	v3 =	vor.u32 v4, v3  }
0x1ec: {  	s3 =	simm.s32 $0x2;
	[sflag:s29] =	ssyncadd.s32 $0xFFFFB000;
	v3 =	vor.u32 v1, v3  }
.LBB2_59:
0x1ed: {  	v4 =	vmov s3;
	p2 =	sne.s32 s3, $0x26;
	s3 =	sadd.s32 $0x2, s3  }
.Ltmp30:
0x1ee: {  	v5 =	vshll.u32 v4, $0x7;
	(pc) =	sbr.rel @p2 .LBB2_59-.Ltmp30, $4  }
0x1ef: {  	v4 =	vshll.u32 v4, $0x9;
	v5 =	vor.u32 v0, v5  }
0x1f0: {  	v4 =	vand.u32 $0x7000, v4;
	v5 =	vand.u32 $0x380, v5  }
0x1f1: {  	v4 =	vor.u32 v5, v4;
	[tilespmem:v3+s2+$0x0] =	vst.idx.msk $0xffff, v2  }
0x1f2: {  	v3 =	vor.u32 v1, v4  }
.Ltmp31:
0x1f3: {  	_ = 	snop;
	(pc) =	sbr.rel .LBB2_60-.Ltmp31, $1  }
0x1f4: {  	_ =	sdelay $0x3  }
.LBB2_54:
0x1f5: {  	s3 =	simm.s32 $0x0  }
0x1f6: {  	v3 =	vmov s3  }
0x1f7: {  	v4 =	vshll.u32 v3, $0x7  }
0x1f8: {  	v3 =	vshll.u32 v3, $0x9;
	v4 =	vor.u32 v0, v4  }
0x1f9: {  	_ =	swait.ge [sflag:s29], $0xF000;
	v3 =	vand.u32 $0xF000, v3;
	v4 =	vand.u32 $0x380, v4  }
0x1fa: {  	[sflag:s29] =	ssyncset.done $0x0;
	v3 =	vor.u32 v4, v3  }
0x1fb: {  	s3 =	simm.s32 $0x2;
	[sflag:s29] =	ssyncadd.s32 $0xFFFF1000;
	v3 =	vor.u32 v1, v3  }
.LBB2_55:
0x1fc: {  	v4 =	vmov s3;
	p2 =	sne.s32 s3, $0x76;
	s3 =	sadd.s32 $0x2, s3  }
.Ltmp32:
0x1fd: {  	v5 =	vshll.u32 v4, $0x7;
	(pc) =	sbr.rel @p2 .LBB2_55-.Ltmp32, $4  }
0x1fe: {  	v4 =	vshll.u32 v4, $0x9;
	v5 =	vor.u32 v0, v5  }
0x1ff: {  	v4 =	vand.u32 $0xF000, v4;
	v5 =	vand.u32 $0x380, v5  }
0x200: {  	v4 =	vor.u32 v5, v4;
	[tilespmem:v3+s2+$0x0] =	vst.idx.msk $0xffff, v2  }
0x201: {  	v3 =	vor.u32 v1, v4  }
0x202: {  	_ =	sdelay $0x1  }
0x203: {  	s3 =	sld [smem:$0x7FC];
	_ =	sdelay $0x1  }
0x204: {  	[tilespmem:v3+s2+$0x0] =	vst.idx.msk $0xffff, v2  }
0x205: {  	[hbm4b:s3+s2] =	stream.linear.scatter [tilespmem:s2], [sflag:$0x3], $0xF000, $0x38;
	[tilespmem:$0x1E000] =	vst v63  }
0x206: {  	_ =	swait.ge [sflag:s1], $0xF000  }
.Ltmp33:
0x207: {  	[sflag:s1] =	ssyncset.done $0x0;
	(pc) =	sbr.rel .LBB2_61-.Ltmp33, $4  }
0x208: {  	[sflag:s1] =	ssyncadd.s32 $0xFFFF1000  }
0x209: {  	_ =	swait.ge [sflag:s30], $0xF000  }
0x20a: {  	[sflag:s30] =	ssyncset.done $0x0  }
0x20b: {  	[sflag:s30] =	ssyncadd.s32 $0xFFFF1000  }
.LBB2_62:
0x20c: {  	_ =	sfence.sel $0x180000  }
0x20d: {  	[bflag:$0x0] =	sbarrier.arrive $0xFFFF  }
0x20e: {  	_ =	strace $0x90000047  }
0x20f: {  	s0 =	stileid.u32;
	[bflag:$0x2] =	sbarrier.arrive $0xFFFF  }
0x210: {  	p0 =	sne.s32 s0, $0x0;
	s0 =	rddreg [dreg:$0x2]  }
0x211: {  	s0 =	sadd.s32 @!p0 $0x100000, s0  }
0x212: {  	[sflag:s0] =	ssyncadd.tile.s32 @!p0 $0x1;
	_ =	shalt  }
.Lfunc_end2:
_tile_overlayer_lowered:
.L_overlay_start_2:
0x213: {  	(tag) =	ssettag $0x2  }
0x214: {  	s0 =	rddreg [dreg:$0x0];
	s2 =	stileid.u32  }
0x215: {  	s1 =	rddreg [dreg:$0x1];
	p0 =	sne.s32 s2, $0x0  }
0x216: {  	s3 =	rddreg [dreg:$0x2];
	[bflag:$0x3] =	sbarrier.arrive $0xFFFF;
	s2 =	simm.s32 @!p0 $0x1C05  }
0x217: {  	[timem:s3], [sflag:s2] =	dma.local @!p0 [hbm:s0], s1  }
0x218: {  	s0 =	simm.s32 @!p0 $0x5  }
0x219: {  	_ =	swait.ge @!p0 [sflag:s0], s1  }
0x21a: {  	s1 =	ssub.s32 @!p0 $0x0, s1;
	[sflag:s0] =	ssyncset.done @!p0 $0x0  }
0x21b: {  	[sflag:s0] =	ssyncadd.s32 @!p0 s1  }
0x21c: {  	[bflag:$0x3] =	sbarrier.arrive $0xFFFF  }
0x21d: {  	_ =	shalt  }

</sc_bundles>
